<compile_context>
chip_gen: v7x
topology: tpu7x:2x2x1
jax: 0.10.2.dev20260603
libtpu: 0.0.44.dev20260713+nightly
codegen_flags: <defaults>
</compile_context>

<pallas_src>
import functools

import numpy as np

import jax
import jax.numpy as jnp
from jax import lax
from jax.experimental import pallas as pl
from jax.experimental.pallas import tpu as pltpu
from jax.experimental.pallas import tpu_sc as plsc

N_NODES = 10000
D = 128
NPAD = 10240
NW = 32
K = 128
STEPS = 82
W = STEPS // 2
NEP = NW * STEPS * K
RPT = NPAD // 16
BLK = 512

_mesh = plsc.VectorSubcoreMesh(core_axis_name="c", subcore_axis_name="s")



@functools.partial(
    pl.kernel,
    out_type=jax.ShapeDtypeStruct((2, NPAD, D), jnp.float32),
    mesh=_mesh,
    scratch_types=[
        pltpu.VMEM_SHARED((NPAD, D), jnp.float32),
        pltpu.VMEM((W, K), jnp.int32),
        pltpu.VMEM((W, K), jnp.int32),
        pltpu.VMEM((K, D), jnp.float32),
        pltpu.VMEM((K, D), jnp.float32),
        pltpu.SemaphoreType.DMA,
        pltpu.SemaphoreType.DMA,
    ],
)
def _gather_scatter_kernel(h_hbm, src_hbm, dst_hbm, out_hbm,
                           acc_sh, src_v, dst_v, msg0, msg1, sem0, sem1):
    c = lax.axis_index("c")
    s = lax.axis_index("s")
    wid = c * 16 + s

    def zero_row(i, carry):
        for t in range(D // 16):
            msg0[i, pl.ds(t * 16, 16)] = jnp.zeros((16,), jnp.float32)
        return carry

    lax.fori_loop(0, K, zero_row, 0)
    for t in range(RPT // K):
        pltpu.sync_copy(msg0, acc_sh.at[pl.ds(s * RPT + t * K, K)])
    plsc.subcore_barrier()

    for p in range(STEPS // W):
        pltpu.sync_copy(src_hbm.at[wid, p], src_v)
        pltpu.sync_copy(dst_hbm.at[wid, p], dst_v)
        pltpu.async_copy(h_hbm.at[src_v.at[0]], msg0, sem0)

        def step(i, carry):
            ja = 2 * i
            jb = 2 * i + 1
            jc = jnp.minimum(2 * i + 2, W - 1)
            pltpu.make_async_copy(h_hbm.at[src_v.at[0]], msg0, sem0).wait()
            pltpu.async_copy(h_hbm.at[src_v.at[jb]], msg1, sem1)
            pltpu.sync_copy(msg0, acc_sh.at[dst_v.at[ja]], add=True)
            pltpu.make_async_copy(h_hbm.at[src_v.at[0]], msg1, sem1).wait()
            pltpu.async_copy(h_hbm.at[src_v.at[jc]], msg0, sem0)
            pltpu.sync_copy(msg1, acc_sh.at[dst_v.at[jb]], add=True)
            return carry

        lax.fori_loop(0, W // 2, step, 0)
        pltpu.make_async_copy(h_hbm.at[src_v.at[0]], msg0, sem0).wait()
        pltpu.sync_copy(msg0, acc_sh.at[dst_v.at[W - 1]], add=True)
    plsc.subcore_barrier()

    for t in range(RPT // K):
        pltpu.sync_copy(acc_sh.at[pl.ds(s * RPT + t * K, K)], msg0)
        pltpu.sync_copy(msg0, out_hbm.at[c, pl.ds(s * RPT + t * K, K), :])



def _dis_from(degp_ref):
    deg = degp_ref[0, :, 0:1] + degp_ref[1, :, 0:1]
    return jnp.where(deg > 0.5, lax.rsqrt(deg), 0.0)


def _t_first_body(x_ref, w_ref, degp_ref, out_ref):
    dis = _dis_from(degp_ref)
    h = jnp.dot(x_ref[...], w_ref[...], preferred_element_type=jnp.float32)
    out_ref[...] = h * dis


def _t_mid_body(p_ref, degp_ref, b_ref, w_ref, out_ref):
    dis = _dis_from(degp_ref)
    z = jnp.maximum((p_ref[0] + p_ref[1]) * dis + b_ref[...], 0.0)
    out_ref[...] = jnp.dot(z, w_ref[...], preferred_element_type=jnp.float32) * dis


def _t_final_body(p_ref, degp_ref, b_ref, out_ref):
    dis = _dis_from(degp_ref)
    out_ref[...] = (p_ref[0] + p_ref[1]) * dis + b_ref[...]


_spec_rows = pl.BlockSpec((BLK, D), lambda i: (i, 0))
_spec_w = pl.BlockSpec((D, D), lambda i: (0, 0))
_spec_part = pl.BlockSpec((2, BLK, D), lambda i: (0, i, 0))
_spec_b = pl.BlockSpec((1, D), lambda i: (0, 0))
_out_rows = jax.ShapeDtypeStruct((NPAD, D), jnp.float32)


def _t_first(x_pad, w, degp):
    return pl.pallas_call(
        _t_first_body, grid=(NPAD // BLK,),
        in_specs=[_spec_rows, _spec_w, _spec_part],
        out_specs=_spec_rows, out_shape=_out_rows,
    )(x_pad, w, degp)


def _t_mid(p, degp, b, w):
    return pl.pallas_call(
        _t_mid_body, grid=(NPAD // BLK,),
        in_specs=[_spec_part, _spec_part, _spec_b, _spec_w],
        out_specs=_spec_rows, out_shape=_out_rows,
    )(p, degp, b, w)


def _t_final(p, degp, b):
    fblk = 1000
    return pl.pallas_call(
        _t_final_body, grid=(N_NODES // fblk,),
        in_specs=[
            pl.BlockSpec((2, fblk, D), lambda i: (0, i, 0)),
            pl.BlockSpec((2, fblk, D), lambda i: (0, i, 0)),
            _spec_b,
        ],
        out_specs=pl.BlockSpec((fblk, D), lambda i: (i, 0)),
        out_shape=jax.ShapeDtypeStruct((N_NODES, D), jnp.float32),
    )(p, degp, b)


_PAD_E = NEP - (N_NODES + 320000)
_TAIL_SRC = np.concatenate([
    np.arange(N_NODES, dtype=np.int32),
    np.arange(_PAD_E, dtype=np.int32) % N_NODES,
])
_TAIL_DST = np.concatenate([
    np.arange(N_NODES, dtype=np.int32),
    N_NODES + np.arange(_PAD_E, dtype=np.int32) % (NPAD - N_NODES),
])
_SRC_SEQ = (np.arange(NEP, dtype=np.int32) % N_NODES).reshape(
    NW, STEPS // W, W, K)
_ONES_TABLE = np.ones((NPAD, D), dtype=np.float32)



def kernel(x, adj_t, W1, b1, W2, b2, W3, b3):
    adj = adj_t.astype(jnp.int32)
    src_t = jnp.concatenate([adj[0], jnp.asarray(_TAIL_SRC)]).reshape(
        NW, STEPS // W, W, K)
    dst_t = jnp.concatenate([adj[1], jnp.asarray(_TAIL_DST)]).reshape(
        NW, STEPS // W, W, K)
    x_pad = jnp.zeros((NPAD, D), jnp.float32).at[:N_NODES].set(x)

    degp = _gather_scatter_kernel(
        jnp.asarray(_ONES_TABLE), jnp.asarray(_SRC_SEQ), dst_t)
    h = _t_first(x_pad, W1, degp)
    p = _gather_scatter_kernel(h, src_t, dst_t)
    h = _t_mid(p, degp, b1.reshape(1, D), W2)
    p = _gather_scatter_kernel(h, src_t, dst_t)
    h = _t_mid(p, degp, b2.reshape(1, D), W3)
    p = _gather_scatter_kernel(h, src_t, dst_t)
    return _t_final(p, degp, b3.reshape(1, D))

# --- scband reference (transcript-rebuilt; emitter-appended) ---
"""Pipeline reference for scband-gcn-5995774345336 (READ-ONLY COPY).

The authoritative reference and input builder live on the scoring server;
editing this copy changes nothing except your own understanding.
"""

import jax, jax.numpy as jnp
import numpy as np

N_NODES = 10000
N_EDGES = 320000
D_IN = 128
D_HID = 128
D_OUT = 128


def setup_inputs(seed: int = 0) -> dict:
    key = jax.random.key(seed)
    k_x, k_e, k1, k2, k3 = jax.random.split(key, 5)
    x = jax.random.normal(k_x, (N_NODES, D_IN), dtype=jnp.float32)
    adj_t = jax.random.randint(k_e, (2, N_EDGES), 0, N_NODES, dtype=jnp.int64)
    s1 = 1.0 / np.sqrt(D_IN)
    s2 = 1.0 / np.sqrt(D_HID)
    W1 = jax.random.uniform(k1, (D_IN, D_HID), minval=-s1, maxval=s1, dtype=jnp.float32)
    b1 = jnp.zeros((D_HID,), dtype=jnp.float32)
    W2 = jax.random.uniform(k2, (D_HID, D_HID), minval=-s2, maxval=s2, dtype=jnp.float32)
    b2 = jnp.zeros((D_HID,), dtype=jnp.float32)
    W3 = jax.random.uniform(k3, (D_HID, D_OUT), minval=-s2, maxval=s2, dtype=jnp.float32)
    b3 = jnp.zeros((D_OUT,), dtype=jnp.float32)
    return {"x": x, "adj_t": adj_t, "W1": W1, "b1": b1, "W2": W2, "b2": b2, "W3": W3, "b3": b3}


def _gcn_norm(edge_index, num_nodes):
    # add self loops
    loop = jnp.arange(num_nodes, dtype=edge_index.dtype)
    src = jnp.concatenate([edge_index[0], loop])
    dst = jnp.concatenate([edge_index[1], loop])
    ones = jnp.ones_like(dst, dtype=jnp.float32)
    deg = jax.ops.segment_sum(ones, dst, num_segments=num_nodes)
    deg_inv_sqrt = jnp.where(deg > 0, 1.0 / jnp.sqrt(deg), 0.0)
    norm = deg_inv_sqrt[src] * deg_inv_sqrt[dst]
    return src, dst, norm


def _gcn_conv(x, W, b, src, dst, norm, num_nodes):
    h = x @ W
    msg = h[src] * norm[:, None]
    agg = jax.ops.segment_sum(msg, dst, num_segments=num_nodes)
    return agg + b


def reference(x, adj_t, W1, b1, W2, b2, W3, b3):
    num_nodes = x.shape[0]
    src, dst, norm = _gcn_norm(adj_t, num_nodes)
    h = _gcn_conv(x, W1, b1, src, dst, norm, num_nodes)
    h = jax.nn.relu(h)
    h = _gcn_conv(h, W2, b2, src, dst, norm, num_nodes)
    h = jax.nn.relu(h)
    out = _gcn_conv(h, W3, b3, src, dst, norm, num_nodes)
    return out

if __name__ == "__main__":
    import jax
    _d = setup_inputs()
    print(jax.jit(kernel)(*tuple(_d.values())))

</pallas_src>

<mosaic_0001>
#map = affine_map<(d0, d1) -> (0, 0)>
#map1 = affine_map<(d0, d1) -> (0, 0, 0, 0)>
#map2 = affine_map<(d0, d1) -> (0, 0, 0)>
module attributes {stable_mosaic.version = 14 : i64} {
  func.func @_gather_scatter_kernel(%arg0: i32, %arg1: i32, %arg2: memref<10240x128xf32, #tpu.memory_space<hbm>>, %arg3: memref<32x2x41x128xi32, #tpu.memory_space<hbm>>, %arg4: memref<32x2x41x128xi32, #tpu.memory_space<hbm>>, %arg5: memref<2x10240x128xf32, #tpu.memory_space<hbm>>, %arg6: memref<10240x128xf32, #tpu.memory_space<vmem_shared>>, %arg7: memref<41x128xi32, #tpu.memory_space<vmem>>, %arg8: memref<41x128xi32, #tpu.memory_space<vmem>>, %arg9: memref<128x128xf32, #tpu.memory_space<vmem>>, %arg10: memref<128x128xf32, #tpu.memory_space<vmem>>, %arg11: memref<!tpu.dma_semaphore, #tpu.memory_space<semaphore_mem>>, %arg12: memref<!tpu.dma_semaphore, #tpu.memory_space<semaphore_mem>>) attributes {dimension_semantics = [#tpu.dimension_semantics<core_parallel>, #tpu.dimension_semantics<subcore_parallel>], iteration_bounds = array<i64: 2, 16>, scalar_prefetch = 0 : i64, scratch_operands = 7 : i64, tpu.core_type = #tpu.core_type<sc_vector_subcore>, window_params = [{transform_indices = #map}, {transform_indices = #map1}, {transform_indices = #map1}, {transform_indices = #map2}]} {
    %mul3A = arith.constant 16 : i32
    %mul3A_0 = arith.muli %arg0, %mul3A : i32
    %add3A = arith.addi %mul3A_0, %arg1 : i32
    %scan3A = arith.constant 0 : i32
    %scan3A_1 = arith.constant 0 : i32
    %scan3A_2 = arith.constant 128 : i32
    %scan3A_3 = arith.addi %scan3A_1, %scan3A_2 : i32
    %scan3A_4 = arith.constant 1 : i32
    scf.for %scan3A_110 = %scan3A_1 to %scan3A_3 step %scan3A_4  : i32 {
      %broadcast_in_dim3A = arith.constant 0.000000e+00 : f32
      %broadcast_in_dim3A_111 = vector.broadcast %broadcast_in_dim3A : f32 to vector<16xf32>
      %swap3A = arith.index_cast %scan3A_110 : i32 to index
      %swap3A_112 = arith.constant 0 : index
      %swap3A_113 = tpu.vector_load %arg9[%swap3A, %swap3A_112] {strides = array<i32>} : memref<128x128xf32, #tpu.memory_space<vmem>>, vector<1x16xf32>,
      %swap3A_114 = vector.shape_cast %swap3A_113 : vector<1x16xf32> to vector<16xf32>
      %swap3A_115 = vector.shape_cast %broadcast_in_dim3A_111 : vector<16xf32> to vector<1x16xf32>
      tpu.vector_store %arg9[%swap3A, %swap3A_112], %swap3A_115 {strides = array<i32>} : memref<128x128xf32, #tpu.memory_space<vmem>>, vector<1x16xf32>,
      %broadcast_in_dim3A_116 = arith.constant 0.000000e+00 : f32
      %broadcast_in_dim3A_117 = vector.broadcast %broadcast_in_dim3A_116 : f32 to vector<16xf32>
      %swap3A_118 = arith.index_cast %scan3A_110 : i32 to index
      %swap3A_119 = arith.constant 16 : index
      %swap3A_120 = tpu.vector_load %arg9[%swap3A_118, %swap3A_119] {strides = array<i32>} : memref<128x128xf32, #tpu.memory_space<vmem>>, vector<1x16xf32>,
      %swap3A_121 = vector.shape_cast %swap3A_120 : vector<1x16xf32> to vector<16xf32>
      %swap3A_122 = vector.shape_cast %broadcast_in_dim3A_117 : vector<16xf32> to vector<1x16xf32>
      tpu.vector_store %arg9[%swap3A_118, %swap3A_119], %swap3A_122 {strides = array<i32>} : memref<128x128xf32, #tpu.memory_space<vmem>>, vector<1x16xf32>,
      %broadcast_in_dim3A_123 = arith.constant 0.000000e+00 : f32
      %broadcast_in_dim3A_124 = vector.broadcast %broadcast_in_dim3A_123 : f32 to vector<16xf32>
      %swap3A_125 = arith.index_cast %scan3A_110 : i32 to index
      %swap3A_126 = arith.constant 32 : index
      %swap3A_127 = tpu.vector_load %arg9[%swap3A_125, %swap3A_126] {strides = array<i32>} : memref<128x128xf32, #tpu.memory_space<vmem>>, vector<1x16xf32>,
      %swap3A_128 = vector.shape_cast %swap3A_127 : vector<1x16xf32> to vector<16xf32>
      %swap3A_129 = vector.shape_cast %broadcast_in_dim3A_124 : vector<16xf32> to vector<1x16xf32>
      tpu.vector_store %arg9[%swap3A_125, %swap3A_126], %swap3A_129 {strides = array<i32>} : memref<128x128xf32, #tpu.memory_space<vmem>>, vector<1x16xf32>,
      %broadcast_in_dim3A_130 = arith.constant 0.000000e+00 : f32
      %broadcast_in_dim3A_131 = vector.broadcast %broadcast_in_dim3A_130 : f32 to vector<16xf32>
      %swap3A_132 = arith.index_cast %scan3A_110 : i32 to index
      %swap3A_133 = arith.constant 48 : index
      %swap3A_134 = tpu.vector_load %arg9[%swap3A_132, %swap3A_133] {strides = array<i32>} : memref<128x128xf32, #tpu.memory_space<vmem>>, vector<1x16xf32>,
      %swap3A_135 = vector.shape_cast %swap3A_134 : vector<1x16xf32> to vector<16xf32>
      %swap3A_136 = vector.shape_cast %broadcast_in_dim3A_131 : vector<16xf32> to vector<1x16xf32>
      tpu.vector_store %arg9[%swap3A_132, %swap3A_133], %swap3A_136 {strides = array<i32>} : memref<128x128xf32, #tpu.memory_space<vmem>>, vector<1x16xf32>,
      %broadcast_in_dim3A_137 = arith.constant 0.000000e+00 : f32
      %broadcast_in_dim3A_138 = vector.broadcast %broadcast_in_dim3A_137 : f32 to vector<16xf32>
      %swap3A_139 = arith.index_cast %scan3A_110 : i32 to index
      %swap3A_140 = arith.constant 64 : index
      %swap3A_141 = tpu.vector_load %arg9[%swap3A_139, %swap3A_140] {strides = array<i32>} : memref<128x128xf32, #tpu.memory_space<vmem>>, vector<1x16xf32>,
      %swap3A_142 = vector.shape_cast %swap3A_141 : vector<1x16xf32> to vector<16xf32>
      %swap3A_143 = vector.shape_cast %broadcast_in_dim3A_138 : vector<16xf32> to vector<1x16xf32>
      tpu.vector_store %arg9[%swap3A_139, %swap3A_140], %swap3A_143 {strides = array<i32>} : memref<128x128xf32, #tpu.memory_space<vmem>>, vector<1x16xf32>,
      %broadcast_in_dim3A_144 = arith.constant 0.000000e+00 : f32
      %broadcast_in_dim3A_145 = vector.broadcast %broadcast_in_dim3A_144 : f32 to vector<16xf32>
      %swap3A_146 = arith.index_cast %scan3A_110 : i32 to index
      %swap3A_147 = arith.constant 80 : index
      %swap3A_148 = tpu.vector_load %arg9[%swap3A_146, %swap3A_147] {strides = array<i32>} : memref<128x128xf32, #tpu.memory_space<vmem>>, vector<1x16xf32>,
      %swap3A_149 = vector.shape_cast %swap3A_148 : vector<1x16xf32> to vector<16xf32>
      %swap3A_150 = vector.shape_cast %broadcast_in_dim3A_145 : vector<16xf32> to vector<1x16xf32>
      tpu.vector_store %arg9[%swap3A_146, %swap3A_147], %swap3A_150 {strides = array<i32>} : memref<128x128xf32, #tpu.memory_space<vmem>>, vector<1x16xf32>,
      %broadcast_in_dim3A_151 = arith.constant 0.000000e+00 : f32
      %broadcast_in_dim3A_152 = vector.broadcast %broadcast_in_dim3A_151 : f32 to vector<16xf32>
      %swap3A_153 = arith.index_cast %scan3A_110 : i32 to index
      %swap3A_154 = arith.constant 96 : index
      %swap3A_155 = tpu.vector_load %arg9[%swap3A_153, %swap3A_154] {strides = array<i32>} : memref<128x128xf32, #tpu.memory_space<vmem>>, vector<1x16xf32>,
      %swap3A_156 = vector.shape_cast %swap3A_155 : vector<1x16xf32> to vector<16xf32>
      %swap3A_157 = vector.shape_cast %broadcast_in_dim3A_152 : vector<16xf32> to vector<1x16xf32>
      tpu.vector_store %arg9[%swap3A_153, %swap3A_154], %swap3A_157 {strides = array<i32>} : memref<128x128xf32, #tpu.memory_space<vmem>>, vector<1x16xf32>,
      %broadcast_in_dim3A_158 = arith.constant 0.000000e+00 : f32
      %broadcast_in_dim3A_159 = vector.broadcast %broadcast_in_dim3A_158 : f32 to vector<16xf32>
      %swap3A_160 = arith.index_cast %scan3A_110 : i32 to index
      %swap3A_161 = arith.constant 112 : index
      %swap3A_162 = tpu.vector_load %arg9[%swap3A_160, %swap3A_161] {strides = array<i32>} : memref<128x128xf32, #tpu.memory_space<vmem>>, vector<1x16xf32>,
      %swap3A_163 = vector.shape_cast %swap3A_162 : vector<1x16xf32> to vector<16xf32>
      %swap3A_164 = vector.shape_cast %broadcast_in_dim3A_159 : vector<16xf32> to vector<1x16xf32>
      tpu.vector_store %arg9[%swap3A_160, %swap3A_161], %swap3A_164 {strides = array<i32>} : memref<128x128xf32, #tpu.memory_space<vmem>>, vector<1x16xf32>,
    }
    %scan3A_5 = arith.constant 128 : i32
    %mul3A_6 = arith.constant 640 : i32
    %mul3A_7 = arith.muli %arg1, %mul3A_6 : i32
    %add3A_8 = arith.constant 0 : i32
    %add3A_9 = arith.addi %mul3A_7, %add3A_8 : i32
    "tpu.region"() ({
      %run_scoped3A_110 = tpu.sem_alloc : memref<!tpu.dma_semaphore, #tpu.memory_space<semaphore_mem>>
      %dma_start3A_111 = arith.constant 0 : i32
      %dma_start3A_112 = tpu.memref_slice %arg6[%add3A_9, %dma_start3A_111] : memref<10240x128xf32, #tpu.memory_space<vmem_shared>> -> memref<128x128xf32, #tpu.memory_space<vmem_shared>>
      %dma_start3A_113 = arith.constant 0 : i32
      %dma_start3A_114 = tpu.memref_slice %arg6[%add3A_9, %dma_start3A_113] : memref<10240x128xf32, #tpu.memory_space<vmem_shared>> -> memref<128x128xf32, #tpu.memory_space<vmem_shared>>
      tpu.enqueue_dma source(%arg9 : memref<128x128xf32, #tpu.memory_space<vmem>>) target(%dma_start3A_114 : memref<128x128xf32, #tpu.memory_space<vmem_shared>>) target_semaphore(%run_scoped3A_110 : memref<!tpu.dma_semaphore, #tpu.memory_space<semaphore_mem>>)
      %dma_wait3A_115 = arith.constant 0 : i32
      %dma_wait3A_116 = tpu.memref_slice %arg6[%add3A_9, %dma_wait3A_115] : memref<10240x128xf32, #tpu.memory_space<vmem_shared>> -> memref<128x128xf32, #tpu.memory_space<vmem_shared>>
      %dma_wait3A_117 = arith.constant 0 : i32
      %dma_wait3A_118 = tpu.memref_slice %arg6[%add3A_9, %dma_wait3A_117] : memref<10240x128xf32, #tpu.memory_space<vmem_shared>> -> memref<128x128xf32, #tpu.memory_space<vmem_shared>>
      tpu.wait_dma2 semaphore(%run_scoped3A_110 : memref<!tpu.dma_semaphore, #tpu.memory_space<semaphore_mem>>) src(%arg9 : memref<128x128xf32, #tpu.memory_space<vmem>>) dst(%dma_wait3A_118 : memref<128x128xf32, #tpu.memory_space<vmem_shared>>)
      tpu.yield
    }) : () -> ()
    %mul3A_10 = arith.constant 640 : i32
    %mul3A_11 = arith.muli %arg1, %mul3A_10 : i32
    %add3A_12 = arith.constant 128 : i32
    %add3A_13 = arith.addi %mul3A_11, %add3A_12 : i32
    "tpu.region"() ({
      %run_scoped3A_110 = tpu.sem_alloc : memref<!tpu.dma_semaphore, #tpu.memory_space<semaphore_mem>>
      %dma_start3A_111 = arith.constant 0 : i32
      %dma_start3A_112 = tpu.memref_slice %arg6[%add3A_13, %dma_start3A_111] : memref<10240x128xf32, #tpu.memory_space<vmem_shared>> -> memref<128x128xf32, #tpu.memory_space<vmem_shared>>
      %dma_start3A_113 = arith.constant 0 : i32
      %dma_start3A_114 = tpu.memref_slice %arg6[%add3A_13, %dma_start3A_113] : memref<10240x128xf32, #tpu.memory_space<vmem_shared>> -> memref<128x128xf32, #tpu.memory_space<vmem_shared>>
      tpu.enqueue_dma source(%arg9 : memref<128x128xf32, #tpu.memory_space<vmem>>) target(%dma_start3A_114 : memref<128x128xf32, #tpu.memory_space<vmem_shared>>) target_semaphore(%run_scoped3A_110 : memref<!tpu.dma_semaphore, #tpu.memory_space<semaphore_mem>>)
      %dma_wait3A_115 = arith.constant 0 : i32
      %dma_wait3A_116 = tpu.memref_slice %arg6[%add3A_13, %dma_wait3A_115] : memref<10240x128xf32, #tpu.memory_space<vmem_shared>> -> memref<128x128xf32, #tpu.memory_space<vmem_shared>>
      %dma_wait3A_117 = arith.constant 0 : i32
      %dma_wait3A_118 = tpu.memref_slice %arg6[%add3A_13, %dma_wait3A_117] : memref<10240x128xf32, #tpu.memory_space<vmem_shared>> -> memref<128x128xf32, #tpu.memory_space<vmem_shared>>
      tpu.wait_dma2 semaphore(%run_scoped3A_110 : memref<!tpu.dma_semaphore, #tpu.memory_space<semaphore_mem>>) src(%arg9 : memref<128x128xf32, #tpu.memory_space<vmem>>) dst(%dma_wait3A_118 : memref<128x128xf32, #tpu.memory_space<vmem_shared>>)
      tpu.yield
    }) : () -> ()
    %mul3A_14 = arith.constant 640 : i32
    %mul3A_15 = arith.muli %arg1, %mul3A_14 : i32
    %add3A_16 = arith.constant 256 : i32
    %add3A_17 = arith.addi %mul3A_15, %add3A_16 : i32
    "tpu.region"() ({
      %run_scoped3A_110 = tpu.sem_alloc : memref<!tpu.dma_semaphore, #tpu.memory_space<semaphore_mem>>
      %dma_start3A_111 = arith.constant 0 : i32
      %dma_start3A_112 = tpu.memref_slice %arg6[%add3A_17, %dma_start3A_111] : memref<10240x128xf32, #tpu.memory_space<vmem_shared>> -> memref<128x128xf32, #tpu.memory_space<vmem_shared>>
      %dma_start3A_113 = arith.constant 0 : i32
      %dma_start3A_114 = tpu.memref_slice %arg6[%add3A_17, %dma_start3A_113] : memref<10240x128xf32, #tpu.memory_space<vmem_shared>> -> memref<128x128xf32, #tpu.memory_space<vmem_shared>>
      tpu.enqueue_dma source(%arg9 : memref<128x128xf32, #tpu.memory_space<vmem>>) target(%dma_start3A_114 : memref<128x128xf32, #tpu.memory_space<vmem_shared>>) target_semaphore(%run_scoped3A_110 : memref<!tpu.dma_semaphore, #tpu.memory_space<semaphore_mem>>)
      %dma_wait3A_115 = arith.constant 0 : i32
      %dma_wait3A_116 = tpu.memref_slice %arg6[%add3A_17, %dma_wait3A_115] : memref<10240x128xf32, #tpu.memory_space<vmem_shared>> -> memref<128x128xf32, #tpu.memory_space<vmem_shared>>
      %dma_wait3A_117 = arith.constant 0 : i32
      %dma_wait3A_118 = tpu.memref_slice %arg6[%add3A_17, %dma_wait3A_117] : memref<10240x128xf32, #tpu.memory_space<vmem_shared>> -> memref<128x128xf32, #tpu.memory_space<vmem_shared>>
      tpu.wait_dma2 semaphore(%run_scoped3A_110 : memref<!tpu.dma_semaphore, #tpu.memory_space<semaphore_mem>>) src(%arg9 : memref<128x128xf32, #tpu.memory_space<vmem>>) dst(%dma_wait3A_118 : memref<128x128xf32, #tpu.memory_space<vmem_shared>>)
      tpu.yield
    }) : () -> ()
    %mul3A_18 = arith.constant 640 : i32
    %mul3A_19 = arith.muli %arg1, %mul3A_18 : i32
    %add3A_20 = arith.constant 384 : i32
    %add3A_21 = arith.addi %mul3A_19, %add3A_20 : i32
    "tpu.region"() ({
      %run_scoped3A_110 = tpu.sem_alloc : memref<!tpu.dma_semaphore, #tpu.memory_space<semaphore_mem>>
      %dma_start3A_111 = arith.constant 0 : i32
      %dma_start3A_112 = tpu.memref_slice %arg6[%add3A_21, %dma_start3A_111] : memref<10240x128xf32, #tpu.memory_space<vmem_shared>> -> memref<128x128xf32, #tpu.memory_space<vmem_shared>>
      %dma_start3A_113 = arith.constant 0 : i32
      %dma_start3A_114 = tpu.memref_slice %arg6[%add3A_21, %dma_start3A_113] : memref<10240x128xf32, #tpu.memory_space<vmem_shared>> -> memref<128x128xf32, #tpu.memory_space<vmem_shared>>
      tpu.enqueue_dma source(%arg9 : memref<128x128xf32, #tpu.memory_space<vmem>>) target(%dma_start3A_114 : memref<128x128xf32, #tpu.memory_space<vmem_shared>>) target_semaphore(%run_scoped3A_110 : memref<!tpu.dma_semaphore, #tpu.memory_space<semaphore_mem>>)
      %dma_wait3A_115 = arith.constant 0 : i32
      %dma_wait3A_116 = tpu.memref_slice %arg6[%add3A_21, %dma_wait3A_115] : memref<10240x128xf32, #tpu.memory_space<vmem_shared>> -> memref<128x128xf32, #tpu.memory_space<vmem_shared>>
      %dma_wait3A_117 = arith.constant 0 : i32
      %dma_wait3A_118 = tpu.memref_slice %arg6[%add3A_21, %dma_wait3A_117] : memref<10240x128xf32, #tpu.memory_space<vmem_shared>> -> memref<128x128xf32, #tpu.memory_space<vmem_shared>>
      tpu.wait_dma2 semaphore(%run_scoped3A_110 : memref<!tpu.dma_semaphore, #tpu.memory_space<semaphore_mem>>) src(%arg9 : memref<128x128xf32, #tpu.memory_space<vmem>>) dst(%dma_wait3A_118 : memref<128x128xf32, #tpu.memory_space<vmem_shared>>)
      tpu.yield
    }) : () -> ()
    %mul3A_22 = arith.constant 640 : i32
    %mul3A_23 = arith.muli %arg1, %mul3A_22 : i32
    %add3A_24 = arith.constant 512 : i32
    %add3A_25 = arith.addi %mul3A_23, %add3A_24 : i32
    "tpu.region"() ({
      %run_scoped3A_110 = tpu.sem_alloc : memref<!tpu.dma_semaphore, #tpu.memory_space<semaphore_mem>>
      %dma_start3A_111 = arith.constant 0 : i32
      %dma_start3A_112 = tpu.memref_slice %arg6[%add3A_25, %dma_start3A_111] : memref<10240x128xf32, #tpu.memory_space<vmem_shared>> -> memref<128x128xf32, #tpu.memory_space<vmem_shared>>
      %dma_start3A_113 = arith.constant 0 : i32
      %dma_start3A_114 = tpu.memref_slice %arg6[%add3A_25, %dma_start3A_113] : memref<10240x128xf32, #tpu.memory_space<vmem_shared>> -> memref<128x128xf32, #tpu.memory_space<vmem_shared>>
      tpu.enqueue_dma source(%arg9 : memref<128x128xf32, #tpu.memory_space<vmem>>) target(%dma_start3A_114 : memref<128x128xf32, #tpu.memory_space<vmem_shared>>) target_semaphore(%run_scoped3A_110 : memref<!tpu.dma_semaphore, #tpu.memory_space<semaphore_mem>>)
      %dma_wait3A_115 = arith.constant 0 : i32
      %dma_wait3A_116 = tpu.memref_slice %arg6[%add3A_25, %dma_wait3A_115] : memref<10240x128xf32, #tpu.memory_space<vmem_shared>> -> memref<128x128xf32, #tpu.memory_space<vmem_shared>>
      %dma_wait3A_117 = arith.constant 0 : i32
      %dma_wait3A_118 = tpu.memref_slice %arg6[%add3A_25, %dma_wait3A_117] : memref<10240x128xf32, #tpu.memory_space<vmem_shared>> -> memref<128x128xf32, #tpu.memory_space<vmem_shared>>
      tpu.wait_dma2 semaphore(%run_scoped3A_110 : memref<!tpu.dma_semaphore, #tpu.memory_space<semaphore_mem>>) src(%arg9 : memref<128x128xf32, #tpu.memory_space<vmem>>) dst(%dma_wait3A_118 : memref<128x128xf32, #tpu.memory_space<vmem_shared>>)
      tpu.yield
    }) : () -> ()
    %barrier3A = arith.constant 0 : index
    tpu.barrier barrier_id(%barrier3A)
    %run_scoped3A = arith.constant 0 : i32
    "tpu.region"() ({
      %run_scoped3A_110 = tpu.sem_alloc : memref<!tpu.dma_semaphore, #tpu.memory_space<semaphore_mem>>
      %dma_start3A_111 = arith.constant 0 : i32
      %dma_start3A_112 = arith.constant 0 : i32
      %dma_start3A_113 = tpu.memref_slice %arg3[%add3A, %run_scoped3A, %dma_start3A_111, %dma_start3A_112] : memref<32x2x41x128xi32, #tpu.memory_space<hbm>> -> memref<1x1x41x128xi32, #tpu.memory_space<hbm>>
      %dma_start3A_114 = tpu.memref_squeeze %dma_start3A_113 : memref<1x1x41x128xi32, #tpu.memory_space<hbm>> -> memref<41x128xi32, #tpu.memory_space<hbm>>
      %dma_start3A_115 = arith.constant 0 : i32
      %dma_start3A_116 = arith.constant 0 : i32
      %dma_start3A_117 = tpu.memref_slice %arg3[%add3A, %run_scoped3A, %dma_start3A_115, %dma_start3A_116] : memref<32x2x41x128xi32, #tpu.memory_space<hbm>> -> memref<1x1x41x128xi32, #tpu.memory_space<hbm>>
      %dma_start3A_118 = tpu.memref_squeeze %dma_start3A_117 : memref<1x1x41x128xi32, #tpu.memory_space<hbm>> -> memref<41x128xi32, #tpu.memory_space<hbm>>
      tpu.enqueue_dma source(%dma_start3A_118 : memref<41x128xi32, #tpu.memory_space<hbm>>) target(%arg7 : memref<41x128xi32, #tpu.memory_space<vmem>>) target_semaphore(%run_scoped3A_110 : memref<!tpu.dma_semaphore, #tpu.memory_space<semaphore_mem>>)
      %dma_wait3A_119 = arith.constant 0 : i32
      %dma_wait3A_120 = arith.constant 0 : i32
      %dma_wait3A_121 = tpu.memref_slice %arg3[%add3A, %run_scoped3A, %dma_wait3A_119, %dma_wait3A_120] : memref<32x2x41x128xi32, #tpu.memory_space<hbm>> -> memref<1x1x41x128xi32, #tpu.memory_space<hbm>>
      %dma_wait3A_122 = tpu.memref_squeeze %dma_wait3A_121 : memref<1x1x41x128xi32, #tpu.memory_space<hbm>> -> memref<41x128xi32, #tpu.memory_space<hbm>>
      %dma_wait3A_123 = arith.constant 0 : i32
      %dma_wait3A_124 = arith.constant 0 : i32
      %dma_wait3A_125 = tpu.memref_slice %arg3[%add3A, %run_scoped3A, %dma_wait3A_123, %dma_wait3A_124] : memref<32x2x41x128xi32, #tpu.memory_space<hbm>> -> memref<1x1x41x128xi32, #tpu.memory_space<hbm>>
      %dma_wait3A_126 = tpu.memref_squeeze %dma_wait3A_125 : memref<1x1x41x128xi32, #tpu.memory_space<hbm>> -> memref<41x128xi32, #tpu.memory_space<hbm>>
      tpu.wait_dma2 semaphore(%run_scoped3A_110 : memref<!tpu.dma_semaphore, #tpu.memory_space<semaphore_mem>>) src(%dma_wait3A_126 : memref<41x128xi32, #tpu.memory_space<hbm>>) dst(%arg7 : memref<41x128xi32, #tpu.memory_space<vmem>>)
      tpu.yield
    }) : () -> ()
    %run_scoped3A_26 = arith.constant 0 : i32
    "tpu.region"() ({
      %run_scoped3A_110 = tpu.sem_alloc : memref<!tpu.dma_semaphore, #tpu.memory_space<semaphore_mem>>
      %dma_start3A_111 = arith.constant 0 : i32
      %dma_start3A_112 = arith.constant 0 : i32
      %dma_start3A_113 = tpu.memref_slice %arg4[%add3A, %run_scoped3A_26, %dma_start3A_111, %dma_start3A_112] : memref<32x2x41x128xi32, #tpu.memory_space<hbm>> -> memref<1x1x41x128xi32, #tpu.memory_space<hbm>>
      %dma_start3A_114 = tpu.memref_squeeze %dma_start3A_113 : memref<1x1x41x128xi32, #tpu.memory_space<hbm>> -> memref<41x128xi32, #tpu.memory_space<hbm>>
      %dma_start3A_115 = arith.constant 0 : i32
      %dma_start3A_116 = arith.constant 0 : i32
      %dma_start3A_117 = tpu.memref_slice %arg4[%add3A, %run_scoped3A_26, %dma_start3A_115, %dma_start3A_116] : memref<32x2x41x128xi32, #tpu.memory_space<hbm>> -> memref<1x1x41x128xi32, #tpu.memory_space<hbm>>
      %dma_start3A_118 = tpu.memref_squeeze %dma_start3A_117 : memref<1x1x41x128xi32, #tpu.memory_space<hbm>> -> memref<41x128xi32, #tpu.memory_space<hbm>>
      tpu.enqueue_dma source(%dma_start3A_118 : memref<41x128xi32, #tpu.memory_space<hbm>>) target(%arg8 : memref<41x128xi32, #tpu.memory_space<vmem>>) target_semaphore(%run_scoped3A_110 : memref<!tpu.dma_semaphore, #tpu.memory_space<semaphore_mem>>)
      %dma_wait3A_119 = arith.constant 0 : i32
      %dma_wait3A_120 = arith.constant 0 : i32
      %dma_wait3A_121 = tpu.memref_slice %arg4[%add3A, %run_scoped3A_26, %dma_wait3A_119, %dma_wait3A_120] : memref<32x2x41x128xi32, #tpu.memory_space<hbm>> -> memref<1x1x41x128xi32, #tpu.memory_space<hbm>>
      %dma_wait3A_122 = tpu.memref_squeeze %dma_wait3A_121 : memref<1x1x41x128xi32, #tpu.memory_space<hbm>> -> memref<41x128xi32, #tpu.memory_space<hbm>>
      %dma_wait3A_123 = arith.constant 0 : i32
      %dma_wait3A_124 = arith.constant 0 : i32
      %dma_wait3A_125 = tpu.memref_slice %arg4[%add3A, %run_scoped3A_26, %dma_wait3A_123, %dma_wait3A_124] : memref<32x2x41x128xi32, #tpu.memory_space<hbm>> -> memref<1x1x41x128xi32, #tpu.memory_space<hbm>>
      %dma_wait3A_126 = tpu.memref_squeeze %dma_wait3A_125 : memref<1x1x41x128xi32, #tpu.memory_space<hbm>> -> memref<41x128xi32, #tpu.memory_space<hbm>>
      tpu.wait_dma2 semaphore(%run_scoped3A_110 : memref<!tpu.dma_semaphore, #tpu.memory_space<semaphore_mem>>) src(%dma_wait3A_126 : memref<41x128xi32, #tpu.memory_space<hbm>>) dst(%arg8 : memref<41x128xi32, #tpu.memory_space<vmem>>)
      tpu.yield
    }) : () -> ()
    %dma_start3A = arith.constant 0 : i32
    %dma_start3A_27 = arith.constant 0 : i32
    %dma_start3A_28 = tpu.memref_slice %arg7[%dma_start3A, %dma_start3A_27] : memref<41x128xi32, #tpu.memory_space<vmem>> -> memref<1x128xi32, #tpu.memory_space<vmem>>
    %dma_start3A_29 = tpu.memref_squeeze %dma_start3A_28 : memref<1x128xi32, #tpu.memory_space<vmem>> -> memref<128xi32, #tpu.memory_space<vmem>>
    %dma_start3A_30 = arith.constant 0 : i32
    %dma_start3A_31 = arith.constant 0 : i32
    %dma_start3A_32 = tpu.memref_slice %arg2[%dma_start3A_30, %dma_start3A_31] : memref<10240x128xf32, #tpu.memory_space<hbm>> -> memref<10240x128xf32, #tpu.memory_space<hbm>>
    tpu.enqueue_indirect_dma source(%dma_start3A_32 : memref<10240x128xf32, #tpu.memory_space<hbm>>) target(%arg9 : memref<128x128xf32, #tpu.memory_space<vmem>>) offsets(%dma_start3A_29 : memref<128xi32, #tpu.memory_space<vmem>>) semaphore(%arg11 : memref<!tpu.dma_semaphore, #tpu.memory_space<semaphore_mem>>)
    %scan3A_33 = arith.constant 0 : i32
    %scan3A_34 = arith.constant 0 : i32
    %scan3A_35 = arith.constant 20 : i32
    %scan3A_36 = arith.addi %scan3A_34, %scan3A_35 : i32
    %scan3A_37 = arith.constant 1 : i32
    scf.for %scan3A_110 = %scan3A_34 to %scan3A_36 step %scan3A_37  : i32 {
      %mul3A_111 = arith.constant 2 : i32
      %mul3A_112 = arith.muli %mul3A_111, %scan3A_110 : i32
      %mul3A_113 = arith.constant 2 : i32
      %mul3A_114 = arith.muli %mul3A_113, %scan3A_110 : i32
      %add3A_115 = arith.constant 1 : i32
      %add3A_116 = arith.addi %mul3A_114, %add3A_115 : i32
      %mul3A_117 = arith.constant 2 : i32
      %mul3A_118 = arith.muli %mul3A_117, %scan3A_110 : i32
      %add3A_119 = arith.constant 2 : i32
      %add3A_120 = arith.addi %mul3A_118, %add3A_119 : i32
      %min3A = arith.constant 40 : i32
      %min3A_121 = arith.minsi %add3A_120, %min3A : i32
      %dma_wait3A_122 = arith.constant 0 : i32
      %dma_wait3A_123 = arith.constant 0 : i32
      %dma_wait3A_124 = tpu.memref_slice %arg7[%dma_wait3A_122, %dma_wait3A_123] : memref<41x128xi32, #tpu.memory_space<vmem>> -> memref<1x128xi32, #tpu.memory_space<vmem>>
      %dma_wait3A_125 = tpu.memref_squeeze %dma_wait3A_124 : memref<1x128xi32, #tpu.memory_space<vmem>> -> memref<128xi32, #tpu.memory_space<vmem>>
      %dma_wait3A_126 = arith.constant 0 : i32
      %dma_wait3A_127 = arith.constant 0 : i32
      %dma_wait3A_128 = tpu.memref_slice %arg2[%dma_wait3A_126, %dma_wait3A_127] : memref<10240x128xf32, #tpu.memory_space<hbm>> -> memref<10240x128xf32, #tpu.memory_space<hbm>>
      tpu.wait_indirect_dma semaphore(%arg11 : memref<!tpu.dma_semaphore, #tpu.memory_space<semaphore_mem>>) src(%dma_wait3A_128 : memref<10240x128xf32, #tpu.memory_space<hbm>>) dst(%arg9 : memref<128x128xf32, #tpu.memory_space<vmem>>)
      %dma_start3A_129 = arith.constant 0 : i32
      %dma_start3A_130 = tpu.memref_slice %arg7[%add3A_116, %dma_start3A_129] : memref<41x128xi32, #tpu.memory_space<vmem>> -> memref<1x128xi32, #tpu.memory_space<vmem>>
      %dma_start3A_131 = tpu.memref_squeeze %dma_start3A_130 : memref<1x128xi32, #tpu.memory_space<vmem>> -> memref<128xi32, #tpu.memory_space<vmem>>
      %dma_start3A_132 = arith.constant 0 : i32
      %dma_start3A_133 = arith.constant 0 : i32
      %dma_start3A_134 = tpu.memref_slice %arg2[%dma_start3A_132, %dma_start3A_133] : memref<10240x128xf32, #tpu.memory_space<hbm>> -> memref<10240x128xf32, #tpu.memory_space<hbm>>
      tpu.enqueue_indirect_dma source(%dma_start3A_134 : memref<10240x128xf32, #tpu.memory_space<hbm>>) target(%arg10 : memref<128x128xf32, #tpu.memory_space<vmem>>) offsets(%dma_start3A_131 : memref<128xi32, #tpu.memory_space<vmem>>) semaphore(%arg12 : memref<!tpu.dma_semaphore, #tpu.memory_space<semaphore_mem>>)
      "tpu.region"() ({
        %run_scoped3A_148 = tpu.sem_alloc : memref<!tpu.dma_semaphore, #tpu.memory_space<semaphore_mem>>
        %dma_start3A_149 = arith.constant 0 : i32
        %dma_start3A_150 = tpu.memref_slice %arg8[%mul3A_112, %dma_start3A_149] : memref<41x128xi32, #tpu.memory_space<vmem>> -> memref<1x128xi32, #tpu.memory_space<vmem>>
        %dma_start3A_151 = tpu.memref_squeeze %dma_start3A_150 : memref<1x128xi32, #tpu.memory_space<vmem>> -> memref<128xi32, #tpu.memory_space<vmem>>
        %dma_start3A_152 = arith.constant 0 : i32
        %dma_start3A_153 = arith.constant 0 : i32
        %dma_start3A_154 = tpu.memref_slice %arg6[%dma_start3A_152, %dma_start3A_153] : memref<10240x128xf32, #tpu.memory_space<vmem_shared>> -> memref<10240x128xf32, #tpu.memory_space<vmem_shared>>
        tpu.enqueue_indirect_dma source(%arg9 : memref<128x128xf32, #tpu.memory_space<vmem>>) target(%dma_start3A_154 : memref<10240x128xf32, #tpu.memory_space<vmem_shared>>) offsets(%dma_start3A_151 : memref<128xi32, #tpu.memory_space<vmem>>) semaphore(%run_scoped3A_148 : memref<!tpu.dma_semaphore, #tpu.memory_space<semaphore_mem>>) {add = true}
        %dma_wait3A_155 = arith.constant 0 : i32
        %dma_wait3A_156 = tpu.memref_slice %arg8[%mul3A_112, %dma_wait3A_155] : memref<41x128xi32, #tpu.memory_space<vmem>> -> memref<1x128xi32, #tpu.memory_space<vmem>>
        %dma_wait3A_157 = tpu.memref_squeeze %dma_wait3A_156 : memref<1x128xi32, #tpu.memory_space<vmem>> -> memref<128xi32, #tpu.memory_space<vmem>>
        %dma_wait3A_158 = arith.constant 0 : i32
        %dma_wait3A_159 = arith.constant 0 : i32
        %dma_wait3A_160 = tpu.memref_slice %arg6[%dma_wait3A_158, %dma_wait3A_159] : memref<10240x128xf32, #tpu.memory_space<vmem_shared>> -> memref<10240x128xf32, #tpu.memory_space<vmem_shared>>
        tpu.wait_indirect_dma semaphore(%run_scoped3A_148 : memref<!tpu.dma_semaphore, #tpu.memory_space<semaphore_mem>>) src(%arg9 : memref<128x128xf32, #tpu.memory_space<vmem>>) dst(%dma_wait3A_160 : memref<10240x128xf32, #tpu.memory_space<vmem_shared>>)
        tpu.yield
      }) : () -> ()
      %dma_wait3A_135 = arith.constant 0 : i32
      %dma_wait3A_136 = arith.constant 0 : i32
      %dma_wait3A_137 = tpu.memref_slice %arg7[%dma_wait3A_135, %dma_wait3A_136] : memref<41x128xi32, #tpu.memory_space<vmem>> -> memref<1x128xi32, #tpu.memory_space<vmem>>
      %dma_wait3A_138 = tpu.memref_squeeze %dma_wait3A_137 : memref<1x128xi32, #tpu.memory_space<vmem>> -> memref<128xi32, #tpu.memory_space<vmem>>
      %dma_wait3A_139 = arith.constant 0 : i32
      %dma_wait3A_140 = arith.constant 0 : i32
      %dma_wait3A_141 = tpu.memref_slice %arg2[%dma_wait3A_139, %dma_wait3A_140] : memref<10240x128xf32, #tpu.memory_space<hbm>> -> memref<10240x128xf32, #tpu.memory_space<hbm>>
      tpu.wait_indirect_dma semaphore(%arg12 : memref<!tpu.dma_semaphore, #tpu.memory_space<semaphore_mem>>) src(%dma_wait3A_141 : memref<10240x128xf32, #tpu.memory_space<hbm>>) dst(%arg10 : memref<128x128xf32, #tpu.memory_space<vmem>>)
      %dma_start3A_142 = arith.constant 0 : i32
      %dma_start3A_143 = tpu.memref_slice %arg7[%min3A_121, %dma_start3A_142] : memref<41x128xi32, #tpu.memory_space<vmem>> -> memref<1x128xi32, #tpu.memory_space<vmem>>
      %dma_start3A_144 = tpu.memref_squeeze %dma_start3A_143 : memref<1x128xi32, #tpu.memory_space<vmem>> -> memref<128xi32, #tpu.memory_space<vmem>>
      %dma_start3A_145 = arith.constant 0 : i32
      %dma_start3A_146 = arith.constant 0 : i32
      %dma_start3A_147 = tpu.memref_slice %arg2[%dma_start3A_145, %dma_start3A_146] : memref<10240x128xf32, #tpu.memory_space<hbm>> -> memref<10240x128xf32, #tpu.memory_space<hbm>>
      tpu.enqueue_indirect_dma source(%dma_start3A_147 : memref<10240x128xf32, #tpu.memory_space<hbm>>) target(%arg9 : memref<128x128xf32, #tpu.memory_space<vmem>>) offsets(%dma_start3A_144 : memref<128xi32, #tpu.memory_space<vmem>>) semaphore(%arg11 : memref<!tpu.dma_semaphore, #tpu.memory_space<semaphore_mem>>)
      "tpu.region"() ({
        %run_scoped3A_148 = tpu.sem_alloc : memref<!tpu.dma_semaphore, #tpu.memory_space<semaphore_mem>>
        %dma_start3A_149 = arith.constant 0 : i32
        %dma_start3A_150 = tpu.memref_slice %arg8[%add3A_116, %dma_start3A_149] : memref<41x128xi32, #tpu.memory_space<vmem>> -> memref<1x128xi32, #tpu.memory_space<vmem>>
        %dma_start3A_151 = tpu.memref_squeeze %dma_start3A_150 : memref<1x128xi32, #tpu.memory_space<vmem>> -> memref<128xi32, #tpu.memory_space<vmem>>
        %dma_start3A_152 = arith.constant 0 : i32
        %dma_start3A_153 = arith.constant 0 : i32
        %dma_start3A_154 = tpu.memref_slice %arg6[%dma_start3A_152, %dma_start3A_153] : memref<10240x128xf32, #tpu.memory_space<vmem_shared>> -> memref<10240x128xf32, #tpu.memory_space<vmem_shared>>
        tpu.enqueue_indirect_dma source(%arg10 : memref<128x128xf32, #tpu.memory_space<vmem>>) target(%dma_start3A_154 : memref<10240x128xf32, #tpu.memory_space<vmem_shared>>) offsets(%dma_start3A_151 : memref<128xi32, #tpu.memory_space<vmem>>) semaphore(%run_scoped3A_148 : memref<!tpu.dma_semaphore, #tpu.memory_space<semaphore_mem>>) {add = true}
        %dma_wait3A_155 = arith.constant 0 : i32
        %dma_wait3A_156 = tpu.memref_slice %arg8[%add3A_116, %dma_wait3A_155] : memref<41x128xi32, #tpu.memory_space<vmem>> -> memref<1x128xi32, #tpu.memory_space<vmem>>
        %dma_wait3A_157 = tpu.memref_squeeze %dma_wait3A_156 : memref<1x128xi32, #tpu.memory_space<vmem>> -> memref<128xi32, #tpu.memory_space<vmem>>
        %dma_wait3A_158 = arith.constant 0 : i32
        %dma_wait3A_159 = arith.constant 0 : i32
        %dma_wait3A_160 = tpu.memref_slice %arg6[%dma_wait3A_158, %dma_wait3A_159] : memref<10240x128xf32, #tpu.memory_space<vmem_shared>> -> memref<10240x128xf32, #tpu.memory_space<vmem_shared>>
        tpu.wait_indirect_dma semaphore(%run_scoped3A_148 : memref<!tpu.dma_semaphore, #tpu.memory_space<semaphore_mem>>) src(%arg10 : memref<128x128xf32, #tpu.memory_space<vmem>>) dst(%dma_wait3A_160 : memref<10240x128xf32, #tpu.memory_space<vmem_shared>>)
        tpu.yield
      }) : () -> ()
    }
    %scan3A_38 = arith.constant 20 : i32
    %dma_wait3A = arith.constant 0 : i32
    %dma_wait3A_39 = arith.constant 0 : i32
    %dma_wait3A_40 = tpu.memref_slice %arg7[%dma_wait3A, %dma_wait3A_39] : memref<41x128xi32, #tpu.memory_space<vmem>> -> memref<1x128xi32, #tpu.memory_space<vmem>>
    %dma_wait3A_41 = tpu.memref_squeeze %dma_wait3A_40 : memref<1x128xi32, #tpu.memory_space<vmem>> -> memref<128xi32, #tpu.memory_space<vmem>>
    %dma_wait3A_42 = arith.constant 0 : i32
    %dma_wait3A_43 = arith.constant 0 : i32
    %dma_wait3A_44 = tpu.memref_slice %arg2[%dma_wait3A_42, %dma_wait3A_43] : memref<10240x128xf32, #tpu.memory_space<hbm>> -> memref<10240x128xf32, #tpu.memory_space<hbm>>
    tpu.wait_indirect_dma semaphore(%arg11 : memref<!tpu.dma_semaphore, #tpu.memory_space<semaphore_mem>>) src(%dma_wait3A_44 : memref<10240x128xf32, #tpu.memory_space<hbm>>) dst(%arg9 : memref<128x128xf32, #tpu.memory_space<vmem>>)
    %run_scoped3A_45 = arith.constant 40 : i32
    "tpu.region"() ({
      %run_scoped3A_110 = tpu.sem_alloc : memref<!tpu.dma_semaphore, #tpu.memory_space<semaphore_mem>>
      %dma_start3A_111 = arith.constant 0 : i32
      %dma_start3A_112 = tpu.memref_slice %arg8[%run_scoped3A_45, %dma_start3A_111] : memref<41x128xi32, #tpu.memory_space<vmem>> -> memref<1x128xi32, #tpu.memory_space<vmem>>
      %dma_start3A_113 = tpu.memref_squeeze %dma_start3A_112 : memref<1x128xi32, #tpu.memory_space<vmem>> -> memref<128xi32, #tpu.memory_space<vmem>>
      %dma_start3A_114 = arith.constant 0 : i32
      %dma_start3A_115 = arith.constant 0 : i32
      %dma_start3A_116 = tpu.memref_slice %arg6[%dma_start3A_114, %dma_start3A_115] : memref<10240x128xf32, #tpu.memory_space<vmem_shared>> -> memref<10240x128xf32, #tpu.memory_space<vmem_shared>>
      tpu.enqueue_indirect_dma source(%arg9 : memref<128x128xf32, #tpu.memory_space<vmem>>) target(%dma_start3A_116 : memref<10240x128xf32, #tpu.memory_space<vmem_shared>>) offsets(%dma_start3A_113 : memref<128xi32, #tpu.memory_space<vmem>>) semaphore(%run_scoped3A_110 : memref<!tpu.dma_semaphore, #tpu.memory_space<semaphore_mem>>) {add = true}
      %dma_wait3A_117 = arith.constant 0 : i32
      %dma_wait3A_118 = tpu.memref_slice %arg8[%run_scoped3A_45, %dma_wait3A_117] : memref<41x128xi32, #tpu.memory_space<vmem>> -> memref<1x128xi32, #tpu.memory_space<vmem>>
      %dma_wait3A_119 = tpu.memref_squeeze %dma_wait3A_118 : memref<1x128xi32, #tpu.memory_space<vmem>> -> memref<128xi32, #tpu.memory_space<vmem>>
      %dma_wait3A_120 = arith.constant 0 : i32
      %dma_wait3A_121 = arith.constant 0 : i32
      %dma_wait3A_122 = tpu.memref_slice %arg6[%dma_wait3A_120, %dma_wait3A_121] : memref<10240x128xf32, #tpu.memory_space<vmem_shared>> -> memref<10240x128xf32, #tpu.memory_space<vmem_shared>>
      tpu.wait_indirect_dma semaphore(%run_scoped3A_110 : memref<!tpu.dma_semaphore, #tpu.memory_space<semaphore_mem>>) src(%arg9 : memref<128x128xf32, #tpu.memory_space<vmem>>) dst(%dma_wait3A_122 : memref<10240x128xf32, #tpu.memory_space<vmem_shared>>)
      tpu.yield
    }) : () -> ()
    %run_scoped3A_46 = arith.constant 1 : i32
    "tpu.region"() ({
      %run_scoped3A_110 = tpu.sem_alloc : memref<!tpu.dma_semaphore, #tpu.memory_space<semaphore_mem>>
      %dma_start3A_111 = arith.constant 0 : i32
      %dma_start3A_112 = arith.constant 0 : i32
      %dma_start3A_113 = tpu.memref_slice %arg3[%add3A, %run_scoped3A_46, %dma_start3A_111, %dma_start3A_112] : memref<32x2x41x128xi32, #tpu.memory_space<hbm>> -> memref<1x1x41x128xi32, #tpu.memory_space<hbm>>
      %dma_start3A_114 = tpu.memref_squeeze %dma_start3A_113 : memref<1x1x41x128xi32, #tpu.memory_space<hbm>> -> memref<41x128xi32, #tpu.memory_space<hbm>>
      %dma_start3A_115 = arith.constant 0 : i32
      %dma_start3A_116 = arith.constant 0 : i32
      %dma_start3A_117 = tpu.memref_slice %arg3[%add3A, %run_scoped3A_46, %dma_start3A_115, %dma_start3A_116] : memref<32x2x41x128xi32, #tpu.memory_space<hbm>> -> memref<1x1x41x128xi32, #tpu.memory_space<hbm>>
      %dma_start3A_118 = tpu.memref_squeeze %dma_start3A_117 : memref<1x1x41x128xi32, #tpu.memory_space<hbm>> -> memref<41x128xi32, #tpu.memory_space<hbm>>
      tpu.enqueue_dma source(%dma_start3A_118 : memref<41x128xi32, #tpu.memory_space<hbm>>) target(%arg7 : memref<41x128xi32, #tpu.memory_space<vmem>>) target_semaphore(%run_scoped3A_110 : memref<!tpu.dma_semaphore, #tpu.memory_space<semaphore_mem>>)
      %dma_wait3A_119 = arith.constant 0 : i32
      %dma_wait3A_120 = arith.constant 0 : i32
      %dma_wait3A_121 = tpu.memref_slice %arg3[%add3A, %run_scoped3A_46, %dma_wait3A_119, %dma_wait3A_120] : memref<32x2x41x128xi32, #tpu.memory_space<hbm>> -> memref<1x1x41x128xi32, #tpu.memory_space<hbm>>
      %dma_wait3A_122 = tpu.memref_squeeze %dma_wait3A_121 : memref<1x1x41x128xi32, #tpu.memory_space<hbm>> -> memref<41x128xi32, #tpu.memory_space<hbm>>
      %dma_wait3A_123 = arith.constant 0 : i32
      %dma_wait3A_124 = arith.constant 0 : i32
      %dma_wait3A_125 = tpu.memref_slice %arg3[%add3A, %run_scoped3A_46, %dma_wait3A_123, %dma_wait3A_124] : memref<32x2x41x128xi32, #tpu.memory_space<hbm>> -> memref<1x1x41x128xi32, #tpu.memory_space<hbm>>
      %dma_wait3A_126 = tpu.memref_squeeze %dma_wait3A_125 : memref<1x1x41x128xi32, #tpu.memory_space<hbm>> -> memref<41x128xi32, #tpu.memory_space<hbm>>
      tpu.wait_dma2 semaphore(%run_scoped3A_110 : memref<!tpu.dma_semaphore, #tpu.memory_space<semaphore_mem>>) src(%dma_wait3A_126 : memref<41x128xi32, #tpu.memory_space<hbm>>) dst(%arg7 : memref<41x128xi32, #tpu.memory_space<vmem>>)
      tpu.yield
    }) : () -> ()
    %run_scoped3A_47 = arith.constant 1 : i32
    "tpu.region"() ({
      %run_scoped3A_110 = tpu.sem_alloc : memref<!tpu.dma_semaphore, #tpu.memory_space<semaphore_mem>>
      %dma_start3A_111 = arith.constant 0 : i32
      %dma_start3A_112 = arith.constant 0 : i32
      %dma_start3A_113 = tpu.memref_slice %arg4[%add3A, %run_scoped3A_47, %dma_start3A_111, %dma_start3A_112] : memref<32x2x41x128xi32, #tpu.memory_space<hbm>> -> memref<1x1x41x128xi32, #tpu.memory_space<hbm>>
      %dma_start3A_114 = tpu.memref_squeeze %dma_start3A_113 : memref<1x1x41x128xi32, #tpu.memory_space<hbm>> -> memref<41x128xi32, #tpu.memory_space<hbm>>
      %dma_start3A_115 = arith.constant 0 : i32
      %dma_start3A_116 = arith.constant 0 : i32
      %dma_start3A_117 = tpu.memref_slice %arg4[%add3A, %run_scoped3A_47, %dma_start3A_115, %dma_start3A_116] : memref<32x2x41x128xi32, #tpu.memory_space<hbm>> -> memref<1x1x41x128xi32, #tpu.memory_space<hbm>>
      %dma_start3A_118 = tpu.memref_squeeze %dma_start3A_117 : memref<1x1x41x128xi32, #tpu.memory_space<hbm>> -> memref<41x128xi32, #tpu.memory_space<hbm>>
      tpu.enqueue_dma source(%dma_start3A_118 : memref<41x128xi32, #tpu.memory_space<hbm>>) target(%arg8 : memref<41x128xi32, #tpu.memory_space<vmem>>) target_semaphore(%run_scoped3A_110 : memref<!tpu.dma_semaphore, #tpu.memory_space<semaphore_mem>>)
      %dma_wait3A_119 = arith.constant 0 : i32
      %dma_wait3A_120 = arith.constant 0 : i32
      %dma_wait3A_121 = tpu.memref_slice %arg4[%add3A, %run_scoped3A_47, %dma_wait3A_119, %dma_wait3A_120] : memref<32x2x41x128xi32, #tpu.memory_space<hbm>> -> memref<1x1x41x128xi32, #tpu.memory_space<hbm>>
      %dma_wait3A_122 = tpu.memref_squeeze %dma_wait3A_121 : memref<1x1x41x128xi32, #tpu.memory_space<hbm>> -> memref<41x128xi32, #tpu.memory_space<hbm>>
      %dma_wait3A_123 = arith.constant 0 : i32
      %dma_wait3A_124 = arith.constant 0 : i32
      %dma_wait3A_125 = tpu.memref_slice %arg4[%add3A, %run_scoped3A_47, %dma_wait3A_123, %dma_wait3A_124] : memref<32x2x41x128xi32, #tpu.memory_space<hbm>> -> memref<1x1x41x128xi32, #tpu.memory_space<hbm>>
      %dma_wait3A_126 = tpu.memref_squeeze %dma_wait3A_125 : memref<1x1x41x128xi32, #tpu.memory_space<hbm>> -> memref<41x128xi32, #tpu.memory_space<hbm>>
      tpu.wait_dma2 semaphore(%run_scoped3A_110 : memref<!tpu.dma_semaphore, #tpu.memory_space<semaphore_mem>>) src(%dma_wait3A_126 : memref<41x128xi32, #tpu.memory_space<hbm>>) dst(%arg8 : memref<41x128xi32, #tpu.memory_space<vmem>>)
      tpu.yield
    }) : () -> ()
    %dma_start3A_48 = arith.constant 0 : i32
    %dma_start3A_49 = arith.constant 0 : i32
    %dma_start3A_50 = tpu.memref_slice %arg7[%dma_start3A_48, %dma_start3A_49] : memref<41x128xi32, #tpu.memory_space<vmem>> -> memref<1x128xi32, #tpu.memory_space<vmem>>
    %dma_start3A_51 = tpu.memref_squeeze %dma_start3A_50 : memref<1x128xi32, #tpu.memory_space<vmem>> -> memref<128xi32, #tpu.memory_space<vmem>>
    %dma_start3A_52 = arith.constant 0 : i32
    %dma_start3A_53 = arith.constant 0 : i32
    %dma_start3A_54 = tpu.memref_slice %arg2[%dma_start3A_52, %dma_start3A_53] : memref<10240x128xf32, #tpu.memory_space<hbm>> -> memref<10240x128xf32, #tpu.memory_space<hbm>>
    tpu.enqueue_indirect_dma source(%dma_start3A_54 : memref<10240x128xf32, #tpu.memory_space<hbm>>) target(%arg9 : memref<128x128xf32, #tpu.memory_space<vmem>>) offsets(%dma_start3A_51 : memref<128xi32, #tpu.memory_space<vmem>>) semaphore(%arg11 : memref<!tpu.dma_semaphore, #tpu.memory_space<semaphore_mem>>)
    %scan3A_55 = arith.constant 0 : i32
    %scan3A_56 = arith.constant 0 : i32
    %scan3A_57 = arith.constant 20 : i32
    %scan3A_58 = arith.addi %scan3A_56, %scan3A_57 : i32
    %scan3A_59 = arith.constant 1 : i32
    scf.for %scan3A_110 = %scan3A_56 to %scan3A_58 step %scan3A_59  : i32 {
      %mul3A_111 = arith.constant 2 : i32
      %mul3A_112 = arith.muli %mul3A_111, %scan3A_110 : i32
      %mul3A_113 = arith.constant 2 : i32
      %mul3A_114 = arith.muli %mul3A_113, %scan3A_110 : i32
      %add3A_115 = arith.constant 1 : i32
      %add3A_116 = arith.addi %mul3A_114, %add3A_115 : i32
      %mul3A_117 = arith.constant 2 : i32
      %mul3A_118 = arith.muli %mul3A_117, %scan3A_110 : i32
      %add3A_119 = arith.constant 2 : i32
      %add3A_120 = arith.addi %mul3A_118, %add3A_119 : i32
      %min3A = arith.constant 40 : i32
      %min3A_121 = arith.minsi %add3A_120, %min3A : i32
      %dma_wait3A_122 = arith.constant 0 : i32
      %dma_wait3A_123 = arith.constant 0 : i32
      %dma_wait3A_124 = tpu.memref_slice %arg7[%dma_wait3A_122, %dma_wait3A_123] : memref<41x128xi32, #tpu.memory_space<vmem>> -> memref<1x128xi32, #tpu.memory_space<vmem>>
      %dma_wait3A_125 = tpu.memref_squeeze %dma_wait3A_124 : memref<1x128xi32, #tpu.memory_space<vmem>> -> memref<128xi32, #tpu.memory_space<vmem>>
      %dma_wait3A_126 = arith.constant 0 : i32
      %dma_wait3A_127 = arith.constant 0 : i32
      %dma_wait3A_128 = tpu.memref_slice %arg2[%dma_wait3A_126, %dma_wait3A_127] : memref<10240x128xf32, #tpu.memory_space<hbm>> -> memref<10240x128xf32, #tpu.memory_space<hbm>>
      tpu.wait_indirect_dma semaphore(%arg11 : memref<!tpu.dma_semaphore, #tpu.memory_space<semaphore_mem>>) src(%dma_wait3A_128 : memref<10240x128xf32, #tpu.memory_space<hbm>>) dst(%arg9 : memref<128x128xf32, #tpu.memory_space<vmem>>)
      %dma_start3A_129 = arith.constant 0 : i32
      %dma_start3A_130 = tpu.memref_slice %arg7[%add3A_116, %dma_start3A_129] : memref<41x128xi32, #tpu.memory_space<vmem>> -> memref<1x128xi32, #tpu.memory_space<vmem>>
      %dma_start3A_131 = tpu.memref_squeeze %dma_start3A_130 : memref<1x128xi32, #tpu.memory_space<vmem>> -> memref<128xi32, #tpu.memory_space<vmem>>
      %dma_start3A_132 = arith.constant 0 : i32
      %dma_start3A_133 = arith.constant 0 : i32
      %dma_start3A_134 = tpu.memref_slice %arg2[%dma_start3A_132, %dma_start3A_133] : memref<10240x128xf32, #tpu.memory_space<hbm>> -> memref<10240x128xf32, #tpu.memory_space<hbm>>
      tpu.enqueue_indirect_dma source(%dma_start3A_134 : memref<10240x128xf32, #tpu.memory_space<hbm>>) target(%arg10 : memref<128x128xf32, #tpu.memory_space<vmem>>) offsets(%dma_start3A_131 : memref<128xi32, #tpu.memory_space<vmem>>) semaphore(%arg12 : memref<!tpu.dma_semaphore, #tpu.memory_space<semaphore_mem>>)
      "tpu.region"() ({
        %run_scoped3A_148 = tpu.sem_alloc : memref<!tpu.dma_semaphore, #tpu.memory_space<semaphore_mem>>
        %dma_start3A_149 = arith.constant 0 : i32
        %dma_start3A_150 = tpu.memref_slice %arg8[%mul3A_112, %dma_start3A_149] : memref<41x128xi32, #tpu.memory_space<vmem>> -> memref<1x128xi32, #tpu.memory_space<vmem>>
        %dma_start3A_151 = tpu.memref_squeeze %dma_start3A_150 : memref<1x128xi32, #tpu.memory_space<vmem>> -> memref<128xi32, #tpu.memory_space<vmem>>
        %dma_start3A_152 = arith.constant 0 : i32
        %dma_start3A_153 = arith.constant 0 : i32
        %dma_start3A_154 = tpu.memref_slice %arg6[%dma_start3A_152, %dma_start3A_153] : memref<10240x128xf32, #tpu.memory_space<vmem_shared>> -> memref<10240x128xf32, #tpu.memory_space<vmem_shared>>
        tpu.enqueue_indirect_dma source(%arg9 : memref<128x128xf32, #tpu.memory_space<vmem>>) target(%dma_start3A_154 : memref<10240x128xf32, #tpu.memory_space<vmem_shared>>) offsets(%dma_start3A_151 : memref<128xi32, #tpu.memory_space<vmem>>) semaphore(%run_scoped3A_148 : memref<!tpu.dma_semaphore, #tpu.memory_space<semaphore_mem>>) {add = true}
        %dma_wait3A_155 = arith.constant 0 : i32
        %dma_wait3A_156 = tpu.memref_slice %arg8[%mul3A_112, %dma_wait3A_155] : memref<41x128xi32, #tpu.memory_space<vmem>> -> memref<1x128xi32, #tpu.memory_space<vmem>>
        %dma_wait3A_157 = tpu.memref_squeeze %dma_wait3A_156 : memref<1x128xi32, #tpu.memory_space<vmem>> -> memref<128xi32, #tpu.memory_space<vmem>>
        %dma_wait3A_158 = arith.constant 0 : i32
        %dma_wait3A_159 = arith.constant 0 : i32
        %dma_wait3A_160 = tpu.memref_slice %arg6[%dma_wait3A_158, %dma_wait3A_159] : memref<10240x128xf32, #tpu.memory_space<vmem_shared>> -> memref<10240x128xf32, #tpu.memory_space<vmem_shared>>
        tpu.wait_indirect_dma semaphore(%run_scoped3A_148 : memref<!tpu.dma_semaphore, #tpu.memory_space<semaphore_mem>>) src(%arg9 : memref<128x128xf32, #tpu.memory_space<vmem>>) dst(%dma_wait3A_160 : memref<10240x128xf32, #tpu.memory_space<vmem_shared>>)
        tpu.yield
      }) : () -> ()
      %dma_wait3A_135 = arith.constant 0 : i32
      %dma_wait3A_136 = arith.constant 0 : i32
      %dma_wait3A_137 = tpu.memref_slice %arg7[%dma_wait3A_135, %dma_wait3A_136] : memref<41x128xi32, #tpu.memory_space<vmem>> -> memref<1x128xi32, #tpu.memory_space<vmem>>
      %dma_wait3A_138 = tpu.memref_squeeze %dma_wait3A_137 : memref<1x128xi32, #tpu.memory_space<vmem>> -> memref<128xi32, #tpu.memory_space<vmem>>
      %dma_wait3A_139 = arith.constant 0 : i32
      %dma_wait3A_140 = arith.constant 0 : i32
      %dma_wait3A_141 = tpu.memref_slice %arg2[%dma_wait3A_139, %dma_wait3A_140] : memref<10240x128xf32, #tpu.memory_space<hbm>> -> memref<10240x128xf32, #tpu.memory_space<hbm>>
      tpu.wait_indirect_dma semaphore(%arg12 : memref<!tpu.dma_semaphore, #tpu.memory_space<semaphore_mem>>) src(%dma_wait3A_141 : memref<10240x128xf32, #tpu.memory_space<hbm>>) dst(%arg10 : memref<128x128xf32, #tpu.memory_space<vmem>>)
      %dma_start3A_142 = arith.constant 0 : i32
      %dma_start3A_143 = tpu.memref_slice %arg7[%min3A_121, %dma_start3A_142] : memref<41x128xi32, #tpu.memory_space<vmem>> -> memref<1x128xi32, #tpu.memory_space<vmem>>
      %dma_start3A_144 = tpu.memref_squeeze %dma_start3A_143 : memref<1x128xi32, #tpu.memory_space<vmem>> -> memref<128xi32, #tpu.memory_space<vmem>>
      %dma_start3A_145 = arith.constant 0 : i32
      %dma_start3A_146 = arith.constant 0 : i32
      %dma_start3A_147 = tpu.memref_slice %arg2[%dma_start3A_145, %dma_start3A_146] : memref<10240x128xf32, #tpu.memory_space<hbm>> -> memref<10240x128xf32, #tpu.memory_space<hbm>>
      tpu.enqueue_indirect_dma source(%dma_start3A_147 : memref<10240x128xf32, #tpu.memory_space<hbm>>) target(%arg9 : memref<128x128xf32, #tpu.memory_space<vmem>>) offsets(%dma_start3A_144 : memref<128xi32, #tpu.memory_space<vmem>>) semaphore(%arg11 : memref<!tpu.dma_semaphore, #tpu.memory_space<semaphore_mem>>)
      "tpu.region"() ({
        %run_scoped3A_148 = tpu.sem_alloc : memref<!tpu.dma_semaphore, #tpu.memory_space<semaphore_mem>>
        %dma_start3A_149 = arith.constant 0 : i32
        %dma_start3A_150 = tpu.memref_slice %arg8[%add3A_116, %dma_start3A_149] : memref<41x128xi32, #tpu.memory_space<vmem>> -> memref<1x128xi32, #tpu.memory_space<vmem>>
        %dma_start3A_151 = tpu.memref_squeeze %dma_start3A_150 : memref<1x128xi32, #tpu.memory_space<vmem>> -> memref<128xi32, #tpu.memory_space<vmem>>
        %dma_start3A_152 = arith.constant 0 : i32
        %dma_start3A_153 = arith.constant 0 : i32
        %dma_start3A_154 = tpu.memref_slice %arg6[%dma_start3A_152, %dma_start3A_153] : memref<10240x128xf32, #tpu.memory_space<vmem_shared>> -> memref<10240x128xf32, #tpu.memory_space<vmem_shared>>
        tpu.enqueue_indirect_dma source(%arg10 : memref<128x128xf32, #tpu.memory_space<vmem>>) target(%dma_start3A_154 : memref<10240x128xf32, #tpu.memory_space<vmem_shared>>) offsets(%dma_start3A_151 : memref<128xi32, #tpu.memory_space<vmem>>) semaphore(%run_scoped3A_148 : memref<!tpu.dma_semaphore, #tpu.memory_space<semaphore_mem>>) {add = true}
        %dma_wait3A_155 = arith.constant 0 : i32
        %dma_wait3A_156 = tpu.memref_slice %arg8[%add3A_116, %dma_wait3A_155] : memref<41x128xi32, #tpu.memory_space<vmem>> -> memref<1x128xi32, #tpu.memory_space<vmem>>
        %dma_wait3A_157 = tpu.memref_squeeze %dma_wait3A_156 : memref<1x128xi32, #tpu.memory_space<vmem>> -> memref<128xi32, #tpu.memory_space<vmem>>
        %dma_wait3A_158 = arith.constant 0 : i32
        %dma_wait3A_159 = arith.constant 0 : i32
        %dma_wait3A_160 = tpu.memref_slice %arg6[%dma_wait3A_158, %dma_wait3A_159] : memref<10240x128xf32, #tpu.memory_space<vmem_shared>> -> memref<10240x128xf32, #tpu.memory_space<vmem_shared>>
        tpu.wait_indirect_dma semaphore(%run_scoped3A_148 : memref<!tpu.dma_semaphore, #tpu.memory_space<semaphore_mem>>) src(%arg10 : memref<128x128xf32, #tpu.memory_space<vmem>>) dst(%dma_wait3A_160 : memref<10240x128xf32, #tpu.memory_space<vmem_shared>>)
        tpu.yield
      }) : () -> ()
    }
    %scan3A_60 = arith.constant 20 : i32
    %dma_wait3A_61 = arith.constant 0 : i32
    %dma_wait3A_62 = arith.constant 0 : i32
    %dma_wait3A_63 = tpu.memref_slice %arg7[%dma_wait3A_61, %dma_wait3A_62] : memref<41x128xi32, #tpu.memory_space<vmem>> -> memref<1x128xi32, #tpu.memory_space<vmem>>
    %dma_wait3A_64 = tpu.memref_squeeze %dma_wait3A_63 : memref<1x128xi32, #tpu.memory_space<vmem>> -> memref<128xi32, #tpu.memory_space<vmem>>
    %dma_wait3A_65 = arith.constant 0 : i32
    %dma_wait3A_66 = arith.constant 0 : i32
    %dma_wait3A_67 = tpu.memref_slice %arg2[%dma_wait3A_65, %dma_wait3A_66] : memref<10240x128xf32, #tpu.memory_space<hbm>> -> memref<10240x128xf32, #tpu.memory_space<hbm>>
    tpu.wait_indirect_dma semaphore(%arg11 : memref<!tpu.dma_semaphore, #tpu.memory_space<semaphore_mem>>) src(%dma_wait3A_67 : memref<10240x128xf32, #tpu.memory_space<hbm>>) dst(%arg9 : memref<128x128xf32, #tpu.memory_space<vmem>>)
    %run_scoped3A_68 = arith.constant 40 : i32
    "tpu.region"() ({
      %run_scoped3A_110 = tpu.sem_alloc : memref<!tpu.dma_semaphore, #tpu.memory_space<semaphore_mem>>
      %dma_start3A_111 = arith.constant 0 : i32
      %dma_start3A_112 = tpu.memref_slice %arg8[%run_scoped3A_68, %dma_start3A_111] : memref<41x128xi32, #tpu.memory_space<vmem>> -> memref<1x128xi32, #tpu.memory_space<vmem>>
      %dma_start3A_113 = tpu.memref_squeeze %dma_start3A_112 : memref<1x128xi32, #tpu.memory_space<vmem>> -> memref<128xi32, #tpu.memory_space<vmem>>
      %dma_start3A_114 = arith.constant 0 : i32
      %dma_start3A_115 = arith.constant 0 : i32
      %dma_start3A_116 = tpu.memref_slice %arg6[%dma_start3A_114, %dma_start3A_115] : memref<10240x128xf32, #tpu.memory_space<vmem_shared>> -> memref<10240x128xf32, #tpu.memory_space<vmem_shared>>
      tpu.enqueue_indirect_dma source(%arg9 : memref<128x128xf32, #tpu.memory_space<vmem>>) target(%dma_start3A_116 : memref<10240x128xf32, #tpu.memory_space<vmem_shared>>) offsets(%dma_start3A_113 : memref<128xi32, #tpu.memory_space<vmem>>) semaphore(%run_scoped3A_110 : memref<!tpu.dma_semaphore, #tpu.memory_space<semaphore_mem>>) {add = true}
      %dma_wait3A_117 = arith.constant 0 : i32
      %dma_wait3A_118 = tpu.memref_slice %arg8[%run_scoped3A_68, %dma_wait3A_117] : memref<41x128xi32, #tpu.memory_space<vmem>> -> memref<1x128xi32, #tpu.memory_space<vmem>>
      %dma_wait3A_119 = tpu.memref_squeeze %dma_wait3A_118 : memref<1x128xi32, #tpu.memory_space<vmem>> -> memref<128xi32, #tpu.memory_space<vmem>>
      %dma_wait3A_120 = arith.constant 0 : i32
      %dma_wait3A_121 = arith.constant 0 : i32
      %dma_wait3A_122 = tpu.memref_slice %arg6[%dma_wait3A_120, %dma_wait3A_121] : memref<10240x128xf32, #tpu.memory_space<vmem_shared>> -> memref<10240x128xf32, #tpu.memory_space<vmem_shared>>
      tpu.wait_indirect_dma semaphore(%run_scoped3A_110 : memref<!tpu.dma_semaphore, #tpu.memory_space<semaphore_mem>>) src(%arg9 : memref<128x128xf32, #tpu.memory_space<vmem>>) dst(%dma_wait3A_122 : memref<10240x128xf32, #tpu.memory_space<vmem_shared>>)
      tpu.yield
    }) : () -> ()
    %barrier3A_69 = arith.constant 0 : index
    tpu.barrier barrier_id(%barrier3A_69)
    %mul3A_70 = arith.constant 640 : i32
    %mul3A_71 = arith.muli %arg1, %mul3A_70 : i32
    %add3A_72 = arith.constant 0 : i32
    %add3A_73 = arith.addi %mul3A_71, %add3A_72 : i32
    "tpu.region"() ({
      %run_scoped3A_110 = tpu.sem_alloc : memref<!tpu.dma_semaphore, #tpu.memory_space<semaphore_mem>>
      %dma_start3A_111 = arith.constant 0 : i32
      %dma_start3A_112 = tpu.memref_slice %arg6[%add3A_73, %dma_start3A_111] : memref<10240x128xf32, #tpu.memory_space<vmem_shared>> -> memref<128x128xf32, #tpu.memory_space<vmem_shared>>
      %dma_start3A_113 = arith.constant 0 : i32
      %dma_start3A_114 = tpu.memref_slice %arg6[%add3A_73, %dma_start3A_113] : memref<10240x128xf32, #tpu.memory_space<vmem_shared>> -> memref<128x128xf32, #tpu.memory_space<vmem_shared>>
      tpu.enqueue_dma source(%dma_start3A_114 : memref<128x128xf32, #tpu.memory_space<vmem_shared>>) target(%arg9 : memref<128x128xf32, #tpu.memory_space<vmem>>) target_semaphore(%run_scoped3A_110 : memref<!tpu.dma_semaphore, #tpu.memory_space<semaphore_mem>>)
      %dma_wait3A_115 = arith.constant 0 : i32
      %dma_wait3A_116 = tpu.memref_slice %arg6[%add3A_73, %dma_wait3A_115] : memref<10240x128xf32, #tpu.memory_space<vmem_shared>> -> memref<128x128xf32, #tpu.memory_space<vmem_shared>>
      %dma_wait3A_117 = arith.constant 0 : i32
      %dma_wait3A_118 = tpu.memref_slice %arg6[%add3A_73, %dma_wait3A_117] : memref<10240x128xf32, #tpu.memory_space<vmem_shared>> -> memref<128x128xf32, #tpu.memory_space<vmem_shared>>
      tpu.wait_dma2 semaphore(%run_scoped3A_110 : memref<!tpu.dma_semaphore, #tpu.memory_space<semaphore_mem>>) src(%dma_wait3A_118 : memref<128x128xf32, #tpu.memory_space<vmem_shared>>) dst(%arg9 : memref<128x128xf32, #tpu.memory_space<vmem>>)
      tpu.yield
    }) : () -> ()
    %mul3A_74 = arith.constant 640 : i32
    %mul3A_75 = arith.muli %arg1, %mul3A_74 : i32
    %add3A_76 = arith.constant 0 : i32
    %add3A_77 = arith.addi %mul3A_75, %add3A_76 : i32
    "tpu.region"() ({
      %run_scoped3A_110 = tpu.sem_alloc : memref<!tpu.dma_semaphore, #tpu.memory_space<semaphore_mem>>
      %dma_start3A_111 = arith.constant 0 : i32
      %dma_start3A_112 = tpu.memref_slice %arg5[%arg0, %add3A_77, %dma_start3A_111] : memref<2x10240x128xf32, #tpu.memory_space<hbm>> -> memref<1x128x128xf32, #tpu.memory_space<hbm>>
      %dma_start3A_113 = tpu.memref_squeeze %dma_start3A_112 : memref<1x128x128xf32, #tpu.memory_space<hbm>> -> memref<128x128xf32, #tpu.memory_space<hbm>>
      %dma_start3A_114 = arith.constant 0 : i32
      %dma_start3A_115 = tpu.memref_slice %arg5[%arg0, %add3A_77, %dma_start3A_114] : memref<2x10240x128xf32, #tpu.memory_space<hbm>> -> memref<1x128x128xf32, #tpu.memory_space<hbm>>
      %dma_start3A_116 = tpu.memref_squeeze %dma_start3A_115 : memref<1x128x128xf32, #tpu.memory_space<hbm>> -> memref<128x128xf32, #tpu.memory_space<hbm>>
      tpu.enqueue_dma source(%arg9 : memref<128x128xf32, #tpu.memory_space<vmem>>) target(%dma_start3A_116 : memref<128x128xf32, #tpu.memory_space<hbm>>) target_semaphore(%run_scoped3A_110 : memref<!tpu.dma_semaphore, #tpu.memory_space<semaphore_mem>>)
      %dma_wait3A_117 = arith.constant 0 : i32
      %dma_wait3A_118 = tpu.memref_slice %arg5[%arg0, %add3A_77, %dma_wait3A_117] : memref<2x10240x128xf32, #tpu.memory_space<hbm>> -> memref<1x128x128xf32, #tpu.memory_space<hbm>>
      %dma_wait3A_119 = tpu.memref_squeeze %dma_wait3A_118 : memref<1x128x128xf32, #tpu.memory_space<hbm>> -> memref<128x128xf32, #tpu.memory_space<hbm>>
      %dma_wait3A_120 = arith.constant 0 : i32
      %dma_wait3A_121 = tpu.memref_slice %arg5[%arg0, %add3A_77, %dma_wait3A_120] : memref<2x10240x128xf32, #tpu.memory_space<hbm>> -> memref<1x128x128xf32, #tpu.memory_space<hbm>>
      %dma_wait3A_122 = tpu.memref_squeeze %dma_wait3A_121 : memref<1x128x128xf32, #tpu.memory_space<hbm>> -> memref<128x128xf32, #tpu.memory_space<hbm>>
      tpu.wait_dma2 semaphore(%run_scoped3A_110 : memref<!tpu.dma_semaphore, #tpu.memory_space<semaphore_mem>>) src(%arg9 : memref<128x128xf32, #tpu.memory_space<vmem>>) dst(%dma_wait3A_122 : memref<128x128xf32, #tpu.memory_space<hbm>>)
      tpu.yield
    }) : () -> ()
    %mul3A_78 = arith.constant 640 : i32
    %mul3A_79 = arith.muli %arg1, %mul3A_78 : i32
    %add3A_80 = arith.constant 128 : i32
    %add3A_81 = arith.addi %mul3A_79, %add3A_80 : i32
    "tpu.region"() ({
      %run_scoped3A_110 = tpu.sem_alloc : memref<!tpu.dma_semaphore, #tpu.memory_space<semaphore_mem>>
      %dma_start3A_111 = arith.constant 0 : i32
      %dma_start3A_112 = tpu.memref_slice %arg6[%add3A_81, %dma_start3A_111] : memref<10240x128xf32, #tpu.memory_space<vmem_shared>> -> memref<128x128xf32, #tpu.memory_space<vmem_shared>>
      %dma_start3A_113 = arith.constant 0 : i32
      %dma_start3A_114 = tpu.memref_slice %arg6[%add3A_81, %dma_start3A_113] : memref<10240x128xf32, #tpu.memory_space<vmem_shared>> -> memref<128x128xf32, #tpu.memory_space<vmem_shared>>
      tpu.enqueue_dma source(%dma_start3A_114 : memref<128x128xf32, #tpu.memory_space<vmem_shared>>) target(%arg9 : memref<128x128xf32, #tpu.memory_space<vmem>>) target_semaphore(%run_scoped3A_110 : memref<!tpu.dma_semaphore, #tpu.memory_space<semaphore_mem>>)
      %dma_wait3A_115 = arith.constant 0 : i32
      %dma_wait3A_116 = tpu.memref_slice %arg6[%add3A_81, %dma_wait3A_115] : memref<10240x128xf32, #tpu.memory_space<vmem_shared>> -> memref<128x128xf32, #tpu.memory_space<vmem_shared>>
      %dma_wait3A_117 = arith.constant 0 : i32
      %dma_wait3A_118 = tpu.memref_slice %arg6[%add3A_81, %dma_wait3A_117] : memref<10240x128xf32, #tpu.memory_space<vmem_shared>> -> memref<128x128xf32, #tpu.memory_space<vmem_shared>>
      tpu.wait_dma2 semaphore(%run_scoped3A_110 : memref<!tpu.dma_semaphore, #tpu.memory_space<semaphore_mem>>) src(%dma_wait3A_118 : memref<128x128xf32, #tpu.memory_space<vmem_shared>>) dst(%arg9 : memref<128x128xf32, #tpu.memory_space<vmem>>)
      tpu.yield
    }) : () -> ()
    %mul3A_82 = arith.constant 640 : i32
    %mul3A_83 = arith.muli %arg1, %mul3A_82 : i32
    %add3A_84 = arith.constant 128 : i32
    %add3A_85 = arith.addi %mul3A_83, %add3A_84 : i32
    "tpu.region"() ({
      %run_scoped3A_110 = tpu.sem_alloc : memref<!tpu.dma_semaphore, #tpu.memory_space<semaphore_mem>>
      %dma_start3A_111 = arith.constant 0 : i32
      %dma_start3A_112 = tpu.memref_slice %arg5[%arg0, %add3A_85, %dma_start3A_111] : memref<2x10240x128xf32, #tpu.memory_space<hbm>> -> memref<1x128x128xf32, #tpu.memory_space<hbm>>
      %dma_start3A_113 = tpu.memref_squeeze %dma_start3A_112 : memref<1x128x128xf32, #tpu.memory_space<hbm>> -> memref<128x128xf32, #tpu.memory_space<hbm>>
      %dma_start3A_114 = arith.constant 0 : i32
      %dma_start3A_115 = tpu.memref_slice %arg5[%arg0, %add3A_85, %dma_start3A_114] : memref<2x10240x128xf32, #tpu.memory_space<hbm>> -> memref<1x128x128xf32, #tpu.memory_space<hbm>>
      %dma_start3A_116 = tpu.memref_squeeze %dma_start3A_115 : memref<1x128x128xf32, #tpu.memory_space<hbm>> -> memref<128x128xf32, #tpu.memory_space<hbm>>
      tpu.enqueue_dma source(%arg9 : memref<128x128xf32, #tpu.memory_space<vmem>>) target(%dma_start3A_116 : memref<128x128xf32, #tpu.memory_space<hbm>>) target_semaphore(%run_scoped3A_110 : memref<!tpu.dma_semaphore, #tpu.memory_space<semaphore_mem>>)
      %dma_wait3A_117 = arith.constant 0 : i32
      %dma_wait3A_118 = tpu.memref_slice %arg5[%arg0, %add3A_85, %dma_wait3A_117] : memref<2x10240x128xf32, #tpu.memory_space<hbm>> -> memref<1x128x128xf32, #tpu.memory_space<hbm>>
      %dma_wait3A_119 = tpu.memref_squeeze %dma_wait3A_118 : memref<1x128x128xf32, #tpu.memory_space<hbm>> -> memref<128x128xf32, #tpu.memory_space<hbm>>
      %dma_wait3A_120 = arith.constant 0 : i32
      %dma_wait3A_121 = tpu.memref_slice %arg5[%arg0, %add3A_85, %dma_wait3A_120] : memref<2x10240x128xf32, #tpu.memory_space<hbm>> -> memref<1x128x128xf32, #tpu.memory_space<hbm>>
      %dma_wait3A_122 = tpu.memref_squeeze %dma_wait3A_121 : memref<1x128x128xf32, #tpu.memory_space<hbm>> -> memref<128x128xf32, #tpu.memory_space<hbm>>
      tpu.wait_dma2 semaphore(%run_scoped3A_110 : memref<!tpu.dma_semaphore, #tpu.memory_space<semaphore_mem>>) src(%arg9 : memref<128x128xf32, #tpu.memory_space<vmem>>) dst(%dma_wait3A_122 : memref<128x128xf32, #tpu.memory_space<hbm>>)
      tpu.yield
    }) : () -> ()
    %mul3A_86 = arith.constant 640 : i32
    %mul3A_87 = arith.muli %arg1, %mul3A_86 : i32
    %add3A_88 = arith.constant 256 : i32
    %add3A_89 = arith.addi %mul3A_87, %add3A_88 : i32
    "tpu.region"() ({
      %run_scoped3A_110 = tpu.sem_alloc : memref<!tpu.dma_semaphore, #tpu.memory_space<semaphore_mem>>
      %dma_start3A_111 = arith.constant 0 : i32
      %dma_start3A_112 = tpu.memref_slice %arg6[%add3A_89, %dma_start3A_111] : memref<10240x128xf32, #tpu.memory_space<vmem_shared>> -> memref<128x128xf32, #tpu.memory_space<vmem_shared>>
      %dma_start3A_113 = arith.constant 0 : i32
      %dma_start3A_114 = tpu.memref_slice %arg6[%add3A_89, %dma_start3A_113] : memref<10240x128xf32, #tpu.memory_space<vmem_shared>> -> memref<128x128xf32, #tpu.memory_space<vmem_shared>>
      tpu.enqueue_dma source(%dma_start3A_114 : memref<128x128xf32, #tpu.memory_space<vmem_shared>>) target(%arg9 : memref<128x128xf32, #tpu.memory_space<vmem>>) target_semaphore(%run_scoped3A_110 : memref<!tpu.dma_semaphore, #tpu.memory_space<semaphore_mem>>)
      %dma_wait3A_115 = arith.constant 0 : i32
      %dma_wait3A_116 = tpu.memref_slice %arg6[%add3A_89, %dma_wait3A_115] : memref<10240x128xf32, #tpu.memory_space<vmem_shared>> -> memref<128x128xf32, #tpu.memory_space<vmem_shared>>
      %dma_wait3A_117 = arith.constant 0 : i32
      %dma_wait3A_118 = tpu.memref_slice %arg6[%add3A_89, %dma_wait3A_117] : memref<10240x128xf32, #tpu.memory_space<vmem_shared>> -> memref<128x128xf32, #tpu.memory_space<vmem_shared>>
      tpu.wait_dma2 semaphore(%run_scoped3A_110 : memref<!tpu.dma_semaphore, #tpu.memory_space<semaphore_mem>>) src(%dma_wait3A_118 : memref<128x128xf32, #tpu.memory_space<vmem_shared>>) dst(%arg9 : memref<128x128xf32, #tpu.memory_space<vmem>>)
      tpu.yield
    }) : () -> ()
    %mul3A_90 = arith.constant 640 : i32
    %mul3A_91 = arith.muli %arg1, %mul3A_90 : i32
    %add3A_92 = arith.constant 256 : i32
    %add3A_93 = arith.addi %mul3A_91, %add3A_92 : i32
    "tpu.region"() ({
      %run_scoped3A_110 = tpu.sem_alloc : memref<!tpu.dma_semaphore, #tpu.memory_space<semaphore_mem>>
      %dma_start3A_111 = arith.constant 0 : i32
      %dma_start3A_112 = tpu.memref_slice %arg5[%arg0, %add3A_93, %dma_start3A_111] : memref<2x10240x128xf32, #tpu.memory_space<hbm>> -> memref<1x128x128xf32, #tpu.memory_space<hbm>>
      %dma_start3A_113 = tpu.memref_squeeze %dma_start3A_112 : memref<1x128x128xf32, #tpu.memory_space<hbm>> -> memref<128x128xf32, #tpu.memory_space<hbm>>
      %dma_start3A_114 = arith.constant 0 : i32
      %dma_start3A_115 = tpu.memref_slice %arg5[%arg0, %add3A_93, %dma_start3A_114] : memref<2x10240x128xf32, #tpu.memory_space<hbm>> -> memref<1x128x128xf32, #tpu.memory_space<hbm>>
      %dma_start3A_116 = tpu.memref_squeeze %dma_start3A_115 : memref<1x128x128xf32, #tpu.memory_space<hbm>> -> memref<128x128xf32, #tpu.memory_space<hbm>>
      tpu.enqueue_dma source(%arg9 : memref<128x128xf32, #tpu.memory_space<vmem>>) target(%dma_start3A_116 : memref<128x128xf32, #tpu.memory_space<hbm>>) target_semaphore(%run_scoped3A_110 : memref<!tpu.dma_semaphore, #tpu.memory_space<semaphore_mem>>)
      %dma_wait3A_117 = arith.constant 0 : i32
      %dma_wait3A_118 = tpu.memref_slice %arg5[%arg0, %add3A_93, %dma_wait3A_117] : memref<2x10240x128xf32, #tpu.memory_space<hbm>> -> memref<1x128x128xf32, #tpu.memory_space<hbm>>
      %dma_wait3A_119 = tpu.memref_squeeze %dma_wait3A_118 : memref<1x128x128xf32, #tpu.memory_space<hbm>> -> memref<128x128xf32, #tpu.memory_space<hbm>>
      %dma_wait3A_120 = arith.constant 0 : i32
      %dma_wait3A_121 = tpu.memref_slice %arg5[%arg0, %add3A_93, %dma_wait3A_120] : memref<2x10240x128xf32, #tpu.memory_space<hbm>> -> memref<1x128x128xf32, #tpu.memory_space<hbm>>
      %dma_wait3A_122 = tpu.memref_squeeze %dma_wait3A_121 : memref<1x128x128xf32, #tpu.memory_space<hbm>> -> memref<128x128xf32, #tpu.memory_space<hbm>>
      tpu.wait_dma2 semaphore(%run_scoped3A_110 : memref<!tpu.dma_semaphore, #tpu.memory_space<semaphore_mem>>) src(%arg9 : memref<128x128xf32, #tpu.memory_space<vmem>>) dst(%dma_wait3A_122 : memref<128x128xf32, #tpu.memory_space<hbm>>)
      tpu.yield
    }) : () -> ()
    %mul3A_94 = arith.constant 640 : i32
    %mul3A_95 = arith.muli %arg1, %mul3A_94 : i32
    %add3A_96 = arith.constant 384 : i32
    %add3A_97 = arith.addi %mul3A_95, %add3A_96 : i32
    "tpu.region"() ({
      %run_scoped3A_110 = tpu.sem_alloc : memref<!tpu.dma_semaphore, #tpu.memory_space<semaphore_mem>>
      %dma_start3A_111 = arith.constant 0 : i32
      %dma_start3A_112 = tpu.memref_slice %arg6[%add3A_97, %dma_start3A_111] : memref<10240x128xf32, #tpu.memory_space<vmem_shared>> -> memref<128x128xf32, #tpu.memory_space<vmem_shared>>
      %dma_start3A_113 = arith.constant 0 : i32
      %dma_start3A_114 = tpu.memref_slice %arg6[%add3A_97, %dma_start3A_113] : memref<10240x128xf32, #tpu.memory_space<vmem_shared>> -> memref<128x128xf32, #tpu.memory_space<vmem_shared>>
      tpu.enqueue_dma source(%dma_start3A_114 : memref<128x128xf32, #tpu.memory_space<vmem_shared>>) target(%arg9 : memref<128x128xf32, #tpu.memory_space<vmem>>) target_semaphore(%run_scoped3A_110 : memref<!tpu.dma_semaphore, #tpu.memory_space<semaphore_mem>>)
      %dma_wait3A_115 = arith.constant 0 : i32
      %dma_wait3A_116 = tpu.memref_slice %arg6[%add3A_97, %dma_wait3A_115] : memref<10240x128xf32, #tpu.memory_space<vmem_shared>> -> memref<128x128xf32, #tpu.memory_space<vmem_shared>>
      %dma_wait3A_117 = arith.constant 0 : i32
      %dma_wait3A_118 = tpu.memref_slice %arg6[%add3A_97, %dma_wait3A_117] : memref<10240x128xf32, #tpu.memory_space<vmem_shared>> -> memref<128x128xf32, #tpu.memory_space<vmem_shared>>
      tpu.wait_dma2 semaphore(%run_scoped3A_110 : memref<!tpu.dma_semaphore, #tpu.memory_space<semaphore_mem>>) src(%dma_wait3A_118 : memref<128x128xf32, #tpu.memory_space<vmem_shared>>) dst(%arg9 : memref<128x128xf32, #tpu.memory_space<vmem>>)
      tpu.yield
    }) : () -> ()
    %mul3A_98 = arith.constant 640 : i32
    %mul3A_99 = arith.muli %arg1, %mul3A_98 : i32
    %add3A_100 = arith.constant 384 : i32
    %add3A_101 = arith.addi %mul3A_99, %add3A_100 : i32
    "tpu.region"() ({
      %run_scoped3A_110 = tpu.sem_alloc : memref<!tpu.dma_semaphore, #tpu.memory_space<semaphore_mem>>
      %dma_start3A_111 = arith.constant 0 : i32
      %dma_start3A_112 = tpu.memref_slice %arg5[%arg0, %add3A_101, %dma_start3A_111] : memref<2x10240x128xf32, #tpu.memory_space<hbm>> -> memref<1x128x128xf32, #tpu.memory_space<hbm>>
      %dma_start3A_113 = tpu.memref_squeeze %dma_start3A_112 : memref<1x128x128xf32, #tpu.memory_space<hbm>> -> memref<128x128xf32, #tpu.memory_space<hbm>>
      %dma_start3A_114 = arith.constant 0 : i32
      %dma_start3A_115 = tpu.memref_slice %arg5[%arg0, %add3A_101, %dma_start3A_114] : memref<2x10240x128xf32, #tpu.memory_space<hbm>> -> memref<1x128x128xf32, #tpu.memory_space<hbm>>
      %dma_start3A_116 = tpu.memref_squeeze %dma_start3A_115 : memref<1x128x128xf32, #tpu.memory_space<hbm>> -> memref<128x128xf32, #tpu.memory_space<hbm>>
      tpu.enqueue_dma source(%arg9 : memref<128x128xf32, #tpu.memory_space<vmem>>) target(%dma_start3A_116 : memref<128x128xf32, #tpu.memory_space<hbm>>) target_semaphore(%run_scoped3A_110 : memref<!tpu.dma_semaphore, #tpu.memory_space<semaphore_mem>>)
      %dma_wait3A_117 = arith.constant 0 : i32
      %dma_wait3A_118 = tpu.memref_slice %arg5[%arg0, %add3A_101, %dma_wait3A_117] : memref<2x10240x128xf32, #tpu.memory_space<hbm>> -> memref<1x128x128xf32, #tpu.memory_space<hbm>>
      %dma_wait3A_119 = tpu.memref_squeeze %dma_wait3A_118 : memref<1x128x128xf32, #tpu.memory_space<hbm>> -> memref<128x128xf32, #tpu.memory_space<hbm>>
      %dma_wait3A_120 = arith.constant 0 : i32
      %dma_wait3A_121 = tpu.memref_slice %arg5[%arg0, %add3A_101, %dma_wait3A_120] : memref<2x10240x128xf32, #tpu.memory_space<hbm>> -> memref<1x128x128xf32, #tpu.memory_space<hbm>>
      %dma_wait3A_122 = tpu.memref_squeeze %dma_wait3A_121 : memref<1x128x128xf32, #tpu.memory_space<hbm>> -> memref<128x128xf32, #tpu.memory_space<hbm>>
      tpu.wait_dma2 semaphore(%run_scoped3A_110 : memref<!tpu.dma_semaphore, #tpu.memory_space<semaphore_mem>>) src(%arg9 : memref<128x128xf32, #tpu.memory_space<vmem>>) dst(%dma_wait3A_122 : memref<128x128xf32, #tpu.memory_space<hbm>>)
      tpu.yield
    }) : () -> ()
    %mul3A_102 = arith.constant 640 : i32
    %mul3A_103 = arith.muli %arg1, %mul3A_102 : i32
    %add3A_104 = arith.constant 512 : i32
    %add3A_105 = arith.addi %mul3A_103, %add3A_104 : i32
    "tpu.region"() ({
      %run_scoped3A_110 = tpu.sem_alloc : memref<!tpu.dma_semaphore, #tpu.memory_space<semaphore_mem>>
      %dma_start3A_111 = arith.constant 0 : i32
      %dma_start3A_112 = tpu.memref_slice %arg6[%add3A_105, %dma_start3A_111] : memref<10240x128xf32, #tpu.memory_space<vmem_shared>> -> memref<128x128xf32, #tpu.memory_space<vmem_shared>>
      %dma_start3A_113 = arith.constant 0 : i32
      %dma_start3A_114 = tpu.memref_slice %arg6[%add3A_105, %dma_start3A_113] : memref<10240x128xf32, #tpu.memory_space<vmem_shared>> -> memref<128x128xf32, #tpu.memory_space<vmem_shared>>
      tpu.enqueue_dma source(%dma_start3A_114 : memref<128x128xf32, #tpu.memory_space<vmem_shared>>) target(%arg9 : memref<128x128xf32, #tpu.memory_space<vmem>>) target_semaphore(%run_scoped3A_110 : memref<!tpu.dma_semaphore, #tpu.memory_space<semaphore_mem>>)
      %dma_wait3A_115 = arith.constant 0 : i32
      %dma_wait3A_116 = tpu.memref_slice %arg6[%add3A_105, %dma_wait3A_115] : memref<10240x128xf32, #tpu.memory_space<vmem_shared>> -> memref<128x128xf32, #tpu.memory_space<vmem_shared>>
      %dma_wait3A_117 = arith.constant 0 : i32
      %dma_wait3A_118 = tpu.memref_slice %arg6[%add3A_105, %dma_wait3A_117] : memref<10240x128xf32, #tpu.memory_space<vmem_shared>> -> memref<128x128xf32, #tpu.memory_space<vmem_shared>>
      tpu.wait_dma2 semaphore(%run_scoped3A_110 : memref<!tpu.dma_semaphore, #tpu.memory_space<semaphore_mem>>) src(%dma_wait3A_118 : memref<128x128xf32, #tpu.memory_space<vmem_shared>>) dst(%arg9 : memref<128x128xf32, #tpu.memory_space<vmem>>)
      tpu.yield
    }) : () -> ()
    %mul3A_106 = arith.constant 640 : i32
    %mul3A_107 = arith.muli %arg1, %mul3A_106 : i32
    %add3A_108 = arith.constant 512 : i32
    %add3A_109 = arith.addi %mul3A_107, %add3A_108 : i32
    "tpu.region"() ({
      %run_scoped3A_110 = tpu.sem_alloc : memref<!tpu.dma_semaphore, #tpu.memory_space<semaphore_mem>>
      %dma_start3A_111 = arith.constant 0 : i32
      %dma_start3A_112 = tpu.memref_slice %arg5[%arg0, %add3A_109, %dma_start3A_111] : memref<2x10240x128xf32, #tpu.memory_space<hbm>> -> memref<1x128x128xf32, #tpu.memory_space<hbm>>
      %dma_start3A_113 = tpu.memref_squeeze %dma_start3A_112 : memref<1x128x128xf32, #tpu.memory_space<hbm>> -> memref<128x128xf32, #tpu.memory_space<hbm>>
      %dma_start3A_114 = arith.constant 0 : i32
      %dma_start3A_115 = tpu.memref_slice %arg5[%arg0, %add3A_109, %dma_start3A_114] : memref<2x10240x128xf32, #tpu.memory_space<hbm>> -> memref<1x128x128xf32, #tpu.memory_space<hbm>>
      %dma_start3A_116 = tpu.memref_squeeze %dma_start3A_115 : memref<1x128x128xf32, #tpu.memory_space<hbm>> -> memref<128x128xf32, #tpu.memory_space<hbm>>
      tpu.enqueue_dma source(%arg9 : memref<128x128xf32, #tpu.memory_space<vmem>>) target(%dma_start3A_116 : memref<128x128xf32, #tpu.memory_space<hbm>>) target_semaphore(%run_scoped3A_110 : memref<!tpu.dma_semaphore, #tpu.memory_space<semaphore_mem>>)
      %dma_wait3A_117 = arith.constant 0 : i32
      %dma_wait3A_118 = tpu.memref_slice %arg5[%arg0, %add3A_109, %dma_wait3A_117] : memref<2x10240x128xf32, #tpu.memory_space<hbm>> -> memref<1x128x128xf32, #tpu.memory_space<hbm>>
      %dma_wait3A_119 = tpu.memref_squeeze %dma_wait3A_118 : memref<1x128x128xf32, #tpu.memory_space<hbm>> -> memref<128x128xf32, #tpu.memory_space<hbm>>
      %dma_wait3A_120 = arith.constant 0 : i32
      %dma_wait3A_121 = tpu.memref_slice %arg5[%arg0, %add3A_109, %dma_wait3A_120] : memref<2x10240x128xf32, #tpu.memory_space<hbm>> -> memref<1x128x128xf32, #tpu.memory_space<hbm>>
      %dma_wait3A_122 = tpu.memref_squeeze %dma_wait3A_121 : memref<1x128x128xf32, #tpu.memory_space<hbm>> -> memref<128x128xf32, #tpu.memory_space<hbm>>
      tpu.wait_dma2 semaphore(%run_scoped3A_110 : memref<!tpu.dma_semaphore, #tpu.memory_space<semaphore_mem>>) src(%arg9 : memref<128x128xf32, #tpu.memory_space<vmem>>) dst(%dma_wait3A_122 : memref<128x128xf32, #tpu.memory_space<hbm>>)
      tpu.yield
    }) : () -> ()
    return
  }
}

#map = affine_map<(d0, d1) -> (0, 0)>
#map1 = affine_map<(d0, d1) -> (0, 0, 0, 0)>
#map2 = affine_map<(d0, d1) -> (0, 0, 0)>
module attributes {stable_mosaic.version = 14 : i64} {
  func.func @_gather_scatter_kernel(%arg0: i32, %arg1: i32, %arg2: memref<10240x128xf32, #tpu.memory_space<hbm>>, %arg3: memref<32x2x41x128xi32, #tpu.memory_space<hbm>>, %arg4: memref<32x2x41x128xi32, #tpu.memory_space<hbm>>, %arg5: memref<2x10240x128xf32, #tpu.memory_space<hbm>>, %arg6: memref<10240x128xf32, #tpu.memory_space<vmem_shared>>, %arg7: memref<41x128xi32, #tpu.memory_space<vmem>>, %arg8: memref<41x128xi32, #tpu.memory_space<vmem>>, %arg9: memref<128x128xf32, #tpu.memory_space<vmem>>, %arg10: memref<128x128xf32, #tpu.memory_space<vmem>>, %arg11: memref<!tpu.dma_semaphore, #tpu.memory_space<semaphore_mem>>, %arg12: memref<!tpu.dma_semaphore, #tpu.memory_space<semaphore_mem>>) attributes {dimension_semantics = [#tpu.dimension_semantics<core_parallel>, #tpu.dimension_semantics<subcore_parallel>], iteration_bounds = array<i64: 2, 16>, scalar_prefetch = 0 : i64, scratch_operands = 7 : i64, tpu.core_type = #tpu.core_type<sc_vector_subcore>, window_params = [{transform_indices = #map}, {transform_indices = #map1}, {transform_indices = #map1}, {transform_indices = #map2}]} {
    %mul3A = arith.constant 16 : i32
    %mul3A_0 = arith.muli %arg0, %mul3A : i32
    %add3A = arith.addi %mul3A_0, %arg1 : i32
    %scan3A = arith.constant 0 : i32
    %scan3A_1 = arith.constant 0 : i32
    %scan3A_2 = arith.constant 128 : i32
    %scan3A_3 = arith.addi %scan3A_1, %scan3A_2 : i32
    %scan3A_4 = arith.constant 1 : i32
    scf.for %scan3A_110 = %scan3A_1 to %scan3A_3 step %scan3A_4  : i32 {
      %broadcast_in_dim3A = arith.constant 0.000000e+00 : f32
      %broadcast_in_dim3A_111 = vector.broadcast %broadcast_in_dim3A : f32 to vector<16xf32>
      %swap3A = arith.index_cast %scan3A_110 : i32 to index
      %swap3A_112 = arith.constant 0 : index
      %swap3A_113 = tpu.vector_load %arg9[%swap3A, %swap3A_112] {strides = array<i32>} : memref<128x128xf32, #tpu.memory_space<vmem>>, vector<1x16xf32>,
      %swap3A_114 = vector.shape_cast %swap3A_113 : vector<1x16xf32> to vector<16xf32>
      %swap3A_115 = vector.shape_cast %broadcast_in_dim3A_111 : vector<16xf32> to vector<1x16xf32>
      tpu.vector_store %arg9[%swap3A, %swap3A_112], %swap3A_115 {strides = array<i32>} : memref<128x128xf32, #tpu.memory_space<vmem>>, vector<1x16xf32>,
      %broadcast_in_dim3A_116 = arith.constant 0.000000e+00 : f32
      %broadcast_in_dim3A_117 = vector.broadcast %broadcast_in_dim3A_116 : f32 to vector<16xf32>
      %swap3A_118 = arith.index_cast %scan3A_110 : i32 to index
      %swap3A_119 = arith.constant 16 : index
      %swap3A_120 = tpu.vector_load %arg9[%swap3A_118, %swap3A_119] {strides = array<i32>} : memref<128x128xf32, #tpu.memory_space<vmem>>, vector<1x16xf32>,
      %swap3A_121 = vector.shape_cast %swap3A_120 : vector<1x16xf32> to vector<16xf32>
      %swap3A_122 = vector.shape_cast %broadcast_in_dim3A_117 : vector<16xf32> to vector<1x16xf32>
      tpu.vector_store %arg9[%swap3A_118, %swap3A_119], %swap3A_122 {strides = array<i32>} : memref<128x128xf32, #tpu.memory_space<vmem>>, vector<1x16xf32>,
      %broadcast_in_dim3A_123 = arith.constant 0.000000e+00 : f32
      %broadcast_in_dim3A_124 = vector.broadcast %broadcast_in_dim3A_123 : f32 to vector<16xf32>
      %swap3A_125 = arith.index_cast %scan3A_110 : i32 to index
      %swap3A_126 = arith.constant 32 : index
      %swap3A_127 = tpu.vector_load %arg9[%swap3A_125, %swap3A_126] {strides = array<i32>} : memref<128x128xf32, #tpu.memory_space<vmem>>, vector<1x16xf32>,
      %swap3A_128 = vector.shape_cast %swap3A_127 : vector<1x16xf32> to vector<16xf32>
      %swap3A_129 = vector.shape_cast %broadcast_in_dim3A_124 : vector<16xf32> to vector<1x16xf32>
      tpu.vector_store %arg9[%swap3A_125, %swap3A_126], %swap3A_129 {strides = array<i32>} : memref<128x128xf32, #tpu.memory_space<vmem>>, vector<1x16xf32>,
      %broadcast_in_dim3A_130 = arith.constant 0.000000e+00 : f32
      %broadcast_in_dim3A_131 = vector.broadcast %broadcast_in_dim3A_130 : f32 to vector<16xf32>
      %swap3A_132 = arith.index_cast %scan3A_110 : i32 to index
      %swap3A_133 = arith.constant 48 : index
      %swap3A_134 = tpu.vector_load %arg9[%swap3A_132, %swap3A_133] {strides = array<i32>} : memref<128x128xf32, #tpu.memory_space<vmem>>, vector<1x16xf32>,
      %swap3A_135 = vector.shape_cast %swap3A_134 : vector<1x16xf32> to vector<16xf32>
      %swap3A_136 = vector.shape_cast %broadcast_in_dim3A_131 : vector<16xf32> to vector<1x16xf32>
      tpu.vector_store %arg9[%swap3A_132, %swap3A_133], %swap3A_136 {strides = array<i32>} : memref<128x128xf32, #tpu.memory_space<vmem>>, vector<1x16xf32>,
      %broadcast_in_dim3A_137 = arith.constant 0.000000e+00 : f32
      %broadcast_in_dim3A_138 = vector.broadcast %broadcast_in_dim3A_137 : f32 to vector<16xf32>
      %swap3A_139 = arith.index_cast %scan3A_110 : i32 to index
      %swap3A_140 = arith.constant 64 : index
      %swap3A_141 = tpu.vector_load %arg9[%swap3A_139, %swap3A_140] {strides = array<i32>} : memref<128x128xf32, #tpu.memory_space<vmem>>, vector<1x16xf32>,
      %swap3A_142 = vector.shape_cast %swap3A_141 : vector<1x16xf32> to vector<16xf32>
      %swap3A_143 = vector.shape_cast %broadcast_in_dim3A_138 : vector<16xf32> to vector<1x16xf32>
      tpu.vector_store %arg9[%swap3A_139, %swap3A_140], %swap3A_143 {strides = array<i32>} : memref<128x128xf32, #tpu.memory_space<vmem>>, vector<1x16xf32>,
      %broadcast_in_dim3A_144 = arith.constant 0.000000e+00 : f32
      %broadcast_in_dim3A_145 = vector.broadcast %broadcast_in_dim3A_144 : f32 to vector<16xf32>
      %swap3A_146 = arith.index_cast %scan3A_110 : i32 to index
      %swap3A_147 = arith.constant 80 : index
      %swap3A_148 = tpu.vector_load %arg9[%swap3A_146, %swap3A_147] {strides = array<i32>} : memref<128x128xf32, #tpu.memory_space<vmem>>, vector<1x16xf32>,
      %swap3A_149 = vector.shape_cast %swap3A_148 : vector<1x16xf32> to vector<16xf32>
      %swap3A_150 = vector.shape_cast %broadcast_in_dim3A_145 : vector<16xf32> to vector<1x16xf32>
      tpu.vector_store %arg9[%swap3A_146, %swap3A_147], %swap3A_150 {strides = array<i32>} : memref<128x128xf32, #tpu.memory_space<vmem>>, vector<1x16xf32>,
      %broadcast_in_dim3A_151 = arith.constant 0.000000e+00 : f32
      %broadcast_in_dim3A_152 = vector.broadcast %broadcast_in_dim3A_151 : f32 to vector<16xf32>
      %swap3A_153 = arith.index_cast %scan3A_110 : i32 to index
      %swap3A_154 = arith.constant 96 : index
      %swap3A_155 = tpu.vector_load %arg9[%swap3A_153, %swap3A_154] {strides = array<i32>} : memref<128x128xf32, #tpu.memory_space<vmem>>, vector<1x16xf32>,
      %swap3A_156 = vector.shape_cast %swap3A_155 : vector<1x16xf32> to vector<16xf32>
      %swap3A_157 = vector.shape_cast %broadcast_in_dim3A_152 : vector<16xf32> to vector<1x16xf32>
      tpu.vector_store %arg9[%swap3A_153, %swap3A_154], %swap3A_157 {strides = array<i32>} : memref<128x128xf32, #tpu.memory_space<vmem>>, vector<1x16xf32>,
      %broadcast_in_dim3A_158 = arith.constant 0.000000e+00 : f32
      %broadcast_in_dim3A_159 = vector.broadcast %broadcast_in_dim3A_158 : f32 to vector<16xf32>
      %swap3A_160 = arith.index_cast %scan3A_110 : i32 to index
      %swap3A_161 = arith.constant 112 : index
      %swap3A_162 = tpu.vector_load %arg9[%swap3A_160, %swap3A_161] {strides = array<i32>} : memref<128x128xf32, #tpu.memory_space<vmem>>, vector<1x16xf32>,
      %swap3A_163 = vector.shape_cast %swap3A_162 : vector<1x16xf32> to vector<16xf32>
      %swap3A_164 = vector.shape_cast %broadcast_in_dim3A_159 : vector<16xf32> to vector<1x16xf32>
      tpu.vector_store %arg9[%swap3A_160, %swap3A_161], %swap3A_164 {strides = array<i32>} : memref<128x128xf32, #tpu.memory_space<vmem>>, vector<1x16xf32>,
    }
    %scan3A_5 = arith.constant 128 : i32
    %mul3A_6 = arith.constant 640 : i32
    %mul3A_7 = arith.muli %arg1, %mul3A_6 : i32
    %add3A_8 = arith.constant 0 : i32
    %add3A_9 = arith.addi %mul3A_7, %add3A_8 : i32
    "tpu.region"() ({
      %run_scoped3A_110 = tpu.sem_alloc : memref<!tpu.dma_semaphore, #tpu.memory_space<semaphore_mem>>
      %dma_start3A_111 = arith.constant 0 : i32
      %dma_start3A_112 = tpu.memref_slice %arg6[%add3A_9, %dma_start3A_111] : memref<10240x128xf32, #tpu.memory_space<vmem_shared>> -> memref<128x128xf32, #tpu.memory_space<vmem_shared>>
      %dma_start3A_113 = arith.constant 0 : i32
      %dma_start3A_114 = tpu.memref_slice %arg6[%add3A_9, %dma_start3A_113] : memref<10240x128xf32, #tpu.memory_space<vmem_shared>> -> memref<128x128xf32, #tpu.memory_space<vmem_shared>>
      tpu.enqueue_dma source(%arg9 : memref<128x128xf32, #tpu.memory_space<vmem>>) target(%dma_start3A_114 : memref<128x128xf32, #tpu.memory_space<vmem_shared>>) target_semaphore(%run_scoped3A_110 : memref<!tpu.dma_semaphore, #tpu.memory_space<semaphore_mem>>)
      %dma_wait3A_115 = arith.constant 0 : i32
      %dma_wait3A_116 = tpu.memref_slice %arg6[%add3A_9, %dma_wait3A_115] : memref<10240x128xf32, #tpu.memory_space<vmem_shared>> -> memref<128x128xf32, #tpu.memory_space<vmem_shared>>
      %dma_wait3A_117 = arith.constant 0 : i32
      %dma_wait3A_118 = tpu.memref_slice %arg6[%add3A_9, %dma_wait3A_117] : memref<10240x128xf32, #tpu.memory_space<vmem_shared>> -> memref<128x128xf32, #tpu.memory_space<vmem_shared>>
      tpu.wait_dma2 semaphore(%run_scoped3A_110 : memref<!tpu.dma_semaphore, #tpu.memory_space<semaphore_mem>>) src(%arg9 : memref<128x128xf32, #tpu.memory_space<vmem>>) dst(%dma_wait3A_118 : memref<128x128xf32, #tpu.memory_space<vmem_shared>>)
      tpu.yield
    }) : () -> ()
    %mul3A_10 = arith.constant 640 : i32
    %mul3A_11 = arith.muli %arg1, %mul3A_10 : i32
    %add3A_12 = arith.constant 128 : i32
    %add3A_13 = arith.addi %mul3A_11, %add3A_12 : i32
    "tpu.region"() ({
      %run_scoped3A_110 = tpu.sem_alloc : memref<!tpu.dma_semaphore, #tpu.memory_space<semaphore_mem>>
      %dma_start3A_111 = arith.constant 0 : i32
      %dma_start3A_112 = tpu.memref_slice %arg6[%add3A_13, %dma_start3A_111] : memref<10240x128xf32, #tpu.memory_space<vmem_shared>> -> memref<128x128xf32, #tpu.memory_space<vmem_shared>>
      %dma_start3A_113 = arith.constant 0 : i32
      %dma_start3A_114 = tpu.memref_slice %arg6[%add3A_13, %dma_start3A_113] : memref<10240x128xf32, #tpu.memory_space<vmem_shared>> -> memref<128x128xf32, #tpu.memory_space<vmem_shared>>
      tpu.enqueue_dma source(%arg9 : memref<128x128xf32, #tpu.memory_space<vmem>>) target(%dma_start3A_114 : memref<128x128xf32, #tpu.memory_space<vmem_shared>>) target_semaphore(%run_scoped3A_110 : memref<!tpu.dma_semaphore, #tpu.memory_space<semaphore_mem>>)
      %dma_wait3A_115 = arith.constant 0 : i32
      %dma_wait3A_116 = tpu.memref_slice %arg6[%add3A_13, %dma_wait3A_115] : memref<10240x128xf32, #tpu.memory_space<vmem_shared>> -> memref<128x128xf32, #tpu.memory_space<vmem_shared>>
      %dma_wait3A_117 = arith.constant 0 : i32
      %dma_wait3A_118 = tpu.memref_slice %arg6[%add3A_13, %dma_wait3A_117] : memref<10240x128xf32, #tpu.memory_space<vmem_shared>> -> memref<128x128xf32, #tpu.memory_space<vmem_shared>>
      tpu.wait_dma2 semaphore(%run_scoped3A_110 : memref<!tpu.dma_semaphore, #tpu.memory_space<semaphore_mem>>) src(%arg9 : memref<128x128xf32, #tpu.memory_space<vmem>>) dst(%dma_wait3A_118 : memref<128x128xf32, #tpu.memory_space<vmem_shared>>)
      tpu.yield
    }) : () -> ()
    %mul3A_14 = arith.constant 640 : i32
    %mul3A_15 = arith.muli %arg1, %mul3A_14 : i32
    %add3A_16 = arith.constant 256 : i32
    %add3A_17 = arith.addi %mul3A_15, %add3A_16 : i32
    "tpu.region"() ({
      %run_scoped3A_110 = tpu.sem_alloc : memref<!tpu.dma_semaphore, #tpu.memory_space<semaphore_mem>>
      %dma_start3A_111 = arith.constant 0 : i32
      %dma_start3A_112 = tpu.memref_slice %arg6[%add3A_17, %dma_start3A_111] : memref<10240x128xf32, #tpu.memory_space<vmem_shared>> -> memref<128x128xf32, #tpu.memory_space<vmem_shared>>
      %dma_start3A_113 = arith.constant 0 : i32
      %dma_start3A_114 = tpu.memref_slice %arg6[%add3A_17, %dma_start3A_113] : memref<10240x128xf32, #tpu.memory_space<vmem_shared>> -> memref<128x128xf32, #tpu.memory_space<vmem_shared>>
      tpu.enqueue_dma source(%arg9 : memref<128x128xf32, #tpu.memory_space<vmem>>) target(%dma_start3A_114 : memref<128x128xf32, #tpu.memory_space<vmem_shared>>) target_semaphore(%run_scoped3A_110 : memref<!tpu.dma_semaphore, #tpu.memory_space<semaphore_mem>>)
      %dma_wait3A_115 = arith.constant 0 : i32
      %dma_wait3A_116 = tpu.memref_slice %arg6[%add3A_17, %dma_wait3A_115] : memref<10240x128xf32, #tpu.memory_space<vmem_shared>> -> memref<128x128xf32, #tpu.memory_space<vmem_shared>>
      %dma_wait3A_117 = arith.constant 0 : i32
      %dma_wait3A_118 = tpu.memref_slice %arg6[%add3A_17, %dma_wait3A_117] : memref<10240x128xf32, #tpu.memory_space<vmem_shared>> -> memref<128x128xf32, #tpu.memory_space<vmem_shared>>
      tpu.wait_dma2 semaphore(%run_scoped3A_110 : memref<!tpu.dma_semaphore, #tpu.memory_space<semaphore_mem>>) src(%arg9 : memref<128x128xf32, #tpu.memory_space<vmem>>) dst(%dma_wait3A_118 : memref<128x128xf32, #tpu.memory_space<vmem_shared>>)
      tpu.yield
    }) : () -> ()
    %mul3A_18 = arith.constant 640 : i32
    %mul3A_19 = arith.muli %arg1, %mul3A_18 : i32
    %add3A_20 = arith.constant 384 : i32
    %add3A_21 = arith.addi %mul3A_19, %add3A_20 : i32
    "tpu.region"() ({
      %run_scoped3A_110 = tpu.sem_alloc : memref<!tpu.dma_semaphore, #tpu.memory_space<semaphore_mem>>
      %dma_start3A_111 = arith.constant 0 : i32
      %dma_start3A_112 = tpu.memref_slice %arg6[%add3A_21, %dma_start3A_111] : memref<10240x128xf32, #tpu.memory_space<vmem_shared>> -> memref<128x128xf32, #tpu.memory_space<vmem_shared>>
      %dma_start3A_113 = arith.constant 0 : i32
      %dma_start3A_114 = tpu.memref_slice %arg6[%add3A_21, %dma_start3A_113] : memref<10240x128xf32, #tpu.memory_space<vmem_shared>> -> memref<128x128xf32, #tpu.memory_space<vmem_shared>>
      tpu.enqueue_dma source(%arg9 : memref<128x128xf32, #tpu.memory_space<vmem>>) target(%dma_start3A_114 : memref<128x128xf32, #tpu.memory_space<vmem_shared>>) target_semaphore(%run_scoped3A_110 : memref<!tpu.dma_semaphore, #tpu.memory_space<semaphore_mem>>)
      %dma_wait3A_115 = arith.constant 0 : i32
      %dma_wait3A_116 = tpu.memref_slice %arg6[%add3A_21, %dma_wait3A_115] : memref<10240x128xf32, #tpu.memory_space<vmem_shared>> -> memref<128x128xf32, #tpu.memory_space<vmem_shared>>
      %dma_wait3A_117 = arith.constant 0 : i32
      %dma_wait3A_118 = tpu.memref_slice %arg6[%add3A_21, %dma_wait3A_117] : memref<10240x128xf32, #tpu.memory_space<vmem_shared>> -> memref<128x128xf32, #tpu.memory_space<vmem_shared>>
      tpu.wait_dma2 semaphore(%run_scoped3A_110 : memref<!tpu.dma_semaphore, #tpu.memory_space<semaphore_mem>>) src(%arg9 : memref<128x128xf32, #tpu.memory_space<vmem>>) dst(%dma_wait3A_118 : memref<128x128xf32, #tpu.memory_space<vmem_shared>>)
      tpu.yield
    }) : () -> ()
    %mul3A_22 = arith.constant 640 : i32
    %mul3A_23 = arith.muli %arg1, %mul3A_22 : i32
    %add3A_24 = arith.constant 512 : i32
    %add3A_25 = arith.addi %mul3A_23, %add3A_24 : i32
    "tpu.region"() ({
      %run_scoped3A_110 = tpu.sem_alloc : memref<!tpu.dma_semaphore, #tpu.memory_space<semaphore_mem>>
      %dma_start3A_111 = arith.constant 0 : i32
      %dma_start3A_112 = tpu.memref_slice %arg6[%add3A_25, %dma_start3A_111] : memref<10240x128xf32, #tpu.memory_space<vmem_shared>> -> memref<128x128xf32, #tpu.memory_space<vmem_shared>>
      %dma_start3A_113 = arith.constant 0 : i32
      %dma_start3A_114 = tpu.memref_slice %arg6[%add3A_25, %dma_start3A_113] : memref<10240x128xf32, #tpu.memory_space<vmem_shared>> -> memref<128x128xf32, #tpu.memory_space<vmem_shared>>
      tpu.enqueue_dma source(%arg9 : memref<128x128xf32, #tpu.memory_space<vmem>>) target(%dma_start3A_114 : memref<128x128xf32, #tpu.memory_space<vmem_shared>>) target_semaphore(%run_scoped3A_110 : memref<!tpu.dma_semaphore, #tpu.memory_space<semaphore_mem>>)
      %dma_wait3A_115 = arith.constant 0 : i32
      %dma_wait3A_116 = tpu.memref_slice %arg6[%add3A_25, %dma_wait3A_115] : memref<10240x128xf32, #tpu.memory_space<vmem_shared>> -> memref<128x128xf32, #tpu.memory_space<vmem_shared>>
      %dma_wait3A_117 = arith.constant 0 : i32
      %dma_wait3A_118 = tpu.memref_slice %arg6[%add3A_25, %dma_wait3A_117] : memref<10240x128xf32, #tpu.memory_space<vmem_shared>> -> memref<128x128xf32, #tpu.memory_space<vmem_shared>>
      tpu.wait_dma2 semaphore(%run_scoped3A_110 : memref<!tpu.dma_semaphore, #tpu.memory_space<semaphore_mem>>) src(%arg9 : memref<128x128xf32, #tpu.memory_space<vmem>>) dst(%dma_wait3A_118 : memref<128x128xf32, #tpu.memory_space<vmem_shared>>)
      tpu.yield
    }) : () -> ()
    %barrier3A = arith.constant 0 : index
    tpu.barrier barrier_id(%barrier3A)
    %run_scoped3A = arith.constant 0 : i32
    "tpu.region"() ({
      %run_scoped3A_110 = tpu.sem_alloc : memref<!tpu.dma_semaphore, #tpu.memory_space<semaphore_mem>>
      %dma_start3A_111 = arith.constant 0 : i32
      %dma_start3A_112 = arith.constant 0 : i32
      %dma_start3A_113 = tpu.memref_slice %arg3[%add3A, %run_scoped3A, %dma_start3A_111, %dma_start3A_112] : memref<32x2x41x128xi32, #tpu.memory_space<hbm>> -> memref<1x1x41x128xi32, #tpu.memory_space<hbm>>
      %dma_start3A_114 = tpu.memref_squeeze %dma_start3A_113 : memref<1x1x41x128xi32, #tpu.memory_space<hbm>> -> memref<41x128xi32, #tpu.memory_space<hbm>>
      %dma_start3A_115 = arith.constant 0 : i32
      %dma_start3A_116 = arith.constant 0 : i32
      %dma_start3A_117 = tpu.memref_slice %arg3[%add3A, %run_scoped3A, %dma_start3A_115, %dma_start3A_116] : memref<32x2x41x128xi32, #tpu.memory_space<hbm>> -> memref<1x1x41x128xi32, #tpu.memory_space<hbm>>
      %dma_start3A_118 = tpu.memref_squeeze %dma_start3A_117 : memref<1x1x41x128xi32, #tpu.memory_space<hbm>> -> memref<41x128xi32, #tpu.memory_space<hbm>>
      tpu.enqueue_dma source(%dma_start3A_118 : memref<41x128xi32, #tpu.memory_space<hbm>>) target(%arg7 : memref<41x128xi32, #tpu.memory_space<vmem>>) target_semaphore(%run_scoped3A_110 : memref<!tpu.dma_semaphore, #tpu.memory_space<semaphore_mem>>)
      %dma_wait3A_119 = arith.constant 0 : i32
      %dma_wait3A_120 = arith.constant 0 : i32
      %dma_wait3A_121 = tpu.memref_slice %arg3[%add3A, %run_scoped3A, %dma_wait3A_119, %dma_wait3A_120] : memref<32x2x41x128xi32, #tpu.memory_space<hbm>> -> memref<1x1x41x128xi32, #tpu.memory_space<hbm>>
      %dma_wait3A_122 = tpu.memref_squeeze %dma_wait3A_121 : memref<1x1x41x128xi32, #tpu.memory_space<hbm>> -> memref<41x128xi32, #tpu.memory_space<hbm>>
      %dma_wait3A_123 = arith.constant 0 : i32
      %dma_wait3A_124 = arith.constant 0 : i32
      %dma_wait3A_125 = tpu.memref_slice %arg3[%add3A, %run_scoped3A, %dma_wait3A_123, %dma_wait3A_124] : memref<32x2x41x128xi32, #tpu.memory_space<hbm>> -> memref<1x1x41x128xi32, #tpu.memory_space<hbm>>
      %dma_wait3A_126 = tpu.memref_squeeze %dma_wait3A_125 : memref<1x1x41x128xi32, #tpu.memory_space<hbm>> -> memref<41x128xi32, #tpu.memory_space<hbm>>
      tpu.wait_dma2 semaphore(%run_scoped3A_110 : memref<!tpu.dma_semaphore, #tpu.memory_space<semaphore_mem>>) src(%dma_wait3A_126 : memref<41x128xi32, #tpu.memory_space<hbm>>) dst(%arg7 : memref<41x128xi32, #tpu.memory_space<vmem>>)
      tpu.yield
    }) : () -> ()
    %run_scoped3A_26 = arith.constant 0 : i32
    "tpu.region"() ({
      %run_scoped3A_110 = tpu.sem_alloc : memref<!tpu.dma_semaphore, #tpu.memory_space<semaphore_mem>>
      %dma_start3A_111 = arith.constant 0 : i32
      %dma_start3A_112 = arith.constant 0 : i32
      %dma_start3A_113 = tpu.memref_slice %arg4[%add3A, %run_scoped3A_26, %dma_start3A_111, %dma_start3A_112] : memref<32x2x41x128xi32, #tpu.memory_space<hbm>> -> memref<1x1x41x128xi32, #tpu.memory_space<hbm>>
      %dma_start3A_114 = tpu.memref_squeeze %dma_start3A_113 : memref<1x1x41x128xi32, #tpu.memory_space<hbm>> -> memref<41x128xi32, #tpu.memory_space<hbm>>
      %dma_start3A_115 = arith.constant 0 : i32
      %dma_start3A_116 = arith.constant 0 : i32
      %dma_start3A_117 = tpu.memref_slice %arg4[%add3A, %run_scoped3A_26, %dma_start3A_115, %dma_start3A_116] : memref<32x2x41x128xi32, #tpu.memory_space<hbm>> -> memref<1x1x41x128xi32, #tpu.memory_space<hbm>>
      %dma_start3A_118 = tpu.memref_squeeze %dma_start3A_117 : memref<1x1x41x128xi32, #tpu.memory_space<hbm>> -> memref<41x128xi32, #tpu.memory_space<hbm>>
      tpu.enqueue_dma source(%dma_start3A_118 : memref<41x128xi32, #tpu.memory_space<hbm>>) target(%arg8 : memref<41x128xi32, #tpu.memory_space<vmem>>) target_semaphore(%run_scoped3A_110 : memref<!tpu.dma_semaphore, #tpu.memory_space<semaphore_mem>>)
      %dma_wait3A_119 = arith.constant 0 : i32
      %dma_wait3A_120 = arith.constant 0 : i32
      %dma_wait3A_121 = tpu.memref_slice %arg4[%add3A, %run_scoped3A_26, %dma_wait3A_119, %dma_wait3A_120] : memref<32x2x41x128xi32, #tpu.memory_space<hbm>> -> memref<1x1x41x128xi32, #tpu.memory_space<hbm>>
      %dma_wait3A_122 = tpu.memref_squeeze %dma_wait3A_121 : memref<1x1x41x128xi32, #tpu.memory_space<hbm>> -> memref<41x128xi32, #tpu.memory_space<hbm>>
      %dma_wait3A_123 = arith.constant 0 : i32
      %dma_wait3A_124 = arith.constant 0 : i32
      %dma_wait3A_125 = tpu.memref_slice %arg4[%add3A, %run_scoped3A_26, %dma_wait3A_123, %dma_wait3A_124] : memref<32x2x41x128xi32, #tpu.memory_space<hbm>> -> memref<1x1x41x128xi32, #tpu.memory_space<hbm>>
      %dma_wait3A_126 = tpu.memref_squeeze %dma_wait3A_125 : memref<1x1x41x128xi32, #tpu.memory_space<hbm>> -> memref<41x128xi32, #tpu.memory_space<hbm>>
      tpu.wait_dma2 semaphore(%run_scoped3A_110 : memref<!tpu.dma_semaphore, #tpu.memory_space<semaphore_mem>>) src(%dma_wait3A_126 : memref<41x128xi32, #tpu.memory_space<hbm>>) dst(%arg8 : memref<41x128xi32, #tpu.memory_space<vmem>>)
      tpu.yield
    }) : () -> ()
    %dma_start3A = arith.constant 0 : i32
    %dma_start3A_27 = arith.constant 0 : i32
    %dma_start3A_28 = tpu.memref_slice %arg7[%dma_start3A, %dma_start3A_27] : memref<41x128xi32, #tpu.memory_space<vmem>> -> memref<1x128xi32, #tpu.memory_space<vmem>>
    %dma_start3A_29 = tpu.memref_squeeze %dma_start3A_28 : memref<1x128xi32, #tpu.memory_space<vmem>> -> memref<128xi32, #tpu.memory_space<vmem>>
    %dma_start3A_30 = arith.constant 0 : i32
    %dma_start3A_31 = arith.constant 0 : i32
    %dma_start3A_32 = tpu.memref_slice %arg2[%dma_start3A_30, %dma_start3A_31] : memref<10240x128xf32, #tpu.memory_space<hbm>> -> memref<10240x128xf32, #tpu.memory_space<hbm>>
    tpu.enqueue_indirect_dma source(%dma_start3A_32 : memref<10240x128xf32, #tpu.memory_space<hbm>>) target(%arg9 : memref<128x128xf32, #tpu.memory_space<vmem>>) offsets(%dma_start3A_29 : memref<128xi32, #tpu.memory_space<vmem>>) semaphore(%arg11 : memref<!tpu.dma_semaphore, #tpu.memory_space<semaphore_mem>>)
    %scan3A_33 = arith.constant 0 : i32
    %scan3A_34 = arith.constant 0 : i32
    %scan3A_35 = arith.constant 20 : i32
    %scan3A_36 = arith.addi %scan3A_34, %scan3A_35 : i32
    %scan3A_37 = arith.constant 1 : i32
    scf.for %scan3A_110 = %scan3A_34 to %scan3A_36 step %scan3A_37  : i32 {
      %mul3A_111 = arith.constant 2 : i32
      %mul3A_112 = arith.muli %mul3A_111, %scan3A_110 : i32
      %mul3A_113 = arith.constant 2 : i32
      %mul3A_114 = arith.muli %mul3A_113, %scan3A_110 : i32
      %add3A_115 = arith.constant 1 : i32
      %add3A_116 = arith.addi %mul3A_114, %add3A_115 : i32
      %mul3A_117 = arith.constant 2 : i32
      %mul3A_118 = arith.muli %mul3A_117, %scan3A_110 : i32
      %add3A_119 = arith.constant 2 : i32
      %add3A_120 = arith.addi %mul3A_118, %add3A_119 : i32
      %min3A = arith.constant 40 : i32
      %min3A_121 = arith.minsi %add3A_120, %min3A : i32
      %dma_wait3A_122 = arith.constant 0 : i32
      %dma_wait3A_123 = arith.constant 0 : i32
      %dma_wait3A_124 = tpu.memref_slice %arg7[%dma_wait3A_122, %dma_wait3A_123] : memref<41x128xi32, #tpu.memory_space<vmem>> -> memref<1x128xi32, #tpu.memory_space<vmem>>
      %dma_wait3A_125 = tpu.memref_squeeze %dma_wait3A_124 : memref<1x128xi32, #tpu.memory_space<vmem>> -> memref<128xi32, #tpu.memory_space<vmem>>
      %dma_wait3A_126 = arith.constant 0 : i32
      %dma_wait3A_127 = arith.constant 0 : i32
      %dma_wait3A_128 = tpu.memref_slice %arg2[%dma_wait3A_126, %dma_wait3A_127] : memref<10240x128xf32, #tpu.memory_space<hbm>> -> memref<10240x128xf32, #tpu.memory_space<hbm>>
      tpu.wait_indirect_dma semaphore(%arg11 : memref<!tpu.dma_semaphore, #tpu.memory_space<semaphore_mem>>) src(%dma_wait3A_128 : memref<10240x128xf32, #tpu.memory_space<hbm>>) dst(%arg9 : memref<128x128xf32, #tpu.memory_space<vmem>>)
      %dma_start3A_129 = arith.constant 0 : i32
      %dma_start3A_130 = tpu.memref_slice %arg7[%add3A_116, %dma_start3A_129] : memref<41x128xi32, #tpu.memory_space<vmem>> -> memref<1x128xi32, #tpu.memory_space<vmem>>
      %dma_start3A_131 = tpu.memref_squeeze %dma_start3A_130 : memref<1x128xi32, #tpu.memory_space<vmem>> -> memref<128xi32, #tpu.memory_space<vmem>>
      %dma_start3A_132 = arith.constant 0 : i32
      %dma_start3A_133 = arith.constant 0 : i32
      %dma_start3A_134 = tpu.memref_slice %arg2[%dma_start3A_132, %dma_start3A_133] : memref<10240x128xf32, #tpu.memory_space<hbm>> -> memref<10240x128xf32, #tpu.memory_space<hbm>>
      tpu.enqueue_indirect_dma source(%dma_start3A_134 : memref<10240x128xf32, #tpu.memory_space<hbm>>) target(%arg10 : memref<128x128xf32, #tpu.memory_space<vmem>>) offsets(%dma_start3A_131 : memref<128xi32, #tpu.memory_space<vmem>>) semaphore(%arg12 : memref<!tpu.dma_semaphore, #tpu.memory_space<semaphore_mem>>)
      "tpu.region"() ({
        %run_scoped3A_148 = tpu.sem_alloc : memref<!tpu.dma_semaphore, #tpu.memory_space<semaphore_mem>>
        %dma_start3A_149 = arith.constant 0 : i32
        %dma_start3A_150 = tpu.memref_slice %arg8[%mul3A_112, %dma_start3A_149] : memref<41x128xi32, #tpu.memory_space<vmem>> -> memref<1x128xi32, #tpu.memory_space<vmem>>
        %dma_start3A_151 = tpu.memref_squeeze %dma_start3A_150 : memref<1x128xi32, #tpu.memory_space<vmem>> -> memref<128xi32, #tpu.memory_space<vmem>>
        %dma_start3A_152 = arith.constant 0 : i32
        %dma_start3A_153 = arith.constant 0 : i32
        %dma_start3A_154 = tpu.memref_slice %arg6[%dma_start3A_152, %dma_start3A_153] : memref<10240x128xf32, #tpu.memory_space<vmem_shared>> -> memref<10240x128xf32, #tpu.memory_space<vmem_shared>>
        tpu.enqueue_indirect_dma source(%arg9 : memref<128x128xf32, #tpu.memory_space<vmem>>) target(%dma_start3A_154 : memref<10240x128xf32, #tpu.memory_space<vmem_shared>>) offsets(%dma_start3A_151 : memref<128xi32, #tpu.memory_space<vmem>>) semaphore(%run_scoped3A_148 : memref<!tpu.dma_semaphore, #tpu.memory_space<semaphore_mem>>) {add = true}
        %dma_wait3A_155 = arith.constant 0 : i32
        %dma_wait3A_156 = tpu.memref_slice %arg8[%mul3A_112, %dma_wait3A_155] : memref<41x128xi32, #tpu.memory_space<vmem>> -> memref<1x128xi32, #tpu.memory_space<vmem>>
        %dma_wait3A_157 = tpu.memref_squeeze %dma_wait3A_156 : memref<1x128xi32, #tpu.memory_space<vmem>> -> memref<128xi32, #tpu.memory_space<vmem>>
        %dma_wait3A_158 = arith.constant 0 : i32
        %dma_wait3A_159 = arith.constant 0 : i32
        %dma_wait3A_160 = tpu.memref_slice %arg6[%dma_wait3A_158, %dma_wait3A_159] : memref<10240x128xf32, #tpu.memory_space<vmem_shared>> -> memref<10240x128xf32, #tpu.memory_space<vmem_shared>>
        tpu.wait_indirect_dma semaphore(%run_scoped3A_148 : memref<!tpu.dma_semaphore, #tpu.memory_space<semaphore_mem>>) src(%arg9 : memref<128x128xf32, #tpu.memory_space<vmem>>) dst(%dma_wait3A_160 : memref<10240x128xf32, #tpu.memory_space<vmem_shared>>)
        tpu.yield
      }) : () -> ()
      %dma_wait3A_135 = arith.constant 0 : i32
      %dma_wait3A_136 = arith.constant 0 : i32
      %dma_wait3A_137 = tpu.memref_slice %arg7[%dma_wait3A_135, %dma_wait3A_136] : memref<41x128xi32, #tpu.memory_space<vmem>> -> memref<1x128xi32, #tpu.memory_space<vmem>>
      %dma_wait3A_138 = tpu.memref_squeeze %dma_wait3A_137 : memref<1x128xi32, #tpu.memory_space<vmem>> -> memref<128xi32, #tpu.memory_space<vmem>>
      %dma_wait3A_139 = arith.constant 0 : i32
      %dma_wait3A_140 = arith.constant 0 : i32
      %dma_wait3A_141 = tpu.memref_slice %arg2[%dma_wait3A_139, %dma_wait3A_140] : memref<10240x128xf32, #tpu.memory_space<hbm>> -> memref<10240x128xf32, #tpu.memory_space<hbm>>
      tpu.wait_indirect_dma semaphore(%arg12 : memref<!tpu.dma_semaphore, #tpu.memory_space<semaphore_mem>>) src(%dma_wait3A_141 : memref<10240x128xf32, #tpu.memory_space<hbm>>) dst(%arg10 : memref<128x128xf32, #tpu.memory_space<vmem>>)
      %dma_start3A_142 = arith.constant 0 : i32
      %dma_start3A_143 = tpu.memref_slice %arg7[%min3A_121, %dma_start3A_142] : memref<41x128xi32, #tpu.memory_space<vmem>> -> memref<1x128xi32, #tpu.memory_space<vmem>>
      %dma_start3A_144 = tpu.memref_squeeze %dma_start3A_143 : memref<1x128xi32, #tpu.memory_space<vmem>> -> memref<128xi32, #tpu.memory_space<vmem>>
      %dma_start3A_145 = arith.constant 0 : i32
      %dma_start3A_146 = arith.constant 0 : i32
      %dma_start3A_147 = tpu.memref_slice %arg2[%dma_start3A_145, %dma_start3A_146] : memref<10240x128xf32, #tpu.memory_space<hbm>> -> memref<10240x128xf32, #tpu.memory_space<hbm>>
      tpu.enqueue_indirect_dma source(%dma_start3A_147 : memref<10240x128xf32, #tpu.memory_space<hbm>>) target(%arg9 : memref<128x128xf32, #tpu.memory_space<vmem>>) offsets(%dma_start3A_144 : memref<128xi32, #tpu.memory_space<vmem>>) semaphore(%arg11 : memref<!tpu.dma_semaphore, #tpu.memory_space<semaphore_mem>>)
      "tpu.region"() ({
        %run_scoped3A_148 = tpu.sem_alloc : memref<!tpu.dma_semaphore, #tpu.memory_space<semaphore_mem>>
        %dma_start3A_149 = arith.constant 0 : i32
        %dma_start3A_150 = tpu.memref_slice %arg8[%add3A_116, %dma_start3A_149] : memref<41x128xi32, #tpu.memory_space<vmem>> -> memref<1x128xi32, #tpu.memory_space<vmem>>
        %dma_start3A_151 = tpu.memref_squeeze %dma_start3A_150 : memref<1x128xi32, #tpu.memory_space<vmem>> -> memref<128xi32, #tpu.memory_space<vmem>>
        %dma_start3A_152 = arith.constant 0 : i32
        %dma_start3A_153 = arith.constant 0 : i32
        %dma_start3A_154 = tpu.memref_slice %arg6[%dma_start3A_152, %dma_start3A_153] : memref<10240x128xf32, #tpu.memory_space<vmem_shared>> -> memref<10240x128xf32, #tpu.memory_space<vmem_shared>>
        tpu.enqueue_indirect_dma source(%arg10 : memref<128x128xf32, #tpu.memory_space<vmem>>) target(%dma_start3A_154 : memref<10240x128xf32, #tpu.memory_space<vmem_shared>>) offsets(%dma_start3A_151 : memref<128xi32, #tpu.memory_space<vmem>>) semaphore(%run_scoped3A_148 : memref<!tpu.dma_semaphore, #tpu.memory_space<semaphore_mem>>) {add = true}
        %dma_wait3A_155 = arith.constant 0 : i32
        %dma_wait3A_156 = tpu.memref_slice %arg8[%add3A_116, %dma_wait3A_155] : memref<41x128xi32, #tpu.memory_space<vmem>> -> memref<1x128xi32, #tpu.memory_space<vmem>>
        %dma_wait3A_157 = tpu.memref_squeeze %dma_wait3A_156 : memref<1x128xi32, #tpu.memory_space<vmem>> -> memref<128xi32, #tpu.memory_space<vmem>>
        %dma_wait3A_158 = arith.constant 0 : i32
        %dma_wait3A_159 = arith.constant 0 : i32
        %dma_wait3A_160 = tpu.memref_slice %arg6[%dma_wait3A_158, %dma_wait3A_159] : memref<10240x128xf32, #tpu.memory_space<vmem_shared>> -> memref<10240x128xf32, #tpu.memory_space<vmem_shared>>
        tpu.wait_indirect_dma semaphore(%run_scoped3A_148 : memref<!tpu.dma_semaphore, #tpu.memory_space<semaphore_mem>>) src(%arg10 : memref<128x128xf32, #tpu.memory_space<vmem>>) dst(%dma_wait3A_160 : memref<10240x128xf32, #tpu.memory_space<vmem_shared>>)
        tpu.yield
      }) : () -> ()
    }
    %scan3A_38 = arith.constant 20 : i32
    %dma_wait3A = arith.constant 0 : i32
    %dma_wait3A_39 = arith.constant 0 : i32
    %dma_wait3A_40 = tpu.memref_slice %arg7[%dma_wait3A, %dma_wait3A_39] : memref<41x128xi32, #tpu.memory_space<vmem>> -> memref<1x128xi32, #tpu.memory_space<vmem>>
    %dma_wait3A_41 = tpu.memref_squeeze %dma_wait3A_40 : memref<1x128xi32, #tpu.memory_space<vmem>> -> memref<128xi32, #tpu.memory_space<vmem>>
    %dma_wait3A_42 = arith.constant 0 : i32
    %dma_wait3A_43 = arith.constant 0 : i32
    %dma_wait3A_44 = tpu.memref_slice %arg2[%dma_wait3A_42, %dma_wait3A_43] : memref<10240x128xf32, #tpu.memory_space<hbm>> -> memref<10240x128xf32, #tpu.memory_space<hbm>>
    tpu.wait_indirect_dma semaphore(%arg11 : memref<!tpu.dma_semaphore, #tpu.memory_space<semaphore_mem>>) src(%dma_wait3A_44 : memref<10240x128xf32, #tpu.memory_space<hbm>>) dst(%arg9 : memref<128x128xf32, #tpu.memory_space<vmem>>)
    %run_scoped3A_45 = arith.constant 40 : i32
    "tpu.region"() ({
      %run_scoped3A_110 = tpu.sem_alloc : memref<!tpu.dma_semaphore, #tpu.memory_space<semaphore_mem>>
      %dma_start3A_111 = arith.constant 0 : i32
      %dma_start3A_112 = tpu.memref_slice %arg8[%run_scoped3A_45, %dma_start3A_111] : memref<41x128xi32, #tpu.memory_space<vmem>> -> memref<1x128xi32, #tpu.memory_space<vmem>>
      %dma_start3A_113 = tpu.memref_squeeze %dma_start3A_112 : memref<1x128xi32, #tpu.memory_space<vmem>> -> memref<128xi32, #tpu.memory_space<vmem>>
      %dma_start3A_114 = arith.constant 0 : i32
      %dma_start3A_115 = arith.constant 0 : i32
      %dma_start3A_116 = tpu.memref_slice %arg6[%dma_start3A_114, %dma_start3A_115] : memref<10240x128xf32, #tpu.memory_space<vmem_shared>> -> memref<10240x128xf32, #tpu.memory_space<vmem_shared>>
      tpu.enqueue_indirect_dma source(%arg9 : memref<128x128xf32, #tpu.memory_space<vmem>>) target(%dma_start3A_116 : memref<10240x128xf32, #tpu.memory_space<vmem_shared>>) offsets(%dma_start3A_113 : memref<128xi32, #tpu.memory_space<vmem>>) semaphore(%run_scoped3A_110 : memref<!tpu.dma_semaphore, #tpu.memory_space<semaphore_mem>>) {add = true}
      %dma_wait3A_117 = arith.constant 0 : i32
      %dma_wait3A_118 = tpu.memref_slice %arg8[%run_scoped3A_45, %dma_wait3A_117] : memref<41x128xi32, #tpu.memory_space<vmem>> -> memref<1x128xi32, #tpu.memory_space<vmem>>
      %dma_wait3A_119 = tpu.memref_squeeze %dma_wait3A_118 : memref<1x128xi32, #tpu.memory_space<vmem>> -> memref<128xi32, #tpu.memory_space<vmem>>
      %dma_wait3A_120 = arith.constant 0 : i32
      %dma_wait3A_121 = arith.constant 0 : i32
      %dma_wait3A_122 = tpu.memref_slice %arg6[%dma_wait3A_120, %dma_wait3A_121] : memref<10240x128xf32, #tpu.memory_space<vmem_shared>> -> memref<10240x128xf32, #tpu.memory_space<vmem_shared>>
      tpu.wait_indirect_dma semaphore(%run_scoped3A_110 : memref<!tpu.dma_semaphore, #tpu.memory_space<semaphore_mem>>) src(%arg9 : memref<128x128xf32, #tpu.memory_space<vmem>>) dst(%dma_wait3A_122 : memref<10240x128xf32, #tpu.memory_space<vmem_shared>>)
      tpu.yield
    }) : () -> ()
    %run_scoped3A_46 = arith.constant 1 : i32
    "tpu.region"() ({
      %run_scoped3A_110 = tpu.sem_alloc : memref<!tpu.dma_semaphore, #tpu.memory_space<semaphore_mem>>
      %dma_start3A_111 = arith.constant 0 : i32
      %dma_start3A_112 = arith.constant 0 : i32
      %dma_start3A_113 = tpu.memref_slice %arg3[%add3A, %run_scoped3A_46, %dma_start3A_111, %dma_start3A_112] : memref<32x2x41x128xi32, #tpu.memory_space<hbm>> -> memref<1x1x41x128xi32, #tpu.memory_space<hbm>>
      %dma_start3A_114 = tpu.memref_squeeze %dma_start3A_113 : memref<1x1x41x128xi32, #tpu.memory_space<hbm>> -> memref<41x128xi32, #tpu.memory_space<hbm>>
      %dma_start3A_115 = arith.constant 0 : i32
      %dma_start3A_116 = arith.constant 0 : i32
      %dma_start3A_117 = tpu.memref_slice %arg3[%add3A, %run_scoped3A_46, %dma_start3A_115, %dma_start3A_116] : memref<32x2x41x128xi32, #tpu.memory_space<hbm>> -> memref<1x1x41x128xi32, #tpu.memory_space<hbm>>
      %dma_start3A_118 = tpu.memref_squeeze %dma_start3A_117 : memref<1x1x41x128xi32, #tpu.memory_space<hbm>> -> memref<41x128xi32, #tpu.memory_space<hbm>>
      tpu.enqueue_dma source(%dma_start3A_118 : memref<41x128xi32, #tpu.memory_space<hbm>>) target(%arg7 : memref<41x128xi32, #tpu.memory_space<vmem>>) target_semaphore(%run_scoped3A_110 : memref<!tpu.dma_semaphore, #tpu.memory_space<semaphore_mem>>)
      %dma_wait3A_119 = arith.constant 0 : i32
      %dma_wait3A_120 = arith.constant 0 : i32
      %dma_wait3A_121 = tpu.memref_slice %arg3[%add3A, %run_scoped3A_46, %dma_wait3A_119, %dma_wait3A_120] : memref<32x2x41x128xi32, #tpu.memory_space<hbm>> -> memref<1x1x41x128xi32, #tpu.memory_space<hbm>>
      %dma_wait3A_122 = tpu.memref_squeeze %dma_wait3A_121 : memref<1x1x41x128xi32, #tpu.memory_space<hbm>> -> memref<41x128xi32, #tpu.memory_space<hbm>>
      %dma_wait3A_123 = arith.constant 0 : i32
      %dma_wait3A_124 = arith.constant 0 : i32
      %dma_wait3A_125 = tpu.memref_slice %arg3[%add3A, %run_scoped3A_46, %dma_wait3A_123, %dma_wait3A_124] : memref<32x2x41x128xi32, #tpu.memory_space<hbm>> -> memref<1x1x41x128xi32, #tpu.memory_space<hbm>>
      %dma_wait3A_126 = tpu.memref_squeeze %dma_wait3A_125 : memref<1x1x41x128xi32, #tpu.memory_space<hbm>> -> memref<41x128xi32, #tpu.memory_space<hbm>>
      tpu.wait_dma2 semaphore(%run_scoped3A_110 : memref<!tpu.dma_semaphore, #tpu.memory_space<semaphore_mem>>) src(%dma_wait3A_126 : memref<41x128xi32, #tpu.memory_space<hbm>>) dst(%arg7 : memref<41x128xi32, #tpu.memory_space<vmem>>)
      tpu.yield
    }) : () -> ()
    %run_scoped3A_47 = arith.constant 1 : i32
    "tpu.region"() ({
      %run_scoped3A_110 = tpu.sem_alloc : memref<!tpu.dma_semaphore, #tpu.memory_space<semaphore_mem>>
      %dma_start3A_111 = arith.constant 0 : i32
      %dma_start3A_112 = arith.constant 0 : i32
      %dma_start3A_113 = tpu.memref_slice %arg4[%add3A, %run_scoped3A_47, %dma_start3A_111, %dma_start3A_112] : memref<32x2x41x128xi32, #tpu.memory_space<hbm>> -> memref<1x1x41x128xi32, #tpu.memory_space<hbm>>
      %dma_start3A_114 = tpu.memref_squeeze %dma_start3A_113 : memref<1x1x41x128xi32, #tpu.memory_space<hbm>> -> memref<41x128xi32, #tpu.memory_space<hbm>>
      %dma_start3A_115 = arith.constant 0 : i32
      %dma_start3A_116 = arith.constant 0 : i32
      %dma_start3A_117 = tpu.memref_slice %arg4[%add3A, %run_scoped3A_47, %dma_start3A_115, %dma_start3A_116] : memref<32x2x41x128xi32, #tpu.memory_space<hbm>> -> memref<1x1x41x128xi32, #tpu.memory_space<hbm>>
      %dma_start3A_118 = tpu.memref_squeeze %dma_start3A_117 : memref<1x1x41x128xi32, #tpu.memory_space<hbm>> -> memref<41x128xi32, #tpu.memory_space<hbm>>
      tpu.enqueue_dma source(%dma_start3A_118 : memref<41x128xi32, #tpu.memory_space<hbm>>) target(%arg8 : memref<41x128xi32, #tpu.memory_space<vmem>>) target_semaphore(%run_scoped3A_110 : memref<!tpu.dma_semaphore, #tpu.memory_space<semaphore_mem>>)
      %dma_wait3A_119 = arith.constant 0 : i32
      %dma_wait3A_120 = arith.constant 0 : i32
      %dma_wait3A_121 = tpu.memref_slice %arg4[%add3A, %run_scoped3A_47, %dma_wait3A_119, %dma_wait3A_120] : memref<32x2x41x128xi32, #tpu.memory_space<hbm>> -> memref<1x1x41x128xi32, #tpu.memory_space<hbm>>
      %dma_wait3A_122 = tpu.memref_squeeze %dma_wait3A_121 : memref<1x1x41x128xi32, #tpu.memory_space<hbm>> -> memref<41x128xi32, #tpu.memory_space<hbm>>
      %dma_wait3A_123 = arith.constant 0 : i32
      %dma_wait3A_124 = arith.constant 0 : i32
      %dma_wait3A_125 = tpu.memref_slice %arg4[%add3A, %run_scoped3A_47, %dma_wait3A_123, %dma_wait3A_124] : memref<32x2x41x128xi32, #tpu.memory_space<hbm>> -> memref<1x1x41x128xi32, #tpu.memory_space<hbm>>
      %dma_wait3A_126 = tpu.memref_squeeze %dma_wait3A_125 : memref<1x1x41x128xi32, #tpu.memory_space<hbm>> -> memref<41x128xi32, #tpu.memory_space<hbm>>
      tpu.wait_dma2 semaphore(%run_scoped3A_110 : memref<!tpu.dma_semaphore, #tpu.memory_space<semaphore_mem>>) src(%dma_wait3A_126 : memref<41x128xi32, #tpu.memory_space<hbm>>) dst(%arg8 : memref<41x128xi32, #tpu.memory_space<vmem>>)
      tpu.yield
    }) : () -> ()
    %dma_start3A_48 = arith.constant 0 : i32
    %dma_start3A_49 = arith.constant 0 : i32
    %dma_start3A_50 = tpu.memref_slice %arg7[%dma_start3A_48, %dma_start3A_49] : memref<41x128xi32, #tpu.memory_space<vmem>> -> memref<1x128xi32, #tpu.memory_space<vmem>>
    %dma_start3A_51 = tpu.memref_squeeze %dma_start3A_50 : memref<1x128xi32, #tpu.memory_space<vmem>> -> memref<128xi32, #tpu.memory_space<vmem>>
    %dma_start3A_52 = arith.constant 0 : i32
    %dma_start3A_53 = arith.constant 0 : i32
    %dma_start3A_54 = tpu.memref_slice %arg2[%dma_start3A_52, %dma_start3A_53] : memref<10240x128xf32, #tpu.memory_space<hbm>> -> memref<10240x128xf32, #tpu.memory_space<hbm>>
    tpu.enqueue_indirect_dma source(%dma_start3A_54 : memref<10240x128xf32, #tpu.memory_space<hbm>>) target(%arg9 : memref<128x128xf32, #tpu.memory_space<vmem>>) offsets(%dma_start3A_51 : memref<128xi32, #tpu.memory_space<vmem>>) semaphore(%arg11 : memref<!tpu.dma_semaphore, #tpu.memory_space<semaphore_mem>>)
    %scan3A_55 = arith.constant 0 : i32
    %scan3A_56 = arith.constant 0 : i32
    %scan3A_57 = arith.constant 20 : i32
    %scan3A_58 = arith.addi %scan3A_56, %scan3A_57 : i32
    %scan3A_59 = arith.constant 1 : i32
    scf.for %scan3A_110 = %scan3A_56 to %scan3A_58 step %scan3A_59  : i32 {
      %mul3A_111 = arith.constant 2 : i32
      %mul3A_112 = arith.muli %mul3A_111, %scan3A_110 : i32
      %mul3A_113 = arith.constant 2 : i32
      %mul3A_114 = arith.muli %mul3A_113, %scan3A_110 : i32
      %add3A_115 = arith.constant 1 : i32
      %add3A_116 = arith.addi %mul3A_114, %add3A_115 : i32
      %mul3A_117 = arith.constant 2 : i32
      %mul3A_118 = arith.muli %mul3A_117, %scan3A_110 : i32
      %add3A_119 = arith.constant 2 : i32
      %add3A_120 = arith.addi %mul3A_118, %add3A_119 : i32
      %min3A = arith.constant 40 : i32
      %min3A_121 = arith.minsi %add3A_120, %min3A : i32
      %dma_wait3A_122 = arith.constant 0 : i32
      %dma_wait3A_123 = arith.constant 0 : i32
      %dma_wait3A_124 = tpu.memref_slice %arg7[%dma_wait3A_122, %dma_wait3A_123] : memref<41x128xi32, #tpu.memory_space<vmem>> -> memref<1x128xi32, #tpu.memory_space<vmem>>
      %dma_wait3A_125 = tpu.memref_squeeze %dma_wait3A_124 : memref<1x128xi32, #tpu.memory_space<vmem>> -> memref<128xi32, #tpu.memory_space<vmem>>
      %dma_wait3A_126 = arith.constant 0 : i32
      %dma_wait3A_127 = arith.constant 0 : i32
      %dma_wait3A_128 = tpu.memref_slice %arg2[%dma_wait3A_126, %dma_wait3A_127] : memref<10240x128xf32, #tpu.memory_space<hbm>> -> memref<10240x128xf32, #tpu.memory_space<hbm>>
      tpu.wait_indirect_dma semaphore(%arg11 : memref<!tpu.dma_semaphore, #tpu.memory_space<semaphore_mem>>) src(%dma_wait3A_128 : memref<10240x128xf32, #tpu.memory_space<hbm>>) dst(%arg9 : memref<128x128xf32, #tpu.memory_space<vmem>>)
      %dma_start3A_129 = arith.constant 0 : i32
      %dma_start3A_130 = tpu.memref_slice %arg7[%add3A_116, %dma_start3A_129] : memref<41x128xi32, #tpu.memory_space<vmem>> -> memref<1x128xi32, #tpu.memory_space<vmem>>
      %dma_start3A_131 = tpu.memref_squeeze %dma_start3A_130 : memref<1x128xi32, #tpu.memory_space<vmem>> -> memref<128xi32, #tpu.memory_space<vmem>>
      %dma_start3A_132 = arith.constant 0 : i32
      %dma_start3A_133 = arith.constant 0 : i32
      %dma_start3A_134 = tpu.memref_slice %arg2[%dma_start3A_132, %dma_start3A_133] : memref<10240x128xf32, #tpu.memory_space<hbm>> -> memref<10240x128xf32, #tpu.memory_space<hbm>>
      tpu.enqueue_indirect_dma source(%dma_start3A_134 : memref<10240x128xf32, #tpu.memory_space<hbm>>) target(%arg10 : memref<128x128xf32, #tpu.memory_space<vmem>>) offsets(%dma_start3A_131 : memref<128xi32, #tpu.memory_space<vmem>>) semaphore(%arg12 : memref<!tpu.dma_semaphore, #tpu.memory_space<semaphore_mem>>)
      "tpu.region"() ({
        %run_scoped3A_148 = tpu.sem_alloc : memref<!tpu.dma_semaphore, #tpu.memory_space<semaphore_mem>>
        %dma_start3A_149 = arith.constant 0 : i32
        %dma_start3A_150 = tpu.memref_slice %arg8[%mul3A_112, %dma_start3A_149] : memref<41x128xi32, #tpu.memory_space<vmem>> -> memref<1x128xi32, #tpu.memory_space<vmem>>
        %dma_start3A_151 = tpu.memref_squeeze %dma_start3A_150 : memref<1x128xi32, #tpu.memory_space<vmem>> -> memref<128xi32, #tpu.memory_space<vmem>>
        %dma_start3A_152 = arith.constant 0 : i32
        %dma_start3A_153 = arith.constant 0 : i32
        %dma_start3A_154 = tpu.memref_slice %arg6[%dma_start3A_152, %dma_start3A_153] : memref<10240x128xf32, #tpu.memory_space<vmem_shared>> -> memref<10240x128xf32, #tpu.memory_space<vmem_shared>>
        tpu.enqueue_indirect_dma source(%arg9 : memref<128x128xf32, #tpu.memory_space<vmem>>) target(%dma_start3A_154 : memref<10240x128xf32, #tpu.memory_space<vmem_shared>>) offsets(%dma_start3A_151 : memref<128xi32, #tpu.memory_space<vmem>>) semaphore(%run_scoped3A_148 : memref<!tpu.dma_semaphore, #tpu.memory_space<semaphore_mem>>) {add = true}
        %dma_wait3A_155 = arith.constant 0 : i32
        %dma_wait3A_156 = tpu.memref_slice %arg8[%mul3A_112, %dma_wait3A_155] : memref<41x128xi32, #tpu.memory_space<vmem>> -> memref<1x128xi32, #tpu.memory_space<vmem>>
        %dma_wait3A_157 = tpu.memref_squeeze %dma_wait3A_156 : memref<1x128xi32, #tpu.memory_space<vmem>> -> memref<128xi32, #tpu.memory_space<vmem>>
        %dma_wait3A_158 = arith.constant 0 : i32
        %dma_wait3A_159 = arith.constant 0 : i32
        %dma_wait3A_160 = tpu.memref_slice %arg6[%dma_wait3A_158, %dma_wait3A_159] : memref<10240x128xf32, #tpu.memory_space<vmem_shared>> -> memref<10240x128xf32, #tpu.memory_space<vmem_shared>>
        tpu.wait_indirect_dma semaphore(%run_scoped3A_148 : memref<!tpu.dma_semaphore, #tpu.memory_space<semaphore_mem>>) src(%arg9 : memref<128x128xf32, #tpu.memory_space<vmem>>) dst(%dma_wait3A_160 : memref<10240x128xf32, #tpu.memory_space<vmem_shared>>)
        tpu.yield
      }) : () -> ()
      %dma_wait3A_135 = arith.constant 0 : i32
      %dma_wait3A_136 = arith.constant 0 : i32
      %dma_wait3A_137 = tpu.memref_slice %arg7[%dma_wait3A_135, %dma_wait3A_136] : memref<41x128xi32, #tpu.memory_space<vmem>> -> memref<1x128xi32, #tpu.memory_space<vmem>>
      %dma_wait3A_138 = tpu.memref_squeeze %dma_wait3A_137 : memref<1x128xi32, #tpu.memory_space<vmem>> -> memref<128xi32, #tpu.memory_space<vmem>>
      %dma_wait3A_139 = arith.constant 0 : i32
      %dma_wait3A_140 = arith.constant 0 : i32
      %dma_wait3A_141 = tpu.memref_slice %arg2[%dma_wait3A_139, %dma_wait3A_140] : memref<10240x128xf32, #tpu.memory_space<hbm>> -> memref<10240x128xf32, #tpu.memory_space<hbm>>
      tpu.wait_indirect_dma semaphore(%arg12 : memref<!tpu.dma_semaphore, #tpu.memory_space<semaphore_mem>>) src(%dma_wait3A_141 : memref<10240x128xf32, #tpu.memory_space<hbm>>) dst(%arg10 : memref<128x128xf32, #tpu.memory_space<vmem>>)
      %dma_start3A_142 = arith.constant 0 : i32
      %dma_start3A_143 = tpu.memref_slice %arg7[%min3A_121, %dma_start3A_142] : memref<41x128xi32, #tpu.memory_space<vmem>> -> memref<1x128xi32, #tpu.memory_space<vmem>>
      %dma_start3A_144 = tpu.memref_squeeze %dma_start3A_143 : memref<1x128xi32, #tpu.memory_space<vmem>> -> memref<128xi32, #tpu.memory_space<vmem>>
      %dma_start3A_145 = arith.constant 0 : i32
      %dma_start3A_146 = arith.constant 0 : i32
      %dma_start3A_147 = tpu.memref_slice %arg2[%dma_start3A_145, %dma_start3A_146] : memref<10240x128xf32, #tpu.memory_space<hbm>> -> memref<10240x128xf32, #tpu.memory_space<hbm>>
      tpu.enqueue_indirect_dma source(%dma_start3A_147 : memref<10240x128xf32, #tpu.memory_space<hbm>>) target(%arg9 : memref<128x128xf32, #tpu.memory_space<vmem>>) offsets(%dma_start3A_144 : memref<128xi32, #tpu.memory_space<vmem>>) semaphore(%arg11 : memref<!tpu.dma_semaphore, #tpu.memory_space<semaphore_mem>>)
      "tpu.region"() ({
        %run_scoped3A_148 = tpu.sem_alloc : memref<!tpu.dma_semaphore, #tpu.memory_space<semaphore_mem>>
        %dma_start3A_149 = arith.constant 0 : i32
        %dma_start3A_150 = tpu.memref_slice %arg8[%add3A_116, %dma_start3A_149] : memref<41x128xi32, #tpu.memory_space<vmem>> -> memref<1x128xi32, #tpu.memory_space<vmem>>
        %dma_start3A_151 = tpu.memref_squeeze %dma_start3A_150 : memref<1x128xi32, #tpu.memory_space<vmem>> -> memref<128xi32, #tpu.memory_space<vmem>>
        %dma_start3A_152 = arith.constant 0 : i32
        %dma_start3A_153 = arith.constant 0 : i32
        %dma_start3A_154 = tpu.memref_slice %arg6[%dma_start3A_152, %dma_start3A_153] : memref<10240x128xf32, #tpu.memory_space<vmem_shared>> -> memref<10240x128xf32, #tpu.memory_space<vmem_shared>>
        tpu.enqueue_indirect_dma source(%arg10 : memref<128x128xf32, #tpu.memory_space<vmem>>) target(%dma_start3A_154 : memref<10240x128xf32, #tpu.memory_space<vmem_shared>>) offsets(%dma_start3A_151 : memref<128xi32, #tpu.memory_space<vmem>>) semaphore(%run_scoped3A_148 : memref<!tpu.dma_semaphore, #tpu.memory_space<semaphore_mem>>) {add = true}
        %dma_wait3A_155 = arith.constant 0 : i32
        %dma_wait3A_156 = tpu.memref_slice %arg8[%add3A_116, %dma_wait3A_155] : memref<41x128xi32, #tpu.memory_space<vmem>> -> memref<1x128xi32, #tpu.memory_space<vmem>>
        %dma_wait3A_157 = tpu.memref_squeeze %dma_wait3A_156 : memref<1x128xi32, #tpu.memory_space<vmem>> -> memref<128xi32, #tpu.memory_space<vmem>>
        %dma_wait3A_158 = arith.constant 0 : i32
        %dma_wait3A_159 = arith.constant 0 : i32
        %dma_wait3A_160 = tpu.memref_slice %arg6[%dma_wait3A_158, %dma_wait3A_159] : memref<10240x128xf32, #tpu.memory_space<vmem_shared>> -> memref<10240x128xf32, #tpu.memory_space<vmem_shared>>
        tpu.wait_indirect_dma semaphore(%run_scoped3A_148 : memref<!tpu.dma_semaphore, #tpu.memory_space<semaphore_mem>>) src(%arg10 : memref<128x128xf32, #tpu.memory_space<vmem>>) dst(%dma_wait3A_160 : memref<10240x128xf32, #tpu.memory_space<vmem_shared>>)
        tpu.yield
      }) : () -> ()
    }
    %scan3A_60 = arith.constant 20 : i32
    %dma_wait3A_61 = arith.constant 0 : i32
    %dma_wait3A_62 = arith.constant 0 : i32
    %dma_wait3A_63 = tpu.memref_slice %arg7[%dma_wait3A_61, %dma_wait3A_62] : memref<41x128xi32, #tpu.memory_space<vmem>> -> memref<1x128xi32, #tpu.memory_space<vmem>>
    %dma_wait3A_64 = tpu.memref_squeeze %dma_wait3A_63 : memref<1x128xi32, #tpu.memory_space<vmem>> -> memref<128xi32, #tpu.memory_space<vmem>>
    %dma_wait3A_65 = arith.constant 0 : i32
    %dma_wait3A_66 = arith.constant 0 : i32
    %dma_wait3A_67 = tpu.memref_slice %arg2[%dma_wait3A_65, %dma_wait3A_66] : memref<10240x128xf32, #tpu.memory_space<hbm>> -> memref<10240x128xf32, #tpu.memory_space<hbm>>
    tpu.wait_indirect_dma semaphore(%arg11 : memref<!tpu.dma_semaphore, #tpu.memory_space<semaphore_mem>>) src(%dma_wait3A_67 : memref<10240x128xf32, #tpu.memory_space<hbm>>) dst(%arg9 : memref<128x128xf32, #tpu.memory_space<vmem>>)
    %run_scoped3A_68 = arith.constant 40 : i32
    "tpu.region"() ({
      %run_scoped3A_110 = tpu.sem_alloc : memref<!tpu.dma_semaphore, #tpu.memory_space<semaphore_mem>>
      %dma_start3A_111 = arith.constant 0 : i32
      %dma_start3A_112 = tpu.memref_slice %arg8[%run_scoped3A_68, %dma_start3A_111] : memref<41x128xi32, #tpu.memory_space<vmem>> -> memref<1x128xi32, #tpu.memory_space<vmem>>
      %dma_start3A_113 = tpu.memref_squeeze %dma_start3A_112 : memref<1x128xi32, #tpu.memory_space<vmem>> -> memref<128xi32, #tpu.memory_space<vmem>>
      %dma_start3A_114 = arith.constant 0 : i32
      %dma_start3A_115 = arith.constant 0 : i32
      %dma_start3A_116 = tpu.memref_slice %arg6[%dma_start3A_114, %dma_start3A_115] : memref<10240x128xf32, #tpu.memory_space<vmem_shared>> -> memref<10240x128xf32, #tpu.memory_space<vmem_shared>>
      tpu.enqueue_indirect_dma source(%arg9 : memref<128x128xf32, #tpu.memory_space<vmem>>) target(%dma_start3A_116 : memref<10240x128xf32, #tpu.memory_space<vmem_shared>>) offsets(%dma_start3A_113 : memref<128xi32, #tpu.memory_space<vmem>>) semaphore(%run_scoped3A_110 : memref<!tpu.dma_semaphore, #tpu.memory_space<semaphore_mem>>) {add = true}
      %dma_wait3A_117 = arith.constant 0 : i32
      %dma_wait3A_118 = tpu.memref_slice %arg8[%run_scoped3A_68, %dma_wait3A_117] : memref<41x128xi32, #tpu.memory_space<vmem>> -> memref<1x128xi32, #tpu.memory_space<vmem>>
      %dma_wait3A_119 = tpu.memref_squeeze %dma_wait3A_118 : memref<1x128xi32, #tpu.memory_space<vmem>> -> memref<128xi32, #tpu.memory_space<vmem>>
      %dma_wait3A_120 = arith.constant 0 : i32
      %dma_wait3A_121 = arith.constant 0 : i32
      %dma_wait3A_122 = tpu.memref_slice %arg6[%dma_wait3A_120, %dma_wait3A_121] : memref<10240x128xf32, #tpu.memory_space<vmem_shared>> -> memref<10240x128xf32, #tpu.memory_space<vmem_shared>>
      tpu.wait_indirect_dma semaphore(%run_scoped3A_110 : memref<!tpu.dma_semaphore, #tpu.memory_space<semaphore_mem>>) src(%arg9 : memref<128x128xf32, #tpu.memory_space<vmem>>) dst(%dma_wait3A_122 : memref<10240x128xf32, #tpu.memory_space<vmem_shared>>)
      tpu.yield
    }) : () -> ()
    %barrier3A_69 = arith.constant 0 : index
    tpu.barrier barrier_id(%barrier3A_69)
    %mul3A_70 = arith.constant 640 : i32
    %mul3A_71 = arith.muli %arg1, %mul3A_70 : i32
    %add3A_72 = arith.constant 0 : i32
    %add3A_73 = arith.addi %mul3A_71, %add3A_72 : i32
    "tpu.region"() ({
      %run_scoped3A_110 = tpu.sem_alloc : memref<!tpu.dma_semaphore, #tpu.memory_space<semaphore_mem>>
      %dma_start3A_111 = arith.constant 0 : i32
      %dma_start3A_112 = tpu.memref_slice %arg6[%add3A_73, %dma_start3A_111] : memref<10240x128xf32, #tpu.memory_space<vmem_shared>> -> memref<128x128xf32, #tpu.memory_space<vmem_shared>>
      %dma_start3A_113 = arith.constant 0 : i32
      %dma_start3A_114 = tpu.memref_slice %arg6[%add3A_73, %dma_start3A_113] : memref<10240x128xf32, #tpu.memory_space<vmem_shared>> -> memref<128x128xf32, #tpu.memory_space<vmem_shared>>
      tpu.enqueue_dma source(%dma_start3A_114 : memref<128x128xf32, #tpu.memory_space<vmem_shared>>) target(%arg9 : memref<128x128xf32, #tpu.memory_space<vmem>>) target_semaphore(%run_scoped3A_110 : memref<!tpu.dma_semaphore, #tpu.memory_space<semaphore_mem>>)
      %dma_wait3A_115 = arith.constant 0 : i32
      %dma_wait3A_116 = tpu.memref_slice %arg6[%add3A_73, %dma_wait3A_115] : memref<10240x128xf32, #tpu.memory_space<vmem_shared>> -> memref<128x128xf32, #tpu.memory_space<vmem_shared>>
      %dma_wait3A_117 = arith.constant 0 : i32
      %dma_wait3A_118 = tpu.memref_slice %arg6[%add3A_73, %dma_wait3A_117] : memref<10240x128xf32, #tpu.memory_space<vmem_shared>> -> memref<128x128xf32, #tpu.memory_space<vmem_shared>>
      tpu.wait_dma2 semaphore(%run_scoped3A_110 : memref<!tpu.dma_semaphore, #tpu.memory_space<semaphore_mem>>) src(%dma_wait3A_118 : memref<128x128xf32, #tpu.memory_space<vmem_shared>>) dst(%arg9 : memref<128x128xf32, #tpu.memory_space<vmem>>)
      tpu.yield
    }) : () -> ()
    %mul3A_74 = arith.constant 640 : i32
    %mul3A_75 = arith.muli %arg1, %mul3A_74 : i32
    %add3A_76 = arith.constant 0 : i32
    %add3A_77 = arith.addi %mul3A_75, %add3A_76 : i32
    "tpu.region"() ({
      %run_scoped3A_110 = tpu.sem_alloc : memref<!tpu.dma_semaphore, #tpu.memory_space<semaphore_mem>>
      %dma_start3A_111 = arith.constant 0 : i32
      %dma_start3A_112 = tpu.memref_slice %arg5[%arg0, %add3A_77, %dma_start3A_111] : memref<2x10240x128xf32, #tpu.memory_space<hbm>> -> memref<1x128x128xf32, #tpu.memory_space<hbm>>
      %dma_start3A_113 = tpu.memref_squeeze %dma_start3A_112 : memref<1x128x128xf32, #tpu.memory_space<hbm>> -> memref<128x128xf32, #tpu.memory_space<hbm>>
      %dma_start3A_114 = arith.constant 0 : i32
      %dma_start3A_115 = tpu.memref_slice %arg5[%arg0, %add3A_77, %dma_start3A_114] : memref<2x10240x128xf32, #tpu.memory_space<hbm>> -> memref<1x128x128xf32, #tpu.memory_space<hbm>>
      %dma_start3A_116 = tpu.memref_squeeze %dma_start3A_115 : memref<1x128x128xf32, #tpu.memory_space<hbm>> -> memref<128x128xf32, #tpu.memory_space<hbm>>
      tpu.enqueue_dma source(%arg9 : memref<128x128xf32, #tpu.memory_space<vmem>>) target(%dma_start3A_116 : memref<128x128xf32, #tpu.memory_space<hbm>>) target_semaphore(%run_scoped3A_110 : memref<!tpu.dma_semaphore, #tpu.memory_space<semaphore_mem>>)
      %dma_wait3A_117 = arith.constant 0 : i32
      %dma_wait3A_118 = tpu.memref_slice %arg5[%arg0, %add3A_77, %dma_wait3A_117] : memref<2x10240x128xf32, #tpu.memory_space<hbm>> -> memref<1x128x128xf32, #tpu.memory_space<hbm>>
      %dma_wait3A_119 = tpu.memref_squeeze %dma_wait3A_118 : memref<1x128x128xf32, #tpu.memory_space<hbm>> -> memref<128x128xf32, #tpu.memory_space<hbm>>
      %dma_wait3A_120 = arith.constant 0 : i32
      %dma_wait3A_121 = tpu.memref_slice %arg5[%arg0, %add3A_77, %dma_wait3A_120] : memref<2x10240x128xf32, #tpu.memory_space<hbm>> -> memref<1x128x128xf32, #tpu.memory_space<hbm>>
      %dma_wait3A_122 = tpu.memref_squeeze %dma_wait3A_121 : memref<1x128x128xf32, #tpu.memory_space<hbm>> -> memref<128x128xf32, #tpu.memory_space<hbm>>
      tpu.wait_dma2 semaphore(%run_scoped3A_110 : memref<!tpu.dma_semaphore, #tpu.memory_space<semaphore_mem>>) src(%arg9 : memref<128x128xf32, #tpu.memory_space<vmem>>) dst(%dma_wait3A_122 : memref<128x128xf32, #tpu.memory_space<hbm>>)
      tpu.yield
    }) : () -> ()
    %mul3A_78 = arith.constant 640 : i32
    %mul3A_79 = arith.muli %arg1, %mul3A_78 : i32
    %add3A_80 = arith.constant 128 : i32
    %add3A_81 = arith.addi %mul3A_79, %add3A_80 : i32
    "tpu.region"() ({
      %run_scoped3A_110 = tpu.sem_alloc : memref<!tpu.dma_semaphore, #tpu.memory_space<semaphore_mem>>
      %dma_start3A_111 = arith.constant 0 : i32
      %dma_start3A_112 = tpu.memref_slice %arg6[%add3A_81, %dma_start3A_111] : memref<10240x128xf32, #tpu.memory_space<vmem_shared>> -> memref<128x128xf32, #tpu.memory_space<vmem_shared>>
      %dma_start3A_113 = arith.constant 0 : i32
      %dma_start3A_114 = tpu.memref_slice %arg6[%add3A_81, %dma_start3A_113] : memref<10240x128xf32, #tpu.memory_space<vmem_shared>> -> memref<128x128xf32, #tpu.memory_space<vmem_shared>>
      tpu.enqueue_dma source(%dma_start3A_114 : memref<128x128xf32, #tpu.memory_space<vmem_shared>>) target(%arg9 : memref<128x128xf32, #tpu.memory_space<vmem>>) target_semaphore(%run_scoped3A_110 : memref<!tpu.dma_semaphore, #tpu.memory_space<semaphore_mem>>)
      %dma_wait3A_115 = arith.constant 0 : i32
      %dma_wait3A_116 = tpu.memref_slice %arg6[%add3A_81, %dma_wait3A_115] : memref<10240x128xf32, #tpu.memory_space<vmem_shared>> -> memref<128x128xf32, #tpu.memory_space<vmem_shared>>
      %dma_wait3A_117 = arith.constant 0 : i32
      %dma_wait3A_118 = tpu.memref_slice %arg6[%add3A_81, %dma_wait3A_117] : memref<10240x128xf32, #tpu.memory_space<vmem_shared>> -> memref<128x128xf32, #tpu.memory_space<vmem_shared>>
      tpu.wait_dma2 semaphore(%run_scoped3A_110 : memref<!tpu.dma_semaphore, #tpu.memory_space<semaphore_mem>>) src(%dma_wait3A_118 : memref<128x128xf32, #tpu.memory_space<vmem_shared>>) dst(%arg9 : memref<128x128xf32, #tpu.memory_space<vmem>>)
      tpu.yield
    }) : () -> ()
    %mul3A_82 = arith.constant 640 : i32
    %mul3A_83 = arith.muli %arg1, %mul3A_82 : i32
    %add3A_84 = arith.constant 128 : i32
    %add3A_85 = arith.addi %mul3A_83, %add3A_84 : i32
    "tpu.region"() ({
      %run_scoped3A_110 = tpu.sem_alloc : memref<!tpu.dma_semaphore, #tpu.memory_space<semaphore_mem>>
      %dma_start3A_111 = arith.constant 0 : i32
      %dma_start3A_112 = tpu.memref_slice %arg5[%arg0, %add3A_85, %dma_start3A_111] : memref<2x10240x128xf32, #tpu.memory_space<hbm>> -> memref<1x128x128xf32, #tpu.memory_space<hbm>>
      %dma_start3A_113 = tpu.memref_squeeze %dma_start3A_112 : memref<1x128x128xf32, #tpu.memory_space<hbm>> -> memref<128x128xf32, #tpu.memory_space<hbm>>
      %dma_start3A_114 = arith.constant 0 : i32
      %dma_start3A_115 = tpu.memref_slice %arg5[%arg0, %add3A_85, %dma_start3A_114] : memref<2x10240x128xf32, #tpu.memory_space<hbm>> -> memref<1x128x128xf32, #tpu.memory_space<hbm>>
      %dma_start3A_116 = tpu.memref_squeeze %dma_start3A_115 : memref<1x128x128xf32, #tpu.memory_space<hbm>> -> memref<128x128xf32, #tpu.memory_space<hbm>>
      tpu.enqueue_dma source(%arg9 : memref<128x128xf32, #tpu.memory_space<vmem>>) target(%dma_start3A_116 : memref<128x128xf32, #tpu.memory_space<hbm>>) target_semaphore(%run_scoped3A_110 : memref<!tpu.dma_semaphore, #tpu.memory_space<semaphore_mem>>)
      %dma_wait3A_117 = arith.constant 0 : i32
      %dma_wait3A_118 = tpu.memref_slice %arg5[%arg0, %add3A_85, %dma_wait3A_117] : memref<2x10240x128xf32, #tpu.memory_space<hbm>> -> memref<1x128x128xf32, #tpu.memory_space<hbm>>
      %dma_wait3A_119 = tpu.memref_squeeze %dma_wait3A_118 : memref<1x128x128xf32, #tpu.memory_space<hbm>> -> memref<128x128xf32, #tpu.memory_space<hbm>>
      %dma_wait3A_120 = arith.constant 0 : i32
      %dma_wait3A_121 = tpu.memref_slice %arg5[%arg0, %add3A_85, %dma_wait3A_120] : memref<2x10240x128xf32, #tpu.memory_space<hbm>> -> memref<1x128x128xf32, #tpu.memory_space<hbm>>
      %dma_wait3A_122 = tpu.memref_squeeze %dma_wait3A_121 : memref<1x128x128xf32, #tpu.memory_space<hbm>> -> memref<128x128xf32, #tpu.memory_space<hbm>>
      tpu.wait_dma2 semaphore(%run_scoped3A_110 : memref<!tpu.dma_semaphore, #tpu.memory_space<semaphore_mem>>) src(%arg9 : memref<128x128xf32, #tpu.memory_space<vmem>>) dst(%dma_wait3A_122 : memref<128x128xf32, #tpu.memory_space<hbm>>)
      tpu.yield
    }) : () -> ()
    %mul3A_86 = arith.constant 640 : i32
    %mul3A_87 = arith.muli %arg1, %mul3A_86 : i32
    %add3A_88 = arith.constant 256 : i32
    %add3A_89 = arith.addi %mul3A_87, %add3A_88 : i32
    "tpu.region"() ({
      %run_scoped3A_110 = tpu.sem_alloc : memref<!tpu.dma_semaphore, #tpu.memory_space<semaphore_mem>>
      %dma_start3A_111 = arith.constant 0 : i32
      %dma_start3A_112 = tpu.memref_slice %arg6[%add3A_89, %dma_start3A_111] : memref<10240x128xf32, #tpu.memory_space<vmem_shared>> -> memref<128x128xf32, #tpu.memory_space<vmem_shared>>
      %dma_start3A_113 = arith.constant 0 : i32
      %dma_start3A_114 = tpu.memref_slice %arg6[%add3A_89, %dma_start3A_113] : memref<10240x128xf32, #tpu.memory_space<vmem_shared>> -> memref<128x128xf32, #tpu.memory_space<vmem_shared>>
      tpu.enqueue_dma source(%dma_start3A_114 : memref<128x128xf32, #tpu.memory_space<vmem_shared>>) target(%arg9 : memref<128x128xf32, #tpu.memory_space<vmem>>) target_semaphore(%run_scoped3A_110 : memref<!tpu.dma_semaphore, #tpu.memory_space<semaphore_mem>>)
      %dma_wait3A_115 = arith.constant 0 : i32
      %dma_wait3A_116 = tpu.memref_slice %arg6[%add3A_89, %dma_wait3A_115] : memref<10240x128xf32, #tpu.memory_space<vmem_shared>> -> memref<128x128xf32, #tpu.memory_space<vmem_shared>>
      %dma_wait3A_117 = arith.constant 0 : i32
      %dma_wait3A_118 = tpu.memref_slice %arg6[%add3A_89, %dma_wait3A_117] : memref<10240x128xf32, #tpu.memory_space<vmem_shared>> -> memref<128x128xf32, #tpu.memory_space<vmem_shared>>
      tpu.wait_dma2 semaphore(%run_scoped3A_110 : memref<!tpu.dma_semaphore, #tpu.memory_space<semaphore_mem>>) src(%dma_wait3A_118 : memref<128x128xf32, #tpu.memory_space<vmem_shared>>) dst(%arg9 : memref<128x128xf32, #tpu.memory_space<vmem>>)
      tpu.yield
    }) : () -> ()
    %mul3A_90 = arith.constant 640 : i32
    %mul3A_91 = arith.muli %arg1, %mul3A_90 : i32
    %add3A_92 = arith.constant 256 : i32
    %add3A_93 = arith.addi %mul3A_91, %add3A_92 : i32
    "tpu.region"() ({
      %run_scoped3A_110 = tpu.sem_alloc : memref<!tpu.dma_semaphore, #tpu.memory_space<semaphore_mem>>
      %dma_start3A_111 = arith.constant 0 : i32
      %dma_start3A_112 = tpu.memref_slice %arg5[%arg0, %add3A_93, %dma_start3A_111] : memref<2x10240x128xf32, #tpu.memory_space<hbm>> -> memref<1x128x128xf32, #tpu.memory_space<hbm>>
      %dma_start3A_113 = tpu.memref_squeeze %dma_start3A_112 : memref<1x128x128xf32, #tpu.memory_space<hbm>> -> memref<128x128xf32, #tpu.memory_space<hbm>>
      %dma_start3A_114 = arith.constant 0 : i32
      %dma_start3A_115 = tpu.memref_slice %arg5[%arg0, %add3A_93, %dma_start3A_114] : memref<2x10240x128xf32, #tpu.memory_space<hbm>> -> memref<1x128x128xf32, #tpu.memory_space<hbm>>
      %dma_start3A_116 = tpu.memref_squeeze %dma_start3A_115 : memref<1x128x128xf32, #tpu.memory_space<hbm>> -> memref<128x128xf32, #tpu.memory_space<hbm>>
      tpu.enqueue_dma source(%arg9 : memref<128x128xf32, #tpu.memory_space<vmem>>) target(%dma_start3A_116 : memref<128x128xf32, #tpu.memory_space<hbm>>) target_semaphore(%run_scoped3A_110 : memref<!tpu.dma_semaphore, #tpu.memory_space<semaphore_mem>>)
      %dma_wait3A_117 = arith.constant 0 : i32
      %dma_wait3A_118 = tpu.memref_slice %arg5[%arg0, %add3A_93, %dma_wait3A_117] : memref<2x10240x128xf32, #tpu.memory_space<hbm>> -> memref<1x128x128xf32, #tpu.memory_space<hbm>>
      %dma_wait3A_119 = tpu.memref_squeeze %dma_wait3A_118 : memref<1x128x128xf32, #tpu.memory_space<hbm>> -> memref<128x128xf32, #tpu.memory_space<hbm>>
      %dma_wait3A_120 = arith.constant 0 : i32
      %dma_wait3A_121 = tpu.memref_slice %arg5[%arg0, %add3A_93, %dma_wait3A_120] : memref<2x10240x128xf32, #tpu.memory_space<hbm>> -> memref<1x128x128xf32, #tpu.memory_space<hbm>>
      %dma_wait3A_122 = tpu.memref_squeeze %dma_wait3A_121 : memref<1x128x128xf32, #tpu.memory_space<hbm>> -> memref<128x128xf32, #tpu.memory_space<hbm>>
      tpu.wait_dma2 semaphore(%run_scoped3A_110 : memref<!tpu.dma_semaphore, #tpu.memory_space<semaphore_mem>>) src(%arg9 : memref<128x128xf32, #tpu.memory_space<vmem>>) dst(%dma_wait3A_122 : memref<128x128xf32, #tpu.memory_space<hbm>>)
      tpu.yield
    }) : () -> ()
    %mul3A_94 = arith.constant 640 : i32
    %mul3A_95 = arith.muli %arg1, %mul3A_94 : i32
    %add3A_96 = arith.constant 384 : i32
    %add3A_97 = arith.addi %mul3A_95, %add3A_96 : i32
    "tpu.region"() ({
      %run_scoped3A_110 = tpu.sem_alloc : memref<!tpu.dma_semaphore, #tpu.memory_space<semaphore_mem>>
      %dma_start3A_111 = arith.constant 0 : i32
      %dma_start3A_112 = tpu.memref_slice %arg6[%add3A_97, %dma_start3A_111] : memref<10240x128xf32, #tpu.memory_space<vmem_shared>> -> memref<128x128xf32, #tpu.memory_space<vmem_shared>>
      %dma_start3A_113 = arith.constant 0 : i32
      %dma_start3A_114 = tpu.memref_slice %arg6[%add3A_97, %dma_start3A_113] : memref<10240x128xf32, #tpu.memory_space<vmem_shared>> -> memref<128x128xf32, #tpu.memory_space<vmem_shared>>
      tpu.enqueue_dma source(%dma_start3A_114 : memref<128x128xf32, #tpu.memory_space<vmem_shared>>) target(%arg9 : memref<128x128xf32, #tpu.memory_space<vmem>>) target_semaphore(%run_scoped3A_110 : memref<!tpu.dma_semaphore, #tpu.memory_space<semaphore_mem>>)
      %dma_wait3A_115 = arith.constant 0 : i32
      %dma_wait3A_116 = tpu.memref_slice %arg6[%add3A_97, %dma_wait3A_115] : memref<10240x128xf32, #tpu.memory_space<vmem_shared>> -> memref<128x128xf32, #tpu.memory_space<vmem_shared>>
      %dma_wait3A_117 = arith.constant 0 : i32
      %dma_wait3A_118 = tpu.memref_slice %arg6[%add3A_97, %dma_wait3A_117] : memref<10240x128xf32, #tpu.memory_space<vmem_shared>> -> memref<128x128xf32, #tpu.memory_space<vmem_shared>>
      tpu.wait_dma2 semaphore(%run_scoped3A_110 : memref<!tpu.dma_semaphore, #tpu.memory_space<semaphore_mem>>) src(%dma_wait3A_118 : memref<128x128xf32, #tpu.memory_space<vmem_shared>>) dst(%arg9 : memref<128x128xf32, #tpu.memory_space<vmem>>)
      tpu.yield
    }) : () -> ()
    %mul3A_98 = arith.constant 640 : i32
    %mul3A_99 = arith.muli %arg1, %mul3A_98 : i32
    %add3A_100 = arith.constant 384 : i32
    %add3A_101 = arith.addi %mul3A_99, %add3A_100 : i32
    "tpu.region"() ({
      %run_scoped3A_110 = tpu.sem_alloc : memref<!tpu.dma_semaphore, #tpu.memory_space<semaphore_mem>>
      %dma_start3A_111 = arith.constant 0 : i32
      %dma_start3A_112 = tpu.memref_slice %arg5[%arg0, %add3A_101, %dma_start3A_111] : memref<2x10240x128xf32, #tpu.memory_space<hbm>> -> memref<1x128x128xf32, #tpu.memory_space<hbm>>
      %dma_start3A_113 = tpu.memref_squeeze %dma_start3A_112 : memref<1x128x128xf32, #tpu.memory_space<hbm>> -> memref<128x128xf32, #tpu.memory_space<hbm>>
      %dma_start3A_114 = arith.constant 0 : i32
      %dma_start3A_115 = tpu.memref_slice %arg5[%arg0, %add3A_101, %dma_start3A_114] : memref<2x10240x128xf32, #tpu.memory_space<hbm>> -> memref<1x128x128xf32, #tpu.memory_space<hbm>>
      %dma_start3A_116 = tpu.memref_squeeze %dma_start3A_115 : memref<1x128x128xf32, #tpu.memory_space<hbm>> -> memref<128x128xf32, #tpu.memory_space<hbm>>
      tpu.enqueue_dma source(%arg9 : memref<128x128xf32, #tpu.memory_space<vmem>>) target(%dma_start3A_116 : memref<128x128xf32, #tpu.memory_space<hbm>>) target_semaphore(%run_scoped3A_110 : memref<!tpu.dma_semaphore, #tpu.memory_space<semaphore_mem>>)
      %dma_wait3A_117 = arith.constant 0 : i32
      %dma_wait3A_118 = tpu.memref_slice %arg5[%arg0, %add3A_101, %dma_wait3A_117] : memref<2x10240x128xf32, #tpu.memory_space<hbm>> -> memref<1x128x128xf32, #tpu.memory_space<hbm>>
      %dma_wait3A_119 = tpu.memref_squeeze %dma_wait3A_118 : memref<1x128x128xf32, #tpu.memory_space<hbm>> -> memref<128x128xf32, #tpu.memory_space<hbm>>
      %dma_wait3A_120 = arith.constant 0 : i32
      %dma_wait3A_121 = tpu.memref_slice %arg5[%arg0, %add3A_101, %dma_wait3A_120] : memref<2x10240x128xf32, #tpu.memory_space<hbm>> -> memref<1x128x128xf32, #tpu.memory_space<hbm>>
      %dma_wait3A_122 = tpu.memref_squeeze %dma_wait3A_121 : memref<1x128x128xf32, #tpu.memory_space<hbm>> -> memref<128x128xf32, #tpu.memory_space<hbm>>
      tpu.wait_dma2 semaphore(%run_scoped3A_110 : memref<!tpu.dma_semaphore, #tpu.memory_space<semaphore_mem>>) src(%arg9 : memref<128x128xf32, #tpu.memory_space<vmem>>) dst(%dma_wait3A_122 : memref<128x128xf32, #tpu.memory_space<hbm>>)
      tpu.yield
    }) : () -> ()
    %mul3A_102 = arith.constant 640 : i32
    %mul3A_103 = arith.muli %arg1, %mul3A_102 : i32
    %add3A_104 = arith.constant 512 : i32
    %add3A_105 = arith.addi %mul3A_103, %add3A_104 : i32
    "tpu.region"() ({
      %run_scoped3A_110 = tpu.sem_alloc : memref<!tpu.dma_semaphore, #tpu.memory_space<semaphore_mem>>
      %dma_start3A_111 = arith.constant 0 : i32
      %dma_start3A_112 = tpu.memref_slice %arg6[%add3A_105, %dma_start3A_111] : memref<10240x128xf32, #tpu.memory_space<vmem_shared>> -> memref<128x128xf32, #tpu.memory_space<vmem_shared>>
      %dma_start3A_113 = arith.constant 0 : i32
      %dma_start3A_114 = tpu.memref_slice %arg6[%add3A_105, %dma_start3A_113] : memref<10240x128xf32, #tpu.memory_space<vmem_shared>> -> memref<128x128xf32, #tpu.memory_space<vmem_shared>>
      tpu.enqueue_dma source(%dma_start3A_114 : memref<128x128xf32, #tpu.memory_space<vmem_shared>>) target(%arg9 : memref<128x128xf32, #tpu.memory_space<vmem>>) target_semaphore(%run_scoped3A_110 : memref<!tpu.dma_semaphore, #tpu.memory_space<semaphore_mem>>)
      %dma_wait3A_115 = arith.constant 0 : i32
      %dma_wait3A_116 = tpu.memref_slice %arg6[%add3A_105, %dma_wait3A_115] : memref<10240x128xf32, #tpu.memory_space<vmem_shared>> -> memref<128x128xf32, #tpu.memory_space<vmem_shared>>
      %dma_wait3A_117 = arith.constant 0 : i32
      %dma_wait3A_118 = tpu.memref_slice %arg6[%add3A_105, %dma_wait3A_117] : memref<10240x128xf32, #tpu.memory_space<vmem_shared>> -> memref<128x128xf32, #tpu.memory_space<vmem_shared>>
      tpu.wait_dma2 semaphore(%run_scoped3A_110 : memref<!tpu.dma_semaphore, #tpu.memory_space<semaphore_mem>>) src(%dma_wait3A_118 : memref<128x128xf32, #tpu.memory_space<vmem_shared>>) dst(%arg9 : memref<128x128xf32, #tpu.memory_space<vmem>>)
      tpu.yield
    }) : () -> ()
    %mul3A_106 = arith.constant 640 : i32
    %mul3A_107 = arith.muli %arg1, %mul3A_106 : i32
    %add3A_108 = arith.constant 512 : i32
    %add3A_109 = arith.addi %mul3A_107, %add3A_108 : i32
    "tpu.region"() ({
      %run_scoped3A_110 = tpu.sem_alloc : memref<!tpu.dma_semaphore, #tpu.memory_space<semaphore_mem>>
      %dma_start3A_111 = arith.constant 0 : i32
      %dma_start3A_112 = tpu.memref_slice %arg5[%arg0, %add3A_109, %dma_start3A_111] : memref<2x10240x128xf32, #tpu.memory_space<hbm>> -> memref<1x128x128xf32, #tpu.memory_space<hbm>>
      %dma_start3A_113 = tpu.memref_squeeze %dma_start3A_112 : memref<1x128x128xf32, #tpu.memory_space<hbm>> -> memref<128x128xf32, #tpu.memory_space<hbm>>
      %dma_start3A_114 = arith.constant 0 : i32
      %dma_start3A_115 = tpu.memref_slice %arg5[%arg0, %add3A_109, %dma_start3A_114] : memref<2x10240x128xf32, #tpu.memory_space<hbm>> -> memref<1x128x128xf32, #tpu.memory_space<hbm>>
      %dma_start3A_116 = tpu.memref_squeeze %dma_start3A_115 : memref<1x128x128xf32, #tpu.memory_space<hbm>> -> memref<128x128xf32, #tpu.memory_space<hbm>>
      tpu.enqueue_dma source(%arg9 : memref<128x128xf32, #tpu.memory_space<vmem>>) target(%dma_start3A_116 : memref<128x128xf32, #tpu.memory_space<hbm>>) target_semaphore(%run_scoped3A_110 : memref<!tpu.dma_semaphore, #tpu.memory_space<semaphore_mem>>)
      %dma_wait3A_117 = arith.constant 0 : i32
      %dma_wait3A_118 = tpu.memref_slice %arg5[%arg0, %add3A_109, %dma_wait3A_117] : memref<2x10240x128xf32, #tpu.memory_space<hbm>> -> memref<1x128x128xf32, #tpu.memory_space<hbm>>
      %dma_wait3A_119 = tpu.memref_squeeze %dma_wait3A_118 : memref<1x128x128xf32, #tpu.memory_space<hbm>> -> memref<128x128xf32, #tpu.memory_space<hbm>>
      %dma_wait3A_120 = arith.constant 0 : i32
      %dma_wait3A_121 = tpu.memref_slice %arg5[%arg0, %add3A_109, %dma_wait3A_120] : memref<2x10240x128xf32, #tpu.memory_space<hbm>> -> memref<1x128x128xf32, #tpu.memory_space<hbm>>
      %dma_wait3A_122 = tpu.memref_squeeze %dma_wait3A_121 : memref<1x128x128xf32, #tpu.memory_space<hbm>> -> memref<128x128xf32, #tpu.memory_space<hbm>>
      tpu.wait_dma2 semaphore(%run_scoped3A_110 : memref<!tpu.dma_semaphore, #tpu.memory_space<semaphore_mem>>) src(%arg9 : memref<128x128xf32, #tpu.memory_space<vmem>>) dst(%dma_wait3A_122 : memref<128x128xf32, #tpu.memory_space<hbm>>)
      tpu.yield
    }) : () -> ()
    return
  }
}

#map = affine_map<(d0, d1) -> (0, 0)>
#map1 = affine_map<(d0, d1) -> (0, 0, 0, 0)>
#map2 = affine_map<(d0, d1) -> (0, 0, 0)>
module attributes {stable_mosaic.version = 14 : i64} {
  func.func @_gather_scatter_kernel(%arg0: i32, %arg1: i32, %arg2: memref<10240x128xf32, #tpu.memory_space<hbm>>, %arg3: memref<32x2x41x128xi32, #tpu.memory_space<hbm>>, %arg4: memref<32x2x41x128xi32, #tpu.memory_space<hbm>>, %arg5: memref<2x10240x128xf32, #tpu.memory_space<hbm>>, %arg6: memref<10240x128xf32, #tpu.memory_space<vmem_shared>>, %arg7: memref<41x128xi32, #tpu.memory_space<vmem>>, %arg8: memref<41x128xi32, #tpu.memory_space<vmem>>, %arg9: memref<128x128xf32, #tpu.memory_space<vmem>>, %arg10: memref<128x128xf32, #tpu.memory_space<vmem>>, %arg11: memref<!tpu.dma_semaphore, #tpu.memory_space<semaphore_mem>>, %arg12: memref<!tpu.dma_semaphore, #tpu.memory_space<semaphore_mem>>) attributes {dimension_semantics = [#tpu.dimension_semantics<core_parallel>, #tpu.dimension_semantics<subcore_parallel>], iteration_bounds = array<i64: 2, 16>, scalar_prefetch = 0 : i64, scratch_operands = 7 : i64, tpu.core_type = #tpu.core_type<sc_vector_subcore>, window_params = [{transform_indices = #map}, {transform_indices = #map1}, {transform_indices = #map1}, {transform_indices = #map2}]} {
    %mul3A = arith.constant 16 : i32
    %mul3A_0 = arith.muli %arg0, %mul3A : i32
    %add3A = arith.addi %mul3A_0, %arg1 : i32
    %scan3A = arith.constant 0 : i32
    %scan3A_1 = arith.constant 0 : i32
    %scan3A_2 = arith.constant 128 : i32
    %scan3A_3 = arith.addi %scan3A_1, %scan3A_2 : i32
    %scan3A_4 = arith.constant 1 : i32
    scf.for %scan3A_110 = %scan3A_1 to %scan3A_3 step %scan3A_4  : i32 {
      %broadcast_in_dim3A = arith.constant 0.000000e+00 : f32
      %broadcast_in_dim3A_111 = vector.broadcast %broadcast_in_dim3A : f32 to vector<16xf32>
      %swap3A = arith.index_cast %scan3A_110 : i32 to index
      %swap3A_112 = arith.constant 0 : index
      %swap3A_113 = tpu.vector_load %arg9[%swap3A, %swap3A_112] {strides = array<i32>} : memref<128x128xf32, #tpu.memory_space<vmem>>, vector<1x16xf32>,
      %swap3A_114 = vector.shape_cast %swap3A_113 : vector<1x16xf32> to vector<16xf32>
      %swap3A_115 = vector.shape_cast %broadcast_in_dim3A_111 : vector<16xf32> to vector<1x16xf32>
      tpu.vector_store %arg9[%swap3A, %swap3A_112], %swap3A_115 {strides = array<i32>} : memref<128x128xf32, #tpu.memory_space<vmem>>, vector<1x16xf32>,
      %broadcast_in_dim3A_116 = arith.constant 0.000000e+00 : f32
      %broadcast_in_dim3A_117 = vector.broadcast %broadcast_in_dim3A_116 : f32 to vector<16xf32>
      %swap3A_118 = arith.index_cast %scan3A_110 : i32 to index
      %swap3A_119 = arith.constant 16 : index
      %swap3A_120 = tpu.vector_load %arg9[%swap3A_118, %swap3A_119] {strides = array<i32>} : memref<128x128xf32, #tpu.memory_space<vmem>>, vector<1x16xf32>,
      %swap3A_121 = vector.shape_cast %swap3A_120 : vector<1x16xf32> to vector<16xf32>
      %swap3A_122 = vector.shape_cast %broadcast_in_dim3A_117 : vector<16xf32> to vector<1x16xf32>
      tpu.vector_store %arg9[%swap3A_118, %swap3A_119], %swap3A_122 {strides = array<i32>} : memref<128x128xf32, #tpu.memory_space<vmem>>, vector<1x16xf32>,
      %broadcast_in_dim3A_123 = arith.constant 0.000000e+00 : f32
      %broadcast_in_dim3A_124 = vector.broadcast %broadcast_in_dim3A_123 : f32 to vector<16xf32>
      %swap3A_125 = arith.index_cast %scan3A_110 : i32 to index
      %swap3A_126 = arith.constant 32 : index
      %swap3A_127 = tpu.vector_load %arg9[%swap3A_125, %swap3A_126] {strides = array<i32>} : memref<128x128xf32, #tpu.memory_space<vmem>>, vector<1x16xf32>,
      %swap3A_128 = vector.shape_cast %swap3A_127 : vector<1x16xf32> to vector<16xf32>
      %swap3A_129 = vector.shape_cast %broadcast_in_dim3A_124 : vector<16xf32> to vector<1x16xf32>
      tpu.vector_store %arg9[%swap3A_125, %swap3A_126], %swap3A_129 {strides = array<i32>} : memref<128x128xf32, #tpu.memory_space<vmem>>, vector<1x16xf32>,
      %broadcast_in_dim3A_130 = arith.constant 0.000000e+00 : f32
      %broadcast_in_dim3A_131 = vector.broadcast %broadcast_in_dim3A_130 : f32 to vector<16xf32>
      %swap3A_132 = arith.index_cast %scan3A_110 : i32 to index
      %swap3A_133 = arith.constant 48 : index
      %swap3A_134 = tpu.vector_load %arg9[%swap3A_132, %swap3A_133] {strides = array<i32>} : memref<128x128xf32, #tpu.memory_space<vmem>>, vector<1x16xf32>,
      %swap3A_135 = vector.shape_cast %swap3A_134 : vector<1x16xf32> to vector<16xf32>
      %swap3A_136 = vector.shape_cast %broadcast_in_dim3A_131 : vector<16xf32> to vector<1x16xf32>
      tpu.vector_store %arg9[%swap3A_132, %swap3A_133], %swap3A_136 {strides = array<i32>} : memref<128x128xf32, #tpu.memory_space<vmem>>, vector<1x16xf32>,
      %broadcast_in_dim3A_137 = arith.constant 0.000000e+00 : f32
      %broadcast_in_dim3A_138 = vector.broadcast %broadcast_in_dim3A_137 : f32 to vector<16xf32>
      %swap3A_139 = arith.index_cast %scan3A_110 : i32 to index
      %swap3A_140 = arith.constant 64 : index
      %swap3A_141 = tpu.vector_load %arg9[%swap3A_139, %swap3A_140] {strides = array<i32>} : memref<128x128xf32, #tpu.memory_space<vmem>>, vector<1x16xf32>,
      %swap3A_142 = vector.shape_cast %swap3A_141 : vector<1x16xf32> to vector<16xf32>
      %swap3A_143 = vector.shape_cast %broadcast_in_dim3A_138 : vector<16xf32> to vector<1x16xf32>
      tpu.vector_store %arg9[%swap3A_139, %swap3A_140], %swap3A_143 {strides = array<i32>} : memref<128x128xf32, #tpu.memory_space<vmem>>, vector<1x16xf32>,
      %broadcast_in_dim3A_144 = arith.constant 0.000000e+00 : f32
      %broadcast_in_dim3A_145 = vector.broadcast %broadcast_in_dim3A_144 : f32 to vector<16xf32>
      %swap3A_146 = arith.index_cast %scan3A_110 : i32 to index
      %swap3A_147 = arith.constant 80 : index
      %swap3A_148 = tpu.vector_load %arg9[%swap3A_146, %swap3A_147] {strides = array<i32>} : memref<128x128xf32, #tpu.memory_space<vmem>>, vector<1x16xf32>,
      %swap3A_149 = vector.shape_cast %swap3A_148 : vector<1x16xf32> to vector<16xf32>
      %swap3A_150 = vector.shape_cast %broadcast_in_dim3A_145 : vector<16xf32> to vector<1x16xf32>
      tpu.vector_store %arg9[%swap3A_146, %swap3A_147], %swap3A_150 {strides = array<i32>} : memref<128x128xf32, #tpu.memory_space<vmem>>, vector<1x16xf32>,
      %broadcast_in_dim3A_151 = arith.constant 0.000000e+00 : f32
      %broadcast_in_dim3A_152 = vector.broadcast %broadcast_in_dim3A_151 : f32 to vector<16xf32>
      %swap3A_153 = arith.index_cast %scan3A_110 : i32 to index
      %swap3A_154 = arith.constant 96 : index
      %swap3A_155 = tpu.vector_load %arg9[%swap3A_153, %swap3A_154] {strides = array<i32>} : memref<128x128xf32, #tpu.memory_space<vmem>>, vector<1x16xf32>,
      %swap3A_156 = vector.shape_cast %swap3A_155 : vector<1x16xf32> to vector<16xf32>
      %swap3A_157 = vector.shape_cast %broadcast_in_dim3A_152 : vector<16xf32> to vector<1x16xf32>
      tpu.vector_store %arg9[%swap3A_153, %swap3A_154], %swap3A_157 {strides = array<i32>} : memref<128x128xf32, #tpu.memory_space<vmem>>, vector<1x16xf32>,
      %broadcast_in_dim3A_158 = arith.constant 0.000000e+00 : f32
      %broadcast_in_dim3A_159 = vector.broadcast %broadcast_in_dim3A_158 : f32 to vector<16xf32>
      %swap3A_160 = arith.index_cast %scan3A_110 : i32 to index
      %swap3A_161 = arith.constant 112 : index
      %swap3A_162 = tpu.vector_load %arg9[%swap3A_160, %swap3A_161] {strides = array<i32>} : memref<128x128xf32, #tpu.memory_space<vmem>>, vector<1x16xf32>,
      %swap3A_163 = vector.shape_cast %swap3A_162 : vector<1x16xf32> to vector<16xf32>
      %swap3A_164 = vector.shape_cast %broadcast_in_dim3A_159 : vector<16xf32> to vector<1x16xf32>
      tpu.vector_store %arg9[%swap3A_160, %swap3A_161], %swap3A_164 {strides = array<i32>} : memref<128x128xf32, #tpu.memory_space<vmem>>, vector<1x16xf32>,
    }
    %scan3A_5 = arith.constant 128 : i32
    %mul3A_6 = arith.constant 640 : i32
    %mul3A_7 = arith.muli %arg1, %mul3A_6 : i32
    %add3A_8 = arith.constant 0 : i32
    %add3A_9 = arith.addi %mul3A_7, %add3A_8 : i32
    "tpu.region"() ({
      %run_scoped3A_110 = tpu.sem_alloc : memref<!tpu.dma_semaphore, #tpu.memory_space<semaphore_mem>>
      %dma_start3A_111 = arith.constant 0 : i32
      %dma_start3A_112 = tpu.memref_slice %arg6[%add3A_9, %dma_start3A_111] : memref<10240x128xf32, #tpu.memory_space<vmem_shared>> -> memref<128x128xf32, #tpu.memory_space<vmem_shared>>
      %dma_start3A_113 = arith.constant 0 : i32
      %dma_start3A_114 = tpu.memref_slice %arg6[%add3A_9, %dma_start3A_113] : memref<10240x128xf32, #tpu.memory_space<vmem_shared>> -> memref<128x128xf32, #tpu.memory_space<vmem_shared>>
      tpu.enqueue_dma source(%arg9 : memref<128x128xf32, #tpu.memory_space<vmem>>) target(%dma_start3A_114 : memref<128x128xf32, #tpu.memory_space<vmem_shared>>) target_semaphore(%run_scoped3A_110 : memref<!tpu.dma_semaphore, #tpu.memory_space<semaphore_mem>>)
      %dma_wait3A_115 = arith.constant 0 : i32
      %dma_wait3A_116 = tpu.memref_slice %arg6[%add3A_9, %dma_wait3A_115] : memref<10240x128xf32, #tpu.memory_space<vmem_shared>> -> memref<128x128xf32, #tpu.memory_space<vmem_shared>>
      %dma_wait3A_117 = arith.constant 0 : i32
      %dma_wait3A_118 = tpu.memref_slice %arg6[%add3A_9, %dma_wait3A_117] : memref<10240x128xf32, #tpu.memory_space<vmem_shared>> -> memref<128x128xf32, #tpu.memory_space<vmem_shared>>
      tpu.wait_dma2 semaphore(%run_scoped3A_110 : memref<!tpu.dma_semaphore, #tpu.memory_space<semaphore_mem>>) src(%arg9 : memref<128x128xf32, #tpu.memory_space<vmem>>) dst(%dma_wait3A_118 : memref<128x128xf32, #tpu.memory_space<vmem_shared>>)
      tpu.yield
    }) : () -> ()
    %mul3A_10 = arith.constant 640 : i32
    %mul3A_11 = arith.muli %arg1, %mul3A_10 : i32
    %add3A_12 = arith.constant 128 : i32
    %add3A_13 = arith.addi %mul3A_11, %add3A_12 : i32
    "tpu.region"() ({
      %run_scoped3A_110 = tpu.sem_alloc : memref<!tpu.dma_semaphore, #tpu.memory_space<semaphore_mem>>
      %dma_start3A_111 = arith.constant 0 : i32
      %dma_start3A_112 = tpu.memref_slice %arg6[%add3A_13, %dma_start3A_111] : memref<10240x128xf32, #tpu.memory_space<vmem_shared>> -> memref<128x128xf32, #tpu.memory_space<vmem_shared>>
      %dma_start3A_113 = arith.constant 0 : i32
      %dma_start3A_114 = tpu.memref_slice %arg6[%add3A_13, %dma_start3A_113] : memref<10240x128xf32, #tpu.memory_space<vmem_shared>> -> memref<128x128xf32, #tpu.memory_space<vmem_shared>>
      tpu.enqueue_dma source(%arg9 : memref<128x128xf32, #tpu.memory_space<vmem>>) target(%dma_start3A_114 : memref<128x128xf32, #tpu.memory_space<vmem_shared>>) target_semaphore(%run_scoped3A_110 : memref<!tpu.dma_semaphore, #tpu.memory_space<semaphore_mem>>)
      %dma_wait3A_115 = arith.constant 0 : i32
      %dma_wait3A_116 = tpu.memref_slice %arg6[%add3A_13, %dma_wait3A_115] : memref<10240x128xf32, #tpu.memory_space<vmem_shared>> -> memref<128x128xf32, #tpu.memory_space<vmem_shared>>
      %dma_wait3A_117 = arith.constant 0 : i32
      %dma_wait3A_118 = tpu.memref_slice %arg6[%add3A_13, %dma_wait3A_117] : memref<10240x128xf32, #tpu.memory_space<vmem_shared>> -> memref<128x128xf32, #tpu.memory_space<vmem_shared>>
      tpu.wait_dma2 semaphore(%run_scoped3A_110 : memref<!tpu.dma_semaphore, #tpu.memory_space<semaphore_mem>>) src(%arg9 : memref<128x128xf32, #tpu.memory_space<vmem>>) dst(%dma_wait3A_118 : memref<128x128xf32, #tpu.memory_space<vmem_shared>>)
      tpu.yield
    }) : () -> ()
    %mul3A_14 = arith.constant 640 : i32
    %mul3A_15 = arith.muli %arg1, %mul3A_14 : i32
    %add3A_16 = arith.constant 256 : i32
    %add3A_17 = arith.addi %mul3A_15, %add3A_16 : i32
    "tpu.region"() ({
      %run_scoped3A_110 = tpu.sem_alloc : memref<!tpu.dma_semaphore, #tpu.memory_space<semaphore_mem>>
      %dma_start3A_111 = arith.constant 0 : i32
      %dma_start3A_112 = tpu.memref_slice %arg6[%add3A_17, %dma_start3A_111] : memref<10240x128xf32, #tpu.memory_space<vmem_shared>> -> memref<128x128xf32, #tpu.memory_space<vmem_shared>>
      %dma_start3A_113 = arith.constant 0 : i32
      %dma_start3A_114 = tpu.memref_slice %arg6[%add3A_17, %dma_start3A_113] : memref<10240x128xf32, #tpu.memory_space<vmem_shared>> -> memref<128x128xf32, #tpu.memory_space<vmem_shared>>
      tpu.enqueue_dma source(%arg9 : memref<128x128xf32, #tpu.memory_space<vmem>>) target(%dma_start3A_114 : memref<128x128xf32, #tpu.memory_space<vmem_shared>>) target_semaphore(%run_scoped3A_110 : memref<!tpu.dma_semaphore, #tpu.memory_space<semaphore_mem>>)
      %dma_wait3A_115 = arith.constant 0 : i32
      %dma_wait3A_116 = tpu.memref_slice %arg6[%add3A_17, %dma_wait3A_115] : memref<10240x128xf32, #tpu.memory_space<vmem_shared>> -> memref<128x128xf32, #tpu.memory_space<vmem_shared>>
      %dma_wait3A_117 = arith.constant 0 : i32
      %dma_wait3A_118 = tpu.memref_slice %arg6[%add3A_17, %dma_wait3A_117] : memref<10240x128xf32, #tpu.memory_space<vmem_shared>> -> memref<128x128xf32, #tpu.memory_space<vmem_shared>>
      tpu.wait_dma2 semaphore(%run_scoped3A_110 : memref<!tpu.dma_semaphore, #tpu.memory_space<semaphore_mem>>) src(%arg9 : memref<128x128xf32, #tpu.memory_space<vmem>>) dst(%dma_wait3A_118 : memref<128x128xf32, #tpu.memory_space<vmem_shared>>)
      tpu.yield
    }) : () -> ()
    %mul3A_18 = arith.constant 640 : i32
    %mul3A_19 = arith.muli %arg1, %mul3A_18 : i32
    %add3A_20 = arith.constant 384 : i32
    %add3A_21 = arith.addi %mul3A_19, %add3A_20 : i32
    "tpu.region"() ({
      %run_scoped3A_110 = tpu.sem_alloc : memref<!tpu.dma_semaphore, #tpu.memory_space<semaphore_mem>>
      %dma_start3A_111 = arith.constant 0 : i32
      %dma_start3A_112 = tpu.memref_slice %arg6[%add3A_21, %dma_start3A_111] : memref<10240x128xf32, #tpu.memory_space<vmem_shared>> -> memref<128x128xf32, #tpu.memory_space<vmem_shared>>
      %dma_start3A_113 = arith.constant 0 : i32
      %dma_start3A_114 = tpu.memref_slice %arg6[%add3A_21, %dma_start3A_113] : memref<10240x128xf32, #tpu.memory_space<vmem_shared>> -> memref<128x128xf32, #tpu.memory_space<vmem_shared>>
      tpu.enqueue_dma source(%arg9 : memref<128x128xf32, #tpu.memory_space<vmem>>) target(%dma_start3A_114 : memref<128x128xf32, #tpu.memory_space<vmem_shared>>) target_semaphore(%run_scoped3A_110 : memref<!tpu.dma_semaphore, #tpu.memory_space<semaphore_mem>>)
      %dma_wait3A_115 = arith.constant 0 : i32
      %dma_wait3A_116 = tpu.memref_slice %arg6[%add3A_21, %dma_wait3A_115] : memref<10240x128xf32, #tpu.memory_space<vmem_shared>> -> memref<128x128xf32, #tpu.memory_space<vmem_shared>>
      %dma_wait3A_117 = arith.constant 0 : i32
      %dma_wait3A_118 = tpu.memref_slice %arg6[%add3A_21, %dma_wait3A_117] : memref<10240x128xf32, #tpu.memory_space<vmem_shared>> -> memref<128x128xf32, #tpu.memory_space<vmem_shared>>
      tpu.wait_dma2 semaphore(%run_scoped3A_110 : memref<!tpu.dma_semaphore, #tpu.memory_space<semaphore_mem>>) src(%arg9 : memref<128x128xf32, #tpu.memory_space<vmem>>) dst(%dma_wait3A_118 : memref<128x128xf32, #tpu.memory_space<vmem_shared>>)
      tpu.yield
    }) : () -> ()
    %mul3A_22 = arith.constant 640 : i32
    %mul3A_23 = arith.muli %arg1, %mul3A_22 : i32
    %add3A_24 = arith.constant 512 : i32
    %add3A_25 = arith.addi %mul3A_23, %add3A_24 : i32
    "tpu.region"() ({
      %run_scoped3A_110 = tpu.sem_alloc : memref<!tpu.dma_semaphore, #tpu.memory_space<semaphore_mem>>
      %dma_start3A_111 = arith.constant 0 : i32
      %dma_start3A_112 = tpu.memref_slice %arg6[%add3A_25, %dma_start3A_111] : memref<10240x128xf32, #tpu.memory_space<vmem_shared>> -> memref<128x128xf32, #tpu.memory_space<vmem_shared>>
      %dma_start3A_113 = arith.constant 0 : i32
      %dma_start3A_114 = tpu.memref_slice %arg6[%add3A_25, %dma_start3A_113] : memref<10240x128xf32, #tpu.memory_space<vmem_shared>> -> memref<128x128xf32, #tpu.memory_space<vmem_shared>>
      tpu.enqueue_dma source(%arg9 : memref<128x128xf32, #tpu.memory_space<vmem>>) target(%dma_start3A_114 : memref<128x128xf32, #tpu.memory_space<vmem_shared>>) target_semaphore(%run_scoped3A_110 : memref<!tpu.dma_semaphore, #tpu.memory_space<semaphore_mem>>)
      %dma_wait3A_115 = arith.constant 0 : i32
      %dma_wait3A_116 = tpu.memref_slice %arg6[%add3A_25, %dma_wait3A_115] : memref<10240x128xf32, #tpu.memory_space<vmem_shared>> -> memref<128x128xf32, #tpu.memory_space<vmem_shared>>
      %dma_wait3A_117 = arith.constant 0 : i32
      %dma_wait3A_118 = tpu.memref_slice %arg6[%add3A_25, %dma_wait3A_117] : memref<10240x128xf32, #tpu.memory_space<vmem_shared>> -> memref<128x128xf32, #tpu.memory_space<vmem_shared>>
      tpu.wait_dma2 semaphore(%run_scoped3A_110 : memref<!tpu.dma_semaphore, #tpu.memory_space<semaphore_mem>>) src(%arg9 : memref<128x128xf32, #tpu.memory_space<vmem>>) dst(%dma_wait3A_118 : memref<128x128xf32, #tpu.memory_space<vmem_shared>>)
      tpu.yield
    }) : () -> ()
    %barrier3A = arith.constant 0 : index
    tpu.barrier barrier_id(%barrier3A)
    %run_scoped3A = arith.constant 0 : i32
    "tpu.region"() ({
      %run_scoped3A_110 = tpu.sem_alloc : memref<!tpu.dma_semaphore, #tpu.memory_space<semaphore_mem>>
      %dma_start3A_111 = arith.constant 0 : i32
      %dma_start3A_112 = arith.constant 0 : i32
      %dma_start3A_113 = tpu.memref_slice %arg3[%add3A, %run_scoped3A, %dma_start3A_111, %dma_start3A_112] : memref<32x2x41x128xi32, #tpu.memory_space<hbm>> -> memref<1x1x41x128xi32, #tpu.memory_space<hbm>>
      %dma_start3A_114 = tpu.memref_squeeze %dma_start3A_113 : memref<1x1x41x128xi32, #tpu.memory_space<hbm>> -> memref<41x128xi32, #tpu.memory_space<hbm>>
      %dma_start3A_115 = arith.constant 0 : i32
      %dma_start3A_116 = arith.constant 0 : i32
      %dma_start3A_117 = tpu.memref_slice %arg3[%add3A, %run_scoped3A, %dma_start3A_115, %dma_start3A_116] : memref<32x2x41x128xi32, #tpu.memory_space<hbm>> -> memref<1x1x41x128xi32, #tpu.memory_space<hbm>>
      %dma_start3A_118 = tpu.memref_squeeze %dma_start3A_117 : memref<1x1x41x128xi32, #tpu.memory_space<hbm>> -> memref<41x128xi32, #tpu.memory_space<hbm>>
      tpu.enqueue_dma source(%dma_start3A_118 : memref<41x128xi32, #tpu.memory_space<hbm>>) target(%arg7 : memref<41x128xi32, #tpu.memory_space<vmem>>) target_semaphore(%run_scoped3A_110 : memref<!tpu.dma_semaphore, #tpu.memory_space<semaphore_mem>>)
      %dma_wait3A_119 = arith.constant 0 : i32
      %dma_wait3A_120 = arith.constant 0 : i32
      %dma_wait3A_121 = tpu.memref_slice %arg3[%add3A, %run_scoped3A, %dma_wait3A_119, %dma_wait3A_120] : memref<32x2x41x128xi32, #tpu.memory_space<hbm>> -> memref<1x1x41x128xi32, #tpu.memory_space<hbm>>
      %dma_wait3A_122 = tpu.memref_squeeze %dma_wait3A_121 : memref<1x1x41x128xi32, #tpu.memory_space<hbm>> -> memref<41x128xi32, #tpu.memory_space<hbm>>
      %dma_wait3A_123 = arith.constant 0 : i32
      %dma_wait3A_124 = arith.constant 0 : i32
      %dma_wait3A_125 = tpu.memref_slice %arg3[%add3A, %run_scoped3A, %dma_wait3A_123, %dma_wait3A_124] : memref<32x2x41x128xi32, #tpu.memory_space<hbm>> -> memref<1x1x41x128xi32, #tpu.memory_space<hbm>>
      %dma_wait3A_126 = tpu.memref_squeeze %dma_wait3A_125 : memref<1x1x41x128xi32, #tpu.memory_space<hbm>> -> memref<41x128xi32, #tpu.memory_space<hbm>>
      tpu.wait_dma2 semaphore(%run_scoped3A_110 : memref<!tpu.dma_semaphore, #tpu.memory_space<semaphore_mem>>) src(%dma_wait3A_126 : memref<41x128xi32, #tpu.memory_space<hbm>>) dst(%arg7 : memref<41x128xi32, #tpu.memory_space<vmem>>)
      tpu.yield
    }) : () -> ()
    %run_scoped3A_26 = arith.constant 0 : i32
    "tpu.region"() ({
      %run_scoped3A_110 = tpu.sem_alloc : memref<!tpu.dma_semaphore, #tpu.memory_space<semaphore_mem>>
      %dma_start3A_111 = arith.constant 0 : i32
      %dma_start3A_112 = arith.constant 0 : i32
      %dma_start3A_113 = tpu.memref_slice %arg4[%add3A, %run_scoped3A_26, %dma_start3A_111, %dma_start3A_112] : memref<32x2x41x128xi32, #tpu.memory_space<hbm>> -> memref<1x1x41x128xi32, #tpu.memory_space<hbm>>
      %dma_start3A_114 = tpu.memref_squeeze %dma_start3A_113 : memref<1x1x41x128xi32, #tpu.memory_space<hbm>> -> memref<41x128xi32, #tpu.memory_space<hbm>>
      %dma_start3A_115 = arith.constant 0 : i32
      %dma_start3A_116 = arith.constant 0 : i32
      %dma_start3A_117 = tpu.memref_slice %arg4[%add3A, %run_scoped3A_26, %dma_start3A_115, %dma_start3A_116] : memref<32x2x41x128xi32, #tpu.memory_space<hbm>> -> memref<1x1x41x128xi32, #tpu.memory_space<hbm>>
      %dma_start3A_118 = tpu.memref_squeeze %dma_start3A_117 : memref<1x1x41x128xi32, #tpu.memory_space<hbm>> -> memref<41x128xi32, #tpu.memory_space<hbm>>
      tpu.enqueue_dma source(%dma_start3A_118 : memref<41x128xi32, #tpu.memory_space<hbm>>) target(%arg8 : memref<41x128xi32, #tpu.memory_space<vmem>>) target_semaphore(%run_scoped3A_110 : memref<!tpu.dma_semaphore, #tpu.memory_space<semaphore_mem>>)
      %dma_wait3A_119 = arith.constant 0 : i32
      %dma_wait3A_120 = arith.constant 0 : i32
      %dma_wait3A_121 = tpu.memref_slice %arg4[%add3A, %run_scoped3A_26, %dma_wait3A_119, %dma_wait3A_120] : memref<32x2x41x128xi32, #tpu.memory_space<hbm>> -> memref<1x1x41x128xi32, #tpu.memory_space<hbm>>
      %dma_wait3A_122 = tpu.memref_squeeze %dma_wait3A_121 : memref<1x1x41x128xi32, #tpu.memory_space<hbm>> -> memref<41x128xi32, #tpu.memory_space<hbm>>
      %dma_wait3A_123 = arith.constant 0 : i32
      %dma_wait3A_124 = arith.constant 0 : i32
      %dma_wait3A_125 = tpu.memref_slice %arg4[%add3A, %run_scoped3A_26, %dma_wait3A_123, %dma_wait3A_124] : memref<32x2x41x128xi32, #tpu.memory_space<hbm>> -> memref<1x1x41x128xi32, #tpu.memory_space<hbm>>
      %dma_wait3A_126 = tpu.memref_squeeze %dma_wait3A_125 : memref<1x1x41x128xi32, #tpu.memory_space<hbm>> -> memref<41x128xi32, #tpu.memory_space<hbm>>
      tpu.wait_dma2 semaphore(%run_scoped3A_110 : memref<!tpu.dma_semaphore, #tpu.memory_space<semaphore_mem>>) src(%dma_wait3A_126 : memref<41x128xi32, #tpu.memory_space<hbm>>) dst(%arg8 : memref<41x128xi32, #tpu.memory_space<vmem>>)
      tpu.yield
    }) : () -> ()
    %dma_start3A = arith.constant 0 : i32
    %dma_start3A_27 = arith.constant 0 : i32
    %dma_start3A_28 = tpu.memref_slice %arg7[%dma_start3A, %dma_start3A_27] : memref<41x128xi32, #tpu.memory_space<vmem>> -> memref<1x128xi32, #tpu.memory_space<vmem>>
    %dma_start3A_29 = tpu.memref_squeeze %dma_start3A_28 : memref<1x128xi32, #tpu.memory_space<vmem>> -> memref<128xi32, #tpu.memory_space<vmem>>
    %dma_start3A_30 = arith.constant 0 : i32
    %dma_start3A_31 = arith.constant 0 : i32
    %dma_start3A_32 = tpu.memref_slice %arg2[%dma_start3A_30, %dma_start3A_31] : memref<10240x128xf32, #tpu.memory_space<hbm>> -> memref<10240x128xf32, #tpu.memory_space<hbm>>
    tpu.enqueue_indirect_dma source(%dma_start3A_32 : memref<10240x128xf32, #tpu.memory_space<hbm>>) target(%arg9 : memref<128x128xf32, #tpu.memory_space<vmem>>) offsets(%dma_start3A_29 : memref<128xi32, #tpu.memory_space<vmem>>) semaphore(%arg11 : memref<!tpu.dma_semaphore, #tpu.memory_space<semaphore_mem>>)
    %scan3A_33 = arith.constant 0 : i32
    %scan3A_34 = arith.constant 0 : i32
    %scan3A_35 = arith.constant 20 : i32
    %scan3A_36 = arith.addi %scan3A_34, %scan3A_35 : i32
    %scan3A_37 = arith.constant 1 : i32
    scf.for %scan3A_110 = %scan3A_34 to %scan3A_36 step %scan3A_37  : i32 {
      %mul3A_111 = arith.constant 2 : i32
      %mul3A_112 = arith.muli %mul3A_111, %scan3A_110 : i32
      %mul3A_113 = arith.constant 2 : i32
      %mul3A_114 = arith.muli %mul3A_113, %scan3A_110 : i32
      %add3A_115 = arith.constant 1 : i32
      %add3A_116 = arith.addi %mul3A_114, %add3A_115 : i32
      %mul3A_117 = arith.constant 2 : i32
      %mul3A_118 = arith.muli %mul3A_117, %scan3A_110 : i32
      %add3A_119 = arith.constant 2 : i32
      %add3A_120 = arith.addi %mul3A_118, %add3A_119 : i32
      %min3A = arith.constant 40 : i32
      %min3A_121 = arith.minsi %add3A_120, %min3A : i32
      %dma_wait3A_122 = arith.constant 0 : i32
      %dma_wait3A_123 = arith.constant 0 : i32
      %dma_wait3A_124 = tpu.memref_slice %arg7[%dma_wait3A_122, %dma_wait3A_123] : memref<41x128xi32, #tpu.memory_space<vmem>> -> memref<1x128xi32, #tpu.memory_space<vmem>>
      %dma_wait3A_125 = tpu.memref_squeeze %dma_wait3A_124 : memref<1x128xi32, #tpu.memory_space<vmem>> -> memref<128xi32, #tpu.memory_space<vmem>>
      %dma_wait3A_126 = arith.constant 0 : i32
      %dma_wait3A_127 = arith.constant 0 : i32
      %dma_wait3A_128 = tpu.memref_slice %arg2[%dma_wait3A_126, %dma_wait3A_127] : memref<10240x128xf32, #tpu.memory_space<hbm>> -> memref<10240x128xf32, #tpu.memory_space<hbm>>
      tpu.wait_indirect_dma semaphore(%arg11 : memref<!tpu.dma_semaphore, #tpu.memory_space<semaphore_mem>>) src(%dma_wait3A_128 : memref<10240x128xf32, #tpu.memory_space<hbm>>) dst(%arg9 : memref<128x128xf32, #tpu.memory_space<vmem>>)
      %dma_start3A_129 = arith.constant 0 : i32
      %dma_start3A_130 = tpu.memref_slice %arg7[%add3A_116, %dma_start3A_129] : memref<41x128xi32, #tpu.memory_space<vmem>> -> memref<1x128xi32, #tpu.memory_space<vmem>>
      %dma_start3A_131 = tpu.memref_squeeze %dma_start3A_130 : memref<1x128xi32, #tpu.memory_space<vmem>> -> memref<128xi32, #tpu.memory_space<vmem>>
      %dma_start3A_132 = arith.constant 0 : i32
      %dma_start3A_133 = arith.constant 0 : i32
      %dma_start3A_134 = tpu.memref_slice %arg2[%dma_start3A_132, %dma_start3A_133] : memref<10240x128xf32, #tpu.memory_space<hbm>> -> memref<10240x128xf32, #tpu.memory_space<hbm>>
      tpu.enqueue_indirect_dma source(%dma_start3A_134 : memref<10240x128xf32, #tpu.memory_space<hbm>>) target(%arg10 : memref<128x128xf32, #tpu.memory_space<vmem>>) offsets(%dma_start3A_131 : memref<128xi32, #tpu.memory_space<vmem>>) semaphore(%arg12 : memref<!tpu.dma_semaphore, #tpu.memory_space<semaphore_mem>>)
      "tpu.region"() ({
        %run_scoped3A_148 = tpu.sem_alloc : memref<!tpu.dma_semaphore, #tpu.memory_space<semaphore_mem>>
        %dma_start3A_149 = arith.constant 0 : i32
        %dma_start3A_150 = tpu.memref_slice %arg8[%mul3A_112, %dma_start3A_149] : memref<41x128xi32, #tpu.memory_space<vmem>> -> memref<1x128xi32, #tpu.memory_space<vmem>>
        %dma_start3A_151 = tpu.memref_squeeze %dma_start3A_150 : memref<1x128xi32, #tpu.memory_space<vmem>> -> memref<128xi32, #tpu.memory_space<vmem>>
        %dma_start3A_152 = arith.constant 0 : i32
        %dma_start3A_153 = arith.constant 0 : i32
        %dma_start3A_154 = tpu.memref_slice %arg6[%dma_start3A_152, %dma_start3A_153] : memref<10240x128xf32, #tpu.memory_space<vmem_shared>> -> memref<10240x128xf32, #tpu.memory_space<vmem_shared>>
        tpu.enqueue_indirect_dma source(%arg9 : memref<128x128xf32, #tpu.memory_space<vmem>>) target(%dma_start3A_154 : memref<10240x128xf32, #tpu.memory_space<vmem_shared>>) offsets(%dma_start3A_151 : memref<128xi32, #tpu.memory_space<vmem>>) semaphore(%run_scoped3A_148 : memref<!tpu.dma_semaphore, #tpu.memory_space<semaphore_mem>>) {add = true}
        %dma_wait3A_155 = arith.constant 0 : i32
        %dma_wait3A_156 = tpu.memref_slice %arg8[%mul3A_112, %dma_wait3A_155] : memref<41x128xi32, #tpu.memory_space<vmem>> -> memref<1x128xi32, #tpu.memory_space<vmem>>
        %dma_wait3A_157 = tpu.memref_squeeze %dma_wait3A_156 : memref<1x128xi32, #tpu.memory_space<vmem>> -> memref<128xi32, #tpu.memory_space<vmem>>
        %dma_wait3A_158 = arith.constant 0 : i32
        %dma_wait3A_159 = arith.constant 0 : i32
        %dma_wait3A_160 = tpu.memref_slice %arg6[%dma_wait3A_158, %dma_wait3A_159] : memref<10240x128xf32, #tpu.memory_space<vmem_shared>> -> memref<10240x128xf32, #tpu.memory_space<vmem_shared>>
        tpu.wait_indirect_dma semaphore(%run_scoped3A_148 : memref<!tpu.dma_semaphore, #tpu.memory_space<semaphore_mem>>) src(%arg9 : memref<128x128xf32, #tpu.memory_space<vmem>>) dst(%dma_wait3A_160 : memref<10240x128xf32, #tpu.memory_space<vmem_shared>>)
        tpu.yield
      }) : () -> ()
      %dma_wait3A_135 = arith.constant 0 : i32
      %dma_wait3A_136 = arith.constant 0 : i32
      %dma_wait3A_137 = tpu.memref_slice %arg7[%dma_wait3A_135, %dma_wait3A_136] : memref<41x128xi32, #tpu.memory_space<vmem>> -> memref<1x128xi32, #tpu.memory_space<vmem>>
      %dma_wait3A_138 = tpu.memref_squeeze %dma_wait3A_137 : memref<1x128xi32, #tpu.memory_space<vmem>> -> memref<128xi32, #tpu.memory_space<vmem>>
      %dma_wait3A_139 = arith.constant 0 : i32
      %dma_wait3A_140 = arith.constant 0 : i32
      %dma_wait3A_141 = tpu.memref_slice %arg2[%dma_wait3A_139, %dma_wait3A_140] : memref<10240x128xf32, #tpu.memory_space<hbm>> -> memref<10240x128xf32, #tpu.memory_space<hbm>>
      tpu.wait_indirect_dma semaphore(%arg12 : memref<!tpu.dma_semaphore, #tpu.memory_space<semaphore_mem>>) src(%dma_wait3A_141 : memref<10240x128xf32, #tpu.memory_space<hbm>>) dst(%arg10 : memref<128x128xf32, #tpu.memory_space<vmem>>)
      %dma_start3A_142 = arith.constant 0 : i32
      %dma_start3A_143 = tpu.memref_slice %arg7[%min3A_121, %dma_start3A_142] : memref<41x128xi32, #tpu.memory_space<vmem>> -> memref<1x128xi32, #tpu.memory_space<vmem>>
      %dma_start3A_144 = tpu.memref_squeeze %dma_start3A_143 : memref<1x128xi32, #tpu.memory_space<vmem>> -> memref<128xi32, #tpu.memory_space<vmem>>
      %dma_start3A_145 = arith.constant 0 : i32
      %dma_start3A_146 = arith.constant 0 : i32
      %dma_start3A_147 = tpu.memref_slice %arg2[%dma_start3A_145, %dma_start3A_146] : memref<10240x128xf32, #tpu.memory_space<hbm>> -> memref<10240x128xf32, #tpu.memory_space<hbm>>
      tpu.enqueue_indirect_dma source(%dma_start3A_147 : memref<10240x128xf32, #tpu.memory_space<hbm>>) target(%arg9 : memref<128x128xf32, #tpu.memory_space<vmem>>) offsets(%dma_start3A_144 : memref<128xi32, #tpu.memory_space<vmem>>) semaphore(%arg11 : memref<!tpu.dma_semaphore, #tpu.memory_space<semaphore_mem>>)
      "tpu.region"() ({
        %run_scoped3A_148 = tpu.sem_alloc : memref<!tpu.dma_semaphore, #tpu.memory_space<semaphore_mem>>
        %dma_start3A_149 = arith.constant 0 : i32
        %dma_start3A_150 = tpu.memref_slice %arg8[%add3A_116, %dma_start3A_149] : memref<41x128xi32, #tpu.memory_space<vmem>> -> memref<1x128xi32, #tpu.memory_space<vmem>>
        %dma_start3A_151 = tpu.memref_squeeze %dma_start3A_150 : memref<1x128xi32, #tpu.memory_space<vmem>> -> memref<128xi32, #tpu.memory_space<vmem>>
        %dma_start3A_152 = arith.constant 0 : i32
        %dma_start3A_153 = arith.constant 0 : i32
        %dma_start3A_154 = tpu.memref_slice %arg6[%dma_start3A_152, %dma_start3A_153] : memref<10240x128xf32, #tpu.memory_space<vmem_shared>> -> memref<10240x128xf32, #tpu.memory_space<vmem_shared>>
        tpu.enqueue_indirect_dma source(%arg10 : memref<128x128xf32, #tpu.memory_space<vmem>>) target(%dma_start3A_154 : memref<10240x128xf32, #tpu.memory_space<vmem_shared>>) offsets(%dma_start3A_151 : memref<128xi32, #tpu.memory_space<vmem>>) semaphore(%run_scoped3A_148 : memref<!tpu.dma_semaphore, #tpu.memory_space<semaphore_mem>>) {add = true}
        %dma_wait3A_155 = arith.constant 0 : i32
        %dma_wait3A_156 = tpu.memref_slice %arg8[%add3A_116, %dma_wait3A_155] : memref<41x128xi32, #tpu.memory_space<vmem>> -> memref<1x128xi32, #tpu.memory_space<vmem>>
        %dma_wait3A_157 = tpu.memref_squeeze %dma_wait3A_156 : memref<1x128xi32, #tpu.memory_space<vmem>> -> memref<128xi32, #tpu.memory_space<vmem>>
        %dma_wait3A_158 = arith.constant 0 : i32
        %dma_wait3A_159 = arith.constant 0 : i32
        %dma_wait3A_160 = tpu.memref_slice %arg6[%dma_wait3A_158, %dma_wait3A_159] : memref<10240x128xf32, #tpu.memory_space<vmem_shared>> -> memref<10240x128xf32, #tpu.memory_space<vmem_shared>>
        tpu.wait_indirect_dma semaphore(%run_scoped3A_148 : memref<!tpu.dma_semaphore, #tpu.memory_space<semaphore_mem>>) src(%arg10 : memref<128x128xf32, #tpu.memory_space<vmem>>) dst(%dma_wait3A_160 : memref<10240x128xf32, #tpu.memory_space<vmem_shared>>)
        tpu.yield
      }) : () -> ()
    }
    %scan3A_38 = arith.constant 20 : i32
    %dma_wait3A = arith.constant 0 : i32
    %dma_wait3A_39 = arith.constant 0 : i32
    %dma_wait3A_40 = tpu.memref_slice %arg7[%dma_wait3A, %dma_wait3A_39] : memref<41x128xi32, #tpu.memory_space<vmem>> -> memref<1x128xi32, #tpu.memory_space<vmem>>
    %dma_wait3A_41 = tpu.memref_squeeze %dma_wait3A_40 : memref<1x128xi32, #tpu.memory_space<vmem>> -> memref<128xi32, #tpu.memory_space<vmem>>
    %dma_wait3A_42 = arith.constant 0 : i32
    %dma_wait3A_43 = arith.constant 0 : i32
    %dma_wait3A_44 = tpu.memref_slice %arg2[%dma_wait3A_42, %dma_wait3A_43] : memref<10240x128xf32, #tpu.memory_space<hbm>> -> memref<10240x128xf32, #tpu.memory_space<hbm>>
    tpu.wait_indirect_dma semaphore(%arg11 : memref<!tpu.dma_semaphore, #tpu.memory_space<semaphore_mem>>) src(%dma_wait3A_44 : memref<10240x128xf32, #tpu.memory_space<hbm>>) dst(%arg9 : memref<128x128xf32, #tpu.memory_space<vmem>>)
    %run_scoped3A_45 = arith.constant 40 : i32
    "tpu.region"() ({
      %run_scoped3A_110 = tpu.sem_alloc : memref<!tpu.dma_semaphore, #tpu.memory_space<semaphore_mem>>
      %dma_start3A_111 = arith.constant 0 : i32
      %dma_start3A_112 = tpu.memref_slice %arg8[%run_scoped3A_45, %dma_start3A_111] : memref<41x128xi32, #tpu.memory_space<vmem>> -> memref<1x128xi32, #tpu.memory_space<vmem>>
      %dma_start3A_113 = tpu.memref_squeeze %dma_start3A_112 : memref<1x128xi32, #tpu.memory_space<vmem>> -> memref<128xi32, #tpu.memory_space<vmem>>
      %dma_start3A_114 = arith.constant 0 : i32
      %dma_start3A_115 = arith.constant 0 : i32
      %dma_start3A_116 = tpu.memref_slice %arg6[%dma_start3A_114, %dma_start3A_115] : memref<10240x128xf32, #tpu.memory_space<vmem_shared>> -> memref<10240x128xf32, #tpu.memory_space<vmem_shared>>
      tpu.enqueue_indirect_dma source(%arg9 : memref<128x128xf32, #tpu.memory_space<vmem>>) target(%dma_start3A_116 : memref<10240x128xf32, #tpu.memory_space<vmem_shared>>) offsets(%dma_start3A_113 : memref<128xi32, #tpu.memory_space<vmem>>) semaphore(%run_scoped3A_110 : memref<!tpu.dma_semaphore, #tpu.memory_space<semaphore_mem>>) {add = true}
      %dma_wait3A_117 = arith.constant 0 : i32
      %dma_wait3A_118 = tpu.memref_slice %arg8[%run_scoped3A_45, %dma_wait3A_117] : memref<41x128xi32, #tpu.memory_space<vmem>> -> memref<1x128xi32, #tpu.memory_space<vmem>>
      %dma_wait3A_119 = tpu.memref_squeeze %dma_wait3A_118 : memref<1x128xi32, #tpu.memory_space<vmem>> -> memref<128xi32, #tpu.memory_space<vmem>>
      %dma_wait3A_120 = arith.constant 0 : i32
      %dma_wait3A_121 = arith.constant 0 : i32
      %dma_wait3A_122 = tpu.memref_slice %arg6[%dma_wait3A_120, %dma_wait3A_121] : memref<10240x128xf32, #tpu.memory_space<vmem_shared>> -> memref<10240x128xf32, #tpu.memory_space<vmem_shared>>
      tpu.wait_indirect_dma semaphore(%run_scoped3A_110 : memref<!tpu.dma_semaphore, #tpu.memory_space<semaphore_mem>>) src(%arg9 : memref<128x128xf32, #tpu.memory_space<vmem>>) dst(%dma_wait3A_122 : memref<10240x128xf32, #tpu.memory_space<vmem_shared>>)
      tpu.yield
    }) : () -> ()
    %run_scoped3A_46 = arith.constant 1 : i32
    "tpu.region"() ({
      %run_scoped3A_110 = tpu.sem_alloc : memref<!tpu.dma_semaphore, #tpu.memory_space<semaphore_mem>>
      %dma_start3A_111 = arith.constant 0 : i32
      %dma_start3A_112 = arith.constant 0 : i32
      %dma_start3A_113 = tpu.memref_slice %arg3[%add3A, %run_scoped3A_46, %dma_start3A_111, %dma_start3A_112] : memref<32x2x41x128xi32, #tpu.memory_space<hbm>> -> memref<1x1x41x128xi32, #tpu.memory_space<hbm>>
      %dma_start3A_114 = tpu.memref_squeeze %dma_start3A_113 : memref<1x1x41x128xi32, #tpu.memory_space<hbm>> -> memref<41x128xi32, #tpu.memory_space<hbm>>
      %dma_start3A_115 = arith.constant 0 : i32
      %dma_start3A_116 = arith.constant 0 : i32
      %dma_start3A_117 = tpu.memref_slice %arg3[%add3A, %run_scoped3A_46, %dma_start3A_115, %dma_start3A_116] : memref<32x2x41x128xi32, #tpu.memory_space<hbm>> -> memref<1x1x41x128xi32, #tpu.memory_space<hbm>>
      %dma_start3A_118 = tpu.memref_squeeze %dma_start3A_117 : memref<1x1x41x128xi32, #tpu.memory_space<hbm>> -> memref<41x128xi32, #tpu.memory_space<hbm>>
      tpu.enqueue_dma source(%dma_start3A_118 : memref<41x128xi32, #tpu.memory_space<hbm>>) target(%arg7 : memref<41x128xi32, #tpu.memory_space<vmem>>) target_semaphore(%run_scoped3A_110 : memref<!tpu.dma_semaphore, #tpu.memory_space<semaphore_mem>>)
      %dma_wait3A_119 = arith.constant 0 : i32
      %dma_wait3A_120 = arith.constant 0 : i32
      %dma_wait3A_121 = tpu.memref_slice %arg3[%add3A, %run_scoped3A_46, %dma_wait3A_119, %dma_wait3A_120] : memref<32x2x41x128xi32, #tpu.memory_space<hbm>> -> memref<1x1x41x128xi32, #tpu.memory_space<hbm>>
      %dma_wait3A_122 = tpu.memref_squeeze %dma_wait3A_121 : memref<1x1x41x128xi32, #tpu.memory_space<hbm>> -> memref<41x128xi32, #tpu.memory_space<hbm>>
      %dma_wait3A_123 = arith.constant 0 : i32
      %dma_wait3A_124 = arith.constant 0 : i32
      %dma_wait3A_125 = tpu.memref_slice %arg3[%add3A, %run_scoped3A_46, %dma_wait3A_123, %dma_wait3A_124] : memref<32x2x41x128xi32, #tpu.memory_space<hbm>> -> memref<1x1x41x128xi32, #tpu.memory_space<hbm>>
      %dma_wait3A_126 = tpu.memref_squeeze %dma_wait3A_125 : memref<1x1x41x128xi32, #tpu.memory_space<hbm>> -> memref<41x128xi32, #tpu.memory_space<hbm>>
      tpu.wait_dma2 semaphore(%run_scoped3A_110 : memref<!tpu.dma_semaphore, #tpu.memory_space<semaphore_mem>>) src(%dma_wait3A_126 : memref<41x128xi32, #tpu.memory_space<hbm>>) dst(%arg7 : memref<41x128xi32, #tpu.memory_space<vmem>>)
      tpu.yield
    }) : () -> ()
    %run_scoped3A_47 = arith.constant 1 : i32
    "tpu.region"() ({
      %run_scoped3A_110 = tpu.sem_alloc : memref<!tpu.dma_semaphore, #tpu.memory_space<semaphore_mem>>
      %dma_start3A_111 = arith.constant 0 : i32
      %dma_start3A_112 = arith.constant 0 : i32
      %dma_start3A_113 = tpu.memref_slice %arg4[%add3A, %run_scoped3A_47, %dma_start3A_111, %dma_start3A_112] : memref<32x2x41x128xi32, #tpu.memory_space<hbm>> -> memref<1x1x41x128xi32, #tpu.memory_space<hbm>>
      %dma_start3A_114 = tpu.memref_squeeze %dma_start3A_113 : memref<1x1x41x128xi32, #tpu.memory_space<hbm>> -> memref<41x128xi32, #tpu.memory_space<hbm>>
      %dma_start3A_115 = arith.constant 0 : i32
      %dma_start3A_116 = arith.constant 0 : i32
      %dma_start3A_117 = tpu.memref_slice %arg4[%add3A, %run_scoped3A_47, %dma_start3A_115, %dma_start3A_116] : memref<32x2x41x128xi32, #tpu.memory_space<hbm>> -> memref<1x1x41x128xi32, #tpu.memory_space<hbm>>
      %dma_start3A_118 = tpu.memref_squeeze %dma_start3A_117 : memref<1x1x41x128xi32, #tpu.memory_space<hbm>> -> memref<41x128xi32, #tpu.memory_space<hbm>>
      tpu.enqueue_dma source(%dma_start3A_118 : memref<41x128xi32, #tpu.memory_space<hbm>>) target(%arg8 : memref<41x128xi32, #tpu.memory_space<vmem>>) target_semaphore(%run_scoped3A_110 : memref<!tpu.dma_semaphore, #tpu.memory_space<semaphore_mem>>)
      %dma_wait3A_119 = arith.constant 0 : i32
      %dma_wait3A_120 = arith.constant 0 : i32
      %dma_wait3A_121 = tpu.memref_slice %arg4[%add3A, %run_scoped3A_47, %dma_wait3A_119, %dma_wait3A_120] : memref<32x2x41x128xi32, #tpu.memory_space<hbm>> -> memref<1x1x41x128xi32, #tpu.memory_space<hbm>>
      %dma_wait3A_122 = tpu.memref_squeeze %dma_wait3A_121 : memref<1x1x41x128xi32, #tpu.memory_space<hbm>> -> memref<41x128xi32, #tpu.memory_space<hbm>>
      %dma_wait3A_123 = arith.constant 0 : i32
      %dma_wait3A_124 = arith.constant 0 : i32
      %dma_wait3A_125 = tpu.memref_slice %arg4[%add3A, %run_scoped3A_47, %dma_wait3A_123, %dma_wait3A_124] : memref<32x2x41x128xi32, #tpu.memory_space<hbm>> -> memref<1x1x41x128xi32, #tpu.memory_space<hbm>>
      %dma_wait3A_126 = tpu.memref_squeeze %dma_wait3A_125 : memref<1x1x41x128xi32, #tpu.memory_space<hbm>> -> memref<41x128xi32, #tpu.memory_space<hbm>>
      tpu.wait_dma2 semaphore(%run_scoped3A_110 : memref<!tpu.dma_semaphore, #tpu.memory_space<semaphore_mem>>) src(%dma_wait3A_126 : memref<41x128xi32, #tpu.memory_space<hbm>>) dst(%arg8 : memref<41x128xi32, #tpu.memory_space<vmem>>)
      tpu.yield
    }) : () -> ()
    %dma_start3A_48 = arith.constant 0 : i32
    %dma_start3A_49 = arith.constant 0 : i32
    %dma_start3A_50 = tpu.memref_slice %arg7[%dma_start3A_48, %dma_start3A_49] : memref<41x128xi32, #tpu.memory_space<vmem>> -> memref<1x128xi32, #tpu.memory_space<vmem>>
    %dma_start3A_51 = tpu.memref_squeeze %dma_start3A_50 : memref<1x128xi32, #tpu.memory_space<vmem>> -> memref<128xi32, #tpu.memory_space<vmem>>
    %dma_start3A_52 = arith.constant 0 : i32
    %dma_start3A_53 = arith.constant 0 : i32
    %dma_start3A_54 = tpu.memref_slice %arg2[%dma_start3A_52, %dma_start3A_53] : memref<10240x128xf32, #tpu.memory_space<hbm>> -> memref<10240x128xf32, #tpu.memory_space<hbm>>
    tpu.enqueue_indirect_dma source(%dma_start3A_54 : memref<10240x128xf32, #tpu.memory_space<hbm>>) target(%arg9 : memref<128x128xf32, #tpu.memory_space<vmem>>) offsets(%dma_start3A_51 : memref<128xi32, #tpu.memory_space<vmem>>) semaphore(%arg11 : memref<!tpu.dma_semaphore, #tpu.memory_space<semaphore_mem>>)
    %scan3A_55 = arith.constant 0 : i32
    %scan3A_56 = arith.constant 0 : i32
    %scan3A_57 = arith.constant 20 : i32
    %scan3A_58 = arith.addi %scan3A_56, %scan3A_57 : i32
    %scan3A_59 = arith.constant 1 : i32
    scf.for %scan3A_110 = %scan3A_56 to %scan3A_58 step %scan3A_59  : i32 {
      %mul3A_111 = arith.constant 2 : i32
      %mul3A_112 = arith.muli %mul3A_111, %scan3A_110 : i32
      %mul3A_113 = arith.constant 2 : i32
      %mul3A_114 = arith.muli %mul3A_113, %scan3A_110 : i32
      %add3A_115 = arith.constant 1 : i32
      %add3A_116 = arith.addi %mul3A_114, %add3A_115 : i32
      %mul3A_117 = arith.constant 2 : i32
      %mul3A_118 = arith.muli %mul3A_117, %scan3A_110 : i32
      %add3A_119 = arith.constant 2 : i32
      %add3A_120 = arith.addi %mul3A_118, %add3A_119 : i32
      %min3A = arith.constant 40 : i32
      %min3A_121 = arith.minsi %add3A_120, %min3A : i32
      %dma_wait3A_122 = arith.constant 0 : i32
      %dma_wait3A_123 = arith.constant 0 : i32
      %dma_wait3A_124 = tpu.memref_slice %arg7[%dma_wait3A_122, %dma_wait3A_123] : memref<41x128xi32, #tpu.memory_space<vmem>> -> memref<1x128xi32, #tpu.memory_space<vmem>>
      %dma_wait3A_125 = tpu.memref_squeeze %dma_wait3A_124 : memref<1x128xi32, #tpu.memory_space<vmem>> -> memref<128xi32, #tpu.memory_space<vmem>>
      %dma_wait3A_126 = arith.constant 0 : i32
      %dma_wait3A_127 = arith.constant 0 : i32
      %dma_wait3A_128 = tpu.memref_slice %arg2[%dma_wait3A_126, %dma_wait3A_127] : memref<10240x128xf32, #tpu.memory_space<hbm>> -> memref<10240x128xf32, #tpu.memory_space<hbm>>
      tpu.wait_indirect_dma semaphore(%arg11 : memref<!tpu.dma_semaphore, #tpu.memory_space<semaphore_mem>>) src(%dma_wait3A_128 : memref<10240x128xf32, #tpu.memory_space<hbm>>) dst(%arg9 : memref<128x128xf32, #tpu.memory_space<vmem>>)
      %dma_start3A_129 = arith.constant 0 : i32
      %dma_start3A_130 = tpu.memref_slice %arg7[%add3A_116, %dma_start3A_129] : memref<41x128xi32, #tpu.memory_space<vmem>> -> memref<1x128xi32, #tpu.memory_space<vmem>>
      %dma_start3A_131 = tpu.memref_squeeze %dma_start3A_130 : memref<1x128xi32, #tpu.memory_space<vmem>> -> memref<128xi32, #tpu.memory_space<vmem>>
      %dma_start3A_132 = arith.constant 0 : i32
      %dma_start3A_133 = arith.constant 0 : i32
      %dma_start3A_134 = tpu.memref_slice %arg2[%dma_start3A_132, %dma_start3A_133] : memref<10240x128xf32, #tpu.memory_space<hbm>> -> memref<10240x128xf32, #tpu.memory_space<hbm>>
      tpu.enqueue_indirect_dma source(%dma_start3A_134 : memref<10240x128xf32, #tpu.memory_space<hbm>>) target(%arg10 : memref<128x128xf32, #tpu.memory_space<vmem>>) offsets(%dma_start3A_131 : memref<128xi32, #tpu.memory_space<vmem>>) semaphore(%arg12 : memref<!tpu.dma_semaphore, #tpu.memory_space<semaphore_mem>>)
      "tpu.region"() ({
        %run_scoped3A_148 = tpu.sem_alloc : memref<!tpu.dma_semaphore, #tpu.memory_space<semaphore_mem>>
        %dma_start3A_149 = arith.constant 0 : i32
        %dma_start3A_150 = tpu.memref_slice %arg8[%mul3A_112, %dma_start3A_149] : memref<41x128xi32, #tpu.memory_space<vmem>> -> memref<1x128xi32, #tpu.memory_space<vmem>>
        %dma_start3A_151 = tpu.memref_squeeze %dma_start3A_150 : memref<1x128xi32, #tpu.memory_space<vmem>> -> memref<128xi32, #tpu.memory_space<vmem>>
        %dma_start3A_152 = arith.constant 0 : i32
        %dma_start3A_153 = arith.constant 0 : i32
        %dma_start3A_154 = tpu.memref_slice %arg6[%dma_start3A_152, %dma_start3A_153] : memref<10240x128xf32, #tpu.memory_space<vmem_shared>> -> memref<10240x128xf32, #tpu.memory_space<vmem_shared>>
        tpu.enqueue_indirect_dma source(%arg9 : memref<128x128xf32, #tpu.memory_space<vmem>>) target(%dma_start3A_154 : memref<10240x128xf32, #tpu.memory_space<vmem_shared>>) offsets(%dma_start3A_151 : memref<128xi32, #tpu.memory_space<vmem>>) semaphore(%run_scoped3A_148 : memref<!tpu.dma_semaphore, #tpu.memory_space<semaphore_mem>>) {add = true}
        %dma_wait3A_155 = arith.constant 0 : i32
        %dma_wait3A_156 = tpu.memref_slice %arg8[%mul3A_112, %dma_wait3A_155] : memref<41x128xi32, #tpu.memory_space<vmem>> -> memref<1x128xi32, #tpu.memory_space<vmem>>
        %dma_wait3A_157 = tpu.memref_squeeze %dma_wait3A_156 : memref<1x128xi32, #tpu.memory_space<vmem>> -> memref<128xi32, #tpu.memory_space<vmem>>
        %dma_wait3A_158 = arith.constant 0 : i32
        %dma_wait3A_159 = arith.constant 0 : i32
        %dma_wait3A_160 = tpu.memref_slice %arg6[%dma_wait3A_158, %dma_wait3A_159] : memref<10240x128xf32, #tpu.memory_space<vmem_shared>> -> memref<10240x128xf32, #tpu.memory_space<vmem_shared>>
        tpu.wait_indirect_dma semaphore(%run_scoped3A_148 : memref<!tpu.dma_semaphore, #tpu.memory_space<semaphore_mem>>) src(%arg9 : memref<128x128xf32, #tpu.memory_space<vmem>>) dst(%dma_wait3A_160 : memref<10240x128xf32, #tpu.memory_space<vmem_shared>>)
        tpu.yield
      }) : () -> ()
      %dma_wait3A_135 = arith.constant 0 : i32
      %dma_wait3A_136 = arith.constant 0 : i32
      %dma_wait3A_137 = tpu.memref_slice %arg7[%dma_wait3A_135, %dma_wait3A_136] : memref<41x128xi32, #tpu.memory_space<vmem>> -> memref<1x128xi32, #tpu.memory_space<vmem>>
      %dma_wait3A_138 = tpu.memref_squeeze %dma_wait3A_137 : memref<1x128xi32, #tpu.memory_space<vmem>> -> memref<128xi32, #tpu.memory_space<vmem>>
      %dma_wait3A_139 = arith.constant 0 : i32
      %dma_wait3A_140 = arith.constant 0 : i32
      %dma_wait3A_141 = tpu.memref_slice %arg2[%dma_wait3A_139, %dma_wait3A_140] : memref<10240x128xf32, #tpu.memory_space<hbm>> -> memref<10240x128xf32, #tpu.memory_space<hbm>>
      tpu.wait_indirect_dma semaphore(%arg12 : memref<!tpu.dma_semaphore, #tpu.memory_space<semaphore_mem>>) src(%dma_wait3A_141 : memref<10240x128xf32, #tpu.memory_space<hbm>>) dst(%arg10 : memref<128x128xf32, #tpu.memory_space<vmem>>)
      %dma_start3A_142 = arith.constant 0 : i32
      %dma_start3A_143 = tpu.memref_slice %arg7[%min3A_121, %dma_start3A_142] : memref<41x128xi32, #tpu.memory_space<vmem>> -> memref<1x128xi32, #tpu.memory_space<vmem>>
      %dma_start3A_144 = tpu.memref_squeeze %dma_start3A_143 : memref<1x128xi32, #tpu.memory_space<vmem>> -> memref<128xi32, #tpu.memory_space<vmem>>
      %dma_start3A_145 = arith.constant 0 : i32
      %dma_start3A_146 = arith.constant 0 : i32
      %dma_start3A_147 = tpu.memref_slice %arg2[%dma_start3A_145, %dma_start3A_146] : memref<10240x128xf32, #tpu.memory_space<hbm>> -> memref<10240x128xf32, #tpu.memory_space<hbm>>
      tpu.enqueue_indirect_dma source(%dma_start3A_147 : memref<10240x128xf32, #tpu.memory_space<hbm>>) target(%arg9 : memref<128x128xf32, #tpu.memory_space<vmem>>) offsets(%dma_start3A_144 : memref<128xi32, #tpu.memory_space<vmem>>) semaphore(%arg11 : memref<!tpu.dma_semaphore, #tpu.memory_space<semaphore_mem>>)
      "tpu.region"() ({
        %run_scoped3A_148 = tpu.sem_alloc : memref<!tpu.dma_semaphore, #tpu.memory_space<semaphore_mem>>
        %dma_start3A_149 = arith.constant 0 : i32
        %dma_start3A_150 = tpu.memref_slice %arg8[%add3A_116, %dma_start3A_149] : memref<41x128xi32, #tpu.memory_space<vmem>> -> memref<1x128xi32, #tpu.memory_space<vmem>>
        %dma_start3A_151 = tpu.memref_squeeze %dma_start3A_150 : memref<1x128xi32, #tpu.memory_space<vmem>> -> memref<128xi32, #tpu.memory_space<vmem>>
        %dma_start3A_152 = arith.constant 0 : i32
        %dma_start3A_153 = arith.constant 0 : i32
        %dma_start3A_154 = tpu.memref_slice %arg6[%dma_start3A_152, %dma_start3A_153] : memref<10240x128xf32, #tpu.memory_space<vmem_shared>> -> memref<10240x128xf32, #tpu.memory_space<vmem_shared>>
        tpu.enqueue_indirect_dma source(%arg10 : memref<128x128xf32, #tpu.memory_space<vmem>>) target(%dma_start3A_154 : memref<10240x128xf32, #tpu.memory_space<vmem_shared>>) offsets(%dma_start3A_151 : memref<128xi32, #tpu.memory_space<vmem>>) semaphore(%run_scoped3A_148 : memref<!tpu.dma_semaphore, #tpu.memory_space<semaphore_mem>>) {add = true}
        %dma_wait3A_155 = arith.constant 0 : i32
        %dma_wait3A_156 = tpu.memref_slice %arg8[%add3A_116, %dma_wait3A_155] : memref<41x128xi32, #tpu.memory_space<vmem>> -> memref<1x128xi32, #tpu.memory_space<vmem>>
        %dma_wait3A_157 = tpu.memref_squeeze %dma_wait3A_156 : memref<1x128xi32, #tpu.memory_space<vmem>> -> memref<128xi32, #tpu.memory_space<vmem>>
        %dma_wait3A_158 = arith.constant 0 : i32
        %dma_wait3A_159 = arith.constant 0 : i32
        %dma_wait3A_160 = tpu.memref_slice %arg6[%dma_wait3A_158, %dma_wait3A_159] : memref<10240x128xf32, #tpu.memory_space<vmem_shared>> -> memref<10240x128xf32, #tpu.memory_space<vmem_shared>>
        tpu.wait_indirect_dma semaphore(%run_scoped3A_148 : memref<!tpu.dma_semaphore, #tpu.memory_space<semaphore_mem>>) src(%arg10 : memref<128x128xf32, #tpu.memory_space<vmem>>) dst(%dma_wait3A_160 : memref<10240x128xf32, #tpu.memory_space<vmem_shared>>)
        tpu.yield
      }) : () -> ()
    }
    %scan3A_60 = arith.constant 20 : i32
    %dma_wait3A_61 = arith.constant 0 : i32
    %dma_wait3A_62 = arith.constant 0 : i32
    %dma_wait3A_63 = tpu.memref_slice %arg7[%dma_wait3A_61, %dma_wait3A_62] : memref<41x128xi32, #tpu.memory_space<vmem>> -> memref<1x128xi32, #tpu.memory_space<vmem>>
    %dma_wait3A_64 = tpu.memref_squeeze %dma_wait3A_63 : memref<1x128xi32, #tpu.memory_space<vmem>> -> memref<128xi32, #tpu.memory_space<vmem>>
    %dma_wait3A_65 = arith.constant 0 : i32
    %dma_wait3A_66 = arith.constant 0 : i32
    %dma_wait3A_67 = tpu.memref_slice %arg2[%dma_wait3A_65, %dma_wait3A_66] : memref<10240x128xf32, #tpu.memory_space<hbm>> -> memref<10240x128xf32, #tpu.memory_space<hbm>>
    tpu.wait_indirect_dma semaphore(%arg11 : memref<!tpu.dma_semaphore, #tpu.memory_space<semaphore_mem>>) src(%dma_wait3A_67 : memref<10240x128xf32, #tpu.memory_space<hbm>>) dst(%arg9 : memref<128x128xf32, #tpu.memory_space<vmem>>)
    %run_scoped3A_68 = arith.constant 40 : i32
    "tpu.region"() ({
      %run_scoped3A_110 = tpu.sem_alloc : memref<!tpu.dma_semaphore, #tpu.memory_space<semaphore_mem>>
      %dma_start3A_111 = arith.constant 0 : i32
      %dma_start3A_112 = tpu.memref_slice %arg8[%run_scoped3A_68, %dma_start3A_111] : memref<41x128xi32, #tpu.memory_space<vmem>> -> memref<1x128xi32, #tpu.memory_space<vmem>>
      %dma_start3A_113 = tpu.memref_squeeze %dma_start3A_112 : memref<1x128xi32, #tpu.memory_space<vmem>> -> memref<128xi32, #tpu.memory_space<vmem>>
      %dma_start3A_114 = arith.constant 0 : i32
      %dma_start3A_115 = arith.constant 0 : i32
      %dma_start3A_116 = tpu.memref_slice %arg6[%dma_start3A_114, %dma_start3A_115] : memref<10240x128xf32, #tpu.memory_space<vmem_shared>> -> memref<10240x128xf32, #tpu.memory_space<vmem_shared>>
      tpu.enqueue_indirect_dma source(%arg9 : memref<128x128xf32, #tpu.memory_space<vmem>>) target(%dma_start3A_116 : memref<10240x128xf32, #tpu.memory_space<vmem_shared>>) offsets(%dma_start3A_113 : memref<128xi32, #tpu.memory_space<vmem>>) semaphore(%run_scoped3A_110 : memref<!tpu.dma_semaphore, #tpu.memory_space<semaphore_mem>>) {add = true}
      %dma_wait3A_117 = arith.constant 0 : i32
      %dma_wait3A_118 = tpu.memref_slice %arg8[%run_scoped3A_68, %dma_wait3A_117] : memref<41x128xi32, #tpu.memory_space<vmem>> -> memref<1x128xi32, #tpu.memory_space<vmem>>
      %dma_wait3A_119 = tpu.memref_squeeze %dma_wait3A_118 : memref<1x128xi32, #tpu.memory_space<vmem>> -> memref<128xi32, #tpu.memory_space<vmem>>
      %dma_wait3A_120 = arith.constant 0 : i32
      %dma_wait3A_121 = arith.constant 0 : i32
      %dma_wait3A_122 = tpu.memref_slice %arg6[%dma_wait3A_120, %dma_wait3A_121] : memref<10240x128xf32, #tpu.memory_space<vmem_shared>> -> memref<10240x128xf32, #tpu.memory_space<vmem_shared>>
      tpu.wait_indirect_dma semaphore(%run_scoped3A_110 : memref<!tpu.dma_semaphore, #tpu.memory_space<semaphore_mem>>) src(%arg9 : memref<128x128xf32, #tpu.memory_space<vmem>>) dst(%dma_wait3A_122 : memref<10240x128xf32, #tpu.memory_space<vmem_shared>>)
      tpu.yield
    }) : () -> ()
    %barrier3A_69 = arith.constant 0 : index
    tpu.barrier barrier_id(%barrier3A_69)
    %mul3A_70 = arith.constant 640 : i32
    %mul3A_71 = arith.muli %arg1, %mul3A_70 : i32
    %add3A_72 = arith.constant 0 : i32
    %add3A_73 = arith.addi %mul3A_71, %add3A_72 : i32
    "tpu.region"() ({
      %run_scoped3A_110 = tpu.sem_alloc : memref<!tpu.dma_semaphore, #tpu.memory_space<semaphore_mem>>
      %dma_start3A_111 = arith.constant 0 : i32
      %dma_start3A_112 = tpu.memref_slice %arg6[%add3A_73, %dma_start3A_111] : memref<10240x128xf32, #tpu.memory_space<vmem_shared>> -> memref<128x128xf32, #tpu.memory_space<vmem_shared>>
      %dma_start3A_113 = arith.constant 0 : i32
      %dma_start3A_114 = tpu.memref_slice %arg6[%add3A_73, %dma_start3A_113] : memref<10240x128xf32, #tpu.memory_space<vmem_shared>> -> memref<128x128xf32, #tpu.memory_space<vmem_shared>>
      tpu.enqueue_dma source(%dma_start3A_114 : memref<128x128xf32, #tpu.memory_space<vmem_shared>>) target(%arg9 : memref<128x128xf32, #tpu.memory_space<vmem>>) target_semaphore(%run_scoped3A_110 : memref<!tpu.dma_semaphore, #tpu.memory_space<semaphore_mem>>)
      %dma_wait3A_115 = arith.constant 0 : i32
      %dma_wait3A_116 = tpu.memref_slice %arg6[%add3A_73, %dma_wait3A_115] : memref<10240x128xf32, #tpu.memory_space<vmem_shared>> -> memref<128x128xf32, #tpu.memory_space<vmem_shared>>
      %dma_wait3A_117 = arith.constant 0 : i32
      %dma_wait3A_118 = tpu.memref_slice %arg6[%add3A_73, %dma_wait3A_117] : memref<10240x128xf32, #tpu.memory_space<vmem_shared>> -> memref<128x128xf32, #tpu.memory_space<vmem_shared>>
      tpu.wait_dma2 semaphore(%run_scoped3A_110 : memref<!tpu.dma_semaphore, #tpu.memory_space<semaphore_mem>>) src(%dma_wait3A_118 : memref<128x128xf32, #tpu.memory_space<vmem_shared>>) dst(%arg9 : memref<128x128xf32, #tpu.memory_space<vmem>>)
      tpu.yield
    }) : () -> ()
    %mul3A_74 = arith.constant 640 : i32
    %mul3A_75 = arith.muli %arg1, %mul3A_74 : i32
    %add3A_76 = arith.constant 0 : i32
    %add3A_77 = arith.addi %mul3A_75, %add3A_76 : i32
    "tpu.region"() ({
      %run_scoped3A_110 = tpu.sem_alloc : memref<!tpu.dma_semaphore, #tpu.memory_space<semaphore_mem>>
      %dma_start3A_111 = arith.constant 0 : i32
      %dma_start3A_112 = tpu.memref_slice %arg5[%arg0, %add3A_77, %dma_start3A_111] : memref<2x10240x128xf32, #tpu.memory_space<hbm>> -> memref<1x128x128xf32, #tpu.memory_space<hbm>>
      %dma_start3A_113 = tpu.memref_squeeze %dma_start3A_112 : memref<1x128x128xf32, #tpu.memory_space<hbm>> -> memref<128x128xf32, #tpu.memory_space<hbm>>
      %dma_start3A_114 = arith.constant 0 : i32
      %dma_start3A_115 = tpu.memref_slice %arg5[%arg0, %add3A_77, %dma_start3A_114] : memref<2x10240x128xf32, #tpu.memory_space<hbm>> -> memref<1x128x128xf32, #tpu.memory_space<hbm>>
      %dma_start3A_116 = tpu.memref_squeeze %dma_start3A_115 : memref<1x128x128xf32, #tpu.memory_space<hbm>> -> memref<128x128xf32, #tpu.memory_space<hbm>>
      tpu.enqueue_dma source(%arg9 : memref<128x128xf32, #tpu.memory_space<vmem>>) target(%dma_start3A_116 : memref<128x128xf32, #tpu.memory_space<hbm>>) target_semaphore(%run_scoped3A_110 : memref<!tpu.dma_semaphore, #tpu.memory_space<semaphore_mem>>)
      %dma_wait3A_117 = arith.constant 0 : i32
      %dma_wait3A_118 = tpu.memref_slice %arg5[%arg0, %add3A_77, %dma_wait3A_117] : memref<2x10240x128xf32, #tpu.memory_space<hbm>> -> memref<1x128x128xf32, #tpu.memory_space<hbm>>
      %dma_wait3A_119 = tpu.memref_squeeze %dma_wait3A_118 : memref<1x128x128xf32, #tpu.memory_space<hbm>> -> memref<128x128xf32, #tpu.memory_space<hbm>>
      %dma_wait3A_120 = arith.constant 0 : i32
      %dma_wait3A_121 = tpu.memref_slice %arg5[%arg0, %add3A_77, %dma_wait3A_120] : memref<2x10240x128xf32, #tpu.memory_space<hbm>> -> memref<1x128x128xf32, #tpu.memory_space<hbm>>
      %dma_wait3A_122 = tpu.memref_squeeze %dma_wait3A_121 : memref<1x128x128xf32, #tpu.memory_space<hbm>> -> memref<128x128xf32, #tpu.memory_space<hbm>>
      tpu.wait_dma2 semaphore(%run_scoped3A_110 : memref<!tpu.dma_semaphore, #tpu.memory_space<semaphore_mem>>) src(%arg9 : memref<128x128xf32, #tpu.memory_space<vmem>>) dst(%dma_wait3A_122 : memref<128x128xf32, #tpu.memory_space<hbm>>)
      tpu.yield
    }) : () -> ()
    %mul3A_78 = arith.constant 640 : i32
    %mul3A_79 = arith.muli %arg1, %mul3A_78 : i32
    %add3A_80 = arith.constant 128 : i32
    %add3A_81 = arith.addi %mul3A_79, %add3A_80 : i32
    "tpu.region"() ({
      %run_scoped3A_110 = tpu.sem_alloc : memref<!tpu.dma_semaphore, #tpu.memory_space<semaphore_mem>>
      %dma_start3A_111 = arith.constant 0 : i32
      %dma_start3A_112 = tpu.memref_slice %arg6[%add3A_81, %dma_start3A_111] : memref<10240x128xf32, #tpu.memory_space<vmem_shared>> -> memref<128x128xf32, #tpu.memory_space<vmem_shared>>
      %dma_start3A_113 = arith.constant 0 : i32
      %dma_start3A_114 = tpu.memref_slice %arg6[%add3A_81, %dma_start3A_113] : memref<10240x128xf32, #tpu.memory_space<vmem_shared>> -> memref<128x128xf32, #tpu.memory_space<vmem_shared>>
      tpu.enqueue_dma source(%dma_start3A_114 : memref<128x128xf32, #tpu.memory_space<vmem_shared>>) target(%arg9 : memref<128x128xf32, #tpu.memory_space<vmem>>) target_semaphore(%run_scoped3A_110 : memref<!tpu.dma_semaphore, #tpu.memory_space<semaphore_mem>>)
      %dma_wait3A_115 = arith.constant 0 : i32
      %dma_wait3A_116 = tpu.memref_slice %arg6[%add3A_81, %dma_wait3A_115] : memref<10240x128xf32, #tpu.memory_space<vmem_shared>> -> memref<128x128xf32, #tpu.memory_space<vmem_shared>>
      %dma_wait3A_117 = arith.constant 0 : i32
      %dma_wait3A_118 = tpu.memref_slice %arg6[%add3A_81, %dma_wait3A_117] : memref<10240x128xf32, #tpu.memory_space<vmem_shared>> -> memref<128x128xf32, #tpu.memory_space<vmem_shared>>
      tpu.wait_dma2 semaphore(%run_scoped3A_110 : memref<!tpu.dma_semaphore, #tpu.memory_space<semaphore_mem>>) src(%dma_wait3A_118 : memref<128x128xf32, #tpu.memory_space<vmem_shared>>) dst(%arg9 : memref<128x128xf32, #tpu.memory_space<vmem>>)
      tpu.yield
    }) : () -> ()
    %mul3A_82 = arith.constant 640 : i32
    %mul3A_83 = arith.muli %arg1, %mul3A_82 : i32
    %add3A_84 = arith.constant 128 : i32
    %add3A_85 = arith.addi %mul3A_83, %add3A_84 : i32
    "tpu.region"() ({
      %run_scoped3A_110 = tpu.sem_alloc : memref<!tpu.dma_semaphore, #tpu.memory_space<semaphore_mem>>
      %dma_start3A_111 = arith.constant 0 : i32
      %dma_start3A_112 = tpu.memref_slice %arg5[%arg0, %add3A_85, %dma_start3A_111] : memref<2x10240x128xf32, #tpu.memory_space<hbm>> -> memref<1x128x128xf32, #tpu.memory_space<hbm>>
      %dma_start3A_113 = tpu.memref_squeeze %dma_start3A_112 : memref<1x128x128xf32, #tpu.memory_space<hbm>> -> memref<128x128xf32, #tpu.memory_space<hbm>>
      %dma_start3A_114 = arith.constant 0 : i32
      %dma_start3A_115 = tpu.memref_slice %arg5[%arg0, %add3A_85, %dma_start3A_114] : memref<2x10240x128xf32, #tpu.memory_space<hbm>> -> memref<1x128x128xf32, #tpu.memory_space<hbm>>
      %dma_start3A_116 = tpu.memref_squeeze %dma_start3A_115 : memref<1x128x128xf32, #tpu.memory_space<hbm>> -> memref<128x128xf32, #tpu.memory_space<hbm>>
      tpu.enqueue_dma source(%arg9 : memref<128x128xf32, #tpu.memory_space<vmem>>) target(%dma_start3A_116 : memref<128x128xf32, #tpu.memory_space<hbm>>) target_semaphore(%run_scoped3A_110 : memref<!tpu.dma_semaphore, #tpu.memory_space<semaphore_mem>>)
      %dma_wait3A_117 = arith.constant 0 : i32
      %dma_wait3A_118 = tpu.memref_slice %arg5[%arg0, %add3A_85, %dma_wait3A_117] : memref<2x10240x128xf32, #tpu.memory_space<hbm>> -> memref<1x128x128xf32, #tpu.memory_space<hbm>>
      %dma_wait3A_119 = tpu.memref_squeeze %dma_wait3A_118 : memref<1x128x128xf32, #tpu.memory_space<hbm>> -> memref<128x128xf32, #tpu.memory_space<hbm>>
      %dma_wait3A_120 = arith.constant 0 : i32
      %dma_wait3A_121 = tpu.memref_slice %arg5[%arg0, %add3A_85, %dma_wait3A_120] : memref<2x10240x128xf32, #tpu.memory_space<hbm>> -> memref<1x128x128xf32, #tpu.memory_space<hbm>>
      %dma_wait3A_122 = tpu.memref_squeeze %dma_wait3A_121 : memref<1x128x128xf32, #tpu.memory_space<hbm>> -> memref<128x128xf32, #tpu.memory_space<hbm>>
      tpu.wait_dma2 semaphore(%run_scoped3A_110 : memref<!tpu.dma_semaphore, #tpu.memory_space<semaphore_mem>>) src(%arg9 : memref<128x128xf32, #tpu.memory_space<vmem>>) dst(%dma_wait3A_122 : memref<128x128xf32, #tpu.memory_space<hbm>>)
      tpu.yield
    }) : () -> ()
    %mul3A_86 = arith.constant 640 : i32
    %mul3A_87 = arith.muli %arg1, %mul3A_86 : i32
    %add3A_88 = arith.constant 256 : i32
    %add3A_89 = arith.addi %mul3A_87, %add3A_88 : i32
    "tpu.region"() ({
      %run_scoped3A_110 = tpu.sem_alloc : memref<!tpu.dma_semaphore, #tpu.memory_space<semaphore_mem>>
      %dma_start3A_111 = arith.constant 0 : i32
      %dma_start3A_112 = tpu.memref_slice %arg6[%add3A_89, %dma_start3A_111] : memref<10240x128xf32, #tpu.memory_space<vmem_shared>> -> memref<128x128xf32, #tpu.memory_space<vmem_shared>>
      %dma_start3A_113 = arith.constant 0 : i32
      %dma_start3A_114 = tpu.memref_slice %arg6[%add3A_89, %dma_start3A_113] : memref<10240x128xf32, #tpu.memory_space<vmem_shared>> -> memref<128x128xf32, #tpu.memory_space<vmem_shared>>
      tpu.enqueue_dma source(%dma_start3A_114 : memref<128x128xf32, #tpu.memory_space<vmem_shared>>) target(%arg9 : memref<128x128xf32, #tpu.memory_space<vmem>>) target_semaphore(%run_scoped3A_110 : memref<!tpu.dma_semaphore, #tpu.memory_space<semaphore_mem>>)
      %dma_wait3A_115 = arith.constant 0 : i32
      %dma_wait3A_116 = tpu.memref_slice %arg6[%add3A_89, %dma_wait3A_115] : memref<10240x128xf32, #tpu.memory_space<vmem_shared>> -> memref<128x128xf32, #tpu.memory_space<vmem_shared>>
      %dma_wait3A_117 = arith.constant 0 : i32
      %dma_wait3A_118 = tpu.memref_slice %arg6[%add3A_89, %dma_wait3A_117] : memref<10240x128xf32, #tpu.memory_space<vmem_shared>> -> memref<128x128xf32, #tpu.memory_space<vmem_shared>>
      tpu.wait_dma2 semaphore(%run_scoped3A_110 : memref<!tpu.dma_semaphore, #tpu.memory_space<semaphore_mem>>) src(%dma_wait3A_118 : memref<128x128xf32, #tpu.memory_space<vmem_shared>>) dst(%arg9 : memref<128x128xf32, #tpu.memory_space<vmem>>)
      tpu.yield
    }) : () -> ()
    %mul3A_90 = arith.constant 640 : i32
    %mul3A_91 = arith.muli %arg1, %mul3A_90 : i32
    %add3A_92 = arith.constant 256 : i32
    %add3A_93 = arith.addi %mul3A_91, %add3A_92 : i32
    "tpu.region"() ({
      %run_scoped3A_110 = tpu.sem_alloc : memref<!tpu.dma_semaphore, #tpu.memory_space<semaphore_mem>>
      %dma_start3A_111 = arith.constant 0 : i32
      %dma_start3A_112 = tpu.memref_slice %arg5[%arg0, %add3A_93, %dma_start3A_111] : memref<2x10240x128xf32, #tpu.memory_space<hbm>> -> memref<1x128x128xf32, #tpu.memory_space<hbm>>
      %dma_start3A_113 = tpu.memref_squeeze %dma_start3A_112 : memref<1x128x128xf32, #tpu.memory_space<hbm>> -> memref<128x128xf32, #tpu.memory_space<hbm>>
      %dma_start3A_114 = arith.constant 0 : i32
      %dma_start3A_115 = tpu.memref_slice %arg5[%arg0, %add3A_93, %dma_start3A_114] : memref<2x10240x128xf32, #tpu.memory_space<hbm>> -> memref<1x128x128xf32, #tpu.memory_space<hbm>>
      %dma_start3A_116 = tpu.memref_squeeze %dma_start3A_115 : memref<1x128x128xf32, #tpu.memory_space<hbm>> -> memref<128x128xf32, #tpu.memory_space<hbm>>
      tpu.enqueue_dma source(%arg9 : memref<128x128xf32, #tpu.memory_space<vmem>>) target(%dma_start3A_116 : memref<128x128xf32, #tpu.memory_space<hbm>>) target_semaphore(%run_scoped3A_110 : memref<!tpu.dma_semaphore, #tpu.memory_space<semaphore_mem>>)
      %dma_wait3A_117 = arith.constant 0 : i32
      %dma_wait3A_118 = tpu.memref_slice %arg5[%arg0, %add3A_93, %dma_wait3A_117] : memref<2x10240x128xf32, #tpu.memory_space<hbm>> -> memref<1x128x128xf32, #tpu.memory_space<hbm>>
      %dma_wait3A_119 = tpu.memref_squeeze %dma_wait3A_118 : memref<1x128x128xf32, #tpu.memory_space<hbm>> -> memref<128x128xf32, #tpu.memory_space<hbm>>
      %dma_wait3A_120 = arith.constant 0 : i32
      %dma_wait3A_121 = tpu.memref_slice %arg5[%arg0, %add3A_93, %dma_wait3A_120] : memref<2x10240x128xf32, #tpu.memory_space<hbm>> -> memref<1x128x128xf32, #tpu.memory_space<hbm>>
      %dma_wait3A_122 = tpu.memref_squeeze %dma_wait3A_121 : memref<1x128x128xf32, #tpu.memory_space<hbm>> -> memref<128x128xf32, #tpu.memory_space<hbm>>
      tpu.wait_dma2 semaphore(%run_scoped3A_110 : memref<!tpu.dma_semaphore, #tpu.memory_space<semaphore_mem>>) src(%arg9 : memref<128x128xf32, #tpu.memory_space<vmem>>) dst(%dma_wait3A_122 : memref<128x128xf32, #tpu.memory_space<hbm>>)
      tpu.yield
    }) : () -> ()
    %mul3A_94 = arith.constant 640 : i32
    %mul3A_95 = arith.muli %arg1, %mul3A_94 : i32
    %add3A_96 = arith.constant 384 : i32
    %add3A_97 = arith.addi %mul3A_95, %add3A_96 : i32
    "tpu.region"() ({
      %run_scoped3A_110 = tpu.sem_alloc : memref<!tpu.dma_semaphore, #tpu.memory_space<semaphore_mem>>
      %dma_start3A_111 = arith.constant 0 : i32
      %dma_start3A_112 = tpu.memref_slice %arg6[%add3A_97, %dma_start3A_111] : memref<10240x128xf32, #tpu.memory_space<vmem_shared>> -> memref<128x128xf32, #tpu.memory_space<vmem_shared>>
      %dma_start3A_113 = arith.constant 0 : i32
      %dma_start3A_114 = tpu.memref_slice %arg6[%add3A_97, %dma_start3A_113] : memref<10240x128xf32, #tpu.memory_space<vmem_shared>> -> memref<128x128xf32, #tpu.memory_space<vmem_shared>>
      tpu.enqueue_dma source(%dma_start3A_114 : memref<128x128xf32, #tpu.memory_space<vmem_shared>>) target(%arg9 : memref<128x128xf32, #tpu.memory_space<vmem>>) target_semaphore(%run_scoped3A_110 : memref<!tpu.dma_semaphore, #tpu.memory_space<semaphore_mem>>)
      %dma_wait3A_115 = arith.constant 0 : i32
      %dma_wait3A_116 = tpu.memref_slice %arg6[%add3A_97, %dma_wait3A_115] : memref<10240x128xf32, #tpu.memory_space<vmem_shared>> -> memref<128x128xf32, #tpu.memory_space<vmem_shared>>
      %dma_wait3A_117 = arith.constant 0 : i32
      %dma_wait3A_118 = tpu.memref_slice %arg6[%add3A_97, %dma_wait3A_117] : memref<10240x128xf32, #tpu.memory_space<vmem_shared>> -> memref<128x128xf32, #tpu.memory_space<vmem_shared>>
      tpu.wait_dma2 semaphore(%run_scoped3A_110 : memref<!tpu.dma_semaphore, #tpu.memory_space<semaphore_mem>>) src(%dma_wait3A_118 : memref<128x128xf32, #tpu.memory_space<vmem_shared>>) dst(%arg9 : memref<128x128xf32, #tpu.memory_space<vmem>>)
      tpu.yield
    }) : () -> ()
    %mul3A_98 = arith.constant 640 : i32
    %mul3A_99 = arith.muli %arg1, %mul3A_98 : i32
    %add3A_100 = arith.constant 384 : i32
    %add3A_101 = arith.addi %mul3A_99, %add3A_100 : i32
    "tpu.region"() ({
      %run_scoped3A_110 = tpu.sem_alloc : memref<!tpu.dma_semaphore, #tpu.memory_space<semaphore_mem>>
      %dma_start3A_111 = arith.constant 0 : i32
      %dma_start3A_112 = tpu.memref_slice %arg5[%arg0, %add3A_101, %dma_start3A_111] : memref<2x10240x128xf32, #tpu.memory_space<hbm>> -> memref<1x128x128xf32, #tpu.memory_space<hbm>>
      %dma_start3A_113 = tpu.memref_squeeze %dma_start3A_112 : memref<1x128x128xf32, #tpu.memory_space<hbm>> -> memref<128x128xf32, #tpu.memory_space<hbm>>
      %dma_start3A_114 = arith.constant 0 : i32
      %dma_start3A_115 = tpu.memref_slice %arg5[%arg0, %add3A_101, %dma_start3A_114] : memref<2x10240x128xf32, #tpu.memory_space<hbm>> -> memref<1x128x128xf32, #tpu.memory_space<hbm>>
      %dma_start3A_116 = tpu.memref_squeeze %dma_start3A_115 : memref<1x128x128xf32, #tpu.memory_space<hbm>> -> memref<128x128xf32, #tpu.memory_space<hbm>>
      tpu.enqueue_dma source(%arg9 : memref<128x128xf32, #tpu.memory_space<vmem>>) target(%dma_start3A_116 : memref<128x128xf32, #tpu.memory_space<hbm>>) target_semaphore(%run_scoped3A_110 : memref<!tpu.dma_semaphore, #tpu.memory_space<semaphore_mem>>)
      %dma_wait3A_117 = arith.constant 0 : i32
      %dma_wait3A_118 = tpu.memref_slice %arg5[%arg0, %add3A_101, %dma_wait3A_117] : memref<2x10240x128xf32, #tpu.memory_space<hbm>> -> memref<1x128x128xf32, #tpu.memory_space<hbm>>
      %dma_wait3A_119 = tpu.memref_squeeze %dma_wait3A_118 : memref<1x128x128xf32, #tpu.memory_space<hbm>> -> memref<128x128xf32, #tpu.memory_space<hbm>>
      %dma_wait3A_120 = arith.constant 0 : i32
      %dma_wait3A_121 = tpu.memref_slice %arg5[%arg0, %add3A_101, %dma_wait3A_120] : memref<2x10240x128xf32, #tpu.memory_space<hbm>> -> memref<1x128x128xf32, #tpu.memory_space<hbm>>
      %dma_wait3A_122 = tpu.memref_squeeze %dma_wait3A_121 : memref<1x128x128xf32, #tpu.memory_space<hbm>> -> memref<128x128xf32, #tpu.memory_space<hbm>>
      tpu.wait_dma2 semaphore(%run_scoped3A_110 : memref<!tpu.dma_semaphore, #tpu.memory_space<semaphore_mem>>) src(%arg9 : memref<128x128xf32, #tpu.memory_space<vmem>>) dst(%dma_wait3A_122 : memref<128x128xf32, #tpu.memory_space<hbm>>)
      tpu.yield
    }) : () -> ()
    %mul3A_102 = arith.constant 640 : i32
    %mul3A_103 = arith.muli %arg1, %mul3A_102 : i32
    %add3A_104 = arith.constant 512 : i32
    %add3A_105 = arith.addi %mul3A_103, %add3A_104 : i32
    "tpu.region"() ({
      %run_scoped3A_110 = tpu.sem_alloc : memref<!tpu.dma_semaphore, #tpu.memory_space<semaphore_mem>>
      %dma_start3A_111 = arith.constant 0 : i32
      %dma_start3A_112 = tpu.memref_slice %arg6[%add3A_105, %dma_start3A_111] : memref<10240x128xf32, #tpu.memory_space<vmem_shared>> -> memref<128x128xf32, #tpu.memory_space<vmem_shared>>
      %dma_start3A_113 = arith.constant 0 : i32
      %dma_start3A_114 = tpu.memref_slice %arg6[%add3A_105, %dma_start3A_113] : memref<10240x128xf32, #tpu.memory_space<vmem_shared>> -> memref<128x128xf32, #tpu.memory_space<vmem_shared>>
      tpu.enqueue_dma source(%dma_start3A_114 : memref<128x128xf32, #tpu.memory_space<vmem_shared>>) target(%arg9 : memref<128x128xf32, #tpu.memory_space<vmem>>) target_semaphore(%run_scoped3A_110 : memref<!tpu.dma_semaphore, #tpu.memory_space<semaphore_mem>>)
      %dma_wait3A_115 = arith.constant 0 : i32
      %dma_wait3A_116 = tpu.memref_slice %arg6[%add3A_105, %dma_wait3A_115] : memref<10240x128xf32, #tpu.memory_space<vmem_shared>> -> memref<128x128xf32, #tpu.memory_space<vmem_shared>>
      %dma_wait3A_117 = arith.constant 0 : i32
      %dma_wait3A_118 = tpu.memref_slice %arg6[%add3A_105, %dma_wait3A_117] : memref<10240x128xf32, #tpu.memory_space<vmem_shared>> -> memref<128x128xf32, #tpu.memory_space<vmem_shared>>
      tpu.wait_dma2 semaphore(%run_scoped3A_110 : memref<!tpu.dma_semaphore, #tpu.memory_space<semaphore_mem>>) src(%dma_wait3A_118 : memref<128x128xf32, #tpu.memory_space<vmem_shared>>) dst(%arg9 : memref<128x128xf32, #tpu.memory_space<vmem>>)
      tpu.yield
    }) : () -> ()
    %mul3A_106 = arith.constant 640 : i32
    %mul3A_107 = arith.muli %arg1, %mul3A_106 : i32
    %add3A_108 = arith.constant 512 : i32
    %add3A_109 = arith.addi %mul3A_107, %add3A_108 : i32
    "tpu.region"() ({
      %run_scoped3A_110 = tpu.sem_alloc : memref<!tpu.dma_semaphore, #tpu.memory_space<semaphore_mem>>
      %dma_start3A_111 = arith.constant 0 : i32
      %dma_start3A_112 = tpu.memref_slice %arg5[%arg0, %add3A_109, %dma_start3A_111] : memref<2x10240x128xf32, #tpu.memory_space<hbm>> -> memref<1x128x128xf32, #tpu.memory_space<hbm>>
      %dma_start3A_113 = tpu.memref_squeeze %dma_start3A_112 : memref<1x128x128xf32, #tpu.memory_space<hbm>> -> memref<128x128xf32, #tpu.memory_space<hbm>>
      %dma_start3A_114 = arith.constant 0 : i32
      %dma_start3A_115 = tpu.memref_slice %arg5[%arg0, %add3A_109, %dma_start3A_114] : memref<2x10240x128xf32, #tpu.memory_space<hbm>> -> memref<1x128x128xf32, #tpu.memory_space<hbm>>
      %dma_start3A_116 = tpu.memref_squeeze %dma_start3A_115 : memref<1x128x128xf32, #tpu.memory_space<hbm>> -> memref<128x128xf32, #tpu.memory_space<hbm>>
      tpu.enqueue_dma source(%arg9 : memref<128x128xf32, #tpu.memory_space<vmem>>) target(%dma_start3A_116 : memref<128x128xf32, #tpu.memory_space<hbm>>) target_semaphore(%run_scoped3A_110 : memref<!tpu.dma_semaphore, #tpu.memory_space<semaphore_mem>>)
      %dma_wait3A_117 = arith.constant 0 : i32
      %dma_wait3A_118 = tpu.memref_slice %arg5[%arg0, %add3A_109, %dma_wait3A_117] : memref<2x10240x128xf32, #tpu.memory_space<hbm>> -> memref<1x128x128xf32, #tpu.memory_space<hbm>>
      %dma_wait3A_119 = tpu.memref_squeeze %dma_wait3A_118 : memref<1x128x128xf32, #tpu.memory_space<hbm>> -> memref<128x128xf32, #tpu.memory_space<hbm>>
      %dma_wait3A_120 = arith.constant 0 : i32
      %dma_wait3A_121 = tpu.memref_slice %arg5[%arg0, %add3A_109, %dma_wait3A_120] : memref<2x10240x128xf32, #tpu.memory_space<hbm>> -> memref<1x128x128xf32, #tpu.memory_space<hbm>>
      %dma_wait3A_122 = tpu.memref_squeeze %dma_wait3A_121 : memref<1x128x128xf32, #tpu.memory_space<hbm>> -> memref<128x128xf32, #tpu.memory_space<hbm>>
      tpu.wait_dma2 semaphore(%run_scoped3A_110 : memref<!tpu.dma_semaphore, #tpu.memory_space<semaphore_mem>>) src(%arg9 : memref<128x128xf32, #tpu.memory_space<vmem>>) dst(%dma_wait3A_122 : memref<128x128xf32, #tpu.memory_space<hbm>>)
      tpu.yield
    }) : () -> ()
    return
  }
}

#map = affine_map<(d0, d1) -> (0, 0)>
#map1 = affine_map<(d0, d1) -> (0, 0, 0, 0)>
#map2 = affine_map<(d0, d1) -> (0, 0, 0)>
module attributes {stable_mosaic.version = 14 : i64} {
  func.func @_gather_scatter_kernel(%arg0: i32, %arg1: i32, %arg2: memref<10240x128xf32, #tpu.memory_space<hbm>>, %arg3: memref<32x2x41x128xi32, #tpu.memory_space<hbm>>, %arg4: memref<32x2x41x128xi32, #tpu.memory_space<hbm>>, %arg5: memref<2x10240x128xf32, #tpu.memory_space<hbm>>, %arg6: memref<10240x128xf32, #tpu.memory_space<vmem_shared>>, %arg7: memref<41x128xi32, #tpu.memory_space<vmem>>, %arg8: memref<41x128xi32, #tpu.memory_space<vmem>>, %arg9: memref<128x128xf32, #tpu.memory_space<vmem>>, %arg10: memref<128x128xf32, #tpu.memory_space<vmem>>, %arg11: memref<!tpu.dma_semaphore, #tpu.memory_space<semaphore_mem>>, %arg12: memref<!tpu.dma_semaphore, #tpu.memory_space<semaphore_mem>>) attributes {dimension_semantics = [#tpu.dimension_semantics<core_parallel>, #tpu.dimension_semantics<subcore_parallel>], iteration_bounds = array<i64: 2, 16>, scalar_prefetch = 0 : i64, scratch_operands = 7 : i64, tpu.core_type = #tpu.core_type<sc_vector_subcore>, window_params = [{transform_indices = #map}, {transform_indices = #map1}, {transform_indices = #map1}, {transform_indices = #map2}]} {
    %mul3A = arith.constant 16 : i32
    %mul3A_0 = arith.muli %arg0, %mul3A : i32
    %add3A = arith.addi %mul3A_0, %arg1 : i32
    %scan3A = arith.constant 0 : i32
    %scan3A_1 = arith.constant 0 : i32
    %scan3A_2 = arith.constant 128 : i32
    %scan3A_3 = arith.addi %scan3A_1, %scan3A_2 : i32
    %scan3A_4 = arith.constant 1 : i32
    scf.for %scan3A_110 = %scan3A_1 to %scan3A_3 step %scan3A_4  : i32 {
      %broadcast_in_dim3A = arith.constant 0.000000e+00 : f32
      %broadcast_in_dim3A_111 = vector.broadcast %broadcast_in_dim3A : f32 to vector<16xf32>
      %swap3A = arith.index_cast %scan3A_110 : i32 to index
      %swap3A_112 = arith.constant 0 : index
      %swap3A_113 = tpu.vector_load %arg9[%swap3A, %swap3A_112] {strides = array<i32>} : memref<128x128xf32, #tpu.memory_space<vmem>>, vector<1x16xf32>,
      %swap3A_114 = vector.shape_cast %swap3A_113 : vector<1x16xf32> to vector<16xf32>
      %swap3A_115 = vector.shape_cast %broadcast_in_dim3A_111 : vector<16xf32> to vector<1x16xf32>
      tpu.vector_store %arg9[%swap3A, %swap3A_112], %swap3A_115 {strides = array<i32>} : memref<128x128xf32, #tpu.memory_space<vmem>>, vector<1x16xf32>,
      %broadcast_in_dim3A_116 = arith.constant 0.000000e+00 : f32
      %broadcast_in_dim3A_117 = vector.broadcast %broadcast_in_dim3A_116 : f32 to vector<16xf32>
      %swap3A_118 = arith.index_cast %scan3A_110 : i32 to index
      %swap3A_119 = arith.constant 16 : index
      %swap3A_120 = tpu.vector_load %arg9[%swap3A_118, %swap3A_119] {strides = array<i32>} : memref<128x128xf32, #tpu.memory_space<vmem>>, vector<1x16xf32>,
      %swap3A_121 = vector.shape_cast %swap3A_120 : vector<1x16xf32> to vector<16xf32>
      %swap3A_122 = vector.shape_cast %broadcast_in_dim3A_117 : vector<16xf32> to vector<1x16xf32>
      tpu.vector_store %arg9[%swap3A_118, %swap3A_119], %swap3A_122 {strides = array<i32>} : memref<128x128xf32, #tpu.memory_space<vmem>>, vector<1x16xf32>,
      %broadcast_in_dim3A_123 = arith.constant 0.000000e+00 : f32
      %broadcast_in_dim3A_124 = vector.broadcast %broadcast_in_dim3A_123 : f32 to vector<16xf32>
      %swap3A_125 = arith.index_cast %scan3A_110 : i32 to index
      %swap3A_126 = arith.constant 32 : index
      %swap3A_127 = tpu.vector_load %arg9[%swap3A_125, %swap3A_126] {strides = array<i32>} : memref<128x128xf32, #tpu.memory_space<vmem>>, vector<1x16xf32>,
      %swap3A_128 = vector.shape_cast %swap3A_127 : vector<1x16xf32> to vector<16xf32>
      %swap3A_129 = vector.shape_cast %broadcast_in_dim3A_124 : vector<16xf32> to vector<1x16xf32>
      tpu.vector_store %arg9[%swap3A_125, %swap3A_126], %swap3A_129 {strides = array<i32>} : memref<128x128xf32, #tpu.memory_space<vmem>>, vector<1x16xf32>,
      %broadcast_in_dim3A_130 = arith.constant 0.000000e+00 : f32
      %broadcast_in_dim3A_131 = vector.broadcast %broadcast_in_dim3A_130 : f32 to vector<16xf32>
      %swap3A_132 = arith.index_cast %scan3A_110 : i32 to index
      %swap3A_133 = arith.constant 48 : index
      %swap3A_134 = tpu.vector_load %arg9[%swap3A_132, %swap3A_133] {strides = array<i32>} : memref<128x128xf32, #tpu.memory_space<vmem>>, vector<1x16xf32>,
      %swap3A_135 = vector.shape_cast %swap3A_134 : vector<1x16xf32> to vector<16xf32>
      %swap3A_136 = vector.shape_cast %broadcast_in_dim3A_131 : vector<16xf32> to vector<1x16xf32>
      tpu.vector_store %arg9[%swap3A_132, %swap3A_133], %swap3A_136 {strides = array<i32>} : memref<128x128xf32, #tpu.memory_space<vmem>>, vector<1x16xf32>,
      %broadcast_in_dim3A_137 = arith.constant 0.000000e+00 : f32
      %broadcast_in_dim3A_138 = vector.broadcast %broadcast_in_dim3A_137 : f32 to vector<16xf32>
      %swap3A_139 = arith.index_cast %scan3A_110 : i32 to index
      %swap3A_140 = arith.constant 64 : index
      %swap3A_141 = tpu.vector_load %arg9[%swap3A_139, %swap3A_140] {strides = array<i32>} : memref<128x128xf32, #tpu.memory_space<vmem>>, vector<1x16xf32>,
      %swap3A_142 = vector.shape_cast %swap3A_141 : vector<1x16xf32> to vector<16xf32>
      %swap3A_143 = vector.shape_cast %broadcast_in_dim3A_138 : vector<16xf32> to vector<1x16xf32>
      tpu.vector_store %arg9[%swap3A_139, %swap3A_140], %swap3A_143 {strides = array<i32>} : memref<128x128xf32, #tpu.memory_space<vmem>>, vector<1x16xf32>,
      %broadcast_in_dim3A_144 = arith.constant 0.000000e+00 : f32
      %broadcast_in_dim3A_145 = vector.broadcast %broadcast_in_dim3A_144 : f32 to vector<16xf32>
      %swap3A_146 = arith.index_cast %scan3A_110 : i32 to index
      %swap3A_147 = arith.constant 80 : index
      %swap3A_148 = tpu.vector_load %arg9[%swap3A_146, %swap3A_147] {strides = array<i32>} : memref<128x128xf32, #tpu.memory_space<vmem>>, vector<1x16xf32>,
      %swap3A_149 = vector.shape_cast %swap3A_148 : vector<1x16xf32> to vector<16xf32>
      %swap3A_150 = vector.shape_cast %broadcast_in_dim3A_145 : vector<16xf32> to vector<1x16xf32>
      tpu.vector_store %arg9[%swap3A_146, %swap3A_147], %swap3A_150 {strides = array<i32>} : memref<128x128xf32, #tpu.memory_space<vmem>>, vector<1x16xf32>,
      %broadcast_in_dim3A_151 = arith.constant 0.000000e+00 : f32
      %broadcast_in_dim3A_152 = vector.broadcast %broadcast_in_dim3A_151 : f32 to vector<16xf32>
      %swap3A_153 = arith.index_cast %scan3A_110 : i32 to index
      %swap3A_154 = arith.constant 96 : index
      %swap3A_155 = tpu.vector_load %arg9[%swap3A_153, %swap3A_154] {strides = array<i32>} : memref<128x128xf32, #tpu.memory_space<vmem>>, vector<1x16xf32>,
      %swap3A_156 = vector.shape_cast %swap3A_155 : vector<1x16xf32> to vector<16xf32>
      %swap3A_157 = vector.shape_cast %broadcast_in_dim3A_152 : vector<16xf32> to vector<1x16xf32>
      tpu.vector_store %arg9[%swap3A_153, %swap3A_154], %swap3A_157 {strides = array<i32>} : memref<128x128xf32, #tpu.memory_space<vmem>>, vector<1x16xf32>,
      %broadcast_in_dim3A_158 = arith.constant 0.000000e+00 : f32
      %broadcast_in_dim3A_159 = vector.broadcast %broadcast_in_dim3A_158 : f32 to vector<16xf32>
      %swap3A_160 = arith.index_cast %scan3A_110 : i32 to index
      %swap3A_161 = arith.constant 112 : index
      %swap3A_162 = tpu.vector_load %arg9[%swap3A_160, %swap3A_161] {strides = array<i32>} : memref<128x128xf32, #tpu.memory_space<vmem>>, vector<1x16xf32>,
      %swap3A_163 = vector.shape_cast %swap3A_162 : vector<1x16xf32> to vector<16xf32>
      %swap3A_164 = vector.shape_cast %broadcast_in_dim3A_159 : vector<16xf32> to vector<1x16xf32>
      tpu.vector_store %arg9[%swap3A_160, %swap3A_161], %swap3A_164 {strides = array<i32>} : memref<128x128xf32, #tpu.memory_space<vmem>>, vector<1x16xf32>,
    }
    %scan3A_5 = arith.constant 128 : i32
    %mul3A_6 = arith.constant 640 : i32
    %mul3A_7 = arith.muli %arg1, %mul3A_6 : i32
    %add3A_8 = arith.constant 0 : i32
    %add3A_9 = arith.addi %mul3A_7, %add3A_8 : i32
    "tpu.region"() ({
      %run_scoped3A_110 = tpu.sem_alloc : memref<!tpu.dma_semaphore, #tpu.memory_space<semaphore_mem>>
      %dma_start3A_111 = arith.constant 0 : i32
      %dma_start3A_112 = tpu.memref_slice %arg6[%add3A_9, %dma_start3A_111] : memref<10240x128xf32, #tpu.memory_space<vmem_shared>> -> memref<128x128xf32, #tpu.memory_space<vmem_shared>>
      %dma_start3A_113 = arith.constant 0 : i32
      %dma_start3A_114 = tpu.memref_slice %arg6[%add3A_9, %dma_start3A_113] : memref<10240x128xf32, #tpu.memory_space<vmem_shared>> -> memref<128x128xf32, #tpu.memory_space<vmem_shared>>
      tpu.enqueue_dma source(%arg9 : memref<128x128xf32, #tpu.memory_space<vmem>>) target(%dma_start3A_114 : memref<128x128xf32, #tpu.memory_space<vmem_shared>>) target_semaphore(%run_scoped3A_110 : memref<!tpu.dma_semaphore, #tpu.memory_space<semaphore_mem>>)
      %dma_wait3A_115 = arith.constant 0 : i32
      %dma_wait3A_116 = tpu.memref_slice %arg6[%add3A_9, %dma_wait3A_115] : memref<10240x128xf32, #tpu.memory_space<vmem_shared>> -> memref<128x128xf32, #tpu.memory_space<vmem_shared>>
      %dma_wait3A_117 = arith.constant 0 : i32
      %dma_wait3A_118 = tpu.memref_slice %arg6[%add3A_9, %dma_wait3A_117] : memref<10240x128xf32, #tpu.memory_space<vmem_shared>> -> memref<128x128xf32, #tpu.memory_space<vmem_shared>>
      tpu.wait_dma2 semaphore(%run_scoped3A_110 : memref<!tpu.dma_semaphore, #tpu.memory_space<semaphore_mem>>) src(%arg9 : memref<128x128xf32, #tpu.memory_space<vmem>>) dst(%dma_wait3A_118 : memref<128x128xf32, #tpu.memory_space<vmem_shared>>)
      tpu.yield
    }) : () -> ()
    %mul3A_10 = arith.constant 640 : i32
    %mul3A_11 = arith.muli %arg1, %mul3A_10 : i32
    %add3A_12 = arith.constant 128 : i32
    %add3A_13 = arith.addi %mul3A_11, %add3A_12 : i32
    "tpu.region"() ({
      %run_scoped3A_110 = tpu.sem_alloc : memref<!tpu.dma_semaphore, #tpu.memory_space<semaphore_mem>>
      %dma_start3A_111 = arith.constant 0 : i32
      %dma_start3A_112 = tpu.memref_slice %arg6[%add3A_13, %dma_start3A_111] : memref<10240x128xf32, #tpu.memory_space<vmem_shared>> -> memref<128x128xf32, #tpu.memory_space<vmem_shared>>
      %dma_start3A_113 = arith.constant 0 : i32
      %dma_start3A_114 = tpu.memref_slice %arg6[%add3A_13, %dma_start3A_113] : memref<10240x128xf32, #tpu.memory_space<vmem_shared>> -> memref<128x128xf32, #tpu.memory_space<vmem_shared>>
      tpu.enqueue_dma source(%arg9 : memref<128x128xf32, #tpu.memory_space<vmem>>) target(%dma_start3A_114 : memref<128x128xf32, #tpu.memory_space<vmem_shared>>) target_semaphore(%run_scoped3A_110 : memref<!tpu.dma_semaphore, #tpu.memory_space<semaphore_mem>>)
      %dma_wait3A_115 = arith.constant 0 : i32
      %dma_wait3A_116 = tpu.memref_slice %arg6[%add3A_13, %dma_wait3A_115] : memref<10240x128xf32, #tpu.memory_space<vmem_shared>> -> memref<128x128xf32, #tpu.memory_space<vmem_shared>>
      %dma_wait3A_117 = arith.constant 0 : i32
      %dma_wait3A_118 = tpu.memref_slice %arg6[%add3A_13, %dma_wait3A_117] : memref<10240x128xf32, #tpu.memory_space<vmem_shared>> -> memref<128x128xf32, #tpu.memory_space<vmem_shared>>
      tpu.wait_dma2 semaphore(%run_scoped3A_110 : memref<!tpu.dma_semaphore, #tpu.memory_space<semaphore_mem>>) src(%arg9 : memref<128x128xf32, #tpu.memory_space<vmem>>) dst(%dma_wait3A_118 : memref<128x128xf32, #tpu.memory_space<vmem_shared>>)
      tpu.yield
    }) : () -> ()
    %mul3A_14 = arith.constant 640 : i32
    %mul3A_15 = arith.muli %arg1, %mul3A_14 : i32
    %add3A_16 = arith.constant 256 : i32
    %add3A_17 = arith.addi %mul3A_15, %add3A_16 : i32
    "tpu.region"() ({
      %run_scoped3A_110 = tpu.sem_alloc : memref<!tpu.dma_semaphore, #tpu.memory_space<semaphore_mem>>
      %dma_start3A_111 = arith.constant 0 : i32
      %dma_start3A_112 = tpu.memref_slice %arg6[%add3A_17, %dma_start3A_111] : memref<10240x128xf32, #tpu.memory_space<vmem_shared>> -> memref<128x128xf32, #tpu.memory_space<vmem_shared>>
      %dma_start3A_113 = arith.constant 0 : i32
      %dma_start3A_114 = tpu.memref_slice %arg6[%add3A_17, %dma_start3A_113] : memref<10240x128xf32, #tpu.memory_space<vmem_shared>> -> memref<128x128xf32, #tpu.memory_space<vmem_shared>>
      tpu.enqueue_dma source(%arg9 : memref<128x128xf32, #tpu.memory_space<vmem>>) target(%dma_start3A_114 : memref<128x128xf32, #tpu.memory_space<vmem_shared>>) target_semaphore(%run_scoped3A_110 : memref<!tpu.dma_semaphore, #tpu.memory_space<semaphore_mem>>)
      %dma_wait3A_115 = arith.constant 0 : i32
      %dma_wait3A_116 = tpu.memref_slice %arg6[%add3A_17, %dma_wait3A_115] : memref<10240x128xf32, #tpu.memory_space<vmem_shared>> -> memref<128x128xf32, #tpu.memory_space<vmem_shared>>
      %dma_wait3A_117 = arith.constant 0 : i32
      %dma_wait3A_118 = tpu.memref_slice %arg6[%add3A_17, %dma_wait3A_117] : memref<10240x128xf32, #tpu.memory_space<vmem_shared>> -> memref<128x128xf32, #tpu.memory_space<vmem_shared>>
      tpu.wait_dma2 semaphore(%run_scoped3A_110 : memref<!tpu.dma_semaphore, #tpu.memory_space<semaphore_mem>>) src(%arg9 : memref<128x128xf32, #tpu.memory_space<vmem>>) dst(%dma_wait3A_118 : memref<128x128xf32, #tpu.memory_space<vmem_shared>>)
      tpu.yield
    }) : () -> ()
    %mul3A_18 = arith.constant 640 : i32
    %mul3A_19 = arith.muli %arg1, %mul3A_18 : i32
    %add3A_20 = arith.constant 384 : i32
    %add3A_21 = arith.addi %mul3A_19, %add3A_20 : i32
    "tpu.region"() ({
      %run_scoped3A_110 = tpu.sem_alloc : memref<!tpu.dma_semaphore, #tpu.memory_space<semaphore_mem>>
      %dma_start3A_111 = arith.constant 0 : i32
      %dma_start3A_112 = tpu.memref_slice %arg6[%add3A_21, %dma_start3A_111] : memref<10240x128xf32, #tpu.memory_space<vmem_shared>> -> memref<128x128xf32, #tpu.memory_space<vmem_shared>>
      %dma_start3A_113 = arith.constant 0 : i32
      %dma_start3A_114 = tpu.memref_slice %arg6[%add3A_21, %dma_start3A_113] : memref<10240x128xf32, #tpu.memory_space<vmem_shared>> -> memref<128x128xf32, #tpu.memory_space<vmem_shared>>
      tpu.enqueue_dma source(%arg9 : memref<128x128xf32, #tpu.memory_space<vmem>>) target(%dma_start3A_114 : memref<128x128xf32, #tpu.memory_space<vmem_shared>>) target_semaphore(%run_scoped3A_110 : memref<!tpu.dma_semaphore, #tpu.memory_space<semaphore_mem>>)
      %dma_wait3A_115 = arith.constant 0 : i32
      %dma_wait3A_116 = tpu.memref_slice %arg6[%add3A_21, %dma_wait3A_115] : memref<10240x128xf32, #tpu.memory_space<vmem_shared>> -> memref<128x128xf32, #tpu.memory_space<vmem_shared>>
      %dma_wait3A_117 = arith.constant 0 : i32
      %dma_wait3A_118 = tpu.memref_slice %arg6[%add3A_21, %dma_wait3A_117] : memref<10240x128xf32, #tpu.memory_space<vmem_shared>> -> memref<128x128xf32, #tpu.memory_space<vmem_shared>>
      tpu.wait_dma2 semaphore(%run_scoped3A_110 : memref<!tpu.dma_semaphore, #tpu.memory_space<semaphore_mem>>) src(%arg9 : memref<128x128xf32, #tpu.memory_space<vmem>>) dst(%dma_wait3A_118 : memref<128x128xf32, #tpu.memory_space<vmem_shared>>)
      tpu.yield
    }) : () -> ()
    %mul3A_22 = arith.constant 640 : i32
    %mul3A_23 = arith.muli %arg1, %mul3A_22 : i32
    %add3A_24 = arith.constant 512 : i32
    %add3A_25 = arith.addi %mul3A_23, %add3A_24 : i32
    "tpu.region"() ({
      %run_scoped3A_110 = tpu.sem_alloc : memref<!tpu.dma_semaphore, #tpu.memory_space<semaphore_mem>>
      %dma_start3A_111 = arith.constant 0 : i32
      %dma_start3A_112 = tpu.memref_slice %arg6[%add3A_25, %dma_start3A_111] : memref<10240x128xf32, #tpu.memory_space<vmem_shared>> -> memref<128x128xf32, #tpu.memory_space<vmem_shared>>
      %dma_start3A_113 = arith.constant 0 : i32
      %dma_start3A_114 = tpu.memref_slice %arg6[%add3A_25, %dma_start3A_113] : memref<10240x128xf32, #tpu.memory_space<vmem_shared>> -> memref<128x128xf32, #tpu.memory_space<vmem_shared>>
      tpu.enqueue_dma source(%arg9 : memref<128x128xf32, #tpu.memory_space<vmem>>) target(%dma_start3A_114 : memref<128x128xf32, #tpu.memory_space<vmem_shared>>) target_semaphore(%run_scoped3A_110 : memref<!tpu.dma_semaphore, #tpu.memory_space<semaphore_mem>>)
      %dma_wait3A_115 = arith.constant 0 : i32
      %dma_wait3A_116 = tpu.memref_slice %arg6[%add3A_25, %dma_wait3A_115] : memref<10240x128xf32, #tpu.memory_space<vmem_shared>> -> memref<128x128xf32, #tpu.memory_space<vmem_shared>>
      %dma_wait3A_117 = arith.constant 0 : i32
      %dma_wait3A_118 = tpu.memref_slice %arg6[%add3A_25, %dma_wait3A_117] : memref<10240x128xf32, #tpu.memory_space<vmem_shared>> -> memref<128x128xf32, #tpu.memory_space<vmem_shared>>
      tpu.wait_dma2 semaphore(%run_scoped3A_110 : memref<!tpu.dma_semaphore, #tpu.memory_space<semaphore_mem>>) src(%arg9 : memref<128x128xf32, #tpu.memory_space<vmem>>) dst(%dma_wait3A_118 : memref<128x128xf32, #tpu.memory_space<vmem_shared>>)
      tpu.yield
    }) : () -> ()
    %barrier3A = arith.constant 0 : index
    tpu.barrier barrier_id(%barrier3A)
    %run_scoped3A = arith.constant 0 : i32
    "tpu.region"() ({
      %run_scoped3A_110 = tpu.sem_alloc : memref<!tpu.dma_semaphore, #tpu.memory_space<semaphore_mem>>
      %dma_start3A_111 = arith.constant 0 : i32
      %dma_start3A_112 = arith.constant 0 : i32
      %dma_start3A_113 = tpu.memref_slice %arg3[%add3A, %run_scoped3A, %dma_start3A_111, %dma_start3A_112] : memref<32x2x41x128xi32, #tpu.memory_space<hbm>> -> memref<1x1x41x128xi32, #tpu.memory_space<hbm>>
      %dma_start3A_114 = tpu.memref_squeeze %dma_start3A_113 : memref<1x1x41x128xi32, #tpu.memory_space<hbm>> -> memref<41x128xi32, #tpu.memory_space<hbm>>
      %dma_start3A_115 = arith.constant 0 : i32
      %dma_start3A_116 = arith.constant 0 : i32
      %dma_start3A_117 = tpu.memref_slice %arg3[%add3A, %run_scoped3A, %dma_start3A_115, %dma_start3A_116] : memref<32x2x41x128xi32, #tpu.memory_space<hbm>> -> memref<1x1x41x128xi32, #tpu.memory_space<hbm>>
      %dma_start3A_118 = tpu.memref_squeeze %dma_start3A_117 : memref<1x1x41x128xi32, #tpu.memory_space<hbm>> -> memref<41x128xi32, #tpu.memory_space<hbm>>
      tpu.enqueue_dma source(%dma_start3A_118 : memref<41x128xi32, #tpu.memory_space<hbm>>) target(%arg7 : memref<41x128xi32, #tpu.memory_space<vmem>>) target_semaphore(%run_scoped3A_110 : memref<!tpu.dma_semaphore, #tpu.memory_space<semaphore_mem>>)
      %dma_wait3A_119 = arith.constant 0 : i32
      %dma_wait3A_120 = arith.constant 0 : i32
      %dma_wait3A_121 = tpu.memref_slice %arg3[%add3A, %run_scoped3A, %dma_wait3A_119, %dma_wait3A_120] : memref<32x2x41x128xi32, #tpu.memory_space<hbm>> -> memref<1x1x41x128xi32, #tpu.memory_space<hbm>>
      %dma_wait3A_122 = tpu.memref_squeeze %dma_wait3A_121 : memref<1x1x41x128xi32, #tpu.memory_space<hbm>> -> memref<41x128xi32, #tpu.memory_space<hbm>>
      %dma_wait3A_123 = arith.constant 0 : i32
      %dma_wait3A_124 = arith.constant 0 : i32
      %dma_wait3A_125 = tpu.memref_slice %arg3[%add3A, %run_scoped3A, %dma_wait3A_123, %dma_wait3A_124] : memref<32x2x41x128xi32, #tpu.memory_space<hbm>> -> memref<1x1x41x128xi32, #tpu.memory_space<hbm>>
      %dma_wait3A_126 = tpu.memref_squeeze %dma_wait3A_125 : memref<1x1x41x128xi32, #tpu.memory_space<hbm>> -> memref<41x128xi32, #tpu.memory_space<hbm>>
      tpu.wait_dma2 semaphore(%run_scoped3A_110 : memref<!tpu.dma_semaphore, #tpu.memory_space<semaphore_mem>>) src(%dma_wait3A_126 : memref<41x128xi32, #tpu.memory_space<hbm>>) dst(%arg7 : memref<41x128xi32, #tpu.memory_space<vmem>>)
      tpu.yield
    }) : () -> ()
    %run_scoped3A_26 = arith.constant 0 : i32
    "tpu.region"() ({
      %run_scoped3A_110 = tpu.sem_alloc : memref<!tpu.dma_semaphore, #tpu.memory_space<semaphore_mem>>
      %dma_start3A_111 = arith.constant 0 : i32
      %dma_start3A_112 = arith.constant 0 : i32
      %dma_start3A_113 = tpu.memref_slice %arg4[%add3A, %run_scoped3A_26, %dma_start3A_111, %dma_start3A_112] : memref<32x2x41x128xi32, #tpu.memory_space<hbm>> -> memref<1x1x41x128xi32, #tpu.memory_space<hbm>>
      %dma_start3A_114 = tpu.memref_squeeze %dma_start3A_113 : memref<1x1x41x128xi32, #tpu.memory_space<hbm>> -> memref<41x128xi32, #tpu.memory_space<hbm>>
      %dma_start3A_115 = arith.constant 0 : i32
      %dma_start3A_116 = arith.constant 0 : i32
      %dma_start3A_117 = tpu.memref_slice %arg4[%add3A, %run_scoped3A_26, %dma_start3A_115, %dma_start3A_116] : memref<32x2x41x128xi32, #tpu.memory_space<hbm>> -> memref<1x1x41x128xi32, #tpu.memory_space<hbm>>
      %dma_start3A_118 = tpu.memref_squeeze %dma_start3A_117 : memref<1x1x41x128xi32, #tpu.memory_space<hbm>> -> memref<41x128xi32, #tpu.memory_space<hbm>>
      tpu.enqueue_dma source(%dma_start3A_118 : memref<41x128xi32, #tpu.memory_space<hbm>>) target(%arg8 : memref<41x128xi32, #tpu.memory_space<vmem>>) target_semaphore(%run_scoped3A_110 : memref<!tpu.dma_semaphore, #tpu.memory_space<semaphore_mem>>)
      %dma_wait3A_119 = arith.constant 0 : i32
      %dma_wait3A_120 = arith.constant 0 : i32
      %dma_wait3A_121 = tpu.memref_slice %arg4[%add3A, %run_scoped3A_26, %dma_wait3A_119, %dma_wait3A_120] : memref<32x2x41x128xi32, #tpu.memory_space<hbm>> -> memref<1x1x41x128xi32, #tpu.memory_space<hbm>>
      %dma_wait3A_122 = tpu.memref_squeeze %dma_wait3A_121 : memref<1x1x41x128xi32, #tpu.memory_space<hbm>> -> memref<41x128xi32, #tpu.memory_space<hbm>>
      %dma_wait3A_123 = arith.constant 0 : i32
      %dma_wait3A_124 = arith.constant 0 : i32
      %dma_wait3A_125 = tpu.memref_slice %arg4[%add3A, %run_scoped3A_26, %dma_wait3A_123, %dma_wait3A_124] : memref<32x2x41x128xi32, #tpu.memory_space<hbm>> -> memref<1x1x41x128xi32, #tpu.memory_space<hbm>>
      %dma_wait3A_126 = tpu.memref_squeeze %dma_wait3A_125 : memref<1x1x41x128xi32, #tpu.memory_space<hbm>> -> memref<41x128xi32, #tpu.memory_space<hbm>>
      tpu.wait_dma2 semaphore(%run_scoped3A_110 : memref<!tpu.dma_semaphore, #tpu.memory_space<semaphore_mem>>) src(%dma_wait3A_126 : memref<41x128xi32, #tpu.memory_space<hbm>>) dst(%arg8 : memref<41x128xi32, #tpu.memory_space<vmem>>)
      tpu.yield
    }) : () -> ()
    %dma_start3A = arith.constant 0 : i32
    %dma_start3A_27 = arith.constant 0 : i32
    %dma_start3A_28 = tpu.memref_slice %arg7[%dma_start3A, %dma_start3A_27] : memref<41x128xi32, #tpu.memory_space<vmem>> -> memref<1x128xi32, #tpu.memory_space<vmem>>
    %dma_start3A_29 = tpu.memref_squeeze %dma_start3A_28 : memref<1x128xi32, #tpu.memory_space<vmem>> -> memref<128xi32, #tpu.memory_space<vmem>>
    %dma_start3A_30 = arith.constant 0 : i32
    %dma_start3A_31 = arith.constant 0 : i32
    %dma_start3A_32 = tpu.memref_slice %arg2[%dma_start3A_30, %dma_start3A_31] : memref<10240x128xf32, #tpu.memory_space<hbm>> -> memref<10240x128xf32, #tpu.memory_space<hbm>>
    tpu.enqueue_indirect_dma source(%dma_start3A_32 : memref<10240x128xf32, #tpu.memory_space<hbm>>) target(%arg9 : memref<128x128xf32, #tpu.memory_space<vmem>>) offsets(%dma_start3A_29 : memref<128xi32, #tpu.memory_space<vmem>>) semaphore(%arg11 : memref<!tpu.dma_semaphore, #tpu.memory_space<semaphore_mem>>)
    %scan3A_33 = arith.constant 0 : i32
    %scan3A_34 = arith.constant 0 : i32
    %scan3A_35 = arith.constant 20 : i32
    %scan3A_36 = arith.addi %scan3A_34, %scan3A_35 : i32
    %scan3A_37 = arith.constant 1 : i32
    scf.for %scan3A_110 = %scan3A_34 to %scan3A_36 step %scan3A_37  : i32 {
      %mul3A_111 = arith.constant 2 : i32
      %mul3A_112 = arith.muli %mul3A_111, %scan3A_110 : i32
      %mul3A_113 = arith.constant 2 : i32
      %mul3A_114 = arith.muli %mul3A_113, %scan3A_110 : i32
      %add3A_115 = arith.constant 1 : i32
      %add3A_116 = arith.addi %mul3A_114, %add3A_115 : i32
      %mul3A_117 = arith.constant 2 : i32
      %mul3A_118 = arith.muli %mul3A_117, %scan3A_110 : i32
      %add3A_119 = arith.constant 2 : i32
      %add3A_120 = arith.addi %mul3A_118, %add3A_119 : i32
      %min3A = arith.constant 40 : i32
      %min3A_121 = arith.minsi %add3A_120, %min3A : i32
      %dma_wait3A_122 = arith.constant 0 : i32
      %dma_wait3A_123 = arith.constant 0 : i32
      %dma_wait3A_124 = tpu.memref_slice %arg7[%dma_wait3A_122, %dma_wait3A_123] : memref<41x128xi32, #tpu.memory_space<vmem>> -> memref<1x128xi32, #tpu.memory_space<vmem>>
      %dma_wait3A_125 = tpu.memref_squeeze %dma_wait3A_124 : memref<1x128xi32, #tpu.memory_space<vmem>> -> memref<128xi32, #tpu.memory_space<vmem>>
      %dma_wait3A_126 = arith.constant 0 : i32
      %dma_wait3A_127 = arith.constant 0 : i32
      %dma_wait3A_128 = tpu.memref_slice %arg2[%dma_wait3A_126, %dma_wait3A_127] : memref<10240x128xf32, #tpu.memory_space<hbm>> -> memref<10240x128xf32, #tpu.memory_space<hbm>>
      tpu.wait_indirect_dma semaphore(%arg11 : memref<!tpu.dma_semaphore, #tpu.memory_space<semaphore_mem>>) src(%dma_wait3A_128 : memref<10240x128xf32, #tpu.memory_space<hbm>>) dst(%arg9 : memref<128x128xf32, #tpu.memory_space<vmem>>)
      %dma_start3A_129 = arith.constant 0 : i32
      %dma_start3A_130 = tpu.memref_slice %arg7[%add3A_116, %dma_start3A_129] : memref<41x128xi32, #tpu.memory_space<vmem>> -> memref<1x128xi32, #tpu.memory_space<vmem>>
      %dma_start3A_131 = tpu.memref_squeeze %dma_start3A_130 : memref<1x128xi32, #tpu.memory_space<vmem>> -> memref<128xi32, #tpu.memory_space<vmem>>
      %dma_start3A_132 = arith.constant 0 : i32
      %dma_start3A_133 = arith.constant 0 : i32
      %dma_start3A_134 = tpu.memref_slice %arg2[%dma_start3A_132, %dma_start3A_133] : memref<10240x128xf32, #tpu.memory_space<hbm>> -> memref<10240x128xf32, #tpu.memory_space<hbm>>
      tpu.enqueue_indirect_dma source(%dma_start3A_134 : memref<10240x128xf32, #tpu.memory_space<hbm>>) target(%arg10 : memref<128x128xf32, #tpu.memory_space<vmem>>) offsets(%dma_start3A_131 : memref<128xi32, #tpu.memory_space<vmem>>) semaphore(%arg12 : memref<!tpu.dma_semaphore, #tpu.memory_space<semaphore_mem>>)
      "tpu.region"() ({
        %run_scoped3A_148 = tpu.sem_alloc : memref<!tpu.dma_semaphore, #tpu.memory_space<semaphore_mem>>
        %dma_start3A_149 = arith.constant 0 : i32
        %dma_start3A_150 = tpu.memref_slice %arg8[%mul3A_112, %dma_start3A_149] : memref<41x128xi32, #tpu.memory_space<vmem>> -> memref<1x128xi32, #tpu.memory_space<vmem>>
        %dma_start3A_151 = tpu.memref_squeeze %dma_start3A_150 : memref<1x128xi32, #tpu.memory_space<vmem>> -> memref<128xi32, #tpu.memory_space<vmem>>
        %dma_start3A_152 = arith.constant 0 : i32
        %dma_start3A_153 = arith.constant 0 : i32
        %dma_start3A_154 = tpu.memref_slice %arg6[%dma_start3A_152, %dma_start3A_153] : memref<10240x128xf32, #tpu.memory_space<vmem_shared>> -> memref<10240x128xf32, #tpu.memory_space<vmem_shared>>
        tpu.enqueue_indirect_dma source(%arg9 : memref<128x128xf32, #tpu.memory_space<vmem>>) target(%dma_start3A_154 : memref<10240x128xf32, #tpu.memory_space<vmem_shared>>) offsets(%dma_start3A_151 : memref<128xi32, #tpu.memory_space<vmem>>) semaphore(%run_scoped3A_148 : memref<!tpu.dma_semaphore, #tpu.memory_space<semaphore_mem>>) {add = true}
        %dma_wait3A_155 = arith.constant 0 : i32
        %dma_wait3A_156 = tpu.memref_slice %arg8[%mul3A_112, %dma_wait3A_155] : memref<41x128xi32, #tpu.memory_space<vmem>> -> memref<1x128xi32, #tpu.memory_space<vmem>>
        %dma_wait3A_157 = tpu.memref_squeeze %dma_wait3A_156 : memref<1x128xi32, #tpu.memory_space<vmem>> -> memref<128xi32, #tpu.memory_space<vmem>>
        %dma_wait3A_158 = arith.constant 0 : i32
        %dma_wait3A_159 = arith.constant 0 : i32
        %dma_wait3A_160 = tpu.memref_slice %arg6[%dma_wait3A_158, %dma_wait3A_159] : memref<10240x128xf32, #tpu.memory_space<vmem_shared>> -> memref<10240x128xf32, #tpu.memory_space<vmem_shared>>
        tpu.wait_indirect_dma semaphore(%run_scoped3A_148 : memref<!tpu.dma_semaphore, #tpu.memory_space<semaphore_mem>>) src(%arg9 : memref<128x128xf32, #tpu.memory_space<vmem>>) dst(%dma_wait3A_160 : memref<10240x128xf32, #tpu.memory_space<vmem_shared>>)
        tpu.yield
      }) : () -> ()
      %dma_wait3A_135 = arith.constant 0 : i32
      %dma_wait3A_136 = arith.constant 0 : i32
      %dma_wait3A_137 = tpu.memref_slice %arg7[%dma_wait3A_135, %dma_wait3A_136] : memref<41x128xi32, #tpu.memory_space<vmem>> -> memref<1x128xi32, #tpu.memory_space<vmem>>
      %dma_wait3A_138 = tpu.memref_squeeze %dma_wait3A_137 : memref<1x128xi32, #tpu.memory_space<vmem>> -> memref<128xi32, #tpu.memory_space<vmem>>
      %dma_wait3A_139 = arith.constant 0 : i32
      %dma_wait3A_140 = arith.constant 0 : i32
      %dma_wait3A_141 = tpu.memref_slice %arg2[%dma_wait3A_139, %dma_wait3A_140] : memref<10240x128xf32, #tpu.memory_space<hbm>> -> memref<10240x128xf32, #tpu.memory_space<hbm>>
      tpu.wait_indirect_dma semaphore(%arg12 : memref<!tpu.dma_semaphore, #tpu.memory_space<semaphore_mem>>) src(%dma_wait3A_141 : memref<10240x128xf32, #tpu.memory_space<hbm>>) dst(%arg10 : memref<128x128xf32, #tpu.memory_space<vmem>>)
      %dma_start3A_142 = arith.constant 0 : i32
      %dma_start3A_143 = tpu.memref_slice %arg7[%min3A_121, %dma_start3A_142] : memref<41x128xi32, #tpu.memory_space<vmem>> -> memref<1x128xi32, #tpu.memory_space<vmem>>
      %dma_start3A_144 = tpu.memref_squeeze %dma_start3A_143 : memref<1x128xi32, #tpu.memory_space<vmem>> -> memref<128xi32, #tpu.memory_space<vmem>>
      %dma_start3A_145 = arith.constant 0 : i32
      %dma_start3A_146 = arith.constant 0 : i32
      %dma_start3A_147 = tpu.memref_slice %arg2[%dma_start3A_145, %dma_start3A_146] : memref<10240x128xf32, #tpu.memory_space<hbm>> -> memref<10240x128xf32, #tpu.memory_space<hbm>>
      tpu.enqueue_indirect_dma source(%dma_start3A_147 : memref<10240x128xf32, #tpu.memory_space<hbm>>) target(%arg9 : memref<128x128xf32, #tpu.memory_space<vmem>>) offsets(%dma_start3A_144 : memref<128xi32, #tpu.memory_space<vmem>>) semaphore(%arg11 : memref<!tpu.dma_semaphore, #tpu.memory_space<semaphore_mem>>)
      "tpu.region"() ({
        %run_scoped3A_148 = tpu.sem_alloc : memref<!tpu.dma_semaphore, #tpu.memory_space<semaphore_mem>>
        %dma_start3A_149 = arith.constant 0 : i32
        %dma_start3A_150 = tpu.memref_slice %arg8[%add3A_116, %dma_start3A_149] : memref<41x128xi32, #tpu.memory_space<vmem>> -> memref<1x128xi32, #tpu.memory_space<vmem>>
        %dma_start3A_151 = tpu.memref_squeeze %dma_start3A_150 : memref<1x128xi32, #tpu.memory_space<vmem>> -> memref<128xi32, #tpu.memory_space<vmem>>
        %dma_start3A_152 = arith.constant 0 : i32
        %dma_start3A_153 = arith.constant 0 : i32
        %dma_start3A_154 = tpu.memref_slice %arg6[%dma_start3A_152, %dma_start3A_153] : memref<10240x128xf32, #tpu.memory_space<vmem_shared>> -> memref<10240x128xf32, #tpu.memory_space<vmem_shared>>
        tpu.enqueue_indirect_dma source(%arg10 : memref<128x128xf32, #tpu.memory_space<vmem>>) target(%dma_start3A_154 : memref<10240x128xf32, #tpu.memory_space<vmem_shared>>) offsets(%dma_start3A_151 : memref<128xi32, #tpu.memory_space<vmem>>) semaphore(%run_scoped3A_148 : memref<!tpu.dma_semaphore, #tpu.memory_space<semaphore_mem>>) {add = true}
        %dma_wait3A_155 = arith.constant 0 : i32
        %dma_wait3A_156 = tpu.memref_slice %arg8[%add3A_116, %dma_wait3A_155] : memref<41x128xi32, #tpu.memory_space<vmem>> -> memref<1x128xi32, #tpu.memory_space<vmem>>
        %dma_wait3A_157 = tpu.memref_squeeze %dma_wait3A_156 : memref<1x128xi32, #tpu.memory_space<vmem>> -> memref<128xi32, #tpu.memory_space<vmem>>
        %dma_wait3A_158 = arith.constant 0 : i32
        %dma_wait3A_159 = arith.constant 0 : i32
        %dma_wait3A_160 = tpu.memref_slice %arg6[%dma_wait3A_158, %dma_wait3A_159] : memref<10240x128xf32, #tpu.memory_space<vmem_shared>> -> memref<10240x128xf32, #tpu.memory_space<vmem_shared>>
        tpu.wait_indirect_dma semaphore(%run_scoped3A_148 : memref<!tpu.dma_semaphore, #tpu.memory_space<semaphore_mem>>) src(%arg10 : memref<128x128xf32, #tpu.memory_space<vmem>>) dst(%dma_wait3A_160 : memref<10240x128xf32, #tpu.memory_space<vmem_shared>>)
        tpu.yield
      }) : () -> ()
    }
    %scan3A_38 = arith.constant 20 : i32
    %dma_wait3A = arith.constant 0 : i32
    %dma_wait3A_39 = arith.constant 0 : i32
    %dma_wait3A_40 = tpu.memref_slice %arg7[%dma_wait3A, %dma_wait3A_39] : memref<41x128xi32, #tpu.memory_space<vmem>> -> memref<1x128xi32, #tpu.memory_space<vmem>>
    %dma_wait3A_41 = tpu.memref_squeeze %dma_wait3A_40 : memref<1x128xi32, #tpu.memory_space<vmem>> -> memref<128xi32, #tpu.memory_space<vmem>>
    %dma_wait3A_42 = arith.constant 0 : i32
    %dma_wait3A_43 = arith.constant 0 : i32
    %dma_wait3A_44 = tpu.memref_slice %arg2[%dma_wait3A_42, %dma_wait3A_43] : memref<10240x128xf32, #tpu.memory_space<hbm>> -> memref<10240x128xf32, #tpu.memory_space<hbm>>
    tpu.wait_indirect_dma semaphore(%arg11 : memref<!tpu.dma_semaphore, #tpu.memory_space<semaphore_mem>>) src(%dma_wait3A_44 : memref<10240x128xf32, #tpu.memory_space<hbm>>) dst(%arg9 : memref<128x128xf32, #tpu.memory_space<vmem>>)
    %run_scoped3A_45 = arith.constant 40 : i32
    "tpu.region"() ({
      %run_scoped3A_110 = tpu.sem_alloc : memref<!tpu.dma_semaphore, #tpu.memory_space<semaphore_mem>>
      %dma_start3A_111 = arith.constant 0 : i32
      %dma_start3A_112 = tpu.memref_slice %arg8[%run_scoped3A_45, %dma_start3A_111] : memref<41x128xi32, #tpu.memory_space<vmem>> -> memref<1x128xi32, #tpu.memory_space<vmem>>
      %dma_start3A_113 = tpu.memref_squeeze %dma_start3A_112 : memref<1x128xi32, #tpu.memory_space<vmem>> -> memref<128xi32, #tpu.memory_space<vmem>>
      %dma_start3A_114 = arith.constant 0 : i32
      %dma_start3A_115 = arith.constant 0 : i32
      %dma_start3A_116 = tpu.memref_slice %arg6[%dma_start3A_114, %dma_start3A_115] : memref<10240x128xf32, #tpu.memory_space<vmem_shared>> -> memref<10240x128xf32, #tpu.memory_space<vmem_shared>>
      tpu.enqueue_indirect_dma source(%arg9 : memref<128x128xf32, #tpu.memory_space<vmem>>) target(%dma_start3A_116 : memref<10240x128xf32, #tpu.memory_space<vmem_shared>>) offsets(%dma_start3A_113 : memref<128xi32, #tpu.memory_space<vmem>>) semaphore(%run_scoped3A_110 : memref<!tpu.dma_semaphore, #tpu.memory_space<semaphore_mem>>) {add = true}
      %dma_wait3A_117 = arith.constant 0 : i32
      %dma_wait3A_118 = tpu.memref_slice %arg8[%run_scoped3A_45, %dma_wait3A_117] : memref<41x128xi32, #tpu.memory_space<vmem>> -> memref<1x128xi32, #tpu.memory_space<vmem>>
      %dma_wait3A_119 = tpu.memref_squeeze %dma_wait3A_118 : memref<1x128xi32, #tpu.memory_space<vmem>> -> memref<128xi32, #tpu.memory_space<vmem>>
      %dma_wait3A_120 = arith.constant 0 : i32
      %dma_wait3A_121 = arith.constant 0 : i32
      %dma_wait3A_122 = tpu.memref_slice %arg6[%dma_wait3A_120, %dma_wait3A_121] : memref<10240x128xf32, #tpu.memory_space<vmem_shared>> -> memref<10240x128xf32, #tpu.memory_space<vmem_shared>>
      tpu.wait_indirect_dma semaphore(%run_scoped3A_110 : memref<!tpu.dma_semaphore, #tpu.memory_space<semaphore_mem>>) src(%arg9 : memref<128x128xf32, #tpu.memory_space<vmem>>) dst(%dma_wait3A_122 : memref<10240x128xf32, #tpu.memory_space<vmem_shared>>)
      tpu.yield
    }) : () -> ()
    %run_scoped3A_46 = arith.constant 1 : i32
    "tpu.region"() ({
      %run_scoped3A_110 = tpu.sem_alloc : memref<!tpu.dma_semaphore, #tpu.memory_space<semaphore_mem>>
      %dma_start3A_111 = arith.constant 0 : i32
      %dma_start3A_112 = arith.constant 0 : i32
      %dma_start3A_113 = tpu.memref_slice %arg3[%add3A, %run_scoped3A_46, %dma_start3A_111, %dma_start3A_112] : memref<32x2x41x128xi32, #tpu.memory_space<hbm>> -> memref<1x1x41x128xi32, #tpu.memory_space<hbm>>
      %dma_start3A_114 = tpu.memref_squeeze %dma_start3A_113 : memref<1x1x41x128xi32, #tpu.memory_space<hbm>> -> memref<41x128xi32, #tpu.memory_space<hbm>>
      %dma_start3A_115 = arith.constant 0 : i32
      %dma_start3A_116 = arith.constant 0 : i32
      %dma_start3A_117 = tpu.memref_slice %arg3[%add3A, %run_scoped3A_46, %dma_start3A_115, %dma_start3A_116] : memref<32x2x41x128xi32, #tpu.memory_space<hbm>> -> memref<1x1x41x128xi32, #tpu.memory_space<hbm>>
      %dma_start3A_118 = tpu.memref_squeeze %dma_start3A_117 : memref<1x1x41x128xi32, #tpu.memory_space<hbm>> -> memref<41x128xi32, #tpu.memory_space<hbm>>
      tpu.enqueue_dma source(%dma_start3A_118 : memref<41x128xi32, #tpu.memory_space<hbm>>) target(%arg7 : memref<41x128xi32, #tpu.memory_space<vmem>>) target_semaphore(%run_scoped3A_110 : memref<!tpu.dma_semaphore, #tpu.memory_space<semaphore_mem>>)
      %dma_wait3A_119 = arith.constant 0 : i32
      %dma_wait3A_120 = arith.constant 0 : i32
      %dma_wait3A_121 = tpu.memref_slice %arg3[%add3A, %run_scoped3A_46, %dma_wait3A_119, %dma_wait3A_120] : memref<32x2x41x128xi32, #tpu.memory_space<hbm>> -> memref<1x1x41x128xi32, #tpu.memory_space<hbm>>
      %dma_wait3A_122 = tpu.memref_squeeze %dma_wait3A_121 : memref<1x1x41x128xi32, #tpu.memory_space<hbm>> -> memref<41x128xi32, #tpu.memory_space<hbm>>
      %dma_wait3A_123 = arith.constant 0 : i32
      %dma_wait3A_124 = arith.constant 0 : i32
      %dma_wait3A_125 = tpu.memref_slice %arg3[%add3A, %run_scoped3A_46, %dma_wait3A_123, %dma_wait3A_124] : memref<32x2x41x128xi32, #tpu.memory_space<hbm>> -> memref<1x1x41x128xi32, #tpu.memory_space<hbm>>
      %dma_wait3A_126 = tpu.memref_squeeze %dma_wait3A_125 : memref<1x1x41x128xi32, #tpu.memory_space<hbm>> -> memref<41x128xi32, #tpu.memory_space<hbm>>
      tpu.wait_dma2 semaphore(%run_scoped3A_110 : memref<!tpu.dma_semaphore, #tpu.memory_space<semaphore_mem>>) src(%dma_wait3A_126 : memref<41x128xi32, #tpu.memory_space<hbm>>) dst(%arg7 : memref<41x128xi32, #tpu.memory_space<vmem>>)
      tpu.yield
    }) : () -> ()
    %run_scoped3A_47 = arith.constant 1 : i32
    "tpu.region"() ({
      %run_scoped3A_110 = tpu.sem_alloc : memref<!tpu.dma_semaphore, #tpu.memory_space<semaphore_mem>>
      %dma_start3A_111 = arith.constant 0 : i32
      %dma_start3A_112 = arith.constant 0 : i32
      %dma_start3A_113 = tpu.memref_slice %arg4[%add3A, %run_scoped3A_47, %dma_start3A_111, %dma_start3A_112] : memref<32x2x41x128xi32, #tpu.memory_space<hbm>> -> memref<1x1x41x128xi32, #tpu.memory_space<hbm>>
      %dma_start3A_114 = tpu.memref_squeeze %dma_start3A_113 : memref<1x1x41x128xi32, #tpu.memory_space<hbm>> -> memref<41x128xi32, #tpu.memory_space<hbm>>
      %dma_start3A_115 = arith.constant 0 : i32
      %dma_start3A_116 = arith.constant 0 : i32
      %dma_start3A_117 = tpu.memref_slice %arg4[%add3A, %run_scoped3A_47, %dma_start3A_115, %dma_start3A_116] : memref<32x2x41x128xi32, #tpu.memory_space<hbm>> -> memref<1x1x41x128xi32, #tpu.memory_space<hbm>>
      %dma_start3A_118 = tpu.memref_squeeze %dma_start3A_117 : memref<1x1x41x128xi32, #tpu.memory_space<hbm>> -> memref<41x128xi32, #tpu.memory_space<hbm>>
      tpu.enqueue_dma source(%dma_start3A_118 : memref<41x128xi32, #tpu.memory_space<hbm>>) target(%arg8 : memref<41x128xi32, #tpu.memory_space<vmem>>) target_semaphore(%run_scoped3A_110 : memref<!tpu.dma_semaphore, #tpu.memory_space<semaphore_mem>>)
      %dma_wait3A_119 = arith.constant 0 : i32
      %dma_wait3A_120 = arith.constant 0 : i32
      %dma_wait3A_121 = tpu.memref_slice %arg4[%add3A, %run_scoped3A_47, %dma_wait3A_119, %dma_wait3A_120] : memref<32x2x41x128xi32, #tpu.memory_space<hbm>> -> memref<1x1x41x128xi32, #tpu.memory_space<hbm>>
      %dma_wait3A_122 = tpu.memref_squeeze %dma_wait3A_121 : memref<1x1x41x128xi32, #tpu.memory_space<hbm>> -> memref<41x128xi32, #tpu.memory_space<hbm>>
      %dma_wait3A_123 = arith.constant 0 : i32
      %dma_wait3A_124 = arith.constant 0 : i32
      %dma_wait3A_125 = tpu.memref_slice %arg4[%add3A, %run_scoped3A_47, %dma_wait3A_123, %dma_wait3A_124] : memref<32x2x41x128xi32, #tpu.memory_space<hbm>> -> memref<1x1x41x128xi32, #tpu.memory_space<hbm>>
      %dma_wait3A_126 = tpu.memref_squeeze %dma_wait3A_125 : memref<1x1x41x128xi32, #tpu.memory_space<hbm>> -> memref<41x128xi32, #tpu.memory_space<hbm>>
      tpu.wait_dma2 semaphore(%run_scoped3A_110 : memref<!tpu.dma_semaphore, #tpu.memory_space<semaphore_mem>>) src(%dma_wait3A_126 : memref<41x128xi32, #tpu.memory_space<hbm>>) dst(%arg8 : memref<41x128xi32, #tpu.memory_space<vmem>>)
      tpu.yield
    }) : () -> ()
    %dma_start3A_48 = arith.constant 0 : i32
    %dma_start3A_49 = arith.constant 0 : i32
    %dma_start3A_50 = tpu.memref_slice %arg7[%dma_start3A_48, %dma_start3A_49] : memref<41x128xi32, #tpu.memory_space<vmem>> -> memref<1x128xi32, #tpu.memory_space<vmem>>
    %dma_start3A_51 = tpu.memref_squeeze %dma_start3A_50 : memref<1x128xi32, #tpu.memory_space<vmem>> -> memref<128xi32, #tpu.memory_space<vmem>>
    %dma_start3A_52 = arith.constant 0 : i32
    %dma_start3A_53 = arith.constant 0 : i32
    %dma_start3A_54 = tpu.memref_slice %arg2[%dma_start3A_52, %dma_start3A_53] : memref<10240x128xf32, #tpu.memory_space<hbm>> -> memref<10240x128xf32, #tpu.memory_space<hbm>>
    tpu.enqueue_indirect_dma source(%dma_start3A_54 : memref<10240x128xf32, #tpu.memory_space<hbm>>) target(%arg9 : memref<128x128xf32, #tpu.memory_space<vmem>>) offsets(%dma_start3A_51 : memref<128xi32, #tpu.memory_space<vmem>>) semaphore(%arg11 : memref<!tpu.dma_semaphore, #tpu.memory_space<semaphore_mem>>)
    %scan3A_55 = arith.constant 0 : i32
    %scan3A_56 = arith.constant 0 : i32
    %scan3A_57 = arith.constant 20 : i32
    %scan3A_58 = arith.addi %scan3A_56, %scan3A_57 : i32
    %scan3A_59 = arith.constant 1 : i32
    scf.for %scan3A_110 = %scan3A_56 to %scan3A_58 step %scan3A_59  : i32 {
      %mul3A_111 = arith.constant 2 : i32
      %mul3A_112 = arith.muli %mul3A_111, %scan3A_110 : i32
      %mul3A_113 = arith.constant 2 : i32
      %mul3A_114 = arith.muli %mul3A_113, %scan3A_110 : i32
      %add3A_115 = arith.constant 1 : i32
      %add3A_116 = arith.addi %mul3A_114, %add3A_115 : i32
      %mul3A_117 = arith.constant 2 : i32
      %mul3A_118 = arith.muli %mul3A_117, %scan3A_110 : i32
      %add3A_119 = arith.constant 2 : i32
      %add3A_120 = arith.addi %mul3A_118, %add3A_119 : i32
      %min3A = arith.constant 40 : i32
      %min3A_121 = arith.minsi %add3A_120, %min3A : i32
      %dma_wait3A_122 = arith.constant 0 : i32
      %dma_wait3A_123 = arith.constant 0 : i32
      %dma_wait3A_124 = tpu.memref_slice %arg7[%dma_wait3A_122, %dma_wait3A_123] : memref<41x128xi32, #tpu.memory_space<vmem>> -> memref<1x128xi32, #tpu.memory_space<vmem>>
      %dma_wait3A_125 = tpu.memref_squeeze %dma_wait3A_124 : memref<1x128xi32, #tpu.memory_space<vmem>> -> memref<128xi32, #tpu.memory_space<vmem>>
      %dma_wait3A_126 = arith.constant 0 : i32
      %dma_wait3A_127 = arith.constant 0 : i32
      %dma_wait3A_128 = tpu.memref_slice %arg2[%dma_wait3A_126, %dma_wait3A_127] : memref<10240x128xf32, #tpu.memory_space<hbm>> -> memref<10240x128xf32, #tpu.memory_space<hbm>>
      tpu.wait_indirect_dma semaphore(%arg11 : memref<!tpu.dma_semaphore, #tpu.memory_space<semaphore_mem>>) src(%dma_wait3A_128 : memref<10240x128xf32, #tpu.memory_space<hbm>>) dst(%arg9 : memref<128x128xf32, #tpu.memory_space<vmem>>)
      %dma_start3A_129 = arith.constant 0 : i32
      %dma_start3A_130 = tpu.memref_slice %arg7[%add3A_116, %dma_start3A_129] : memref<41x128xi32, #tpu.memory_space<vmem>> -> memref<1x128xi32, #tpu.memory_space<vmem>>
      %dma_start3A_131 = tpu.memref_squeeze %dma_start3A_130 : memref<1x128xi32, #tpu.memory_space<vmem>> -> memref<128xi32, #tpu.memory_space<vmem>>
      %dma_start3A_132 = arith.constant 0 : i32
      %dma_start3A_133 = arith.constant 0 : i32
      %dma_start3A_134 = tpu.memref_slice %arg2[%dma_start3A_132, %dma_start3A_133] : memref<10240x128xf32, #tpu.memory_space<hbm>> -> memref<10240x128xf32, #tpu.memory_space<hbm>>
      tpu.enqueue_indirect_dma source(%dma_start3A_134 : memref<10240x128xf32, #tpu.memory_space<hbm>>) target(%arg10 : memref<128x128xf32, #tpu.memory_space<vmem>>) offsets(%dma_start3A_131 : memref<128xi32, #tpu.memory_space<vmem>>) semaphore(%arg12 : memref<!tpu.dma_semaphore, #tpu.memory_space<semaphore_mem>>)
      "tpu.region"() ({
        %run_scoped3A_148 = tpu.sem_alloc : memref<!tpu.dma_semaphore, #tpu.memory_space<semaphore_mem>>
        %dma_start3A_149 = arith.constant 0 : i32
        %dma_start3A_150 = tpu.memref_slice %arg8[%mul3A_112, %dma_start3A_149] : memref<41x128xi32, #tpu.memory_space<vmem>> -> memref<1x128xi32, #tpu.memory_space<vmem>>
        %dma_start3A_151 = tpu.memref_squeeze %dma_start3A_150 : memref<1x128xi32, #tpu.memory_space<vmem>> -> memref<128xi32, #tpu.memory_space<vmem>>
        %dma_start3A_152 = arith.constant 0 : i32
        %dma_start3A_153 = arith.constant 0 : i32
        %dma_start3A_154 = tpu.memref_slice %arg6[%dma_start3A_152, %dma_start3A_153] : memref<10240x128xf32, #tpu.memory_space<vmem_shared>> -> memref<10240x128xf32, #tpu.memory_space<vmem_shared>>
        tpu.enqueue_indirect_dma source(%arg9 : memref<128x128xf32, #tpu.memory_space<vmem>>) target(%dma_start3A_154 : memref<10240x128xf32, #tpu.memory_space<vmem_shared>>) offsets(%dma_start3A_151 : memref<128xi32, #tpu.memory_space<vmem>>) semaphore(%run_scoped3A_148 : memref<!tpu.dma_semaphore, #tpu.memory_space<semaphore_mem>>) {add = true}
        %dma_wait3A_155 = arith.constant 0 : i32
        %dma_wait3A_156 = tpu.memref_slice %arg8[%mul3A_112, %dma_wait3A_155] : memref<41x128xi32, #tpu.memory_space<vmem>> -> memref<1x128xi32, #tpu.memory_space<vmem>>
        %dma_wait3A_157 = tpu.memref_squeeze %dma_wait3A_156 : memref<1x128xi32, #tpu.memory_space<vmem>> -> memref<128xi32, #tpu.memory_space<vmem>>
        %dma_wait3A_158 = arith.constant 0 : i32
        %dma_wait3A_159 = arith.constant 0 : i32
        %dma_wait3A_160 = tpu.memref_slice %arg6[%dma_wait3A_158, %dma_wait3A_159] : memref<10240x128xf32, #tpu.memory_space<vmem_shared>> -> memref<10240x128xf32, #tpu.memory_space<vmem_shared>>
        tpu.wait_indirect_dma semaphore(%run_scoped3A_148 : memref<!tpu.dma_semaphore, #tpu.memory_space<semaphore_mem>>) src(%arg9 : memref<128x128xf32, #tpu.memory_space<vmem>>) dst(%dma_wait3A_160 : memref<10240x128xf32, #tpu.memory_space<vmem_shared>>)
        tpu.yield
      }) : () -> ()
      %dma_wait3A_135 = arith.constant 0 : i32
      %dma_wait3A_136 = arith.constant 0 : i32
      %dma_wait3A_137 = tpu.memref_slice %arg7[%dma_wait3A_135, %dma_wait3A_136] : memref<41x128xi32, #tpu.memory_space<vmem>> -> memref<1x128xi32, #tpu.memory_space<vmem>>
      %dma_wait3A_138 = tpu.memref_squeeze %dma_wait3A_137 : memref<1x128xi32, #tpu.memory_space<vmem>> -> memref<128xi32, #tpu.memory_space<vmem>>
      %dma_wait3A_139 = arith.constant 0 : i32
      %dma_wait3A_140 = arith.constant 0 : i32
      %dma_wait3A_141 = tpu.memref_slice %arg2[%dma_wait3A_139, %dma_wait3A_140] : memref<10240x128xf32, #tpu.memory_space<hbm>> -> memref<10240x128xf32, #tpu.memory_space<hbm>>
      tpu.wait_indirect_dma semaphore(%arg12 : memref<!tpu.dma_semaphore, #tpu.memory_space<semaphore_mem>>) src(%dma_wait3A_141 : memref<10240x128xf32, #tpu.memory_space<hbm>>) dst(%arg10 : memref<128x128xf32, #tpu.memory_space<vmem>>)
      %dma_start3A_142 = arith.constant 0 : i32
      %dma_start3A_143 = tpu.memref_slice %arg7[%min3A_121, %dma_start3A_142] : memref<41x128xi32, #tpu.memory_space<vmem>> -> memref<1x128xi32, #tpu.memory_space<vmem>>
      %dma_start3A_144 = tpu.memref_squeeze %dma_start3A_143 : memref<1x128xi32, #tpu.memory_space<vmem>> -> memref<128xi32, #tpu.memory_space<vmem>>
      %dma_start3A_145 = arith.constant 0 : i32
      %dma_start3A_146 = arith.constant 0 : i32
      %dma_start3A_147 = tpu.memref_slice %arg2[%dma_start3A_145, %dma_start3A_146] : memref<10240x128xf32, #tpu.memory_space<hbm>> -> memref<10240x128xf32, #tpu.memory_space<hbm>>
      tpu.enqueue_indirect_dma source(%dma_start3A_147 : memref<10240x128xf32, #tpu.memory_space<hbm>>) target(%arg9 : memref<128x128xf32, #tpu.memory_space<vmem>>) offsets(%dma_start3A_144 : memref<128xi32, #tpu.memory_space<vmem>>) semaphore(%arg11 : memref<!tpu.dma_semaphore, #tpu.memory_space<semaphore_mem>>)
      "tpu.region"() ({
        %run_scoped3A_148 = tpu.sem_alloc : memref<!tpu.dma_semaphore, #tpu.memory_space<semaphore_mem>>
        %dma_start3A_149 = arith.constant 0 : i32
        %dma_start3A_150 = tpu.memref_slice %arg8[%add3A_116, %dma_start3A_149] : memref<41x128xi32, #tpu.memory_space<vmem>> -> memref<1x128xi32, #tpu.memory_space<vmem>>
        %dma_start3A_151 = tpu.memref_squeeze %dma_start3A_150 : memref<1x128xi32, #tpu.memory_space<vmem>> -> memref<128xi32, #tpu.memory_space<vmem>>
        %dma_start3A_152 = arith.constant 0 : i32
        %dma_start3A_153 = arith.constant 0 : i32
        %dma_start3A_154 = tpu.memref_slice %arg6[%dma_start3A_152, %dma_start3A_153] : memref<10240x128xf32, #tpu.memory_space<vmem_shared>> -> memref<10240x128xf32, #tpu.memory_space<vmem_shared>>
        tpu.enqueue_indirect_dma source(%arg10 : memref<128x128xf32, #tpu.memory_space<vmem>>) target(%dma_start3A_154 : memref<10240x128xf32, #tpu.memory_space<vmem_shared>>) offsets(%dma_start3A_151 : memref<128xi32, #tpu.memory_space<vmem>>) semaphore(%run_scoped3A_148 : memref<!tpu.dma_semaphore, #tpu.memory_space<semaphore_mem>>) {add = true}
        %dma_wait3A_155 = arith.constant 0 : i32
        %dma_wait3A_156 = tpu.memref_slice %arg8[%add3A_116, %dma_wait3A_155] : memref<41x128xi32, #tpu.memory_space<vmem>> -> memref<1x128xi32, #tpu.memory_space<vmem>>
        %dma_wait3A_157 = tpu.memref_squeeze %dma_wait3A_156 : memref<1x128xi32, #tpu.memory_space<vmem>> -> memref<128xi32, #tpu.memory_space<vmem>>
        %dma_wait3A_158 = arith.constant 0 : i32
        %dma_wait3A_159 = arith.constant 0 : i32
        %dma_wait3A_160 = tpu.memref_slice %arg6[%dma_wait3A_158, %dma_wait3A_159] : memref<10240x128xf32, #tpu.memory_space<vmem_shared>> -> memref<10240x128xf32, #tpu.memory_space<vmem_shared>>
        tpu.wait_indirect_dma semaphore(%run_scoped3A_148 : memref<!tpu.dma_semaphore, #tpu.memory_space<semaphore_mem>>) src(%arg10 : memref<128x128xf32, #tpu.memory_space<vmem>>) dst(%dma_wait3A_160 : memref<10240x128xf32, #tpu.memory_space<vmem_shared>>)
        tpu.yield
      }) : () -> ()
    }
    %scan3A_60 = arith.constant 20 : i32
    %dma_wait3A_61 = arith.constant 0 : i32
    %dma_wait3A_62 = arith.constant 0 : i32
    %dma_wait3A_63 = tpu.memref_slice %arg7[%dma_wait3A_61, %dma_wait3A_62] : memref<41x128xi32, #tpu.memory_space<vmem>> -> memref<1x128xi32, #tpu.memory_space<vmem>>
    %dma_wait3A_64 = tpu.memref_squeeze %dma_wait3A_63 : memref<1x128xi32, #tpu.memory_space<vmem>> -> memref<128xi32, #tpu.memory_space<vmem>>
    %dma_wait3A_65 = arith.constant 0 : i32
    %dma_wait3A_66 = arith.constant 0 : i32
    %dma_wait3A_67 = tpu.memref_slice %arg2[%dma_wait3A_65, %dma_wait3A_66] : memref<10240x128xf32, #tpu.memory_space<hbm>> -> memref<10240x128xf32, #tpu.memory_space<hbm>>
    tpu.wait_indirect_dma semaphore(%arg11 : memref<!tpu.dma_semaphore, #tpu.memory_space<semaphore_mem>>) src(%dma_wait3A_67 : memref<10240x128xf32, #tpu.memory_space<hbm>>) dst(%arg9 : memref<128x128xf32, #tpu.memory_space<vmem>>)
    %run_scoped3A_68 = arith.constant 40 : i32
    "tpu.region"() ({
      %run_scoped3A_110 = tpu.sem_alloc : memref<!tpu.dma_semaphore, #tpu.memory_space<semaphore_mem>>
      %dma_start3A_111 = arith.constant 0 : i32
      %dma_start3A_112 = tpu.memref_slice %arg8[%run_scoped3A_68, %dma_start3A_111] : memref<41x128xi32, #tpu.memory_space<vmem>> -> memref<1x128xi32, #tpu.memory_space<vmem>>
      %dma_start3A_113 = tpu.memref_squeeze %dma_start3A_112 : memref<1x128xi32, #tpu.memory_space<vmem>> -> memref<128xi32, #tpu.memory_space<vmem>>
      %dma_start3A_114 = arith.constant 0 : i32
      %dma_start3A_115 = arith.constant 0 : i32
      %dma_start3A_116 = tpu.memref_slice %arg6[%dma_start3A_114, %dma_start3A_115] : memref<10240x128xf32, #tpu.memory_space<vmem_shared>> -> memref<10240x128xf32, #tpu.memory_space<vmem_shared>>
      tpu.enqueue_indirect_dma source(%arg9 : memref<128x128xf32, #tpu.memory_space<vmem>>) target(%dma_start3A_116 : memref<10240x128xf32, #tpu.memory_space<vmem_shared>>) offsets(%dma_start3A_113 : memref<128xi32, #tpu.memory_space<vmem>>) semaphore(%run_scoped3A_110 : memref<!tpu.dma_semaphore, #tpu.memory_space<semaphore_mem>>) {add = true}
      %dma_wait3A_117 = arith.constant 0 : i32
      %dma_wait3A_118 = tpu.memref_slice %arg8[%run_scoped3A_68, %dma_wait3A_117] : memref<41x128xi32, #tpu.memory_space<vmem>> -> memref<1x128xi32, #tpu.memory_space<vmem>>
      %dma_wait3A_119 = tpu.memref_squeeze %dma_wait3A_118 : memref<1x128xi32, #tpu.memory_space<vmem>> -> memref<128xi32, #tpu.memory_space<vmem>>
      %dma_wait3A_120 = arith.constant 0 : i32
      %dma_wait3A_121 = arith.constant 0 : i32
      %dma_wait3A_122 = tpu.memref_slice %arg6[%dma_wait3A_120, %dma_wait3A_121] : memref<10240x128xf32, #tpu.memory_space<vmem_shared>> -> memref<10240x128xf32, #tpu.memory_space<vmem_shared>>
      tpu.wait_indirect_dma semaphore(%run_scoped3A_110 : memref<!tpu.dma_semaphore, #tpu.memory_space<semaphore_mem>>) src(%arg9 : memref<128x128xf32, #tpu.memory_space<vmem>>) dst(%dma_wait3A_122 : memref<10240x128xf32, #tpu.memory_space<vmem_shared>>)
      tpu.yield
    }) : () -> ()
    %barrier3A_69 = arith.constant 0 : index
    tpu.barrier barrier_id(%barrier3A_69)
    %mul3A_70 = arith.constant 640 : i32
    %mul3A_71 = arith.muli %arg1, %mul3A_70 : i32
    %add3A_72 = arith.constant 0 : i32
    %add3A_73 = arith.addi %mul3A_71, %add3A_72 : i32
    "tpu.region"() ({
      %run_scoped3A_110 = tpu.sem_alloc : memref<!tpu.dma_semaphore, #tpu.memory_space<semaphore_mem>>
      %dma_start3A_111 = arith.constant 0 : i32
      %dma_start3A_112 = tpu.memref_slice %arg6[%add3A_73, %dma_start3A_111] : memref<10240x128xf32, #tpu.memory_space<vmem_shared>> -> memref<128x128xf32, #tpu.memory_space<vmem_shared>>
      %dma_start3A_113 = arith.constant 0 : i32
      %dma_start3A_114 = tpu.memref_slice %arg6[%add3A_73, %dma_start3A_113] : memref<10240x128xf32, #tpu.memory_space<vmem_shared>> -> memref<128x128xf32, #tpu.memory_space<vmem_shared>>
      tpu.enqueue_dma source(%dma_start3A_114 : memref<128x128xf32, #tpu.memory_space<vmem_shared>>) target(%arg9 : memref<128x128xf32, #tpu.memory_space<vmem>>) target_semaphore(%run_scoped3A_110 : memref<!tpu.dma_semaphore, #tpu.memory_space<semaphore_mem>>)
      %dma_wait3A_115 = arith.constant 0 : i32
      %dma_wait3A_116 = tpu.memref_slice %arg6[%add3A_73, %dma_wait3A_115] : memref<10240x128xf32, #tpu.memory_space<vmem_shared>> -> memref<128x128xf32, #tpu.memory_space<vmem_shared>>
      %dma_wait3A_117 = arith.constant 0 : i32
      %dma_wait3A_118 = tpu.memref_slice %arg6[%add3A_73, %dma_wait3A_117] : memref<10240x128xf32, #tpu.memory_space<vmem_shared>> -> memref<128x128xf32, #tpu.memory_space<vmem_shared>>
      tpu.wait_dma2 semaphore(%run_scoped3A_110 : memref<!tpu.dma_semaphore, #tpu.memory_space<semaphore_mem>>) src(%dma_wait3A_118 : memref<128x128xf32, #tpu.memory_space<vmem_shared>>) dst(%arg9 : memref<128x128xf32, #tpu.memory_space<vmem>>)
      tpu.yield
    }) : () -> ()
    %mul3A_74 = arith.constant 640 : i32
    %mul3A_75 = arith.muli %arg1, %mul3A_74 : i32
    %add3A_76 = arith.constant 0 : i32
    %add3A_77 = arith.addi %mul3A_75, %add3A_76 : i32
    "tpu.region"() ({
      %run_scoped3A_110 = tpu.sem_alloc : memref<!tpu.dma_semaphore, #tpu.memory_space<semaphore_mem>>
      %dma_start3A_111 = arith.constant 0 : i32
      %dma_start3A_112 = tpu.memref_slice %arg5[%arg0, %add3A_77, %dma_start3A_111] : memref<2x10240x128xf32, #tpu.memory_space<hbm>> -> memref<1x128x128xf32, #tpu.memory_space<hbm>>
      %dma_start3A_113 = tpu.memref_squeeze %dma_start3A_112 : memref<1x128x128xf32, #tpu.memory_space<hbm>> -> memref<128x128xf32, #tpu.memory_space<hbm>>
      %dma_start3A_114 = arith.constant 0 : i32
      %dma_start3A_115 = tpu.memref_slice %arg5[%arg0, %add3A_77, %dma_start3A_114] : memref<2x10240x128xf32, #tpu.memory_space<hbm>> -> memref<1x128x128xf32, #tpu.memory_space<hbm>>
      %dma_start3A_116 = tpu.memref_squeeze %dma_start3A_115 : memref<1x128x128xf32, #tpu.memory_space<hbm>> -> memref<128x128xf32, #tpu.memory_space<hbm>>
      tpu.enqueue_dma source(%arg9 : memref<128x128xf32, #tpu.memory_space<vmem>>) target(%dma_start3A_116 : memref<128x128xf32, #tpu.memory_space<hbm>>) target_semaphore(%run_scoped3A_110 : memref<!tpu.dma_semaphore, #tpu.memory_space<semaphore_mem>>)
      %dma_wait3A_117 = arith.constant 0 : i32
      %dma_wait3A_118 = tpu.memref_slice %arg5[%arg0, %add3A_77, %dma_wait3A_117] : memref<2x10240x128xf32, #tpu.memory_space<hbm>> -> memref<1x128x128xf32, #tpu.memory_space<hbm>>
      %dma_wait3A_119 = tpu.memref_squeeze %dma_wait3A_118 : memref<1x128x128xf32, #tpu.memory_space<hbm>> -> memref<128x128xf32, #tpu.memory_space<hbm>>
      %dma_wait3A_120 = arith.constant 0 : i32
      %dma_wait3A_121 = tpu.memref_slice %arg5[%arg0, %add3A_77, %dma_wait3A_120] : memref<2x10240x128xf32, #tpu.memory_space<hbm>> -> memref<1x128x128xf32, #tpu.memory_space<hbm>>
      %dma_wait3A_122 = tpu.memref_squeeze %dma_wait3A_121 : memref<1x128x128xf32, #tpu.memory_space<hbm>> -> memref<128x128xf32, #tpu.memory_space<hbm>>
      tpu.wait_dma2 semaphore(%run_scoped3A_110 : memref<!tpu.dma_semaphore, #tpu.memory_space<semaphore_mem>>) src(%arg9 : memref<128x128xf32, #tpu.memory_space<vmem>>) dst(%dma_wait3A_122 : memref<128x128xf32, #tpu.memory_space<hbm>>)
      tpu.yield
    }) : () -> ()
    %mul3A_78 = arith.constant 640 : i32
    %mul3A_79 = arith.muli %arg1, %mul3A_78 : i32
    %add3A_80 = arith.constant 128 : i32
    %add3A_81 = arith.addi %mul3A_79, %add3A_80 : i32
    "tpu.region"() ({
      %run_scoped3A_110 = tpu.sem_alloc : memref<!tpu.dma_semaphore, #tpu.memory_space<semaphore_mem>>
      %dma_start3A_111 = arith.constant 0 : i32
      %dma_start3A_112 = tpu.memref_slice %arg6[%add3A_81, %dma_start3A_111] : memref<10240x128xf32, #tpu.memory_space<vmem_shared>> -> memref<128x128xf32, #tpu.memory_space<vmem_shared>>
      %dma_start3A_113 = arith.constant 0 : i32
      %dma_start3A_114 = tpu.memref_slice %arg6[%add3A_81, %dma_start3A_113] : memref<10240x128xf32, #tpu.memory_space<vmem_shared>> -> memref<128x128xf32, #tpu.memory_space<vmem_shared>>
      tpu.enqueue_dma source(%dma_start3A_114 : memref<128x128xf32, #tpu.memory_space<vmem_shared>>) target(%arg9 : memref<128x128xf32, #tpu.memory_space<vmem>>) target_semaphore(%run_scoped3A_110 : memref<!tpu.dma_semaphore, #tpu.memory_space<semaphore_mem>>)
      %dma_wait3A_115 = arith.constant 0 : i32
      %dma_wait3A_116 = tpu.memref_slice %arg6[%add3A_81, %dma_wait3A_115] : memref<10240x128xf32, #tpu.memory_space<vmem_shared>> -> memref<128x128xf32, #tpu.memory_space<vmem_shared>>
      %dma_wait3A_117 = arith.constant 0 : i32
      %dma_wait3A_118 = tpu.memref_slice %arg6[%add3A_81, %dma_wait3A_117] : memref<10240x128xf32, #tpu.memory_space<vmem_shared>> -> memref<128x128xf32, #tpu.memory_space<vmem_shared>>
      tpu.wait_dma2 semaphore(%run_scoped3A_110 : memref<!tpu.dma_semaphore, #tpu.memory_space<semaphore_mem>>) src(%dma_wait3A_118 : memref<128x128xf32, #tpu.memory_space<vmem_shared>>) dst(%arg9 : memref<128x128xf32, #tpu.memory_space<vmem>>)
      tpu.yield
    }) : () -> ()
    %mul3A_82 = arith.constant 640 : i32
    %mul3A_83 = arith.muli %arg1, %mul3A_82 : i32
    %add3A_84 = arith.constant 128 : i32
    %add3A_85 = arith.addi %mul3A_83, %add3A_84 : i32
    "tpu.region"() ({
      %run_scoped3A_110 = tpu.sem_alloc : memref<!tpu.dma_semaphore, #tpu.memory_space<semaphore_mem>>
      %dma_start3A_111 = arith.constant 0 : i32
      %dma_start3A_112 = tpu.memref_slice %arg5[%arg0, %add3A_85, %dma_start3A_111] : memref<2x10240x128xf32, #tpu.memory_space<hbm>> -> memref<1x128x128xf32, #tpu.memory_space<hbm>>
      %dma_start3A_113 = tpu.memref_squeeze %dma_start3A_112 : memref<1x128x128xf32, #tpu.memory_space<hbm>> -> memref<128x128xf32, #tpu.memory_space<hbm>>
      %dma_start3A_114 = arith.constant 0 : i32
      %dma_start3A_115 = tpu.memref_slice %arg5[%arg0, %add3A_85, %dma_start3A_114] : memref<2x10240x128xf32, #tpu.memory_space<hbm>> -> memref<1x128x128xf32, #tpu.memory_space<hbm>>
      %dma_start3A_116 = tpu.memref_squeeze %dma_start3A_115 : memref<1x128x128xf32, #tpu.memory_space<hbm>> -> memref<128x128xf32, #tpu.memory_space<hbm>>
      tpu.enqueue_dma source(%arg9 : memref<128x128xf32, #tpu.memory_space<vmem>>) target(%dma_start3A_116 : memref<128x128xf32, #tpu.memory_space<hbm>>) target_semaphore(%run_scoped3A_110 : memref<!tpu.dma_semaphore, #tpu.memory_space<semaphore_mem>>)
      %dma_wait3A_117 = arith.constant 0 : i32
      %dma_wait3A_118 = tpu.memref_slice %arg5[%arg0, %add3A_85, %dma_wait3A_117] : memref<2x10240x128xf32, #tpu.memory_space<hbm>> -> memref<1x128x128xf32, #tpu.memory_space<hbm>>
      %dma_wait3A_119 = tpu.memref_squeeze %dma_wait3A_118 : memref<1x128x128xf32, #tpu.memory_space<hbm>> -> memref<128x128xf32, #tpu.memory_space<hbm>>
      %dma_wait3A_120 = arith.constant 0 : i32
      %dma_wait3A_121 = tpu.memref_slice %arg5[%arg0, %add3A_85, %dma_wait3A_120] : memref<2x10240x128xf32, #tpu.memory_space<hbm>> -> memref<1x128x128xf32, #tpu.memory_space<hbm>>
      %dma_wait3A_122 = tpu.memref_squeeze %dma_wait3A_121 : memref<1x128x128xf32, #tpu.memory_space<hbm>> -> memref<128x128xf32, #tpu.memory_space<hbm>>
      tpu.wait_dma2 semaphore(%run_scoped3A_110 : memref<!tpu.dma_semaphore, #tpu.memory_space<semaphore_mem>>) src(%arg9 : memref<128x128xf32, #tpu.memory_space<vmem>>) dst(%dma_wait3A_122 : memref<128x128xf32, #tpu.memory_space<hbm>>)
      tpu.yield
    }) : () -> ()
    %mul3A_86 = arith.constant 640 : i32
    %mul3A_87 = arith.muli %arg1, %mul3A_86 : i32
    %add3A_88 = arith.constant 256 : i32
    %add3A_89 = arith.addi %mul3A_87, %add3A_88 : i32
    "tpu.region"() ({
      %run_scoped3A_110 = tpu.sem_alloc : memref<!tpu.dma_semaphore, #tpu.memory_space<semaphore_mem>>
      %dma_start3A_111 = arith.constant 0 : i32
      %dma_start3A_112 = tpu.memref_slice %arg6[%add3A_89, %dma_start3A_111] : memref<10240x128xf32, #tpu.memory_space<vmem_shared>> -> memref<128x128xf32, #tpu.memory_space<vmem_shared>>
      %dma_start3A_113 = arith.constant 0 : i32
      %dma_start3A_114 = tpu.memref_slice %arg6[%add3A_89, %dma_start3A_113] : memref<10240x128xf32, #tpu.memory_space<vmem_shared>> -> memref<128x128xf32, #tpu.memory_space<vmem_shared>>
      tpu.enqueue_dma source(%dma_start3A_114 : memref<128x128xf32, #tpu.memory_space<vmem_shared>>) target(%arg9 : memref<128x128xf32, #tpu.memory_space<vmem>>) target_semaphore(%run_scoped3A_110 : memref<!tpu.dma_semaphore, #tpu.memory_space<semaphore_mem>>)
      %dma_wait3A_115 = arith.constant 0 : i32
      %dma_wait3A_116 = tpu.memref_slice %arg6[%add3A_89, %dma_wait3A_115] : memref<10240x128xf32, #tpu.memory_space<vmem_shared>> -> memref<128x128xf32, #tpu.memory_space<vmem_shared>>
      %dma_wait3A_117 = arith.constant 0 : i32
      %dma_wait3A_118 = tpu.memref_slice %arg6[%add3A_89, %dma_wait3A_117] : memref<10240x128xf32, #tpu.memory_space<vmem_shared>> -> memref<128x128xf32, #tpu.memory_space<vmem_shared>>
      tpu.wait_dma2 semaphore(%run_scoped3A_110 : memref<!tpu.dma_semaphore, #tpu.memory_space<semaphore_mem>>) src(%dma_wait3A_118 : memref<128x128xf32, #tpu.memory_space<vmem_shared>>) dst(%arg9 : memref<128x128xf32, #tpu.memory_space<vmem>>)
      tpu.yield
    }) : () -> ()
    %mul3A_90 = arith.constant 640 : i32
    %mul3A_91 = arith.muli %arg1, %mul3A_90 : i32
    %add3A_92 = arith.constant 256 : i32
    %add3A_93 = arith.addi %mul3A_91, %add3A_92 : i32
    "tpu.region"() ({
      %run_scoped3A_110 = tpu.sem_alloc : memref<!tpu.dma_semaphore, #tpu.memory_space<semaphore_mem>>
      %dma_start3A_111 = arith.constant 0 : i32
      %dma_start3A_112 = tpu.memref_slice %arg5[%arg0, %add3A_93, %dma_start3A_111] : memref<2x10240x128xf32, #tpu.memory_space<hbm>> -> memref<1x128x128xf32, #tpu.memory_space<hbm>>
      %dma_start3A_113 = tpu.memref_squeeze %dma_start3A_112 : memref<1x128x128xf32, #tpu.memory_space<hbm>> -> memref<128x128xf32, #tpu.memory_space<hbm>>
      %dma_start3A_114 = arith.constant 0 : i32
      %dma_start3A_115 = tpu.memref_slice %arg5[%arg0, %add3A_93, %dma_start3A_114] : memref<2x10240x128xf32, #tpu.memory_space<hbm>> -> memref<1x128x128xf32, #tpu.memory_space<hbm>>
      %dma_start3A_116 = tpu.memref_squeeze %dma_start3A_115 : memref<1x128x128xf32, #tpu.memory_space<hbm>> -> memref<128x128xf32, #tpu.memory_space<hbm>>
      tpu.enqueue_dma source(%arg9 : memref<128x128xf32, #tpu.memory_space<vmem>>) target(%dma_start3A_116 : memref<128x128xf32, #tpu.memory_space<hbm>>) target_semaphore(%run_scoped3A_110 : memref<!tpu.dma_semaphore, #tpu.memory_space<semaphore_mem>>)
      %dma_wait3A_117 = arith.constant 0 : i32
      %dma_wait3A_118 = tpu.memref_slice %arg5[%arg0, %add3A_93, %dma_wait3A_117] : memref<2x10240x128xf32, #tpu.memory_space<hbm>> -> memref<1x128x128xf32, #tpu.memory_space<hbm>>
      %dma_wait3A_119 = tpu.memref_squeeze %dma_wait3A_118 : memref<1x128x128xf32, #tpu.memory_space<hbm>> -> memref<128x128xf32, #tpu.memory_space<hbm>>
      %dma_wait3A_120 = arith.constant 0 : i32
      %dma_wait3A_121 = tpu.memref_slice %arg5[%arg0, %add3A_93, %dma_wait3A_120] : memref<2x10240x128xf32, #tpu.memory_space<hbm>> -> memref<1x128x128xf32, #tpu.memory_space<hbm>>
      %dma_wait3A_122 = tpu.memref_squeeze %dma_wait3A_121 : memref<1x128x128xf32, #tpu.memory_space<hbm>> -> memref<128x128xf32, #tpu.memory_space<hbm>>
      tpu.wait_dma2 semaphore(%run_scoped3A_110 : memref<!tpu.dma_semaphore, #tpu.memory_space<semaphore_mem>>) src(%arg9 : memref<128x128xf32, #tpu.memory_space<vmem>>) dst(%dma_wait3A_122 : memref<128x128xf32, #tpu.memory_space<hbm>>)
      tpu.yield
    }) : () -> ()
    %mul3A_94 = arith.constant 640 : i32
    %mul3A_95 = arith.muli %arg1, %mul3A_94 : i32
    %add3A_96 = arith.constant 384 : i32
    %add3A_97 = arith.addi %mul3A_95, %add3A_96 : i32
    "tpu.region"() ({
      %run_scoped3A_110 = tpu.sem_alloc : memref<!tpu.dma_semaphore, #tpu.memory_space<semaphore_mem>>
      %dma_start3A_111 = arith.constant 0 : i32
      %dma_start3A_112 = tpu.memref_slice %arg6[%add3A_97, %dma_start3A_111] : memref<10240x128xf32, #tpu.memory_space<vmem_shared>> -> memref<128x128xf32, #tpu.memory_space<vmem_shared>>
      %dma_start3A_113 = arith.constant 0 : i32
      %dma_start3A_114 = tpu.memref_slice %arg6[%add3A_97, %dma_start3A_113] : memref<10240x128xf32, #tpu.memory_space<vmem_shared>> -> memref<128x128xf32, #tpu.memory_space<vmem_shared>>
      tpu.enqueue_dma source(%dma_start3A_114 : memref<128x128xf32, #tpu.memory_space<vmem_shared>>) target(%arg9 : memref<128x128xf32, #tpu.memory_space<vmem>>) target_semaphore(%run_scoped3A_110 : memref<!tpu.dma_semaphore, #tpu.memory_space<semaphore_mem>>)
      %dma_wait3A_115 = arith.constant 0 : i32
      %dma_wait3A_116 = tpu.memref_slice %arg6[%add3A_97, %dma_wait3A_115] : memref<10240x128xf32, #tpu.memory_space<vmem_shared>> -> memref<128x128xf32, #tpu.memory_space<vmem_shared>>
      %dma_wait3A_117 = arith.constant 0 : i32
      %dma_wait3A_118 = tpu.memref_slice %arg6[%add3A_97, %dma_wait3A_117] : memref<10240x128xf32, #tpu.memory_space<vmem_shared>> -> memref<128x128xf32, #tpu.memory_space<vmem_shared>>
      tpu.wait_dma2 semaphore(%run_scoped3A_110 : memref<!tpu.dma_semaphore, #tpu.memory_space<semaphore_mem>>) src(%dma_wait3A_118 : memref<128x128xf32, #tpu.memory_space<vmem_shared>>) dst(%arg9 : memref<128x128xf32, #tpu.memory_space<vmem>>)
      tpu.yield
    }) : () -> ()
    %mul3A_98 = arith.constant 640 : i32
    %mul3A_99 = arith.muli %arg1, %mul3A_98 : i32
    %add3A_100 = arith.constant 384 : i32
    %add3A_101 = arith.addi %mul3A_99, %add3A_100 : i32
    "tpu.region"() ({
      %run_scoped3A_110 = tpu.sem_alloc : memref<!tpu.dma_semaphore, #tpu.memory_space<semaphore_mem>>
      %dma_start3A_111 = arith.constant 0 : i32
      %dma_start3A_112 = tpu.memref_slice %arg5[%arg0, %add3A_101, %dma_start3A_111] : memref<2x10240x128xf32, #tpu.memory_space<hbm>> -> memref<1x128x128xf32, #tpu.memory_space<hbm>>
      %dma_start3A_113 = tpu.memref_squeeze %dma_start3A_112 : memref<1x128x128xf32, #tpu.memory_space<hbm>> -> memref<128x128xf32, #tpu.memory_space<hbm>>
      %dma_start3A_114 = arith.constant 0 : i32
      %dma_start3A_115 = tpu.memref_slice %arg5[%arg0, %add3A_101, %dma_start3A_114] : memref<2x10240x128xf32, #tpu.memory_space<hbm>> -> memref<1x128x128xf32, #tpu.memory_space<hbm>>
      %dma_start3A_116 = tpu.memref_squeeze %dma_start3A_115 : memref<1x128x128xf32, #tpu.memory_space<hbm>> -> memref<128x128xf32, #tpu.memory_space<hbm>>
      tpu.enqueue_dma source(%arg9 : memref<128x128xf32, #tpu.memory_space<vmem>>) target(%dma_start3A_116 : memref<128x128xf32, #tpu.memory_space<hbm>>) target_semaphore(%run_scoped3A_110 : memref<!tpu.dma_semaphore, #tpu.memory_space<semaphore_mem>>)
      %dma_wait3A_117 = arith.constant 0 : i32
      %dma_wait3A_118 = tpu.memref_slice %arg5[%arg0, %add3A_101, %dma_wait3A_117] : memref<2x10240x128xf32, #tpu.memory_space<hbm>> -> memref<1x128x128xf32, #tpu.memory_space<hbm>>
      %dma_wait3A_119 = tpu.memref_squeeze %dma_wait3A_118 : memref<1x128x128xf32, #tpu.memory_space<hbm>> -> memref<128x128xf32, #tpu.memory_space<hbm>>
      %dma_wait3A_120 = arith.constant 0 : i32
      %dma_wait3A_121 = tpu.memref_slice %arg5[%arg0, %add3A_101, %dma_wait3A_120] : memref<2x10240x128xf32, #tpu.memory_space<hbm>> -> memref<1x128x128xf32, #tpu.memory_space<hbm>>
      %dma_wait3A_122 = tpu.memref_squeeze %dma_wait3A_121 : memref<1x128x128xf32, #tpu.memory_space<hbm>> -> memref<128x128xf32, #tpu.memory_space<hbm>>
      tpu.wait_dma2 semaphore(%run_scoped3A_110 : memref<!tpu.dma_semaphore, #tpu.memory_space<semaphore_mem>>) src(%arg9 : memref<128x128xf32, #tpu.memory_space<vmem>>) dst(%dma_wait3A_122 : memref<128x128xf32, #tpu.memory_space<hbm>>)
      tpu.yield
    }) : () -> ()
    %mul3A_102 = arith.constant 640 : i32
    %mul3A_103 = arith.muli %arg1, %mul3A_102 : i32
    %add3A_104 = arith.constant 512 : i32
    %add3A_105 = arith.addi %mul3A_103, %add3A_104 : i32
    "tpu.region"() ({
      %run_scoped3A_110 = tpu.sem_alloc : memref<!tpu.dma_semaphore, #tpu.memory_space<semaphore_mem>>
      %dma_start3A_111 = arith.constant 0 : i32
      %dma_start3A_112 = tpu.memref_slice %arg6[%add3A_105, %dma_start3A_111] : memref<10240x128xf32, #tpu.memory_space<vmem_shared>> -> memref<128x128xf32, #tpu.memory_space<vmem_shared>>
      %dma_start3A_113 = arith.constant 0 : i32
      %dma_start3A_114 = tpu.memref_slice %arg6[%add3A_105, %dma_start3A_113] : memref<10240x128xf32, #tpu.memory_space<vmem_shared>> -> memref<128x128xf32, #tpu.memory_space<vmem_shared>>
      tpu.enqueue_dma source(%dma_start3A_114 : memref<128x128xf32, #tpu.memory_space<vmem_shared>>) target(%arg9 : memref<128x128xf32, #tpu.memory_space<vmem>>) target_semaphore(%run_scoped3A_110 : memref<!tpu.dma_semaphore, #tpu.memory_space<semaphore_mem>>)
      %dma_wait3A_115 = arith.constant 0 : i32
      %dma_wait3A_116 = tpu.memref_slice %arg6[%add3A_105, %dma_wait3A_115] : memref<10240x128xf32, #tpu.memory_space<vmem_shared>> -> memref<128x128xf32, #tpu.memory_space<vmem_shared>>
      %dma_wait3A_117 = arith.constant 0 : i32
      %dma_wait3A_118 = tpu.memref_slice %arg6[%add3A_105, %dma_wait3A_117] : memref<10240x128xf32, #tpu.memory_space<vmem_shared>> -> memref<128x128xf32, #tpu.memory_space<vmem_shared>>
      tpu.wait_dma2 semaphore(%run_scoped3A_110 : memref<!tpu.dma_semaphore, #tpu.memory_space<semaphore_mem>>) src(%dma_wait3A_118 : memref<128x128xf32, #tpu.memory_space<vmem_shared>>) dst(%arg9 : memref<128x128xf32, #tpu.memory_space<vmem>>)
      tpu.yield
    }) : () -> ()
    %mul3A_106 = arith.constant 640 : i32
    %mul3A_107 = arith.muli %arg1, %mul3A_106 : i32
    %add3A_108 = arith.constant 512 : i32
    %add3A_109 = arith.addi %mul3A_107, %add3A_108 : i32
    "tpu.region"() ({
      %run_scoped3A_110 = tpu.sem_alloc : memref<!tpu.dma_semaphore, #tpu.memory_space<semaphore_mem>>
      %dma_start3A_111 = arith.constant 0 : i32
      %dma_start3A_112 = tpu.memref_slice %arg5[%arg0, %add3A_109, %dma_start3A_111] : memref<2x10240x128xf32, #tpu.memory_space<hbm>> -> memref<1x128x128xf32, #tpu.memory_space<hbm>>
      %dma_start3A_113 = tpu.memref_squeeze %dma_start3A_112 : memref<1x128x128xf32, #tpu.memory_space<hbm>> -> memref<128x128xf32, #tpu.memory_space<hbm>>
      %dma_start3A_114 = arith.constant 0 : i32
      %dma_start3A_115 = tpu.memref_slice %arg5[%arg0, %add3A_109, %dma_start3A_114] : memref<2x10240x128xf32, #tpu.memory_space<hbm>> -> memref<1x128x128xf32, #tpu.memory_space<hbm>>
      %dma_start3A_116 = tpu.memref_squeeze %dma_start3A_115 : memref<1x128x128xf32, #tpu.memory_space<hbm>> -> memref<128x128xf32, #tpu.memory_space<hbm>>
      tpu.enqueue_dma source(%arg9 : memref<128x128xf32, #tpu.memory_space<vmem>>) target(%dma_start3A_116 : memref<128x128xf32, #tpu.memory_space<hbm>>) target_semaphore(%run_scoped3A_110 : memref<!tpu.dma_semaphore, #tpu.memory_space<semaphore_mem>>)
      %dma_wait3A_117 = arith.constant 0 : i32
      %dma_wait3A_118 = tpu.memref_slice %arg5[%arg0, %add3A_109, %dma_wait3A_117] : memref<2x10240x128xf32, #tpu.memory_space<hbm>> -> memref<1x128x128xf32, #tpu.memory_space<hbm>>
      %dma_wait3A_119 = tpu.memref_squeeze %dma_wait3A_118 : memref<1x128x128xf32, #tpu.memory_space<hbm>> -> memref<128x128xf32, #tpu.memory_space<hbm>>
      %dma_wait3A_120 = arith.constant 0 : i32
      %dma_wait3A_121 = tpu.memref_slice %arg5[%arg0, %add3A_109, %dma_wait3A_120] : memref<2x10240x128xf32, #tpu.memory_space<hbm>> -> memref<1x128x128xf32, #tpu.memory_space<hbm>>
      %dma_wait3A_122 = tpu.memref_squeeze %dma_wait3A_121 : memref<1x128x128xf32, #tpu.memory_space<hbm>> -> memref<128x128xf32, #tpu.memory_space<hbm>>
      tpu.wait_dma2 semaphore(%run_scoped3A_110 : memref<!tpu.dma_semaphore, #tpu.memory_space<semaphore_mem>>) src(%arg9 : memref<128x128xf32, #tpu.memory_space<vmem>>) dst(%dma_wait3A_122 : memref<128x128xf32, #tpu.memory_space<hbm>>)
      tpu.yield
    }) : () -> ()
    return
  }
}

module attributes {stable_mosaic.version = 14 : i64} {
  func.func @_t_first_body(%arg0: i32, %arg1: memref<512x128xf32, #tpu.memory_space<vmem>>, %arg2: memref<128x128xf32, #tpu.memory_space<vmem>>, %arg3: memref<2x512x128xf32, #tpu.memory_space<vmem>>, %arg4: memref<512x128xf32, #tpu.memory_space<vmem>>) attributes {dimension_semantics = [#tpu.dimension_semantics<arbitrary>], iteration_bounds = array<i64: 20>, scalar_prefetch = 0 : i64, scratch_operands = 0 : i64, tpu.core_type = #tpu.core_type<tc>, window_params = [{transform_indices = @transform_0, window_bounds = array<i64: 512, 128>}, {pipeline_mode = #tpu.pipeline_mode<synchronous>, transform_indices = @transform_1, window_bounds = array<i64: 128, 128>}, {transform_indices = @transform_2, window_bounds = array<i64: 2, 512, 128>}, {transform_indices = @transform_3, window_bounds = array<i64: 512, 128>}]} {
    %get3A = arith.constant 0 : index
    %get3A_0 = arith.constant 0 : index
    %get3A_1 = arith.constant 0 : index
    %get3A_2 = vector.load %arg3[%get3A, %get3A_0, %get3A_1] : memref<2x512x128xf32, #tpu.memory_space<vmem>>, vector<1x512x1xf32>
    %get3A_3 = vector.shape_cast %get3A_2 : vector<1x512x1xf32> to vector<512x1xf32>
    %get3A_4 = arith.constant 1 : index
    %get3A_5 = arith.constant 0 : index
    %get3A_6 = arith.constant 0 : index
    %get3A_7 = vector.load %arg3[%get3A_4, %get3A_5, %get3A_6] : memref<2x512x128xf32, #tpu.memory_space<vmem>>, vector<1x512x1xf32>
    %get3A_8 = vector.shape_cast %get3A_7 : vector<1x512x1xf32> to vector<512x1xf32>
    %add3A = arith.addf %get3A_3, %get3A_8 : vector<512x1xf32>
    %gt3A = arith.constant 5.000000e-01 : f32
    %gt3A_9 = vector.broadcast %gt3A : f32 to vector<512x1xf32>
    %gt3A_10 = arith.cmpf ogt, %add3A, %gt3A_9 : vector<512x1xf32>
    %rsqrt3A = math.rsqrt %add3A : vector<512x1xf32>
    %jit3A = arith.constant 0.000000e+00 : f32
    %broadcast_in_dim3A = vector.broadcast %jit3A : f32 to vector<512x1xf32>
    %select_n3A = arith.select %gt3A_10, %rsqrt3A, %broadcast_in_dim3A : vector<512x1xi1>, vector<512x1xf32>
    %get3A_11 = arith.constant 0 : index
    %get3A_12 = arith.constant 0 : index
    %get3A_13 = vector.load %arg1[%get3A_11, %get3A_12] : memref<512x128xf32, #tpu.memory_space<vmem>>, vector<512x128xf32>
    %get3A_14 = arith.constant 0 : index
    %get3A_15 = arith.constant 0 : index
    %get3A_16 = vector.load %arg2[%get3A_14, %get3A_15] : memref<128x128xf32, #tpu.memory_space<vmem>>, vector<128x128xf32>
    %dot_general3A = arith.constant dense<0.000000e+00> : vector<512x128xf32>
    %dot_general3A_17 = tpu.matmul %get3A_13, %get3A_16, %dot_general3A {dimension_numbers = #tpu.dot_dimension_numbers<[1], [0], [0], [1], [0, 0, 1, 1], [], []>, transpose_lhs_hint = false} : vector<512x128xf32>, vector<128x128xf32>, vector<512x128xf32> -> vector<512x128xf32>
    %mul3A = vector.broadcast %select_n3A : vector<512x1xf32> to vector<512x128xf32>
    %mul3A_18 = arith.mulf %dot_general3A_17, %mul3A : vector<512x128xf32>
    %swap3A = arith.constant 0 : index
    %swap3A_19 = arith.constant 0 : index
    %swap3A_20 = vector.load %arg4[%swap3A, %swap3A_19] : memref<512x128xf32, #tpu.memory_space<vmem>>, vector<512x128xf32>
    tpu.vector_store %arg4[%swap3A, %swap3A_19], %mul3A_18 {strides = array<i32>} : memref<512x128xf32, #tpu.memory_space<vmem>>, vector<512x128xf32>,
    return
  }
  func.func @transform_0(%arg0: i32) -> (i32, i32) {
    %c0_i32 = arith.constant 0 : i32
    %c0_i32_0 = arith.constant 0 : i32
    return %arg0, %c0_i32 : i32, i32
  }
  func.func @transform_1(%arg0: i32) -> (i32, i32) {
    %c0_i32 = arith.constant 0 : i32
    %c0_i32_0 = arith.constant 0 : i32
    %c0_i32_1 = arith.constant 0 : i32
    return %c0_i32, %c0_i32_0 : i32, i32
  }
  func.func @transform_2(%arg0: i32) -> (i32, i32, i32) {
    %c0_i32 = arith.constant 0 : i32
    %c0_i32_0 = arith.constant 0 : i32
    %c0_i32_1 = arith.constant 0 : i32
    return %c0_i32, %arg0, %c0_i32_0 : i32, i32, i32
  }
  func.func @transform_3(%arg0: i32) -> (i32, i32) {
    %c0_i32 = arith.constant 0 : i32
    %c0_i32_0 = arith.constant 0 : i32
    return %arg0, %c0_i32 : i32, i32
  }
}

module attributes {stable_mosaic.version = 14 : i64} {
  func.func @_t_mid_body(%arg0: i32, %arg1: memref<2x512x128xf32, #tpu.memory_space<vmem>>, %arg2: memref<2x512x128xf32, #tpu.memory_space<vmem>>, %arg3: memref<1x128xf32, #tpu.memory_space<vmem>>, %arg4: memref<128x128xf32, #tpu.memory_space<vmem>>, %arg5: memref<512x128xf32, #tpu.memory_space<vmem>>) attributes {dimension_semantics = [#tpu.dimension_semantics<arbitrary>], iteration_bounds = array<i64: 20>, scalar_prefetch = 0 : i64, scratch_operands = 0 : i64, tpu.core_type = #tpu.core_type<tc>, window_params = [{transform_indices = @transform_0, window_bounds = array<i64: 2, 512, 128>}, {transform_indices = @transform_1, window_bounds = array<i64: 2, 512, 128>}, {pipeline_mode = #tpu.pipeline_mode<synchronous>, transform_indices = @transform_2, window_bounds = array<i64: 1, 128>}, {pipeline_mode = #tpu.pipeline_mode<synchronous>, transform_indices = @transform_3, window_bounds = array<i64: 128, 128>}, {transform_indices = @transform_4, window_bounds = array<i64: 512, 128>}]} {
    %get3A = arith.constant 0 : index
    %get3A_0 = arith.constant 0 : index
    %get3A_1 = arith.constant 0 : index
    %get3A_2 = vector.load %arg2[%get3A, %get3A_0, %get3A_1] : memref<2x512x128xf32, #tpu.memory_space<vmem>>, vector<1x512x1xf32>
    %get3A_3 = vector.shape_cast %get3A_2 : vector<1x512x1xf32> to vector<512x1xf32>
    %get3A_4 = arith.constant 1 : index
    %get3A_5 = arith.constant 0 : index
    %get3A_6 = arith.constant 0 : index
    %get3A_7 = vector.load %arg2[%get3A_4, %get3A_5, %get3A_6] : memref<2x512x128xf32, #tpu.memory_space<vmem>>, vector<1x512x1xf32>
    %get3A_8 = vector.shape_cast %get3A_7 : vector<1x512x1xf32> to vector<512x1xf32>
    %add3A = arith.addf %get3A_3, %get3A_8 : vector<512x1xf32>
    %gt3A = arith.constant 5.000000e-01 : f32
    %gt3A_9 = vector.broadcast %gt3A : f32 to vector<512x1xf32>
    %gt3A_10 = arith.cmpf ogt, %add3A, %gt3A_9 : vector<512x1xf32>
    %rsqrt3A = math.rsqrt %add3A : vector<512x1xf32>
    %jit3A = arith.constant 0.000000e+00 : f32
    %broadcast_in_dim3A = vector.broadcast %jit3A : f32 to vector<512x1xf32>
    %select_n3A = arith.select %gt3A_10, %rsqrt3A, %broadcast_in_dim3A : vector<512x1xi1>, vector<512x1xf32>
    %get3A_11 = arith.constant 0 : index
    %get3A_12 = arith.constant 0 : index
    %get3A_13 = arith.constant 0 : index
    %get3A_14 = vector.load %arg1[%get3A_11, %get3A_12, %get3A_13] : memref<2x512x128xf32, #tpu.memory_space<vmem>>, vector<1x512x128xf32>
    %get3A_15 = vector.shape_cast %get3A_14 : vector<1x512x128xf32> to vector<512x128xf32>
    %get3A_16 = arith.constant 1 : index
    %get3A_17 = arith.constant 0 : index
    %get3A_18 = arith.constant 0 : index
    %get3A_19 = vector.load %arg1[%get3A_16, %get3A_17, %get3A_18] : memref<2x512x128xf32, #tpu.memory_space<vmem>>, vector<1x512x128xf32>
    %get3A_20 = vector.shape_cast %get3A_19 : vector<1x512x128xf32> to vector<512x128xf32>
    %add3A_21 = arith.addf %get3A_15, %get3A_20 : vector<512x128xf32>
    %mul3A = vector.broadcast %select_n3A : vector<512x1xf32> to vector<512x128xf32>
    %mul3A_22 = arith.mulf %add3A_21, %mul3A : vector<512x128xf32>
    %get3A_23 = arith.constant 0 : index
    %get3A_24 = arith.constant 0 : index
    %get3A_25 = vector.load %arg3[%get3A_23, %get3A_24] : memref<1x128xf32, #tpu.memory_space<vmem>>, vector<1x128xf32>
    %add3A_26 = vector.broadcast %get3A_25 : vector<1x128xf32> to vector<512x128xf32>
    %add3A_27 = arith.addf %mul3A_22, %add3A_26 : vector<512x128xf32>
    %max3A = arith.constant 0.000000e+00 : f32
    %max3A_28 = vector.broadcast %max3A : f32 to vector<512x128xf32>
    %max3A_29 = arith.maximumf %add3A_27, %max3A_28 : vector<512x128xf32>
    %get3A_30 = arith.constant 0 : index
    %get3A_31 = arith.constant 0 : index
    %get3A_32 = vector.load %arg4[%get3A_30, %get3A_31] : memref<128x128xf32, #tpu.memory_space<vmem>>, vector<128x128xf32>
    %dot_general3A = arith.constant dense<0.000000e+00> : vector<512x128xf32>
    %dot_general3A_33 = tpu.matmul %max3A_29, %get3A_32, %dot_general3A {dimension_numbers = #tpu.dot_dimension_numbers<[1], [0], [0], [1], [0, 0, 1, 1], [], []>, transpose_lhs_hint = false} : vector<512x128xf32>, vector<128x128xf32>, vector<512x128xf32> -> vector<512x128xf32>
    %mul3A_34 = vector.broadcast %select_n3A : vector<512x1xf32> to vector<512x128xf32>
    %mul3A_35 = arith.mulf %dot_general3A_33, %mul3A_34 : vector<512x128xf32>
    %swap3A = arith.constant 0 : index
    %swap3A_36 = arith.constant 0 : index
    %swap3A_37 = vector.load %arg5[%swap3A, %swap3A_36] : memref<512x128xf32, #tpu.memory_space<vmem>>, vector<512x128xf32>
    tpu.vector_store %arg5[%swap3A, %swap3A_36], %mul3A_35 {strides = array<i32>} : memref<512x128xf32, #tpu.memory_space<vmem>>, vector<512x128xf32>,
    return
  }
  func.func @transform_0(%arg0: i32) -> (i32, i32, i32) {
    %c0_i32 = arith.constant 0 : i32
    %c0_i32_0 = arith.constant 0 : i32
    %c0_i32_1 = arith.constant 0 : i32
    return %c0_i32, %arg0, %c0_i32_0 : i32, i32, i32
  }
  func.func @transform_1(%arg0: i32) -> (i32, i32, i32) {
    %c0_i32 = arith.constant 0 : i32
    %c0_i32_0 = arith.constant 0 : i32
    %c0_i32_1 = arith.constant 0 : i32
    return %c0_i32, %arg0, %c0_i32_0 : i32, i32, i32
  }
  func.func @transform_2(%arg0: i32) -> (i32, i32) {
    %c0_i32 = arith.constant 0 : i32
    %c0_i32_0 = arith.constant 0 : i32
    %c0_i32_1 = arith.constant 0 : i32
    return %c0_i32, %c0_i32_0 : i32, i32
  }
  func.func @transform_3(%arg0: i32) -> (i32, i32) {
    %c0_i32 = arith.constant 0 : i32
    %c0_i32_0 = arith.constant 0 : i32
    %c0_i32_1 = arith.constant 0 : i32
    return %c0_i32, %c0_i32_0 : i32, i32
  }
  func.func @transform_4(%arg0: i32) -> (i32, i32) {
    %c0_i32 = arith.constant 0 : i32
    %c0_i32_0 = arith.constant 0 : i32
    return %arg0, %c0_i32 : i32, i32
  }
}

module attributes {stable_mosaic.version = 14 : i64} {
  func.func @_t_final_body(%arg0: i32, %arg1: memref<2x1000x128xf32, #tpu.memory_space<vmem>>, %arg2: memref<2x1000x128xf32, #tpu.memory_space<vmem>>, %arg3: memref<1x128xf32, #tpu.memory_space<vmem>>, %arg4: memref<1000x128xf32, #tpu.memory_space<vmem>>) attributes {dimension_semantics = [#tpu.dimension_semantics<arbitrary>], iteration_bounds = array<i64: 10>, scalar_prefetch = 0 : i64, scratch_operands = 0 : i64, tpu.core_type = #tpu.core_type<tc>, window_params = [{transform_indices = @transform_0, window_bounds = array<i64: 2, 1000, 128>}, {transform_indices = @transform_1, window_bounds = array<i64: 2, 1000, 128>}, {pipeline_mode = #tpu.pipeline_mode<synchronous>, transform_indices = @transform_2, window_bounds = array<i64: 1, 128>}, {transform_indices = @transform_3, window_bounds = array<i64: 1000, 128>}]} {
    %get3A = arith.constant 0 : index
    %get3A_0 = arith.constant 0 : index
    %get3A_1 = arith.constant 0 : index
    %get3A_2 = vector.load %arg2[%get3A, %get3A_0, %get3A_1] : memref<2x1000x128xf32, #tpu.memory_space<vmem>>, vector<1x1000x1xf32>
    %get3A_3 = vector.shape_cast %get3A_2 : vector<1x1000x1xf32> to vector<1000x1xf32>
    %get3A_4 = arith.constant 1 : index
    %get3A_5 = arith.constant 0 : index
    %get3A_6 = arith.constant 0 : index
    %get3A_7 = vector.load %arg2[%get3A_4, %get3A_5, %get3A_6] : memref<2x1000x128xf32, #tpu.memory_space<vmem>>, vector<1x1000x1xf32>
    %get3A_8 = vector.shape_cast %get3A_7 : vector<1x1000x1xf32> to vector<1000x1xf32>
    %add3A = arith.addf %get3A_3, %get3A_8 : vector<1000x1xf32>
    %gt3A = arith.constant 5.000000e-01 : f32
    %gt3A_9 = vector.broadcast %gt3A : f32 to vector<1000x1xf32>
    %gt3A_10 = arith.cmpf ogt, %add3A, %gt3A_9 : vector<1000x1xf32>
    %rsqrt3A = math.rsqrt %add3A : vector<1000x1xf32>
    %jit3A = arith.constant 0.000000e+00 : f32
    %broadcast_in_dim3A = vector.broadcast %jit3A : f32 to vector<1000x1xf32>
    %select_n3A = arith.select %gt3A_10, %rsqrt3A, %broadcast_in_dim3A : vector<1000x1xi1>, vector<1000x1xf32>
    %get3A_11 = arith.constant 0 : index
    %get3A_12 = arith.constant 0 : index
    %get3A_13 = arith.constant 0 : index
    %get3A_14 = vector.load %arg1[%get3A_11, %get3A_12, %get3A_13] : memref<2x1000x128xf32, #tpu.memory_space<vmem>>, vector<1x1000x128xf32>
    %get3A_15 = vector.shape_cast %get3A_14 : vector<1x1000x128xf32> to vector<1000x128xf32>
    %get3A_16 = arith.constant 1 : index
    %get3A_17 = arith.constant 0 : index
    %get3A_18 = arith.constant 0 : index
    %get3A_19 = vector.load %arg1[%get3A_16, %get3A_17, %get3A_18] : memref<2x1000x128xf32, #tpu.memory_space<vmem>>, vector<1x1000x128xf32>
    %get3A_20 = vector.shape_cast %get3A_19 : vector<1x1000x128xf32> to vector<1000x128xf32>
    %add3A_21 = arith.addf %get3A_15, %get3A_20 : vector<1000x128xf32>
    %mul3A = vector.broadcast %select_n3A : vector<1000x1xf32> to vector<1000x128xf32>
    %mul3A_22 = arith.mulf %add3A_21, %mul3A : vector<1000x128xf32>
    %get3A_23 = arith.constant 0 : index
    %get3A_24 = arith.constant 0 : index
    %get3A_25 = vector.load %arg3[%get3A_23, %get3A_24] : memref<1x128xf32, #tpu.memory_space<vmem>>, vector<1x128xf32>
    %add3A_26 = vector.broadcast %get3A_25 : vector<1x128xf32> to vector<1000x128xf32>
    %add3A_27 = arith.addf %mul3A_22, %add3A_26 : vector<1000x128xf32>
    %swap3A = arith.constant 0 : index
    %swap3A_28 = arith.constant 0 : index
    %swap3A_29 = vector.load %arg4[%swap3A, %swap3A_28] : memref<1000x128xf32, #tpu.memory_space<vmem>>, vector<1000x128xf32>
    tpu.vector_store %arg4[%swap3A, %swap3A_28], %add3A_27 {strides = array<i32>} : memref<1000x128xf32, #tpu.memory_space<vmem>>, vector<1000x128xf32>,
    return
  }
  func.func @transform_0(%arg0: i32) -> (i32, i32, i32) {
    %c0_i32 = arith.constant 0 : i32
    %c0_i32_0 = arith.constant 0 : i32
    %c0_i32_1 = arith.constant 0 : i32
    return %c0_i32, %arg0, %c0_i32_0 : i32, i32, i32
  }
  func.func @transform_1(%arg0: i32) -> (i32, i32, i32) {
    %c0_i32 = arith.constant 0 : i32
    %c0_i32_0 = arith.constant 0 : i32
    %c0_i32_1 = arith.constant 0 : i32
    return %c0_i32, %arg0, %c0_i32_0 : i32, i32, i32
  }
  func.func @transform_2(%arg0: i32) -> (i32, i32) {
    %c0_i32 = arith.constant 0 : i32
    %c0_i32_0 = arith.constant 0 : i32
    %c0_i32_1 = arith.constant 0 : i32
    return %c0_i32, %c0_i32_0 : i32, i32
  }
  func.func @transform_3(%arg0: i32) -> (i32, i32) {
    %c0_i32 = arith.constant 0 : i32
    %c0_i32_0 = arith.constant 0 : i32
    return %arg0, %c0_i32 : i32, i32
  }
}

</mosaic_0001>

<sc_bundles>
// kernel: kernel.10.cloned.1.call-start
scs
__scs_entry_jumppad:
0x0: {  	(pc) =	sbr.rel $0x88, $3  }
0x1: {  	(tag) =	ssettag $0x0;
	lr =	simm.s32 $0x1  }
0x2: {  	[smem:$0x3F99] =	sst lr;
	_ =	strace $0xD0000000  }
0x3: {  	_ = 	snop  }
0x4: {  	_ = 	snop  }
0x5: {  	_ = 	snop  }
0x6: {  	_ = 	snop  }
0x7: {  	_ = 	snop  }
__scs_overlays_trampoline_lowered:
0x8: {  	[smem:$0x3FA8] =	sst s0  }
0x9: {  	[smem:$0x3FA9] =	sst s1  }
0xa: {  	[smem:$0x3FAA] =	sst s2  }
0xb: {  	[smem:$0x3FAB] =	sst s3  }
0xc: {  	[smem:$0x3FAC] =	sst s4  }
0xd: {  	[smem:$0x3FAD] =	sst s5  }
0xe: {  	[smem:$0x3FAE] =	sst s6  }
0xf: {  	[smem:$0x3FAF] =	sst s7  }
0x10: {  	[smem:$0x3FB0] =	sst s8  }
0x11: {  	[smem:$0x3FB1] =	sst s9;
	s0 =	simm.s32 @!p0 $0x0  }
0x12: {  	s1 =	sld [smem:$0x3F97];
	s0 =	simm.s32 @p0 $0x1  }
0x13: {  	[smem:$0x3FB2] =	sst s0;
	s0 =	simm.s32 @!p1 $0x0  }
0x14: {  	s2 =	sld [smem:$0x3F96];
	s0 =	simm.s32 @p1 $0x1  }
0x15: {  	[smem:$0x3FB3] =	sst s0;
	s0 =	simm.s32 @!p2 $0x0  }
0x16: {  	s3 =	sld [smem:$0x3FDB];
	s0 =	simm.s32 @p2 $0x1  }
0x17: {  	s4 =	simm.s32 $0x1BF5;
	[smem:$0x3FB5] =	sst s0  }
0x18: {  	s0 =	sld [smem:$0x3F98];
	_ =	swait.ge [sflag:s4], $0x0  }
0x19: {  	s7 =	sld [smem:$0x3F99]  }
0x1a: {  	s8 =	sadd.s32 $0xFFFFE003, lr  }
0x1b: {  	s9 =	sadd.s32 $0xFFFFFEF7, lr;
	s5 =	simm.s32 $0xFFFFFFFF;
	p2 =	slt.u32 s8, $0xFFFFF086  }
0x1c: {  	p1 =	slt.u32 s9, $0xF7A;
	s5 =	simm.s32 @!p2 $0x0  }
0x1d: {  	s5 =	simm.s32 @p1 $0x1;
	p0 =	seq.s32 s7, s2  }
0x1e: {  	s7 =	smul.u32 @!p0 $0xF7A, s2;
	p2 =	seq.s32 @!p0 s5, $0x0  }
0x1f: {  	s9 =	smul.u32 $0xF7A, s1;
	s8 =	simm.s32 @!p0 $0x1BF5;
	p2 =	por !p2, p0  }
0x20: {  	[sflag:s8] =	ssyncset.s32 @!p0 $0xFFFFF086;
	s6 =	sadd.s32 @!p0 s3, s7;
	s7 =	simm.s32 @!p0 $0x108  }
0x21: {  	s3 =	sadd.s32 s3, s9;
	s6 =	sadd.s32 @!p0 $0x88, s6;
	s7 =	simm.s32 @p2 $0x1082  }
0x22: {  	[simem:s7], [sflag:s8] =	dma.local @!p0 [hbm:s6], $0xF7A  }
0x23: {  	s9 =	sor.u32 $0xD0000000, s2;
	s6 =	simm.s32 $0x108;
	_ =	swait.ge @!p0 [sflag:s8], $0x0  }
0x24: {  	s3 =	sadd.s32 $0x88, s3;
	s6 =	simm.s32 @!p1 $0x1082;
	[sflag:s4] =	ssyncset.s32 $0xFFFFF086  }
0x25: {  	[simem:s6], [sflag:s4] =	dma.local [hbm:s3], $0xF7A  }
0x26: {  	[smem:$0x3F99] =	sst s1;
	(tag) =	ssettag s2;
	_ =	strace s9  }
0x27: {  	s1 =	sld [smem:$0x3FA9]  }
0x28: {  	s2 =	sld [smem:$0x3FAA]  }
0x29: {  	s4 =	sld [smem:$0x3FAC]  }
0x2a: {  	p0 =	seq.s32 s5, $0x0;
	s5 =	sld [smem:$0x3FAD]  }
0x2b: {  	s6 =	sld [smem:$0x3FAE]  }
0x2c: {  	s7 =	sld [smem:$0x3FAF]  }
0x2d: {  	s3 =	simm.s32 $0x108;
	s8 =	sld [smem:$0x3FB0]  }
0x2e: {  	s3 =	simm.s32 @!p0 $0x1082;
	s9 =	sld [smem:$0x3FB1]  }
0x2f: {  	lr =	sadd.s32 s0, s3;
	s0 =	sld [smem:$0x3FA8]  }
0x30: {  	s3 =	sld [smem:$0x3FAB]  }
0x31: {  	[smem:$0x3FB4] =	sst s10  }
0x32: {  	s10 =	sld [smem:$0x3FB2];
	_ =	sdelay $0x3  }
0x33: {  	p0 =	seq.s32 s10, $0x1;
	s10 =	sld [smem:$0x3FB4];
	_ =	sdelay $0x3  }
0x34: {  	[smem:$0x3FB4] =	sst s10  }
0x35: {  	s10 =	sld [smem:$0x3FB3];
	_ =	sdelay $0x3  }
0x36: {  	p1 =	seq.s32 s10, $0x1;
	s10 =	sld [smem:$0x3FB4];
	_ =	sdelay $0x3  }
0x37: {  	[smem:$0x3FB4] =	sst s10  }
0x38: {  	s10 =	sld [smem:$0x3FB5]  }
0x39: {  	_ = 	snop;
	(pc) =	sbr.ind lr, $3  }
0x3a: {  	_ = 	snop  }
0x3b: {  	_ = 	snop  }
0x3c: {  	p2 =	seq.s32 s10, $0x1;
	s10 =	sld [smem:$0x3FB4]  }
0x3d: {  	_ =	shalt  }
0x3e: {  	_ =	shalt  }
0x3f: {  	_ =	shalt  }
0x40: {  	_ =	shalt  }
0x41: {  	_ =	shalt  }
0x42: {  	_ =	shalt  }
0x43: {  	_ =	shalt  }
0x44: {  	_ =	shalt  }
0x45: {  	_ =	shalt  }
0x46: {  	_ =	shalt  }
0x47: {  	_ =	shalt  }
0x48: {  	_ =	shalt  }
0x49: {  	_ =	shalt  }
0x4a: {  	_ =	shalt  }
0x4b: {  	_ =	shalt  }
0x4c: {  	_ =	shalt  }
0x4d: {  	_ =	shalt  }
0x4e: {  	_ =	shalt  }
0x4f: {  	_ =	shalt  }
0x50: {  	_ =	shalt  }
0x51: {  	_ =	shalt  }
0x52: {  	_ =	shalt  }
0x53: {  	_ =	shalt  }
0x54: {  	_ =	shalt  }
0x55: {  	_ =	shalt  }
0x56: {  	_ =	shalt  }
0x57: {  	_ =	shalt  }
0x58: {  	_ =	shalt  }
0x59: {  	_ =	shalt  }
0x5a: {  	_ =	shalt  }
0x5b: {  	_ =	shalt  }
0x5c: {  	_ =	shalt  }
0x5d: {  	_ =	shalt  }
0x5e: {  	_ =	shalt  }
0x5f: {  	_ =	shalt  }
0x60: {  	_ =	shalt  }
0x61: {  	_ =	shalt  }
0x62: {  	_ =	shalt  }
0x63: {  	_ =	shalt  }
0x64: {  	_ =	shalt  }
0x65: {  	_ =	shalt  }
0x66: {  	_ =	shalt  }
0x67: {  	_ =	shalt  }
0x68: {  	_ =	shalt  }
0x69: {  	_ =	shalt  }
0x6a: {  	_ =	shalt  }
0x6b: {  	_ =	shalt  }
0x6c: {  	_ =	shalt  }
0x6d: {  	_ =	shalt  }
0x6e: {  	_ =	shalt  }
0x6f: {  	_ =	shalt  }
0x70: {  	_ =	shalt  }
0x71: {  	_ =	shalt  }
0x72: {  	_ =	shalt  }
0x73: {  	_ =	shalt  }
0x74: {  	_ =	shalt  }
0x75: {  	_ =	shalt  }
0x76: {  	_ =	shalt  }
0x77: {  	_ =	shalt  }
0x78: {  	_ =	shalt  }
0x79: {  	_ =	shalt  }
0x7a: {  	_ =	shalt  }
0x7b: {  	_ =	shalt  }
0x7c: {  	_ =	shalt  }
0x7d: {  	_ =	shalt  }
0x7e: {  	_ =	shalt  }
0x7f: {  	_ =	shalt  }
0x80: {  	_ =	shalt  }
0x81: {  	_ =	shalt  }
0x82: {  	_ =	shalt  }
0x83: {  	_ =	shalt  }
0x84: {  	_ =	shalt  }
0x85: {  	_ =	shalt  }
0x86: {  	_ =	shalt  }
0x87: {  	_ =	shalt  }
.Lfunc_end0:
.L_simem_size_0:
called_computation_lowered:
.L_overlay_start_0:
0x88: {  	s2 =	sld [smem:$0x3FD9]  }
0x89: {  	s3 =	sld [smem:$0x3FFE];
	_ =	sdelay $0x1  }
0x8a: {  	s1 =	srdreg.scid  }
0x8b: {  	s0 =	sand.u32 $0x1, s1  }
0x8c: {  	s17 =	sshll.u32 s0, $0xA;
	s2 =	sadd.s32 s3, s2  }
0x8d: {  	s2 =	sadd.s32 s2, s17  }
0x8e: {  	[smem:$0x3FC0] =	sst s2  }
0x8f: {  	_ = 	snop  }
0x90: {  	s2 =	sld [smem:$0x3FD0];
	(tm) =	ssettm $0x1  }
0x91: {  	s18 =	sld [smem:$0x3FFB];
	_ =	sdelay $0x3  }
0x92: {  	_ =	strace s18  }
0x93: {  	s3 =	sld [smem:$0x3FFC];
	_ =	sdelay $0x3  }
0x94: {  	_ =	strace s3  }
0x95: {  	s3 =	sld [smem:$0x3FFD];
	_ =	sdelay $0x3  }
0x96: {  	_ =	strace s3  }
0x97: {  	_ =	strace $0x8FFFFFFF  }
0x98: {  	s19 =	sld [smem:$0x3FDB];
	_ =	sdelay $0x1  }
0x99: {  	s4 =	simm.s32 $_scs_section_size  }
0x9a: {  	s5 =	simm.s32 $_size__tile_overlayer_lowered;
	s6 =	simm.s32 $_tile_overlayer_lowered  }
0x9b: {  	s22 =	simm.s32 $0x1BFF;
	s21 =	sshll.u32 s6, $0x1;
	s3 =	sadd.s32 s4, s19  }
0x9c: {  	s7 =	simm.s32 $0x0;
	s20 =	sshll.u32 s5, $0x1;
	s5 =	sadd.s32 s21, s3  }
0x9d: {  	[timem:s7], [sflag:s22] =	dma.local [hbm:s5], s20  }
0x9e: {  	_ =	swait.ge [sflag:s22], s20  }
0x9f: {  	s4 =	ssub.s32 $0x0, s20;
	[sflag:s22] =	ssyncset.done $0x0  }
0xa0: {  	[sflag:s22] =	ssyncadd.s32 s4;
	_ =	sdelay $0x1  }
0xa1: {  	s23 =	simm.s32 $0x1B8B  }
0xa2: {  	_ =	swait.ge [sflag:s23], $0x1  }
0xa3: {  	[sflag:s23] =	ssyncset.done $0x0  }
0xa4: {  	s25 =	simm.s32 $0x1B8E;
	s24 =	sld [smem:$0x3FFE];
	[sflag:s23] =	ssyncadd.s32 $0xFFFFFFFF  }
0xa5: {  	s26 =	simm.s32 $execute0_lowered;
	[smem:$0x3FD2] =	sst s25  }
0xa6: {  	s5 =	sshll.u32 s26, $0x1;
	_ =	strace $0x80000046;
	[dreg:$0x1] =	wrdreg $0xFFFFFFFF  }
0xa7: {  	s28 =	simm.s32 $_size_execute0_lowered;
	s3 =	sadd.s32 s3, s5;
	[dreg:$0x0] =	wrdreg $0x0  }
0xa8: {  	s5 =	sshll.u32 s28, $0x1;
	[dreg:$0x2] =	wrdreg s3  }
0xa9: {  	[dreg:$0x3] =	wrdreg s5  }
0xaa: {  	[dreg:$0x4] =	wrdreg $0xC0  }
0xab: {  	_ =	task [dreg:s7], $0x5FFFF  }
0xac: {  	[dreg:$0x1] =	wrdreg $0xFFFFFFFF  }
0xad: {  	[dreg:$0x0] =	wrdreg $0x60  }
0xae: {  	[dreg:$0x2] =	wrdreg s24  }
0xaf: {  	[dreg:$0x3] =	wrdreg s2  }
0xb0: {  	[dreg:$0x4] =	wrdreg $0x0  }
0xb1: {  	[dreg:$0x5] =	wrdreg $0x9  }
0xb2: {  	_ =	task.clear_ibuf [dreg:s7], $0x6FFFF;
	_ =	strace $0x90000046  }
0xb3: {  	s29 =	simm.s32 $0x9;
	_ =	strace $0x80000048  }
0xb4: {  	_ =	swait.ge [sflag:s29], $0x1  }
0xb5: {  	[sflag:s29] =	ssyncadd.s32 $0xFFFFFFFF  }
0xb6: {  	_ =	strace $0x90000048  }
0xb7: {  	_ =	sfence  }
0xb8: {  	s30 =	sld [smem:$0x0];
	_ =	sdelay $0x2  }
0xb9: {  	s31 =	sshll.u32 s1, $0xD;
	s1 =	sshrl.u32 s1, $0x2  }
0xba: {  	s3 =	sand.u32 $0x4000, s31;
	s1 =	sadd.s32 s1, s30  }
0xbb: {  	s0 =	sor.u32 s3, s0;
	s1 =	sshll.u32 s1, $0x11  }
0xbc: {  	s0 =	sor.u32 s1, s0  }
0xbd: {  	s0 =	sadd.s32 $0x8F2B, s0  }
0xbe: {  	[sflag:s0] =	ssyncadd.remote.s32 $0x1  }
0xbf: {  	_ =	sfence.sel $0xFFFF  }
0xc0: {  	[dreg:$0x0] =	wrdreg $0xFFFFFFFF;
	(pc) =	sbr.abs _section_cstart, $3  }
0xc1: {  	[dreg:$0x1] =	wrdreg $0xFFFFFFFF  }
0xc2: {  	_ =	task.clear_ibuf [dreg:s7], $0x2FFFF;
	_ =	strace $0x9FFFFFFF  }
0xc3: {  	(tm) =	ssettm $0x7FFFFFFF  }
tec
execute0_lowered:
.L_overlay_start_1:
0x0: {  	(tag) =	ssettag $0x1  }
0x1: {  	s0 =	rddreg [dreg:$0x0]  }
0x2: {  	s12 =	rddreg [dreg:$0x1]  }
0x3: {  	s1 =	rddreg [dreg:$0x2]  }
0x4: {  	s3 =	simm.s32 $0x0;
	s4 =	srdreg.scid;
	s2 =	stileid.u32  }
0x5: {  	s22 =	simm.s32 $0x14000;
	s23 =	simm.s32 $0x15800;
	s24 =	simm.s32 $0x80  }
0x6: {  	s25 =	simm.s32 $0x1;
	s26 =	simm.s32 $0x1B000;
	s28 =	simm.s32 $0x2  }
0x7: {  	s29 =	simm.s32 $0x16C00;
	s30 =	simm.s32 $0x0;
	[smem:$0x7FF] =	sst s3  }
0x8: {  	s8 =	sand.u32 $0x1, s4;
	s4 =	sadd.s32 $0xFE00, s0;
	s6 =	smul.u32 $0x50000, s2  }
0x9: {  	s13 =	sadd.s32 $0x3E00, s0;
	s0 =	sadd.s32 $0x37E00, s0;
	s14 =	smul.u32 $0x14000, s2  }
0xa: {  	_ =	strace $0x80000047;
	s5 =	ssub.s32 $0x2, s8;
	s9 =	sshll.u32 s8, $0x4  }
0xb: {  	s21 =	smul.u32 $0x140000, s8;
	s7 =	sshrl.u32 s5, $0x1;
	s6 =	sshrl.u32 s6, $0x2  }
0xc: {  	s31 =	sor.u32 s2, s9;
	s15 =	sadd.s32 $0x4000, s14;
	s16 =	sadd.s32 $0x8000, s14  }
0xd: {  	s17 =	sadd.s32 $0xC000, s14;
	s18 =	sadd.s32 $0x10000, s14;
	s19 =	ssub.s32 s5, s7  }
0xe: {  	s5 =	sadd.s32 s6, s1;
	s9 =	smul.u32 $0x3000, s31;
	s6 =	sadd.s32 s15, s1  }
0xf: {  	s7 =	sadd.s32 s16, s1;
	s8 =	sadd.s32 s17, s1;
	s14 =	sadd.s32 s14, s21  }
0x10: {  	s15 =	sadd.s32 s21, s15;
	s16 =	sadd.s32 s21, s16;
	s17 =	sadd.s32 s21, s17  }
0x11: {  	s14 =	sshrl.u32 s14, $0x3;
	s15 =	sshrl.u32 s15, $0x3;
	s16 =	sshrl.u32 s16, $0x3  }
0x12: {  	s17 =	sshrl.u32 s17, $0x3;
	s19 =	smax.u32 s19, $0x1;
	s20 =	sshrl.u32 s9, $0x3  }
0x13: {  	s9 =	sadd.s32 s18, s1;
	s14 =	sadd.s32 s0, s14;
	s15 =	sadd.s32 s0, s15  }
0x14: {  	s18 =	sadd.s32 s21, s18;
	s16 =	sadd.s32 s0, s16;
	s17 =	sadd.s32 s0, s17  }
0x15: {  	s10 =	sadd.s32 s12, s20;
	s11 =	sadd.s32 s13, s20;
	s20 =	sadd.s32 $0x300, s20  }
0x16: {  	s21 =	simm.s32 $0x3;
	s18 =	sshrl.u32 s18, $0x3;
	s12 =	sadd.s32 s12, s20  }
0x17: {  	v0 =	vimm.f32 $0.0e+00;
	s13 =	sadd.s32 s13, s20;
	s18 =	sadd.s32 s0, s18;
	s20 =	simm.s32 $0x17000  }
.LBB2_1:
0x18: {  	s31 =	simm.s32 $0x0;
	s0 =	simm.s32 $0x200  }
.LBB2_2:
0x19: {  	p0 =	sne.s32 s0, $0xFE00;
	[tilespmem:s31+$0x17070] =	vst v0  }
0x1a: {  	[tilespmem:s31+$0x17000] =	vst v0  }
0x1b: {  	[tilespmem:s31+$0x17010] =	vst v0  }
.Ltmp0:
0x1c: {  	[tilespmem:s31+$0x17020] =	vst v0;
	(pc) =	sbr.rel @p0 .LBB2_2-.Ltmp0, $4  }
0x1d: {  	[tilespmem:s31+$0x17030] =	vst v0  }
0x1e: {  	[tilespmem:s31+$0x17040] =	vst v0  }
0x1f: {  	[tilespmem:s31+$0x17050] =	vst v0  }
0x20: {  	[tilespmem:s31+$0x17060] =	vst v0;
	s31 =	sshra.s32 s0, $0x2;
	s0 =	sadd.s32 $0x200, s0  }
0x21: {  	[tilespmem:s31+$0x17070] =	vst v0  }
0x22: {  	[tilespmem:s31+$0x17000] =	vst v0  }
0x23: {  	[tilespmem:s31+$0x17010] =	vst v0  }
0x24: {  	[tilespmem:s31+$0x17020] =	vst v0  }
0x25: {  	[tilespmem:s31+$0x17030] =	vst v0  }
0x26: {  	[tilespmem:s31+$0x17040] =	vst v0  }
0x27: {  	[tilespmem:s31+$0x17050] =	vst v0  }
0x28: {  	[tilespmem:s31+$0x17060] =	vst v0  }
0x29: {  	[spmem:s5] =	stream.linear.scatter [tilespmem:s20], [sflag:$0x3], $0x4000, $0x38;
	[tilespmem:$0x1F000] =	vst v63  }
0x2a: {  	_ =	swait.ge [sflag:s21], $0x4000  }
0x2b: {  	[sflag:s21] =	ssyncset.done $0x0  }
0x2c: {  	[sflag:s21] =	ssyncadd.s32 $0xFFFFC000  }
0x2d: {  	[spmem:s6] =	stream.linear.scatter [tilespmem:s20], [sflag:$0x3], $0x4000, $0x38;
	[tilespmem:$0x1F000] =	vst v63  }
0x2e: {  	_ =	swait.ge [sflag:s21], $0x4000  }
0x2f: {  	[sflag:s21] =	ssyncset.done $0x0  }
0x30: {  	[sflag:s21] =	ssyncadd.s32 $0xFFFFC000  }
0x31: {  	[spmem:s7] =	stream.linear.scatter [tilespmem:s20], [sflag:$0x3], $0x4000, $0x38;
	[tilespmem:$0x1F000] =	vst v63  }
0x32: {  	_ =	swait.ge [sflag:s21], $0x4000  }
0x33: {  	[sflag:s21] =	ssyncset.done $0x0  }
0x34: {  	[sflag:s21] =	ssyncadd.s32 $0xFFFFC000  }
0x35: {  	[spmem:s8] =	stream.linear.scatter [tilespmem:s20], [sflag:$0x3], $0x4000, $0x38;
	[tilespmem:$0x1F000] =	vst v63  }
0x36: {  	_ =	swait.ge [sflag:s21], $0x4000  }
0x37: {  	[sflag:s21] =	ssyncset.done $0x0  }
0x38: {  	[sflag:s21] =	ssyncadd.s32 $0xFFFFC000  }
0x39: {  	[spmem:s9] =	stream.linear.scatter [tilespmem:s20], [sflag:$0x3], $0x4000, $0x38;
	[tilespmem:$0x1F000] =	vst v63  }
0x3a: {  	_ =	swait.ge [sflag:s21], $0x4000  }
0x3b: {  	[sflag:s21] =	ssyncset.done $0x0  }
0x3c: {  	[sflag:s21] =	ssyncadd.s32 $0xFFFFC000  }
0x3d: {  	s0 =	simm.s32 $0x0;
	[bflag:$0x0] =	sbarrier.arrive $0xFFFF  }
0x3e: {  	[tilespmem:s22], [sflag:$0x3] =	stream.linear.gather [hbm4b:s10+s0], $0x1480, $0x38;
	[tilespmem:$0x1F000] =	vst v63  }
0x3f: {  	_ =	swait.ge [sflag:s21], $0x1480  }
0x40: {  	[sflag:s21] =	ssyncset.done $0x0  }
0x41: {  	[sflag:s21] =	ssyncadd.s32 $0xFFFFEB80  }
0x42: {  	[tilespmem:s23], [sflag:$0x3] =	stream.linear.gather [hbm4b:s11+s0], $0x1480, $0x38;
	[tilespmem:$0x1F000] =	vst v63  }
0x43: {  	_ =	swait.ge [sflag:s21], $0x1480  }
0x44: {  	[sflag:s21] =	ssyncset.done $0x0  }
0x45: {  	[sflag:s21] =	ssyncadd.s32 $0xFFFFEB80  }
0x46: {  	[tilespmem:s20], [sflag:$0x1] =	stream.indirect.gather [hbm4b:s4+s24], $0x80, s22, s24, $0xb8;
	[tilespmem:$0x1F000] =	vst v63  }
0x47: {  	_ =	swait.ge [sflag:s25], $0x4000  }
0x48: {  	[sflag:s25] =	ssyncset.done $0x0  }
0x49: {  	s2 =	simm.s32 $0x14080;
	[sflag:s25] =	ssyncadd.s32 $0xFFFFC000  }
0x4a: {  	[tilespmem:s26], [sflag:$0x2] =	stream.indirect.gather [hbm4b:s4+s24], $0x80, s2, s24, $0xb8;
	[tilespmem:$0x1F000] =	vst v63  }
0x4b: {  	s2 =	simm.s32 $0x15800  }
0x4c: {  	[spmem:s1] =	stream.indirect.scatter.add.f32 [tilespmem:s20], [sflag:$0x3], $0x80, s2, s24, $0xb8;
	[tilespmem:$0x1F000] =	vst v63  }
0x4d: {  	_ =	swait.ge [sflag:s21], $0x4000  }
0x4e: {  	[sflag:s21] =	ssyncset.done $0x0  }
0x4f: {  	[sflag:s21] =	ssyncadd.s32 $0xFFFFC000  }
0x50: {  	_ =	swait.ge [sflag:s28], $0x4000  }
0x51: {  	[sflag:s28] =	ssyncset.done $0x0  }
0x52: {  	s2 =	simm.s32 $0x14100;
	[sflag:s28] =	ssyncadd.s32 $0xFFFFC000  }
0x53: {  	[tilespmem:s20], [sflag:$0x1] =	stream.indirect.gather [hbm4b:s4+s24], $0x80, s2, s24, $0xb8;
	[tilespmem:$0x1F000] =	vst v63  }
0x54: {  	s2 =	simm.s32 $0x15880  }
0x55: {  	[spmem:s1] =	stream.indirect.scatter.add.f32 [tilespmem:s26], [sflag:$0x3], $0x80, s2, s24, $0xb8;
	[tilespmem:$0x1F000] =	vst v63  }
0x56: {  	_ =	swait.ge [sflag:s21], $0x4000  }
0x57: {  	s31 =	simm.s32 $0x400;
	[sflag:s21] =	ssyncset.done $0x0  }
.LBB2_4:
0x58: {  	p0 =	sne.s32 s31, $0x4C00  }
0x59: {  	[sflag:s21] =	ssyncadd.s32 $0xFFFFC000;
	s0 =	smov.u32 s31;
	s31 =	sadd.s32 $0x400, s31  }
0x5a: {  	_ = 	snop  }
0x5b: {  	_ =	swait.ge [sflag:s25], $0x4000  }
0x5c: {  	s0 =	sshra.s32 s0, $0x2;
	[sflag:s25] =	ssyncset.done $0x0  }
0x5d: {  	s2 =	sadd.s32 $0x14080, s0;
	[sflag:s25] =	ssyncadd.s32 $0xFFFFC000  }
0x5e: {  	[tilespmem:s26], [sflag:$0x2] =	stream.indirect.gather [hbm4b:s4+s24], $0x80, s2, s24, $0xb8;
	[tilespmem:$0x1F000] =	vst v63  }
0x5f: {  	s2 =	sadd.s32 $0x15800, s0  }
0x60: {  	[spmem:s1] =	stream.indirect.scatter.add.f32 [tilespmem:s20], [sflag:$0x3], $0x80, s2, s24, $0xb8;
	[tilespmem:$0x1F000] =	vst v63  }
0x61: {  	_ =	swait.ge [sflag:s21], $0x4000  }
0x62: {  	[sflag:s21] =	ssyncset.done $0x0  }
0x63: {  	[sflag:s21] =	ssyncadd.s32 $0xFFFFC000  }
0x64: {  	_ =	swait.ge [sflag:s28], $0x4000  }
0x65: {  	[sflag:s28] =	ssyncset.done $0x0  }
0x66: {  	s2 =	sadd.s32 $0x14100, s0;
	[sflag:s28] =	ssyncadd.s32 $0xFFFFC000  }
0x67: {  	[tilespmem:s20], [sflag:$0x1] =	stream.indirect.gather [hbm4b:s4+s24], $0x80, s2, s24, $0xb8;
	[tilespmem:$0x1F000] =	vst v63  }
.Ltmp1:
0x68: {  	_ = 	snop;
	(pc) =	sbr.rel @p0 .LBB2_4-.Ltmp1, $4  }
0x69: {  	s0 =	sadd.s32 $0x15880, s0  }
0x6a: {  	[spmem:s1] =	stream.indirect.scatter.add.f32 [tilespmem:s26], [sflag:$0x3], $0x80, s0, s24, $0xb8;
	[tilespmem:$0x1F000] =	vst v63  }
0x6b: {  	_ =	swait.ge [sflag:s21], $0x4000  }
0x6c: {  	[sflag:s21] =	ssyncset.done $0x0  }
0x6d: {  	[sflag:s21] =	ssyncadd.s32 $0xFFFFC000  }
0x6e: {  	_ =	swait.ge [sflag:s25], $0x4000  }
0x6f: {  	[sflag:s25] =	ssyncset.done $0x0  }
0x70: {  	[sflag:s25] =	ssyncadd.s32 $0xFFFFC000  }
0x71: {  	[spmem:s1] =	stream.indirect.scatter.add.f32 [tilespmem:s20], [sflag:$0x3], $0x80, s29, s24, $0xb8;
	[tilespmem:$0x1F000] =	vst v63  }
0x72: {  	_ =	swait.ge [sflag:s21], $0x4000  }
0x73: {  	[sflag:s21] =	ssyncset.done $0x0  }
0x74: {  	s0 =	simm.s32 $0x0;
	[sflag:s21] =	ssyncadd.s32 $0xFFFFC000  }
0x75: {  	[tilespmem:s22], [sflag:$0x3] =	stream.linear.gather [hbm4b:s12+s0], $0x1480, $0x38;
	[tilespmem:$0x1F000] =	vst v63  }
0x76: {  	_ =	swait.ge [sflag:s21], $0x1480  }
0x77: {  	[sflag:s21] =	ssyncset.done $0x0  }
0x78: {  	[sflag:s21] =	ssyncadd.s32 $0xFFFFEB80  }
0x79: {  	[tilespmem:s23], [sflag:$0x3] =	stream.linear.gather [hbm4b:s13+s0], $0x1480, $0x38;
	[tilespmem:$0x1F000] =	vst v63  }
0x7a: {  	_ =	swait.ge [sflag:s21], $0x1480  }
0x7b: {  	[sflag:s21] =	ssyncset.done $0x0  }
0x7c: {  	[sflag:s21] =	ssyncadd.s32 $0xFFFFEB80  }
0x7d: {  	[tilespmem:s20], [sflag:$0x1] =	stream.indirect.gather [hbm4b:s4+s24], $0x80, s22, s24, $0xb8;
	[tilespmem:$0x1F000] =	vst v63  }
0x7e: {  	_ =	swait.ge [sflag:s25], $0x4000  }
0x7f: {  	[sflag:s25] =	ssyncset.done $0x0  }
0x80: {  	s2 =	simm.s32 $0x14080;
	[sflag:s25] =	ssyncadd.s32 $0xFFFFC000  }
0x81: {  	[tilespmem:s26], [sflag:$0x2] =	stream.indirect.gather [hbm4b:s4+s24], $0x80, s2, s24, $0xb8;
	[tilespmem:$0x1F000] =	vst v63  }
0x82: {  	s2 =	simm.s32 $0x15800  }
0x83: {  	[spmem:s1] =	stream.indirect.scatter.add.f32 [tilespmem:s20], [sflag:$0x3], $0x80, s2, s24, $0xb8;
	[tilespmem:$0x1F000] =	vst v63  }
0x84: {  	_ =	swait.ge [sflag:s21], $0x4000  }
0x85: {  	[sflag:s21] =	ssyncset.done $0x0  }
0x86: {  	[sflag:s21] =	ssyncadd.s32 $0xFFFFC000  }
0x87: {  	_ =	swait.ge [sflag:s28], $0x4000  }
0x88: {  	[sflag:s28] =	ssyncset.done $0x0  }
0x89: {  	s2 =	simm.s32 $0x14100;
	[sflag:s28] =	ssyncadd.s32 $0xFFFFC000  }
0x8a: {  	[tilespmem:s20], [sflag:$0x1] =	stream.indirect.gather [hbm4b:s4+s24], $0x80, s2, s24, $0xb8;
	[tilespmem:$0x1F000] =	vst v63  }
0x8b: {  	s2 =	simm.s32 $0x15880  }
0x8c: {  	[spmem:s1] =	stream.indirect.scatter.add.f32 [tilespmem:s26], [sflag:$0x3], $0x80, s2, s24, $0xb8;
	[tilespmem:$0x1F000] =	vst v63  }
0x8d: {  	_ =	swait.ge [sflag:s21], $0x4000  }
0x8e: {  	s31 =	simm.s32 $0x400;
	[sflag:s21] =	ssyncset.done $0x0  }
.LBB2_6:
0x8f: {  	p0 =	sne.s32 s31, $0x4C00  }
0x90: {  	[sflag:s21] =	ssyncadd.s32 $0xFFFFC000;
	s0 =	smov.u32 s31;
	s31 =	sadd.s32 $0x400, s31  }
0x91: {  	_ = 	snop  }
0x92: {  	_ =	swait.ge [sflag:s25], $0x4000  }
0x93: {  	s0 =	sshra.s32 s0, $0x2;
	[sflag:s25] =	ssyncset.done $0x0  }
0x94: {  	s2 =	sadd.s32 $0x14080, s0;
	[sflag:s25] =	ssyncadd.s32 $0xFFFFC000  }
0x95: {  	[tilespmem:s26], [sflag:$0x2] =	stream.indirect.gather [hbm4b:s4+s24], $0x80, s2, s24, $0xb8;
	[tilespmem:$0x1F000] =	vst v63  }
0x96: {  	s2 =	sadd.s32 $0x15800, s0  }
0x97: {  	[spmem:s1] =	stream.indirect.scatter.add.f32 [tilespmem:s20], [sflag:$0x3], $0x80, s2, s24, $0xb8;
	[tilespmem:$0x1F000] =	vst v63  }
0x98: {  	_ =	swait.ge [sflag:s21], $0x4000  }
0x99: {  	[sflag:s21] =	ssyncset.done $0x0  }
0x9a: {  	[sflag:s21] =	ssyncadd.s32 $0xFFFFC000  }
0x9b: {  	_ =	swait.ge [sflag:s28], $0x4000  }
0x9c: {  	[sflag:s28] =	ssyncset.done $0x0  }
0x9d: {  	s2 =	sadd.s32 $0x14100, s0;
	[sflag:s28] =	ssyncadd.s32 $0xFFFFC000  }
0x9e: {  	[tilespmem:s20], [sflag:$0x1] =	stream.indirect.gather [hbm4b:s4+s24], $0x80, s2, s24, $0xb8;
	[tilespmem:$0x1F000] =	vst v63  }
.Ltmp2:
0x9f: {  	_ = 	snop;
	(pc) =	sbr.rel @p0 .LBB2_6-.Ltmp2, $4  }
0xa0: {  	s0 =	sadd.s32 $0x15880, s0  }
0xa1: {  	[spmem:s1] =	stream.indirect.scatter.add.f32 [tilespmem:s26], [sflag:$0x3], $0x80, s0, s24, $0xb8;
	[tilespmem:$0x1F000] =	vst v63  }
0xa2: {  	_ =	swait.ge [sflag:s21], $0x4000  }
0xa3: {  	[sflag:s21] =	ssyncset.done $0x0  }
0xa4: {  	[sflag:s21] =	ssyncadd.s32 $0xFFFFC000  }
0xa5: {  	_ =	swait.ge [sflag:s25], $0x4000  }
0xa6: {  	[sflag:s25] =	ssyncset.done $0x0  }
0xa7: {  	[sflag:s25] =	ssyncadd.s32 $0xFFFFC000  }
0xa8: {  	[spmem:s1] =	stream.indirect.scatter.add.f32 [tilespmem:s20], [sflag:$0x3], $0x80, s29, s24, $0xb8;
	[tilespmem:$0x1F000] =	vst v63  }
0xa9: {  	_ =	swait.ge [sflag:s21], $0x4000  }
0xaa: {  	[sflag:s21] =	ssyncset.done $0x0  }
0xab: {  	[sflag:s21] =	ssyncadd.s32 $0xFFFFC000  }
0xac: {  	[bflag:$0x0] =	sbarrier.arrive $0xFFFF  }
0xad: {  	[tilespmem:s20], [sflag:$0x3] =	stream.linear.gather [spmem:s5], $0x4000, $0x38;
	[tilespmem:$0x1F000] =	vst v63  }
0xae: {  	_ =	swait.ge [sflag:s21], $0x4000  }
0xaf: {  	[sflag:s21] =	ssyncset.done $0x0  }
0xb0: {  	[sflag:s21] =	ssyncadd.s32 $0xFFFFC000  }
0xb1: {  	[hbm4b:s14+s3] =	stream.linear.scatter [tilespmem:s20], [sflag:$0x3], $0x4000, $0x38;
	[tilespmem:$0x1F000] =	vst v63  }
0xb2: {  	_ =	swait.ge [sflag:s21], $0x4000  }
0xb3: {  	[sflag:s21] =	ssyncset.done $0x0  }
0xb4: {  	[sflag:s21] =	ssyncadd.s32 $0xFFFFC000  }
0xb5: {  	[tilespmem:s20], [sflag:$0x3] =	stream.linear.gather [spmem:s6], $0x4000, $0x38;
	[tilespmem:$0x1F000] =	vst v63  }
0xb6: {  	_ =	swait.ge [sflag:s21], $0x4000  }
0xb7: {  	[sflag:s21] =	ssyncset.done $0x0  }
0xb8: {  	[sflag:s21] =	ssyncadd.s32 $0xFFFFC000  }
0xb9: {  	[hbm4b:s15+s3] =	stream.linear.scatter [tilespmem:s20], [sflag:$0x3], $0x4000, $0x38;
	[tilespmem:$0x1F000] =	vst v63  }
0xba: {  	_ =	swait.ge [sflag:s21], $0x4000  }
0xbb: {  	[sflag:s21] =	ssyncset.done $0x0  }
0xbc: {  	[sflag:s21] =	ssyncadd.s32 $0xFFFFC000  }
0xbd: {  	[tilespmem:s20], [sflag:$0x3] =	stream.linear.gather [spmem:s7], $0x4000, $0x38;
	[tilespmem:$0x1F000] =	vst v63  }
0xbe: {  	_ =	swait.ge [sflag:s21], $0x4000  }
0xbf: {  	[sflag:s21] =	ssyncset.done $0x0  }
0xc0: {  	[sflag:s21] =	ssyncadd.s32 $0xFFFFC000  }
0xc1: {  	[hbm4b:s16+s3] =	stream.linear.scatter [tilespmem:s20], [sflag:$0x3], $0x4000, $0x38;
	[tilespmem:$0x1F000] =	vst v63  }
0xc2: {  	_ =	swait.ge [sflag:s21], $0x4000  }
0xc3: {  	[sflag:s21] =	ssyncset.done $0x0  }
0xc4: {  	[sflag:s21] =	ssyncadd.s32 $0xFFFFC000  }
0xc5: {  	[tilespmem:s20], [sflag:$0x3] =	stream.linear.gather [spmem:s8], $0x4000, $0x38;
	[tilespmem:$0x1F000] =	vst v63  }
0xc6: {  	_ =	swait.ge [sflag:s21], $0x4000  }
0xc7: {  	[sflag:s21] =	ssyncset.done $0x0  }
0xc8: {  	[sflag:s21] =	ssyncadd.s32 $0xFFFFC000  }
0xc9: {  	[hbm4b:s17+s3] =	stream.linear.scatter [tilespmem:s20], [sflag:$0x3], $0x4000, $0x38;
	[tilespmem:$0x1F000] =	vst v63  }
0xca: {  	_ =	swait.ge [sflag:s21], $0x4000  }
0xcb: {  	[sflag:s21] =	ssyncset.done $0x0  }
0xcc: {  	[sflag:s21] =	ssyncadd.s32 $0xFFFFC000  }
0xcd: {  	[tilespmem:s20], [sflag:$0x3] =	stream.linear.gather [spmem:s9], $0x4000, $0x38;
	[tilespmem:$0x1F000] =	vst v63  }
0xce: {  	s30 =	sadd.s32 $0x1, s30;
	_ =	swait.ge [sflag:s21], $0x4000  }
0xcf: {  	p0 =	sne.s32 s30, s19;
	[sflag:s21] =	ssyncset.done $0x0  }
.Ltmp3:
0xd0: {  	[sflag:s21] =	ssyncadd.s32 $0xFFFFC000;
	(pc) =	sbr.rel @p0 .LBB2_1-.Ltmp3, $4  }
0xd1: {  	[hbm4b:s18+s3] =	stream.linear.scatter [tilespmem:s20], [sflag:$0x3], $0x4000, $0x38;
	[tilespmem:$0x1F000] =	vst v63  }
0xd2: {  	_ =	swait.ge [sflag:s21], $0x4000  }
0xd3: {  	[sflag:s21] =	ssyncset.done $0x0  }
0xd4: {  	[sflag:s21] =	ssyncadd.s32 $0xFFFFC000  }
0xd5: {  	_ =	sfence.sel $0x180000  }
0xd6: {  	[bflag:$0x0] =	sbarrier.arrive $0xFFFF  }
0xd7: {  	_ =	strace $0x90000047  }
0xd8: {  	s0 =	stileid.u32;
	[bflag:$0x2] =	sbarrier.arrive $0xFFFF  }
0xd9: {  	p0 =	sne.s32 s0, $0x0;
	s0 =	rddreg [dreg:$0x3]  }
0xda: {  	s0 =	sadd.s32 @!p0 $0x100000, s0  }
0xdb: {  	[sflag:s0] =	ssyncadd.tile.s32 @!p0 $0x1;
	_ =	shalt  }
.Lfunc_end2:
_tile_overlayer_lowered:
.L_overlay_start_2:
0xdc: {  	(tag) =	ssettag $0x2  }
0xdd: {  	s0 =	rddreg [dreg:$0x0];
	s2 =	stileid.u32  }
0xde: {  	s1 =	rddreg [dreg:$0x1];
	p0 =	sne.s32 s2, $0x0  }
0xdf: {  	s3 =	rddreg [dreg:$0x2];
	[bflag:$0x3] =	sbarrier.arrive $0xFFFF;
	s2 =	simm.s32 @!p0 $0x1C03  }
0xe0: {  	[timem:s3], [sflag:s2] =	dma.local @!p0 [hbm:s0], s1  }
0xe1: {  	s0 =	simm.s32 @!p0 $0x3  }
0xe2: {  	_ =	swait.ge @!p0 [sflag:s0], s1  }
0xe3: {  	s1 =	ssub.s32 @!p0 $0x0, s1;
	[sflag:s0] =	ssyncset.done @!p0 $0x0  }
0xe4: {  	[sflag:s0] =	ssyncadd.s32 @!p0 s1  }
0xe5: {  	[bflag:$0x3] =	sbarrier.arrive $0xFFFF  }
0xe6: {  	_ =	shalt  }

// kernel: kernel.13.cloned.1.call-start
scs
__scs_entry_jumppad:
0x0: {  	(pc) =	sbr.rel $0x88, $3  }
0x1: {  	(tag) =	ssettag $0x0;
	lr =	simm.s32 $0x1  }
0x2: {  	[smem:$0x3F99] =	sst lr;
	_ =	strace $0xD0000000  }
0x3: {  	_ = 	snop  }
0x4: {  	_ = 	snop  }
0x5: {  	_ = 	snop  }
0x6: {  	_ = 	snop  }
0x7: {  	_ = 	snop  }
__scs_overlays_trampoline_lowered:
0x8: {  	[smem:$0x3FA8] =	sst s0  }
0x9: {  	[smem:$0x3FA9] =	sst s1  }
0xa: {  	[smem:$0x3FAA] =	sst s2  }
0xb: {  	[smem:$0x3FAB] =	sst s3  }
0xc: {  	[smem:$0x3FAC] =	sst s4  }
0xd: {  	[smem:$0x3FAD] =	sst s5  }
0xe: {  	[smem:$0x3FAE] =	sst s6  }
0xf: {  	[smem:$0x3FAF] =	sst s7  }
0x10: {  	[smem:$0x3FB0] =	sst s8  }
0x11: {  	[smem:$0x3FB1] =	sst s9;
	s0 =	simm.s32 @!p0 $0x0  }
0x12: {  	s1 =	sld [smem:$0x3F97];
	s0 =	simm.s32 @p0 $0x1  }
0x13: {  	[smem:$0x3FB2] =	sst s0;
	s0 =	simm.s32 @!p1 $0x0  }
0x14: {  	s2 =	sld [smem:$0x3F96];
	s0 =	simm.s32 @p1 $0x1  }
0x15: {  	[smem:$0x3FB3] =	sst s0;
	s0 =	simm.s32 @!p2 $0x0  }
0x16: {  	s3 =	sld [smem:$0x3FDB];
	s0 =	simm.s32 @p2 $0x1  }
0x17: {  	s4 =	simm.s32 $0x1BF5;
	[smem:$0x3FB5] =	sst s0  }
0x18: {  	s0 =	sld [smem:$0x3F98];
	_ =	swait.ge [sflag:s4], $0x0  }
0x19: {  	s7 =	sld [smem:$0x3F99]  }
0x1a: {  	s8 =	sadd.s32 $0xFFFFE003, lr  }
0x1b: {  	s9 =	sadd.s32 $0xFFFFFEF7, lr;
	s5 =	simm.s32 $0xFFFFFFFF;
	p2 =	slt.u32 s8, $0xFFFFF086  }
0x1c: {  	p1 =	slt.u32 s9, $0xF7A;
	s5 =	simm.s32 @!p2 $0x0  }
0x1d: {  	s5 =	simm.s32 @p1 $0x1;
	p0 =	seq.s32 s7, s2  }
0x1e: {  	s7 =	smul.u32 @!p0 $0xF7A, s2;
	p2 =	seq.s32 @!p0 s5, $0x0  }
0x1f: {  	s9 =	smul.u32 $0xF7A, s1;
	s8 =	simm.s32 @!p0 $0x1BF5;
	p2 =	por !p2, p0  }
0x20: {  	[sflag:s8] =	ssyncset.s32 @!p0 $0xFFFFF086;
	s6 =	sadd.s32 @!p0 s3, s7;
	s7 =	simm.s32 @!p0 $0x108  }
0x21: {  	s3 =	sadd.s32 s3, s9;
	s6 =	sadd.s32 @!p0 $0x88, s6;
	s7 =	simm.s32 @p2 $0x1082  }
0x22: {  	[simem:s7], [sflag:s8] =	dma.local @!p0 [hbm:s6], $0xF7A  }
0x23: {  	s9 =	sor.u32 $0xD0000000, s2;
	s6 =	simm.s32 $0x108;
	_ =	swait.ge @!p0 [sflag:s8], $0x0  }
0x24: {  	s3 =	sadd.s32 $0x88, s3;
	s6 =	simm.s32 @!p1 $0x1082;
	[sflag:s4] =	ssyncset.s32 $0xFFFFF086  }
0x25: {  	[simem:s6], [sflag:s4] =	dma.local [hbm:s3], $0xF7A  }
0x26: {  	[smem:$0x3F99] =	sst s1;
	(tag) =	ssettag s2;
	_ =	strace s9  }
0x27: {  	s1 =	sld [smem:$0x3FA9]  }
0x28: {  	s2 =	sld [smem:$0x3FAA]  }
0x29: {  	s4 =	sld [smem:$0x3FAC]  }
0x2a: {  	p0 =	seq.s32 s5, $0x0;
	s5 =	sld [smem:$0x3FAD]  }
0x2b: {  	s6 =	sld [smem:$0x3FAE]  }
0x2c: {  	s7 =	sld [smem:$0x3FAF]  }
0x2d: {  	s3 =	simm.s32 $0x108;
	s8 =	sld [smem:$0x3FB0]  }
0x2e: {  	s3 =	simm.s32 @!p0 $0x1082;
	s9 =	sld [smem:$0x3FB1]  }
0x2f: {  	lr =	sadd.s32 s0, s3;
	s0 =	sld [smem:$0x3FA8]  }
0x30: {  	s3 =	sld [smem:$0x3FAB]  }
0x31: {  	[smem:$0x3FB4] =	sst s10  }
0x32: {  	s10 =	sld [smem:$0x3FB2];
	_ =	sdelay $0x3  }
0x33: {  	p0 =	seq.s32 s10, $0x1;
	s10 =	sld [smem:$0x3FB4];
	_ =	sdelay $0x3  }
0x34: {  	[smem:$0x3FB4] =	sst s10  }
0x35: {  	s10 =	sld [smem:$0x3FB3];
	_ =	sdelay $0x3  }
0x36: {  	p1 =	seq.s32 s10, $0x1;
	s10 =	sld [smem:$0x3FB4];
	_ =	sdelay $0x3  }
0x37: {  	[smem:$0x3FB4] =	sst s10  }
0x38: {  	s10 =	sld [smem:$0x3FB5]  }
0x39: {  	_ = 	snop;
	(pc) =	sbr.ind lr, $3  }
0x3a: {  	_ = 	snop  }
0x3b: {  	_ = 	snop  }
0x3c: {  	p2 =	seq.s32 s10, $0x1;
	s10 =	sld [smem:$0x3FB4]  }
0x3d: {  	_ =	shalt  }
0x3e: {  	_ =	shalt  }
0x3f: {  	_ =	shalt  }
0x40: {  	_ =	shalt  }
0x41: {  	_ =	shalt  }
0x42: {  	_ =	shalt  }
0x43: {  	_ =	shalt  }
0x44: {  	_ =	shalt  }
0x45: {  	_ =	shalt  }
0x46: {  	_ =	shalt  }
0x47: {  	_ =	shalt  }
0x48: {  	_ =	shalt  }
0x49: {  	_ =	shalt  }
0x4a: {  	_ =	shalt  }
0x4b: {  	_ =	shalt  }
0x4c: {  	_ =	shalt  }
0x4d: {  	_ =	shalt  }
0x4e: {  	_ =	shalt  }
0x4f: {  	_ =	shalt  }
0x50: {  	_ =	shalt  }
0x51: {  	_ =	shalt  }
0x52: {  	_ =	shalt  }
0x53: {  	_ =	shalt  }
0x54: {  	_ =	shalt  }
0x55: {  	_ =	shalt  }
0x56: {  	_ =	shalt  }
0x57: {  	_ =	shalt  }
0x58: {  	_ =	shalt  }
0x59: {  	_ =	shalt  }
0x5a: {  	_ =	shalt  }
0x5b: {  	_ =	shalt  }
0x5c: {  	_ =	shalt  }
0x5d: {  	_ =	shalt  }
0x5e: {  	_ =	shalt  }
0x5f: {  	_ =	shalt  }
0x60: {  	_ =	shalt  }
0x61: {  	_ =	shalt  }
0x62: {  	_ =	shalt  }
0x63: {  	_ =	shalt  }
0x64: {  	_ =	shalt  }
0x65: {  	_ =	shalt  }
0x66: {  	_ =	shalt  }
0x67: {  	_ =	shalt  }
0x68: {  	_ =	shalt  }
0x69: {  	_ =	shalt  }
0x6a: {  	_ =	shalt  }
0x6b: {  	_ =	shalt  }
0x6c: {  	_ =	shalt  }
0x6d: {  	_ =	shalt  }
0x6e: {  	_ =	shalt  }
0x6f: {  	_ =	shalt  }
0x70: {  	_ =	shalt  }
0x71: {  	_ =	shalt  }
0x72: {  	_ =	shalt  }
0x73: {  	_ =	shalt  }
0x74: {  	_ =	shalt  }
0x75: {  	_ =	shalt  }
0x76: {  	_ =	shalt  }
0x77: {  	_ =	shalt  }
0x78: {  	_ =	shalt  }
0x79: {  	_ =	shalt  }
0x7a: {  	_ =	shalt  }
0x7b: {  	_ =	shalt  }
0x7c: {  	_ =	shalt  }
0x7d: {  	_ =	shalt  }
0x7e: {  	_ =	shalt  }
0x7f: {  	_ =	shalt  }
0x80: {  	_ =	shalt  }
0x81: {  	_ =	shalt  }
0x82: {  	_ =	shalt  }
0x83: {  	_ =	shalt  }
0x84: {  	_ =	shalt  }
0x85: {  	_ =	shalt  }
0x86: {  	_ =	shalt  }
0x87: {  	_ =	shalt  }
.Lfunc_end0:
.L_simem_size_0:
called_computation.1_lowered:
.L_overlay_start_0:
0x88: {  	s2 =	sld [smem:$0x3FD9]  }
0x89: {  	s3 =	sld [smem:$0x3FFE];
	_ =	sdelay $0x1  }
0x8a: {  	s1 =	srdreg.scid  }
0x8b: {  	s0 =	sand.u32 $0x1, s1  }
0x8c: {  	s16 =	sshll.u32 s0, $0xA;
	s2 =	sadd.s32 s3, s2  }
0x8d: {  	s2 =	sadd.s32 s2, s16  }
0x8e: {  	[smem:$0x3FC0] =	sst s2  }
0x8f: {  	_ = 	snop  }
0x90: {  	(tm) =	ssettm $0x1  }
0x91: {  	s17 =	sld [smem:$0x3FFB];
	_ =	sdelay $0x3  }
0x92: {  	_ =	strace s17  }
0x93: {  	s2 =	sld [smem:$0x3FFC];
	_ =	sdelay $0x3  }
0x94: {  	_ =	strace s2  }
0x95: {  	s2 =	sld [smem:$0x3FFD];
	_ =	sdelay $0x3  }
0x96: {  	_ =	strace s2  }
0x97: {  	_ =	strace $0x8FFFFFFF  }
0x98: {  	s18 =	sld [smem:$0x3FDB];
	_ =	sdelay $0x1  }
0x99: {  	s19 =	simm.s32 $_scs_section_size  }
0x9a: {  	s4 =	simm.s32 $_size__tile_overlayer_lowered;
	s5 =	simm.s32 $_tile_overlayer_lowered  }
0x9b: {  	s22 =	simm.s32 $0x1BFF;
	s21 =	sshll.u32 s5, $0x1;
	s2 =	sadd.s32 s19, s18  }
0x9c: {  	s6 =	simm.s32 $0x0;
	s20 =	sshll.u32 s4, $0x1;
	s4 =	sadd.s32 s21, s2  }
0x9d: {  	[timem:s6], [sflag:s22] =	dma.local [hbm:s4], s20  }
0x9e: {  	_ =	swait.ge [sflag:s22], s20  }
0x9f: {  	s3 =	ssub.s32 $0x0, s20;
	[sflag:s22] =	ssyncset.done $0x0  }
0xa0: {  	[sflag:s22] =	ssyncadd.s32 s3;
	_ =	sdelay $0x1  }
0xa1: {  	s23 =	simm.s32 $0x1B8B  }
0xa2: {  	_ =	swait.ge [sflag:s23], $0x1  }
0xa3: {  	[sflag:s23] =	ssyncset.done $0x0  }
0xa4: {  	s25 =	simm.s32 $0x1B8E;
	s24 =	sld [smem:$0x3FFE];
	[sflag:s23] =	ssyncadd.s32 $0xFFFFFFFF  }
0xa5: {  	s26 =	simm.s32 $execute0_lowered;
	[smem:$0x3FD2] =	sst s25  }
0xa6: {  	s4 =	sshll.u32 s26, $0x1;
	_ =	strace $0x80000049;
	[dreg:$0x1] =	wrdreg $0xFFFFFFFF  }
0xa7: {  	s28 =	simm.s32 $_size_execute0_lowered;
	s2 =	sadd.s32 s2, s4;
	[dreg:$0x0] =	wrdreg $0x0  }
0xa8: {  	s4 =	sshll.u32 s28, $0x1;
	[dreg:$0x2] =	wrdreg s2  }
0xa9: {  	[dreg:$0x3] =	wrdreg s4  }
0xaa: {  	[dreg:$0x4] =	wrdreg $0xC0  }
0xab: {  	_ =	task [dreg:s6], $0x5FFFF  }
0xac: {  	[dreg:$0x1] =	wrdreg $0xFFFFFFFF  }
0xad: {  	[dreg:$0x0] =	wrdreg $0x60  }
0xae: {  	[dreg:$0x2] =	wrdreg s24  }
0xaf: {  	[dreg:$0x3] =	wrdreg $0x0  }
0xb0: {  	[dreg:$0x4] =	wrdreg $0x9  }
0xb1: {  	_ =	task.clear_ibuf [dreg:s6], $0x5FFFF;
	_ =	strace $0x90000049  }
0xb2: {  	s29 =	simm.s32 $0x9;
	_ =	strace $0x8000004B  }
0xb3: {  	_ =	swait.ge [sflag:s29], $0x1  }
0xb4: {  	[sflag:s29] =	ssyncadd.s32 $0xFFFFFFFF  }
0xb5: {  	_ =	strace $0x9000004B  }
0xb6: {  	_ =	sfence  }
0xb7: {  	s30 =	sld [smem:$0x0];
	_ =	sdelay $0x2  }
0xb8: {  	s31 =	sshll.u32 s1, $0xD;
	s1 =	sshrl.u32 s1, $0x2  }
0xb9: {  	s3 =	sand.u32 $0x4000, s31;
	s1 =	sadd.s32 s1, s30  }
0xba: {  	s0 =	sor.u32 s3, s0;
	s1 =	sshll.u32 s1, $0x11  }
0xbb: {  	s0 =	sor.u32 s1, s0  }
0xbc: {  	s0 =	sadd.s32 $0x8F2B, s0  }
0xbd: {  	[sflag:s0] =	ssyncadd.remote.s32 $0x1  }
0xbe: {  	_ =	sfence.sel $0xFFFF  }
0xbf: {  	[dreg:$0x0] =	wrdreg $0xFFFFFFFF;
	(pc) =	sbr.abs _section_cstart, $3  }
0xc0: {  	[dreg:$0x1] =	wrdreg $0xFFFFFFFF  }
0xc1: {  	_ =	task.clear_ibuf [dreg:s6], $0x2FFFF;
	_ =	strace $0x9FFFFFFF  }
0xc2: {  	(tm) =	ssettm $0x7FFFFFFF  }
0xc3: {  	_ =	shalt  }
tec
execute0_lowered:
.L_overlay_start_1:
0x0: {  	(tag) =	ssettag $0x1  }
0x1: {  	s0 =	rddreg [dreg:$0x0]  }
0x2: {  	s1 =	rddreg [dreg:$0x1];
	s2 =	simm.s32 $0x0  }
0x3: {  	s5 =	srdreg.scid;
	s3 =	stileid.u32;
	s22 =	simm.s32 $0x14000  }
0x4: {  	s23 =	simm.s32 $0x15800;
	s24 =	simm.s32 $0x80;
	s25 =	simm.s32 $0x1  }
0x5: {  	s26 =	simm.s32 $0x1B000;
	s28 =	simm.s32 $0x2;
	s29 =	simm.s32 $0x16C00  }
0x6: {  	s30 =	simm.s32 $0x0;
	[smem:$0x7FF] =	sst s2;
	s4 =	sadd.s32 $0xFE00, s0  }
0x7: {  	s8 =	sand.u32 $0x1, s5;
	s12 =	sadd.s32 $0x87E00, s0;
	s6 =	smul.u32 $0x50000, s3  }
0x8: {  	s13 =	sadd.s32 $0x3E00, s0;
	s0 =	sadd.s32 $0x93E00, s0;
	s14 =	smul.u32 $0x14000, s3  }
0x9: {  	_ =	strace $0x8000004A;
	s5 =	ssub.s32 $0x2, s8;
	s9 =	sshll.u32 s8, $0x4  }
0xa: {  	s21 =	smul.u32 $0x140000, s8;
	s7 =	sshrl.u32 s5, $0x1;
	s6 =	sshrl.u32 s6, $0x2  }
0xb: {  	s31 =	sor.u32 s3, s9;
	s15 =	sadd.s32 $0x4000, s14;
	s16 =	sadd.s32 $0x8000, s14  }
0xc: {  	s17 =	sadd.s32 $0xC000, s14;
	s18 =	sadd.s32 $0x10000, s14;
	s19 =	ssub.s32 s5, s7  }
0xd: {  	s5 =	sadd.s32 s6, s1;
	s9 =	smul.u32 $0x3000, s31;
	s6 =	sadd.s32 s15, s1  }
0xe: {  	s7 =	sadd.s32 s16, s1;
	s8 =	sadd.s32 s17, s1;
	s14 =	sadd.s32 s14, s21  }
0xf: {  	s15 =	sadd.s32 s21, s15;
	s16 =	sadd.s32 s21, s16;
	s17 =	sadd.s32 s21, s17  }
0x10: {  	s14 =	sshrl.u32 s14, $0x3;
	s15 =	sshrl.u32 s15, $0x3;
	s16 =	sshrl.u32 s16, $0x3  }
0x11: {  	s17 =	sshrl.u32 s17, $0x3;
	s19 =	smax.u32 s19, $0x1;
	s20 =	sshrl.u32 s9, $0x3  }
0x12: {  	s9 =	sadd.s32 s18, s1;
	s14 =	sadd.s32 s0, s14;
	s15 =	sadd.s32 s0, s15  }
0x13: {  	s18 =	sadd.s32 s21, s18;
	s16 =	sadd.s32 s0, s16;
	s17 =	sadd.s32 s0, s17  }
0x14: {  	s10 =	sadd.s32 s12, s20;
	s11 =	sadd.s32 s13, s20;
	s20 =	sadd.s32 $0x300, s20  }
0x15: {  	s21 =	simm.s32 $0x3;
	s18 =	sshrl.u32 s18, $0x3;
	s12 =	sadd.s32 s12, s20  }
0x16: {  	v0 =	vimm.f32 $0.0e+00;
	s13 =	sadd.s32 s13, s20;
	s18 =	sadd.s32 s0, s18;
	s20 =	simm.s32 $0x17000  }
.LBB2_1:
0x17: {  	s31 =	simm.s32 $0x0;
	s0 =	simm.s32 $0x200  }
.LBB2_2:
0x18: {  	p0 =	sne.s32 s0, $0xFE00;
	[tilespmem:s31+$0x17070] =	vst v0  }
0x19: {  	[tilespmem:s31+$0x17000] =	vst v0  }
0x1a: {  	[tilespmem:s31+$0x17010] =	vst v0  }
.Ltmp0:
0x1b: {  	[tilespmem:s31+$0x17020] =	vst v0;
	(pc) =	sbr.rel @p0 .LBB2_2-.Ltmp0, $4  }
0x1c: {  	[tilespmem:s31+$0x17030] =	vst v0  }
0x1d: {  	[tilespmem:s31+$0x17040] =	vst v0  }
0x1e: {  	[tilespmem:s31+$0x17050] =	vst v0  }
0x1f: {  	[tilespmem:s31+$0x17060] =	vst v0;
	s31 =	sshra.s32 s0, $0x2;
	s0 =	sadd.s32 $0x200, s0  }
0x20: {  	[tilespmem:s31+$0x17070] =	vst v0  }
0x21: {  	[tilespmem:s31+$0x17000] =	vst v0  }
0x22: {  	[tilespmem:s31+$0x17010] =	vst v0  }
0x23: {  	[tilespmem:s31+$0x17020] =	vst v0  }
0x24: {  	[tilespmem:s31+$0x17030] =	vst v0  }
0x25: {  	[tilespmem:s31+$0x17040] =	vst v0  }
0x26: {  	[tilespmem:s31+$0x17050] =	vst v0  }
0x27: {  	[tilespmem:s31+$0x17060] =	vst v0  }
0x28: {  	[spmem:s5] =	stream.linear.scatter [tilespmem:s20], [sflag:$0x3], $0x4000, $0x38;
	[tilespmem:$0x1F000] =	vst v63  }
0x29: {  	_ =	swait.ge [sflag:s21], $0x4000  }
0x2a: {  	[sflag:s21] =	ssyncset.done $0x0  }
0x2b: {  	[sflag:s21] =	ssyncadd.s32 $0xFFFFC000  }
0x2c: {  	[spmem:s6] =	stream.linear.scatter [tilespmem:s20], [sflag:$0x3], $0x4000, $0x38;
	[tilespmem:$0x1F000] =	vst v63  }
0x2d: {  	_ =	swait.ge [sflag:s21], $0x4000  }
0x2e: {  	[sflag:s21] =	ssyncset.done $0x0  }
0x2f: {  	[sflag:s21] =	ssyncadd.s32 $0xFFFFC000  }
0x30: {  	[spmem:s7] =	stream.linear.scatter [tilespmem:s20], [sflag:$0x3], $0x4000, $0x38;
	[tilespmem:$0x1F000] =	vst v63  }
0x31: {  	_ =	swait.ge [sflag:s21], $0x4000  }
0x32: {  	[sflag:s21] =	ssyncset.done $0x0  }
0x33: {  	[sflag:s21] =	ssyncadd.s32 $0xFFFFC000  }
0x34: {  	[spmem:s8] =	stream.linear.scatter [tilespmem:s20], [sflag:$0x3], $0x4000, $0x38;
	[tilespmem:$0x1F000] =	vst v63  }
0x35: {  	_ =	swait.ge [sflag:s21], $0x4000  }
0x36: {  	[sflag:s21] =	ssyncset.done $0x0  }
0x37: {  	[sflag:s21] =	ssyncadd.s32 $0xFFFFC000  }
0x38: {  	[spmem:s9] =	stream.linear.scatter [tilespmem:s20], [sflag:$0x3], $0x4000, $0x38;
	[tilespmem:$0x1F000] =	vst v63  }
0x39: {  	_ =	swait.ge [sflag:s21], $0x4000  }
0x3a: {  	[sflag:s21] =	ssyncset.done $0x0  }
0x3b: {  	[sflag:s21] =	ssyncadd.s32 $0xFFFFC000  }
0x3c: {  	s0 =	simm.s32 $0x0;
	[bflag:$0x0] =	sbarrier.arrive $0xFFFF  }
0x3d: {  	[tilespmem:s22], [sflag:$0x3] =	stream.linear.gather [hbm4b:s10+s0], $0x1480, $0x38;
	[tilespmem:$0x1F000] =	vst v63  }
0x3e: {  	_ =	swait.ge [sflag:s21], $0x1480  }
0x3f: {  	[sflag:s21] =	ssyncset.done $0x0  }
0x40: {  	[sflag:s21] =	ssyncadd.s32 $0xFFFFEB80  }
0x41: {  	[tilespmem:s23], [sflag:$0x3] =	stream.linear.gather [hbm4b:s11+s0], $0x1480, $0x38;
	[tilespmem:$0x1F000] =	vst v63  }
0x42: {  	_ =	swait.ge [sflag:s21], $0x1480  }
0x43: {  	[sflag:s21] =	ssyncset.done $0x0  }
0x44: {  	[sflag:s21] =	ssyncadd.s32 $0xFFFFEB80  }
0x45: {  	[tilespmem:s20], [sflag:$0x1] =	stream.indirect.gather [hbm4b:s4+s24], $0x80, s22, s24, $0xb8;
	[tilespmem:$0x1F000] =	vst v63  }
0x46: {  	_ =	swait.ge [sflag:s25], $0x4000  }
0x47: {  	[sflag:s25] =	ssyncset.done $0x0  }
0x48: {  	s3 =	simm.s32 $0x14080;
	[sflag:s25] =	ssyncadd.s32 $0xFFFFC000  }
0x49: {  	[tilespmem:s26], [sflag:$0x2] =	stream.indirect.gather [hbm4b:s4+s24], $0x80, s3, s24, $0xb8;
	[tilespmem:$0x1F000] =	vst v63  }
0x4a: {  	s3 =	simm.s32 $0x15800  }
0x4b: {  	[spmem:s1] =	stream.indirect.scatter.add.f32 [tilespmem:s20], [sflag:$0x3], $0x80, s3, s24, $0xb8;
	[tilespmem:$0x1F000] =	vst v63  }
0x4c: {  	_ =	swait.ge [sflag:s21], $0x4000  }
0x4d: {  	[sflag:s21] =	ssyncset.done $0x0  }
0x4e: {  	[sflag:s21] =	ssyncadd.s32 $0xFFFFC000  }
0x4f: {  	_ =	swait.ge [sflag:s28], $0x4000  }
0x50: {  	[sflag:s28] =	ssyncset.done $0x0  }
0x51: {  	s3 =	simm.s32 $0x14100;
	[sflag:s28] =	ssyncadd.s32 $0xFFFFC000  }
0x52: {  	[tilespmem:s20], [sflag:$0x1] =	stream.indirect.gather [hbm4b:s4+s24], $0x80, s3, s24, $0xb8;
	[tilespmem:$0x1F000] =	vst v63  }
0x53: {  	s3 =	simm.s32 $0x15880  }
0x54: {  	[spmem:s1] =	stream.indirect.scatter.add.f32 [tilespmem:s26], [sflag:$0x3], $0x80, s3, s24, $0xb8;
	[tilespmem:$0x1F000] =	vst v63  }
0x55: {  	_ =	swait.ge [sflag:s21], $0x4000  }
0x56: {  	s31 =	simm.s32 $0x400;
	[sflag:s21] =	ssyncset.done $0x0  }
.LBB2_4:
0x57: {  	p0 =	sne.s32 s31, $0x4C00  }
0x58: {  	[sflag:s21] =	ssyncadd.s32 $0xFFFFC000;
	s0 =	smov.u32 s31;
	s31 =	sadd.s32 $0x400, s31  }
0x59: {  	_ = 	snop  }
0x5a: {  	_ =	swait.ge [sflag:s25], $0x4000  }
0x5b: {  	s0 =	sshra.s32 s0, $0x2;
	[sflag:s25] =	ssyncset.done $0x0  }
0x5c: {  	s3 =	sadd.s32 $0x14080, s0;
	[sflag:s25] =	ssyncadd.s32 $0xFFFFC000  }
0x5d: {  	[tilespmem:s26], [sflag:$0x2] =	stream.indirect.gather [hbm4b:s4+s24], $0x80, s3, s24, $0xb8;
	[tilespmem:$0x1F000] =	vst v63  }
0x5e: {  	s3 =	sadd.s32 $0x15800, s0  }
0x5f: {  	[spmem:s1] =	stream.indirect.scatter.add.f32 [tilespmem:s20], [sflag:$0x3], $0x80, s3, s24, $0xb8;
	[tilespmem:$0x1F000] =	vst v63  }
0x60: {  	_ =	swait.ge [sflag:s21], $0x4000  }
0x61: {  	[sflag:s21] =	ssyncset.done $0x0  }
0x62: {  	[sflag:s21] =	ssyncadd.s32 $0xFFFFC000  }
0x63: {  	_ =	swait.ge [sflag:s28], $0x4000  }
0x64: {  	[sflag:s28] =	ssyncset.done $0x0  }
0x65: {  	s3 =	sadd.s32 $0x14100, s0;
	[sflag:s28] =	ssyncadd.s32 $0xFFFFC000  }
0x66: {  	[tilespmem:s20], [sflag:$0x1] =	stream.indirect.gather [hbm4b:s4+s24], $0x80, s3, s24, $0xb8;
	[tilespmem:$0x1F000] =	vst v63  }
.Ltmp1:
0x67: {  	_ = 	snop;
	(pc) =	sbr.rel @p0 .LBB2_4-.Ltmp1, $4  }
0x68: {  	s0 =	sadd.s32 $0x15880, s0  }
0x69: {  	[spmem:s1] =	stream.indirect.scatter.add.f32 [tilespmem:s26], [sflag:$0x3], $0x80, s0, s24, $0xb8;
	[tilespmem:$0x1F000] =	vst v63  }
0x6a: {  	_ =	swait.ge [sflag:s21], $0x4000  }
0x6b: {  	[sflag:s21] =	ssyncset.done $0x0  }
0x6c: {  	[sflag:s21] =	ssyncadd.s32 $0xFFFFC000  }
0x6d: {  	_ =	swait.ge [sflag:s25], $0x4000  }
0x6e: {  	[sflag:s25] =	ssyncset.done $0x0  }
0x6f: {  	[sflag:s25] =	ssyncadd.s32 $0xFFFFC000  }
0x70: {  	[spmem:s1] =	stream.indirect.scatter.add.f32 [tilespmem:s20], [sflag:$0x3], $0x80, s29, s24, $0xb8;
	[tilespmem:$0x1F000] =	vst v63  }
0x71: {  	_ =	swait.ge [sflag:s21], $0x4000  }
0x72: {  	[sflag:s21] =	ssyncset.done $0x0  }
0x73: {  	s0 =	simm.s32 $0x0;
	[sflag:s21] =	ssyncadd.s32 $0xFFFFC000  }
0x74: {  	[tilespmem:s22], [sflag:$0x3] =	stream.linear.gather [hbm4b:s12+s0], $0x1480, $0x38;
	[tilespmem:$0x1F000] =	vst v63  }
0x75: {  	_ =	swait.ge [sflag:s21], $0x1480  }
0x76: {  	[sflag:s21] =	ssyncset.done $0x0  }
0x77: {  	[sflag:s21] =	ssyncadd.s32 $0xFFFFEB80  }
0x78: {  	[tilespmem:s23], [sflag:$0x3] =	stream.linear.gather [hbm4b:s13+s0], $0x1480, $0x38;
	[tilespmem:$0x1F000] =	vst v63  }
0x79: {  	_ =	swait.ge [sflag:s21], $0x1480  }
0x7a: {  	[sflag:s21] =	ssyncset.done $0x0  }
0x7b: {  	[sflag:s21] =	ssyncadd.s32 $0xFFFFEB80  }
0x7c: {  	[tilespmem:s20], [sflag:$0x1] =	stream.indirect.gather [hbm4b:s4+s24], $0x80, s22, s24, $0xb8;
	[tilespmem:$0x1F000] =	vst v63  }
0x7d: {  	_ =	swait.ge [sflag:s25], $0x4000  }
0x7e: {  	[sflag:s25] =	ssyncset.done $0x0  }
0x7f: {  	s3 =	simm.s32 $0x14080;
	[sflag:s25] =	ssyncadd.s32 $0xFFFFC000  }
0x80: {  	[tilespmem:s26], [sflag:$0x2] =	stream.indirect.gather [hbm4b:s4+s24], $0x80, s3, s24, $0xb8;
	[tilespmem:$0x1F000] =	vst v63  }
0x81: {  	s3 =	simm.s32 $0x15800  }
0x82: {  	[spmem:s1] =	stream.indirect.scatter.add.f32 [tilespmem:s20], [sflag:$0x3], $0x80, s3, s24, $0xb8;
	[tilespmem:$0x1F000] =	vst v63  }
0x83: {  	_ =	swait.ge [sflag:s21], $0x4000  }
0x84: {  	[sflag:s21] =	ssyncset.done $0x0  }
0x85: {  	[sflag:s21] =	ssyncadd.s32 $0xFFFFC000  }
0x86: {  	_ =	swait.ge [sflag:s28], $0x4000  }
0x87: {  	[sflag:s28] =	ssyncset.done $0x0  }
0x88: {  	s3 =	simm.s32 $0x14100;
	[sflag:s28] =	ssyncadd.s32 $0xFFFFC000  }
0x89: {  	[tilespmem:s20], [sflag:$0x1] =	stream.indirect.gather [hbm4b:s4+s24], $0x80, s3, s24, $0xb8;
	[tilespmem:$0x1F000] =	vst v63  }
0x8a: {  	s3 =	simm.s32 $0x15880  }
0x8b: {  	[spmem:s1] =	stream.indirect.scatter.add.f32 [tilespmem:s26], [sflag:$0x3], $0x80, s3, s24, $0xb8;
	[tilespmem:$0x1F000] =	vst v63  }
0x8c: {  	_ =	swait.ge [sflag:s21], $0x4000  }
0x8d: {  	s31 =	simm.s32 $0x400;
	[sflag:s21] =	ssyncset.done $0x0  }
.LBB2_6:
0x8e: {  	p0 =	sne.s32 s31, $0x4C00  }
0x8f: {  	[sflag:s21] =	ssyncadd.s32 $0xFFFFC000;
	s0 =	smov.u32 s31;
	s31 =	sadd.s32 $0x400, s31  }
0x90: {  	_ = 	snop  }
0x91: {  	_ =	swait.ge [sflag:s25], $0x4000  }
0x92: {  	s0 =	sshra.s32 s0, $0x2;
	[sflag:s25] =	ssyncset.done $0x0  }
0x93: {  	s3 =	sadd.s32 $0x14080, s0;
	[sflag:s25] =	ssyncadd.s32 $0xFFFFC000  }
0x94: {  	[tilespmem:s26], [sflag:$0x2] =	stream.indirect.gather [hbm4b:s4+s24], $0x80, s3, s24, $0xb8;
	[tilespmem:$0x1F000] =	vst v63  }
0x95: {  	s3 =	sadd.s32 $0x15800, s0  }
0x96: {  	[spmem:s1] =	stream.indirect.scatter.add.f32 [tilespmem:s20], [sflag:$0x3], $0x80, s3, s24, $0xb8;
	[tilespmem:$0x1F000] =	vst v63  }
0x97: {  	_ =	swait.ge [sflag:s21], $0x4000  }
0x98: {  	[sflag:s21] =	ssyncset.done $0x0  }
0x99: {  	[sflag:s21] =	ssyncadd.s32 $0xFFFFC000  }
0x9a: {  	_ =	swait.ge [sflag:s28], $0x4000  }
0x9b: {  	[sflag:s28] =	ssyncset.done $0x0  }
0x9c: {  	s3 =	sadd.s32 $0x14100, s0;
	[sflag:s28] =	ssyncadd.s32 $0xFFFFC000  }
0x9d: {  	[tilespmem:s20], [sflag:$0x1] =	stream.indirect.gather [hbm4b:s4+s24], $0x80, s3, s24, $0xb8;
	[tilespmem:$0x1F000] =	vst v63  }
.Ltmp2:
0x9e: {  	_ = 	snop;
	(pc) =	sbr.rel @p0 .LBB2_6-.Ltmp2, $4  }
0x9f: {  	s0 =	sadd.s32 $0x15880, s0  }
0xa0: {  	[spmem:s1] =	stream.indirect.scatter.add.f32 [tilespmem:s26], [sflag:$0x3], $0x80, s0, s24, $0xb8;
	[tilespmem:$0x1F000] =	vst v63  }
0xa1: {  	_ =	swait.ge [sflag:s21], $0x4000  }
0xa2: {  	[sflag:s21] =	ssyncset.done $0x0  }
0xa3: {  	[sflag:s21] =	ssyncadd.s32 $0xFFFFC000  }
0xa4: {  	_ =	swait.ge [sflag:s25], $0x4000  }
0xa5: {  	[sflag:s25] =	ssyncset.done $0x0  }
0xa6: {  	[sflag:s25] =	ssyncadd.s32 $0xFFFFC000  }
0xa7: {  	[spmem:s1] =	stream.indirect.scatter.add.f32 [tilespmem:s20], [sflag:$0x3], $0x80, s29, s24, $0xb8;
	[tilespmem:$0x1F000] =	vst v63  }
0xa8: {  	_ =	swait.ge [sflag:s21], $0x4000  }
0xa9: {  	[sflag:s21] =	ssyncset.done $0x0  }
0xaa: {  	[sflag:s21] =	ssyncadd.s32 $0xFFFFC000  }
0xab: {  	[bflag:$0x0] =	sbarrier.arrive $0xFFFF  }
0xac: {  	[tilespmem:s20], [sflag:$0x3] =	stream.linear.gather [spmem:s5], $0x4000, $0x38;
	[tilespmem:$0x1F000] =	vst v63  }
0xad: {  	_ =	swait.ge [sflag:s21], $0x4000  }
0xae: {  	[sflag:s21] =	ssyncset.done $0x0  }
0xaf: {  	[sflag:s21] =	ssyncadd.s32 $0xFFFFC000  }
0xb0: {  	[hbm4b:s14+s2] =	stream.linear.scatter [tilespmem:s20], [sflag:$0x3], $0x4000, $0x38;
	[tilespmem:$0x1F000] =	vst v63  }
0xb1: {  	_ =	swait.ge [sflag:s21], $0x4000  }
0xb2: {  	[sflag:s21] =	ssyncset.done $0x0  }
0xb3: {  	[sflag:s21] =	ssyncadd.s32 $0xFFFFC000  }
0xb4: {  	[tilespmem:s20], [sflag:$0x3] =	stream.linear.gather [spmem:s6], $0x4000, $0x38;
	[tilespmem:$0x1F000] =	vst v63  }
0xb5: {  	_ =	swait.ge [sflag:s21], $0x4000  }
0xb6: {  	[sflag:s21] =	ssyncset.done $0x0  }
0xb7: {  	[sflag:s21] =	ssyncadd.s32 $0xFFFFC000  }
0xb8: {  	[hbm4b:s15+s2] =	stream.linear.scatter [tilespmem:s20], [sflag:$0x3], $0x4000, $0x38;
	[tilespmem:$0x1F000] =	vst v63  }
0xb9: {  	_ =	swait.ge [sflag:s21], $0x4000  }
0xba: {  	[sflag:s21] =	ssyncset.done $0x0  }
0xbb: {  	[sflag:s21] =	ssyncadd.s32 $0xFFFFC000  }
0xbc: {  	[tilespmem:s20], [sflag:$0x3] =	stream.linear.gather [spmem:s7], $0x4000, $0x38;
	[tilespmem:$0x1F000] =	vst v63  }
0xbd: {  	_ =	swait.ge [sflag:s21], $0x4000  }
0xbe: {  	[sflag:s21] =	ssyncset.done $0x0  }
0xbf: {  	[sflag:s21] =	ssyncadd.s32 $0xFFFFC000  }
0xc0: {  	[hbm4b:s16+s2] =	stream.linear.scatter [tilespmem:s20], [sflag:$0x3], $0x4000, $0x38;
	[tilespmem:$0x1F000] =	vst v63  }
0xc1: {  	_ =	swait.ge [sflag:s21], $0x4000  }
0xc2: {  	[sflag:s21] =	ssyncset.done $0x0  }
0xc3: {  	[sflag:s21] =	ssyncadd.s32 $0xFFFFC000  }
0xc4: {  	[tilespmem:s20], [sflag:$0x3] =	stream.linear.gather [spmem:s8], $0x4000, $0x38;
	[tilespmem:$0x1F000] =	vst v63  }
0xc5: {  	_ =	swait.ge [sflag:s21], $0x4000  }
0xc6: {  	[sflag:s21] =	ssyncset.done $0x0  }
0xc7: {  	[sflag:s21] =	ssyncadd.s32 $0xFFFFC000  }
0xc8: {  	[hbm4b:s17+s2] =	stream.linear.scatter [tilespmem:s20], [sflag:$0x3], $0x4000, $0x38;
	[tilespmem:$0x1F000] =	vst v63  }
0xc9: {  	_ =	swait.ge [sflag:s21], $0x4000  }
0xca: {  	[sflag:s21] =	ssyncset.done $0x0  }
0xcb: {  	[sflag:s21] =	ssyncadd.s32 $0xFFFFC000  }
0xcc: {  	[tilespmem:s20], [sflag:$0x3] =	stream.linear.gather [spmem:s9], $0x4000, $0x38;
	[tilespmem:$0x1F000] =	vst v63  }
0xcd: {  	s30 =	sadd.s32 $0x1, s30;
	_ =	swait.ge [sflag:s21], $0x4000  }
0xce: {  	p0 =	sne.s32 s30, s19;
	[sflag:s21] =	ssyncset.done $0x0  }
.Ltmp3:
0xcf: {  	[sflag:s21] =	ssyncadd.s32 $0xFFFFC000;
	(pc) =	sbr.rel @p0 .LBB2_1-.Ltmp3, $4  }
0xd0: {  	[hbm4b:s18+s2] =	stream.linear.scatter [tilespmem:s20], [sflag:$0x3], $0x4000, $0x38;
	[tilespmem:$0x1F000] =	vst v63  }
0xd1: {  	_ =	swait.ge [sflag:s21], $0x4000  }
0xd2: {  	[sflag:s21] =	ssyncset.done $0x0  }
0xd3: {  	[sflag:s21] =	ssyncadd.s32 $0xFFFFC000  }
0xd4: {  	_ =	sfence.sel $0x180000  }
0xd5: {  	[bflag:$0x0] =	sbarrier.arrive $0xFFFF  }
0xd6: {  	_ =	strace $0x9000004A  }
0xd7: {  	s0 =	stileid.u32;
	[bflag:$0x2] =	sbarrier.arrive $0xFFFF  }
0xd8: {  	p0 =	sne.s32 s0, $0x0;
	s0 =	rddreg [dreg:$0x2]  }
0xd9: {  	s0 =	sadd.s32 @!p0 $0x100000, s0  }
0xda: {  	[sflag:s0] =	ssyncadd.tile.s32 @!p0 $0x1;
	_ =	shalt  }
.Lfunc_end2:
_tile_overlayer_lowered:
.L_overlay_start_2:
0xdb: {  	(tag) =	ssettag $0x2  }
0xdc: {  	s0 =	rddreg [dreg:$0x0];
	s2 =	stileid.u32  }
0xdd: {  	s1 =	rddreg [dreg:$0x1];
	p0 =	sne.s32 s2, $0x0  }
0xde: {  	s3 =	rddreg [dreg:$0x2];
	[bflag:$0x3] =	sbarrier.arrive $0xFFFF;
	s2 =	simm.s32 @!p0 $0x1C03  }
0xdf: {  	[timem:s3], [sflag:s2] =	dma.local @!p0 [hbm:s0], s1  }
0xe0: {  	s0 =	simm.s32 @!p0 $0x3  }
0xe1: {  	_ =	swait.ge @!p0 [sflag:s0], s1  }
0xe2: {  	s1 =	ssub.s32 @!p0 $0x0, s1;
	[sflag:s0] =	ssyncset.done @!p0 $0x0  }
0xe3: {  	[sflag:s0] =	ssyncadd.s32 @!p0 s1  }
0xe4: {  	[bflag:$0x3] =	sbarrier.arrive $0xFFFF  }
0xe5: {  	_ =	shalt  }

// kernel: kernel.16.cloned.1.call-start
scs
__scs_entry_jumppad:
0x0: {  	(pc) =	sbr.rel $0x88, $3  }
0x1: {  	(tag) =	ssettag $0x0;
	lr =	simm.s32 $0x1  }
0x2: {  	[smem:$0x3F99] =	sst lr;
	_ =	strace $0xD0000000  }
0x3: {  	_ = 	snop  }
0x4: {  	_ = 	snop  }
0x5: {  	_ = 	snop  }
0x6: {  	_ = 	snop  }
0x7: {  	_ = 	snop  }
__scs_overlays_trampoline_lowered:
0x8: {  	[smem:$0x3FA8] =	sst s0  }
0x9: {  	[smem:$0x3FA9] =	sst s1  }
0xa: {  	[smem:$0x3FAA] =	sst s2  }
0xb: {  	[smem:$0x3FAB] =	sst s3  }
0xc: {  	[smem:$0x3FAC] =	sst s4  }
0xd: {  	[smem:$0x3FAD] =	sst s5  }
0xe: {  	[smem:$0x3FAE] =	sst s6  }
0xf: {  	[smem:$0x3FAF] =	sst s7  }
0x10: {  	[smem:$0x3FB0] =	sst s8  }
0x11: {  	[smem:$0x3FB1] =	sst s9;
	s0 =	simm.s32 @!p0 $0x0  }
0x12: {  	s1 =	sld [smem:$0x3F97];
	s0 =	simm.s32 @p0 $0x1  }
0x13: {  	[smem:$0x3FB2] =	sst s0;
	s0 =	simm.s32 @!p1 $0x0  }
0x14: {  	s2 =	sld [smem:$0x3F96];
	s0 =	simm.s32 @p1 $0x1  }
0x15: {  	[smem:$0x3FB3] =	sst s0;
	s0 =	simm.s32 @!p2 $0x0  }
0x16: {  	s3 =	sld [smem:$0x3FDB];
	s0 =	simm.s32 @p2 $0x1  }
0x17: {  	s4 =	simm.s32 $0x1BF5;
	[smem:$0x3FB5] =	sst s0  }
0x18: {  	s0 =	sld [smem:$0x3F98];
	_ =	swait.ge [sflag:s4], $0x0  }
0x19: {  	s7 =	sld [smem:$0x3F99]  }
0x1a: {  	s8 =	sadd.s32 $0xFFFFE003, lr  }
0x1b: {  	s9 =	sadd.s32 $0xFFFFFEF7, lr;
	s5 =	simm.s32 $0xFFFFFFFF;
	p2 =	slt.u32 s8, $0xFFFFF086  }
0x1c: {  	p1 =	slt.u32 s9, $0xF7A;
	s5 =	simm.s32 @!p2 $0x0  }
0x1d: {  	s5 =	simm.s32 @p1 $0x1;
	p0 =	seq.s32 s7, s2  }
0x1e: {  	s7 =	smul.u32 @!p0 $0xF7A, s2;
	p2 =	seq.s32 @!p0 s5, $0x0  }
0x1f: {  	s9 =	smul.u32 $0xF7A, s1;
	s8 =	simm.s32 @!p0 $0x1BF5;
	p2 =	por !p2, p0  }
0x20: {  	[sflag:s8] =	ssyncset.s32 @!p0 $0xFFFFF086;
	s6 =	sadd.s32 @!p0 s3, s7;
	s7 =	simm.s32 @!p0 $0x108  }
0x21: {  	s3 =	sadd.s32 s3, s9;
	s6 =	sadd.s32 @!p0 $0x88, s6;
	s7 =	simm.s32 @p2 $0x1082  }
0x22: {  	[simem:s7], [sflag:s8] =	dma.local @!p0 [hbm:s6], $0xF7A  }
0x23: {  	s9 =	sor.u32 $0xD0000000, s2;
	s6 =	simm.s32 $0x108;
	_ =	swait.ge @!p0 [sflag:s8], $0x0  }
0x24: {  	s3 =	sadd.s32 $0x88, s3;
	s6 =	simm.s32 @!p1 $0x1082;
	[sflag:s4] =	ssyncset.s32 $0xFFFFF086  }
0x25: {  	[simem:s6], [sflag:s4] =	dma.local [hbm:s3], $0xF7A  }
0x26: {  	[smem:$0x3F99] =	sst s1;
	(tag) =	ssettag s2;
	_ =	strace s9  }
0x27: {  	s1 =	sld [smem:$0x3FA9]  }
0x28: {  	s2 =	sld [smem:$0x3FAA]  }
0x29: {  	s4 =	sld [smem:$0x3FAC]  }
0x2a: {  	p0 =	seq.s32 s5, $0x0;
	s5 =	sld [smem:$0x3FAD]  }
0x2b: {  	s6 =	sld [smem:$0x3FAE]  }
0x2c: {  	s7 =	sld [smem:$0x3FAF]  }
0x2d: {  	s3 =	simm.s32 $0x108;
	s8 =	sld [smem:$0x3FB0]  }
0x2e: {  	s3 =	simm.s32 @!p0 $0x1082;
	s9 =	sld [smem:$0x3FB1]  }
0x2f: {  	lr =	sadd.s32 s0, s3;
	s0 =	sld [smem:$0x3FA8]  }
0x30: {  	s3 =	sld [smem:$0x3FAB]  }
0x31: {  	[smem:$0x3FB4] =	sst s10  }
0x32: {  	s10 =	sld [smem:$0x3FB2];
	_ =	sdelay $0x3  }
0x33: {  	p0 =	seq.s32 s10, $0x1;
	s10 =	sld [smem:$0x3FB4];
	_ =	sdelay $0x3  }
0x34: {  	[smem:$0x3FB4] =	sst s10  }
0x35: {  	s10 =	sld [smem:$0x3FB3];
	_ =	sdelay $0x3  }
0x36: {  	p1 =	seq.s32 s10, $0x1;
	s10 =	sld [smem:$0x3FB4];
	_ =	sdelay $0x3  }
0x37: {  	[smem:$0x3FB4] =	sst s10  }
0x38: {  	s10 =	sld [smem:$0x3FB5]  }
0x39: {  	_ = 	snop;
	(pc) =	sbr.ind lr, $3  }
0x3a: {  	_ = 	snop  }
0x3b: {  	_ = 	snop  }
0x3c: {  	p2 =	seq.s32 s10, $0x1;
	s10 =	sld [smem:$0x3FB4]  }
0x3d: {  	_ =	shalt  }
0x3e: {  	_ =	shalt  }
0x3f: {  	_ =	shalt  }
0x40: {  	_ =	shalt  }
0x41: {  	_ =	shalt  }
0x42: {  	_ =	shalt  }
0x43: {  	_ =	shalt  }
0x44: {  	_ =	shalt  }
0x45: {  	_ =	shalt  }
0x46: {  	_ =	shalt  }
0x47: {  	_ =	shalt  }
0x48: {  	_ =	shalt  }
0x49: {  	_ =	shalt  }
0x4a: {  	_ =	shalt  }
0x4b: {  	_ =	shalt  }
0x4c: {  	_ =	shalt  }
0x4d: {  	_ =	shalt  }
0x4e: {  	_ =	shalt  }
0x4f: {  	_ =	shalt  }
0x50: {  	_ =	shalt  }
0x51: {  	_ =	shalt  }
0x52: {  	_ =	shalt  }
0x53: {  	_ =	shalt  }
0x54: {  	_ =	shalt  }
0x55: {  	_ =	shalt  }
0x56: {  	_ =	shalt  }
0x57: {  	_ =	shalt  }
0x58: {  	_ =	shalt  }
0x59: {  	_ =	shalt  }
0x5a: {  	_ =	shalt  }
0x5b: {  	_ =	shalt  }
0x5c: {  	_ =	shalt  }
0x5d: {  	_ =	shalt  }
0x5e: {  	_ =	shalt  }
0x5f: {  	_ =	shalt  }
0x60: {  	_ =	shalt  }
0x61: {  	_ =	shalt  }
0x62: {  	_ =	shalt  }
0x63: {  	_ =	shalt  }
0x64: {  	_ =	shalt  }
0x65: {  	_ =	shalt  }
0x66: {  	_ =	shalt  }
0x67: {  	_ =	shalt  }
0x68: {  	_ =	shalt  }
0x69: {  	_ =	shalt  }
0x6a: {  	_ =	shalt  }
0x6b: {  	_ =	shalt  }
0x6c: {  	_ =	shalt  }
0x6d: {  	_ =	shalt  }
0x6e: {  	_ =	shalt  }
0x6f: {  	_ =	shalt  }
0x70: {  	_ =	shalt  }
0x71: {  	_ =	shalt  }
0x72: {  	_ =	shalt  }
0x73: {  	_ =	shalt  }
0x74: {  	_ =	shalt  }
0x75: {  	_ =	shalt  }
0x76: {  	_ =	shalt  }
0x77: {  	_ =	shalt  }
0x78: {  	_ =	shalt  }
0x79: {  	_ =	shalt  }
0x7a: {  	_ =	shalt  }
0x7b: {  	_ =	shalt  }
0x7c: {  	_ =	shalt  }
0x7d: {  	_ =	shalt  }
0x7e: {  	_ =	shalt  }
0x7f: {  	_ =	shalt  }
0x80: {  	_ =	shalt  }
0x81: {  	_ =	shalt  }
0x82: {  	_ =	shalt  }
0x83: {  	_ =	shalt  }
0x84: {  	_ =	shalt  }
0x85: {  	_ =	shalt  }
0x86: {  	_ =	shalt  }
0x87: {  	_ =	shalt  }
.Lfunc_end0:
.L_simem_size_0:
called_computation.2_lowered:
.L_overlay_start_0:
0x88: {  	s2 =	sld [smem:$0x3FD9]  }
0x89: {  	s3 =	sld [smem:$0x3FFE];
	_ =	sdelay $0x1  }
0x8a: {  	s1 =	srdreg.scid  }
0x8b: {  	s0 =	sand.u32 $0x1, s1  }
0x8c: {  	s16 =	sshll.u32 s0, $0xA;
	s2 =	sadd.s32 s3, s2  }
0x8d: {  	s2 =	sadd.s32 s2, s16  }
0x8e: {  	[smem:$0x3FC0] =	sst s2  }
0x8f: {  	_ = 	snop  }
0x90: {  	(tm) =	ssettm $0x1  }
0x91: {  	s17 =	sld [smem:$0x3FFB];
	_ =	sdelay $0x3  }
0x92: {  	_ =	strace s17  }
0x93: {  	s2 =	sld [smem:$0x3FFC];
	_ =	sdelay $0x3  }
0x94: {  	_ =	strace s2  }
0x95: {  	s2 =	sld [smem:$0x3FFD];
	_ =	sdelay $0x3  }
0x96: {  	_ =	strace s2  }
0x97: {  	_ =	strace $0x8FFFFFFF  }
0x98: {  	s18 =	sld [smem:$0x3FDB];
	_ =	sdelay $0x1  }
0x99: {  	s19 =	simm.s32 $_scs_section_size  }
0x9a: {  	s4 =	simm.s32 $_size__tile_overlayer_lowered;
	s5 =	simm.s32 $_tile_overlayer_lowered  }
0x9b: {  	s22 =	simm.s32 $0x1BFF;
	s21 =	sshll.u32 s5, $0x1;
	s2 =	sadd.s32 s19, s18  }
0x9c: {  	s6 =	simm.s32 $0x0;
	s20 =	sshll.u32 s4, $0x1;
	s4 =	sadd.s32 s21, s2  }
0x9d: {  	[timem:s6], [sflag:s22] =	dma.local [hbm:s4], s20  }
0x9e: {  	_ =	swait.ge [sflag:s22], s20  }
0x9f: {  	s3 =	ssub.s32 $0x0, s20;
	[sflag:s22] =	ssyncset.done $0x0  }
0xa0: {  	[sflag:s22] =	ssyncadd.s32 s3;
	_ =	sdelay $0x1  }
0xa1: {  	s23 =	simm.s32 $0x1B8B  }
0xa2: {  	_ =	swait.ge [sflag:s23], $0x1  }
0xa3: {  	[sflag:s23] =	ssyncset.done $0x0  }
0xa4: {  	s25 =	simm.s32 $0x1B8E;
	s24 =	sld [smem:$0x3FFE];
	[sflag:s23] =	ssyncadd.s32 $0xFFFFFFFF  }
0xa5: {  	s26 =	simm.s32 $execute0_lowered;
	[smem:$0x3FD2] =	sst s25  }
0xa6: {  	s4 =	sshll.u32 s26, $0x1;
	_ =	strace $0x8000004C;
	[dreg:$0x1] =	wrdreg $0xFFFFFFFF  }
0xa7: {  	s28 =	simm.s32 $_size_execute0_lowered;
	s2 =	sadd.s32 s2, s4;
	[dreg:$0x0] =	wrdreg $0x0  }
0xa8: {  	s4 =	sshll.u32 s28, $0x1;
	[dreg:$0x2] =	wrdreg s2  }
0xa9: {  	[dreg:$0x3] =	wrdreg s4  }
0xaa: {  	[dreg:$0x4] =	wrdreg $0xC0  }
0xab: {  	_ =	task [dreg:s6], $0x5FFFF  }
0xac: {  	[dreg:$0x1] =	wrdreg $0xFFFFFFFF  }
0xad: {  	[dreg:$0x0] =	wrdreg $0x60  }
0xae: {  	[dreg:$0x2] =	wrdreg s24  }
0xaf: {  	[dreg:$0x3] =	wrdreg $0x0  }
0xb0: {  	[dreg:$0x4] =	wrdreg $0x9  }
0xb1: {  	_ =	task.clear_ibuf [dreg:s6], $0x5FFFF;
	_ =	strace $0x9000004C  }
0xb2: {  	s29 =	simm.s32 $0x9;
	_ =	strace $0x8000004E  }
0xb3: {  	_ =	swait.ge [sflag:s29], $0x1  }
0xb4: {  	[sflag:s29] =	ssyncadd.s32 $0xFFFFFFFF  }
0xb5: {  	_ =	strace $0x9000004E  }
0xb6: {  	_ =	sfence  }
0xb7: {  	s30 =	sld [smem:$0x0];
	_ =	sdelay $0x2  }
0xb8: {  	s31 =	sshll.u32 s1, $0xD;
	s1 =	sshrl.u32 s1, $0x2  }
0xb9: {  	s3 =	sand.u32 $0x4000, s31;
	s1 =	sadd.s32 s1, s30  }
0xba: {  	s0 =	sor.u32 s3, s0;
	s1 =	sshll.u32 s1, $0x11  }
0xbb: {  	s0 =	sor.u32 s1, s0  }
0xbc: {  	s0 =	sadd.s32 $0x8F2B, s0  }
0xbd: {  	[sflag:s0] =	ssyncadd.remote.s32 $0x1  }
0xbe: {  	_ =	sfence.sel $0xFFFF  }
0xbf: {  	[dreg:$0x0] =	wrdreg $0xFFFFFFFF;
	(pc) =	sbr.abs _section_cstart, $3  }
0xc0: {  	[dreg:$0x1] =	wrdreg $0xFFFFFFFF  }
0xc1: {  	_ =	task.clear_ibuf [dreg:s6], $0x2FFFF;
	_ =	strace $0x9FFFFFFF  }
0xc2: {  	(tm) =	ssettm $0x7FFFFFFF  }
0xc3: {  	_ =	shalt  }
tec
execute0_lowered:
.L_overlay_start_1:
0x0: {  	(tag) =	ssettag $0x1  }
0x1: {  	s0 =	rddreg [dreg:$0x0]  }
0x2: {  	s1 =	rddreg [dreg:$0x1];
	s2 =	simm.s32 $0x0  }
0x3: {  	s5 =	srdreg.scid;
	s3 =	stileid.u32;
	s22 =	simm.s32 $0x14000  }
0x4: {  	s23 =	simm.s32 $0x15800;
	s24 =	simm.s32 $0x80;
	s25 =	simm.s32 $0x1  }
0x5: {  	s26 =	simm.s32 $0x1B000;
	s28 =	simm.s32 $0x2;
	s29 =	simm.s32 $0x16C00  }
0x6: {  	s30 =	simm.s32 $0x0;
	[smem:$0x7FF] =	sst s2;
	s4 =	sadd.s32 $0xFE00, s0  }
0x7: {  	s8 =	sand.u32 $0x1, s5;
	s12 =	sadd.s32 $0x87E00, s0;
	s6 =	smul.u32 $0x50000, s3  }
0x8: {  	s13 =	sadd.s32 $0x3E00, s0;
	s0 =	sadd.s32 $0x93E00, s0;
	s14 =	smul.u32 $0x14000, s3  }
0x9: {  	_ =	strace $0x8000004D;
	s5 =	ssub.s32 $0x2, s8;
	s9 =	sshll.u32 s8, $0x4  }
0xa: {  	s21 =	smul.u32 $0x140000, s8;
	s7 =	sshrl.u32 s5, $0x1;
	s6 =	sshrl.u32 s6, $0x2  }
0xb: {  	s31 =	sor.u32 s3, s9;
	s15 =	sadd.s32 $0x4000, s14;
	s16 =	sadd.s32 $0x8000, s14  }
0xc: {  	s17 =	sadd.s32 $0xC000, s14;
	s18 =	sadd.s32 $0x10000, s14;
	s19 =	ssub.s32 s5, s7  }
0xd: {  	s5 =	sadd.s32 s6, s1;
	s9 =	smul.u32 $0x3000, s31;
	s6 =	sadd.s32 s15, s1  }
0xe: {  	s7 =	sadd.s32 s16, s1;
	s8 =	sadd.s32 s17, s1;
	s14 =	sadd.s32 s14, s21  }
0xf: {  	s15 =	sadd.s32 s21, s15;
	s16 =	sadd.s32 s21, s16;
	s17 =	sadd.s32 s21, s17  }
0x10: {  	s14 =	sshrl.u32 s14, $0x3;
	s15 =	sshrl.u32 s15, $0x3;
	s16 =	sshrl.u32 s16, $0x3  }
0x11: {  	s17 =	sshrl.u32 s17, $0x3;
	s19 =	smax.u32 s19, $0x1;
	s20 =	sshrl.u32 s9, $0x3  }
0x12: {  	s9 =	sadd.s32 s18, s1;
	s14 =	sadd.s32 s0, s14;
	s15 =	sadd.s32 s0, s15  }
0x13: {  	s18 =	sadd.s32 s21, s18;
	s16 =	sadd.s32 s0, s16;
	s17 =	sadd.s32 s0, s17  }
0x14: {  	s10 =	sadd.s32 s12, s20;
	s11 =	sadd.s32 s13, s20;
	s20 =	sadd.s32 $0x300, s20  }
0x15: {  	s21 =	simm.s32 $0x3;
	s18 =	sshrl.u32 s18, $0x3;
	s12 =	sadd.s32 s12, s20  }
0x16: {  	v0 =	vimm.f32 $0.0e+00;
	s13 =	sadd.s32 s13, s20;
	s18 =	sadd.s32 s0, s18;
	s20 =	simm.s32 $0x17000  }
.LBB2_1:
0x17: {  	s31 =	simm.s32 $0x0;
	s0 =	simm.s32 $0x200  }
.LBB2_2:
0x18: {  	p0 =	sne.s32 s0, $0xFE00;
	[tilespmem:s31+$0x17070] =	vst v0  }
0x19: {  	[tilespmem:s31+$0x17000] =	vst v0  }
0x1a: {  	[tilespmem:s31+$0x17010] =	vst v0  }
.Ltmp0:
0x1b: {  	[tilespmem:s31+$0x17020] =	vst v0;
	(pc) =	sbr.rel @p0 .LBB2_2-.Ltmp0, $4  }
0x1c: {  	[tilespmem:s31+$0x17030] =	vst v0  }
0x1d: {  	[tilespmem:s31+$0x17040] =	vst v0  }
0x1e: {  	[tilespmem:s31+$0x17050] =	vst v0  }
0x1f: {  	[tilespmem:s31+$0x17060] =	vst v0;
	s31 =	sshra.s32 s0, $0x2;
	s0 =	sadd.s32 $0x200, s0  }
0x20: {  	[tilespmem:s31+$0x17070] =	vst v0  }
0x21: {  	[tilespmem:s31+$0x17000] =	vst v0  }
0x22: {  	[tilespmem:s31+$0x17010] =	vst v0  }
0x23: {  	[tilespmem:s31+$0x17020] =	vst v0  }
0x24: {  	[tilespmem:s31+$0x17030] =	vst v0  }
0x25: {  	[tilespmem:s31+$0x17040] =	vst v0  }
0x26: {  	[tilespmem:s31+$0x17050] =	vst v0  }
0x27: {  	[tilespmem:s31+$0x17060] =	vst v0  }
0x28: {  	[spmem:s5] =	stream.linear.scatter [tilespmem:s20], [sflag:$0x3], $0x4000, $0x38;
	[tilespmem:$0x1F000] =	vst v63  }
0x29: {  	_ =	swait.ge [sflag:s21], $0x4000  }
0x2a: {  	[sflag:s21] =	ssyncset.done $0x0  }
0x2b: {  	[sflag:s21] =	ssyncadd.s32 $0xFFFFC000  }
0x2c: {  	[spmem:s6] =	stream.linear.scatter [tilespmem:s20], [sflag:$0x3], $0x4000, $0x38;
	[tilespmem:$0x1F000] =	vst v63  }
0x2d: {  	_ =	swait.ge [sflag:s21], $0x4000  }
0x2e: {  	[sflag:s21] =	ssyncset.done $0x0  }
0x2f: {  	[sflag:s21] =	ssyncadd.s32 $0xFFFFC000  }
0x30: {  	[spmem:s7] =	stream.linear.scatter [tilespmem:s20], [sflag:$0x3], $0x4000, $0x38;
	[tilespmem:$0x1F000] =	vst v63  }
0x31: {  	_ =	swait.ge [sflag:s21], $0x4000  }
0x32: {  	[sflag:s21] =	ssyncset.done $0x0  }
0x33: {  	[sflag:s21] =	ssyncadd.s32 $0xFFFFC000  }
0x34: {  	[spmem:s8] =	stream.linear.scatter [tilespmem:s20], [sflag:$0x3], $0x4000, $0x38;
	[tilespmem:$0x1F000] =	vst v63  }
0x35: {  	_ =	swait.ge [sflag:s21], $0x4000  }
0x36: {  	[sflag:s21] =	ssyncset.done $0x0  }
0x37: {  	[sflag:s21] =	ssyncadd.s32 $0xFFFFC000  }
0x38: {  	[spmem:s9] =	stream.linear.scatter [tilespmem:s20], [sflag:$0x3], $0x4000, $0x38;
	[tilespmem:$0x1F000] =	vst v63  }
0x39: {  	_ =	swait.ge [sflag:s21], $0x4000  }
0x3a: {  	[sflag:s21] =	ssyncset.done $0x0  }
0x3b: {  	[sflag:s21] =	ssyncadd.s32 $0xFFFFC000  }
0x3c: {  	s0 =	simm.s32 $0x0;
	[bflag:$0x0] =	sbarrier.arrive $0xFFFF  }
0x3d: {  	[tilespmem:s22], [sflag:$0x3] =	stream.linear.gather [hbm4b:s10+s0], $0x1480, $0x38;
	[tilespmem:$0x1F000] =	vst v63  }
0x3e: {  	_ =	swait.ge [sflag:s21], $0x1480  }
0x3f: {  	[sflag:s21] =	ssyncset.done $0x0  }
0x40: {  	[sflag:s21] =	ssyncadd.s32 $0xFFFFEB80  }
0x41: {  	[tilespmem:s23], [sflag:$0x3] =	stream.linear.gather [hbm4b:s11+s0], $0x1480, $0x38;
	[tilespmem:$0x1F000] =	vst v63  }
0x42: {  	_ =	swait.ge [sflag:s21], $0x1480  }
0x43: {  	[sflag:s21] =	ssyncset.done $0x0  }
0x44: {  	[sflag:s21] =	ssyncadd.s32 $0xFFFFEB80  }
0x45: {  	[tilespmem:s20], [sflag:$0x1] =	stream.indirect.gather [hbm4b:s4+s24], $0x80, s22, s24, $0xb8;
	[tilespmem:$0x1F000] =	vst v63  }
0x46: {  	_ =	swait.ge [sflag:s25], $0x4000  }
0x47: {  	[sflag:s25] =	ssyncset.done $0x0  }
0x48: {  	s3 =	simm.s32 $0x14080;
	[sflag:s25] =	ssyncadd.s32 $0xFFFFC000  }
0x49: {  	[tilespmem:s26], [sflag:$0x2] =	stream.indirect.gather [hbm4b:s4+s24], $0x80, s3, s24, $0xb8;
	[tilespmem:$0x1F000] =	vst v63  }
0x4a: {  	s3 =	simm.s32 $0x15800  }
0x4b: {  	[spmem:s1] =	stream.indirect.scatter.add.f32 [tilespmem:s20], [sflag:$0x3], $0x80, s3, s24, $0xb8;
	[tilespmem:$0x1F000] =	vst v63  }
0x4c: {  	_ =	swait.ge [sflag:s21], $0x4000  }
0x4d: {  	[sflag:s21] =	ssyncset.done $0x0  }
0x4e: {  	[sflag:s21] =	ssyncadd.s32 $0xFFFFC000  }
0x4f: {  	_ =	swait.ge [sflag:s28], $0x4000  }
0x50: {  	[sflag:s28] =	ssyncset.done $0x0  }
0x51: {  	s3 =	simm.s32 $0x14100;
	[sflag:s28] =	ssyncadd.s32 $0xFFFFC000  }
0x52: {  	[tilespmem:s20], [sflag:$0x1] =	stream.indirect.gather [hbm4b:s4+s24], $0x80, s3, s24, $0xb8;
	[tilespmem:$0x1F000] =	vst v63  }
0x53: {  	s3 =	simm.s32 $0x15880  }
0x54: {  	[spmem:s1] =	stream.indirect.scatter.add.f32 [tilespmem:s26], [sflag:$0x3], $0x80, s3, s24, $0xb8;
	[tilespmem:$0x1F000] =	vst v63  }
0x55: {  	_ =	swait.ge [sflag:s21], $0x4000  }
0x56: {  	s31 =	simm.s32 $0x400;
	[sflag:s21] =	ssyncset.done $0x0  }
.LBB2_4:
0x57: {  	p0 =	sne.s32 s31, $0x4C00  }
0x58: {  	[sflag:s21] =	ssyncadd.s32 $0xFFFFC000;
	s0 =	smov.u32 s31;
	s31 =	sadd.s32 $0x400, s31  }
0x59: {  	_ = 	snop  }
0x5a: {  	_ =	swait.ge [sflag:s25], $0x4000  }
0x5b: {  	s0 =	sshra.s32 s0, $0x2;
	[sflag:s25] =	ssyncset.done $0x0  }
0x5c: {  	s3 =	sadd.s32 $0x14080, s0;
	[sflag:s25] =	ssyncadd.s32 $0xFFFFC000  }
0x5d: {  	[tilespmem:s26], [sflag:$0x2] =	stream.indirect.gather [hbm4b:s4+s24], $0x80, s3, s24, $0xb8;
	[tilespmem:$0x1F000] =	vst v63  }
0x5e: {  	s3 =	sadd.s32 $0x15800, s0  }
0x5f: {  	[spmem:s1] =	stream.indirect.scatter.add.f32 [tilespmem:s20], [sflag:$0x3], $0x80, s3, s24, $0xb8;
	[tilespmem:$0x1F000] =	vst v63  }
0x60: {  	_ =	swait.ge [sflag:s21], $0x4000  }
0x61: {  	[sflag:s21] =	ssyncset.done $0x0  }
0x62: {  	[sflag:s21] =	ssyncadd.s32 $0xFFFFC000  }
0x63: {  	_ =	swait.ge [sflag:s28], $0x4000  }
0x64: {  	[sflag:s28] =	ssyncset.done $0x0  }
0x65: {  	s3 =	sadd.s32 $0x14100, s0;
	[sflag:s28] =	ssyncadd.s32 $0xFFFFC000  }
0x66: {  	[tilespmem:s20], [sflag:$0x1] =	stream.indirect.gather [hbm4b:s4+s24], $0x80, s3, s24, $0xb8;
	[tilespmem:$0x1F000] =	vst v63  }
.Ltmp1:
0x67: {  	_ = 	snop;
	(pc) =	sbr.rel @p0 .LBB2_4-.Ltmp1, $4  }
0x68: {  	s0 =	sadd.s32 $0x15880, s0  }
0x69: {  	[spmem:s1] =	stream.indirect.scatter.add.f32 [tilespmem:s26], [sflag:$0x3], $0x80, s0, s24, $0xb8;
	[tilespmem:$0x1F000] =	vst v63  }
0x6a: {  	_ =	swait.ge [sflag:s21], $0x4000  }
0x6b: {  	[sflag:s21] =	ssyncset.done $0x0  }
0x6c: {  	[sflag:s21] =	ssyncadd.s32 $0xFFFFC000  }
0x6d: {  	_ =	swait.ge [sflag:s25], $0x4000  }
0x6e: {  	[sflag:s25] =	ssyncset.done $0x0  }
0x6f: {  	[sflag:s25] =	ssyncadd.s32 $0xFFFFC000  }
0x70: {  	[spmem:s1] =	stream.indirect.scatter.add.f32 [tilespmem:s20], [sflag:$0x3], $0x80, s29, s24, $0xb8;
	[tilespmem:$0x1F000] =	vst v63  }
0x71: {  	_ =	swait.ge [sflag:s21], $0x4000  }
0x72: {  	[sflag:s21] =	ssyncset.done $0x0  }
0x73: {  	s0 =	simm.s32 $0x0;
	[sflag:s21] =	ssyncadd.s32 $0xFFFFC000  }
0x74: {  	[tilespmem:s22], [sflag:$0x3] =	stream.linear.gather [hbm4b:s12+s0], $0x1480, $0x38;
	[tilespmem:$0x1F000] =	vst v63  }
0x75: {  	_ =	swait.ge [sflag:s21], $0x1480  }
0x76: {  	[sflag:s21] =	ssyncset.done $0x0  }
0x77: {  	[sflag:s21] =	ssyncadd.s32 $0xFFFFEB80  }
0x78: {  	[tilespmem:s23], [sflag:$0x3] =	stream.linear.gather [hbm4b:s13+s0], $0x1480, $0x38;
	[tilespmem:$0x1F000] =	vst v63  }
0x79: {  	_ =	swait.ge [sflag:s21], $0x1480  }
0x7a: {  	[sflag:s21] =	ssyncset.done $0x0  }
0x7b: {  	[sflag:s21] =	ssyncadd.s32 $0xFFFFEB80  }
0x7c: {  	[tilespmem:s20], [sflag:$0x1] =	stream.indirect.gather [hbm4b:s4+s24], $0x80, s22, s24, $0xb8;
	[tilespmem:$0x1F000] =	vst v63  }
0x7d: {  	_ =	swait.ge [sflag:s25], $0x4000  }
0x7e: {  	[sflag:s25] =	ssyncset.done $0x0  }
0x7f: {  	s3 =	simm.s32 $0x14080;
	[sflag:s25] =	ssyncadd.s32 $0xFFFFC000  }
0x80: {  	[tilespmem:s26], [sflag:$0x2] =	stream.indirect.gather [hbm4b:s4+s24], $0x80, s3, s24, $0xb8;
	[tilespmem:$0x1F000] =	vst v63  }
0x81: {  	s3 =	simm.s32 $0x15800  }
0x82: {  	[spmem:s1] =	stream.indirect.scatter.add.f32 [tilespmem:s20], [sflag:$0x3], $0x80, s3, s24, $0xb8;
	[tilespmem:$0x1F000] =	vst v63  }
0x83: {  	_ =	swait.ge [sflag:s21], $0x4000  }
0x84: {  	[sflag:s21] =	ssyncset.done $0x0  }
0x85: {  	[sflag:s21] =	ssyncadd.s32 $0xFFFFC000  }
0x86: {  	_ =	swait.ge [sflag:s28], $0x4000  }
0x87: {  	[sflag:s28] =	ssyncset.done $0x0  }
0x88: {  	s3 =	simm.s32 $0x14100;
	[sflag:s28] =	ssyncadd.s32 $0xFFFFC000  }
0x89: {  	[tilespmem:s20], [sflag:$0x1] =	stream.indirect.gather [hbm4b:s4+s24], $0x80, s3, s24, $0xb8;
	[tilespmem:$0x1F000] =	vst v63  }
0x8a: {  	s3 =	simm.s32 $0x15880  }
0x8b: {  	[spmem:s1] =	stream.indirect.scatter.add.f32 [tilespmem:s26], [sflag:$0x3], $0x80, s3, s24, $0xb8;
	[tilespmem:$0x1F000] =	vst v63  }
0x8c: {  	_ =	swait.ge [sflag:s21], $0x4000  }
0x8d: {  	s31 =	simm.s32 $0x400;
	[sflag:s21] =	ssyncset.done $0x0  }
.LBB2_6:
0x8e: {  	p0 =	sne.s32 s31, $0x4C00  }
0x8f: {  	[sflag:s21] =	ssyncadd.s32 $0xFFFFC000;
	s0 =	smov.u32 s31;
	s31 =	sadd.s32 $0x400, s31  }
0x90: {  	_ = 	snop  }
0x91: {  	_ =	swait.ge [sflag:s25], $0x4000  }
0x92: {  	s0 =	sshra.s32 s0, $0x2;
	[sflag:s25] =	ssyncset.done $0x0  }
0x93: {  	s3 =	sadd.s32 $0x14080, s0;
	[sflag:s25] =	ssyncadd.s32 $0xFFFFC000  }
0x94: {  	[tilespmem:s26], [sflag:$0x2] =	stream.indirect.gather [hbm4b:s4+s24], $0x80, s3, s24, $0xb8;
	[tilespmem:$0x1F000] =	vst v63  }
0x95: {  	s3 =	sadd.s32 $0x15800, s0  }
0x96: {  	[spmem:s1] =	stream.indirect.scatter.add.f32 [tilespmem:s20], [sflag:$0x3], $0x80, s3, s24, $0xb8;
	[tilespmem:$0x1F000] =	vst v63  }
0x97: {  	_ =	swait.ge [sflag:s21], $0x4000  }
0x98: {  	[sflag:s21] =	ssyncset.done $0x0  }
0x99: {  	[sflag:s21] =	ssyncadd.s32 $0xFFFFC000  }
0x9a: {  	_ =	swait.ge [sflag:s28], $0x4000  }
0x9b: {  	[sflag:s28] =	ssyncset.done $0x0  }
0x9c: {  	s3 =	sadd.s32 $0x14100, s0;
	[sflag:s28] =	ssyncadd.s32 $0xFFFFC000  }
0x9d: {  	[tilespmem:s20], [sflag:$0x1] =	stream.indirect.gather [hbm4b:s4+s24], $0x80, s3, s24, $0xb8;
	[tilespmem:$0x1F000] =	vst v63  }
.Ltmp2:
0x9e: {  	_ = 	snop;
	(pc) =	sbr.rel @p0 .LBB2_6-.Ltmp2, $4  }
0x9f: {  	s0 =	sadd.s32 $0x15880, s0  }
0xa0: {  	[spmem:s1] =	stream.indirect.scatter.add.f32 [tilespmem:s26], [sflag:$0x3], $0x80, s0, s24, $0xb8;
	[tilespmem:$0x1F000] =	vst v63  }
0xa1: {  	_ =	swait.ge [sflag:s21], $0x4000  }
0xa2: {  	[sflag:s21] =	ssyncset.done $0x0  }
0xa3: {  	[sflag:s21] =	ssyncadd.s32 $0xFFFFC000  }
0xa4: {  	_ =	swait.ge [sflag:s25], $0x4000  }
0xa5: {  	[sflag:s25] =	ssyncset.done $0x0  }
0xa6: {  	[sflag:s25] =	ssyncadd.s32 $0xFFFFC000  }
0xa7: {  	[spmem:s1] =	stream.indirect.scatter.add.f32 [tilespmem:s20], [sflag:$0x3], $0x80, s29, s24, $0xb8;
	[tilespmem:$0x1F000] =	vst v63  }
0xa8: {  	_ =	swait.ge [sflag:s21], $0x4000  }
0xa9: {  	[sflag:s21] =	ssyncset.done $0x0  }
0xaa: {  	[sflag:s21] =	ssyncadd.s32 $0xFFFFC000  }
0xab: {  	[bflag:$0x0] =	sbarrier.arrive $0xFFFF  }
0xac: {  	[tilespmem:s20], [sflag:$0x3] =	stream.linear.gather [spmem:s5], $0x4000, $0x38;
	[tilespmem:$0x1F000] =	vst v63  }
0xad: {  	_ =	swait.ge [sflag:s21], $0x4000  }
0xae: {  	[sflag:s21] =	ssyncset.done $0x0  }
0xaf: {  	[sflag:s21] =	ssyncadd.s32 $0xFFFFC000  }
0xb0: {  	[hbm4b:s14+s2] =	stream.linear.scatter [tilespmem:s20], [sflag:$0x3], $0x4000, $0x38;
	[tilespmem:$0x1F000] =	vst v63  }
0xb1: {  	_ =	swait.ge [sflag:s21], $0x4000  }
0xb2: {  	[sflag:s21] =	ssyncset.done $0x0  }
0xb3: {  	[sflag:s21] =	ssyncadd.s32 $0xFFFFC000  }
0xb4: {  	[tilespmem:s20], [sflag:$0x3] =	stream.linear.gather [spmem:s6], $0x4000, $0x38;
	[tilespmem:$0x1F000] =	vst v63  }
0xb5: {  	_ =	swait.ge [sflag:s21], $0x4000  }
0xb6: {  	[sflag:s21] =	ssyncset.done $0x0  }
0xb7: {  	[sflag:s21] =	ssyncadd.s32 $0xFFFFC000  }
0xb8: {  	[hbm4b:s15+s2] =	stream.linear.scatter [tilespmem:s20], [sflag:$0x3], $0x4000, $0x38;
	[tilespmem:$0x1F000] =	vst v63  }
0xb9: {  	_ =	swait.ge [sflag:s21], $0x4000  }
0xba: {  	[sflag:s21] =	ssyncset.done $0x0  }
0xbb: {  	[sflag:s21] =	ssyncadd.s32 $0xFFFFC000  }
0xbc: {  	[tilespmem:s20], [sflag:$0x3] =	stream.linear.gather [spmem:s7], $0x4000, $0x38;
	[tilespmem:$0x1F000] =	vst v63  }
0xbd: {  	_ =	swait.ge [sflag:s21], $0x4000  }
0xbe: {  	[sflag:s21] =	ssyncset.done $0x0  }
0xbf: {  	[sflag:s21] =	ssyncadd.s32 $0xFFFFC000  }
0xc0: {  	[hbm4b:s16+s2] =	stream.linear.scatter [tilespmem:s20], [sflag:$0x3], $0x4000, $0x38;
	[tilespmem:$0x1F000] =	vst v63  }
0xc1: {  	_ =	swait.ge [sflag:s21], $0x4000  }
0xc2: {  	[sflag:s21] =	ssyncset.done $0x0  }
0xc3: {  	[sflag:s21] =	ssyncadd.s32 $0xFFFFC000  }
0xc4: {  	[tilespmem:s20], [sflag:$0x3] =	stream.linear.gather [spmem:s8], $0x4000, $0x38;
	[tilespmem:$0x1F000] =	vst v63  }
0xc5: {  	_ =	swait.ge [sflag:s21], $0x4000  }
0xc6: {  	[sflag:s21] =	ssyncset.done $0x0  }
0xc7: {  	[sflag:s21] =	ssyncadd.s32 $0xFFFFC000  }
0xc8: {  	[hbm4b:s17+s2] =	stream.linear.scatter [tilespmem:s20], [sflag:$0x3], $0x4000, $0x38;
	[tilespmem:$0x1F000] =	vst v63  }
0xc9: {  	_ =	swait.ge [sflag:s21], $0x4000  }
0xca: {  	[sflag:s21] =	ssyncset.done $0x0  }
0xcb: {  	[sflag:s21] =	ssyncadd.s32 $0xFFFFC000  }
0xcc: {  	[tilespmem:s20], [sflag:$0x3] =	stream.linear.gather [spmem:s9], $0x4000, $0x38;
	[tilespmem:$0x1F000] =	vst v63  }
0xcd: {  	s30 =	sadd.s32 $0x1, s30;
	_ =	swait.ge [sflag:s21], $0x4000  }
0xce: {  	p0 =	sne.s32 s30, s19;
	[sflag:s21] =	ssyncset.done $0x0  }
.Ltmp3:
0xcf: {  	[sflag:s21] =	ssyncadd.s32 $0xFFFFC000;
	(pc) =	sbr.rel @p0 .LBB2_1-.Ltmp3, $4  }
0xd0: {  	[hbm4b:s18+s2] =	stream.linear.scatter [tilespmem:s20], [sflag:$0x3], $0x4000, $0x38;
	[tilespmem:$0x1F000] =	vst v63  }
0xd1: {  	_ =	swait.ge [sflag:s21], $0x4000  }
0xd2: {  	[sflag:s21] =	ssyncset.done $0x0  }
0xd3: {  	[sflag:s21] =	ssyncadd.s32 $0xFFFFC000  }
0xd4: {  	_ =	sfence.sel $0x180000  }
0xd5: {  	[bflag:$0x0] =	sbarrier.arrive $0xFFFF  }
0xd6: {  	_ =	strace $0x9000004D  }
0xd7: {  	s0 =	stileid.u32;
	[bflag:$0x2] =	sbarrier.arrive $0xFFFF  }
0xd8: {  	p0 =	sne.s32 s0, $0x0;
	s0 =	rddreg [dreg:$0x2]  }
0xd9: {  	s0 =	sadd.s32 @!p0 $0x100000, s0  }
0xda: {  	[sflag:s0] =	ssyncadd.tile.s32 @!p0 $0x1;
	_ =	shalt  }
.Lfunc_end2:
_tile_overlayer_lowered:
.L_overlay_start_2:
0xdb: {  	(tag) =	ssettag $0x2  }
0xdc: {  	s0 =	rddreg [dreg:$0x0];
	s2 =	stileid.u32  }
0xdd: {  	s1 =	rddreg [dreg:$0x1];
	p0 =	sne.s32 s2, $0x0  }
0xde: {  	s3 =	rddreg [dreg:$0x2];
	[bflag:$0x3] =	sbarrier.arrive $0xFFFF;
	s2 =	simm.s32 @!p0 $0x1C03  }
0xdf: {  	[timem:s3], [sflag:s2] =	dma.local @!p0 [hbm:s0], s1  }
0xe0: {  	s0 =	simm.s32 @!p0 $0x3  }
0xe1: {  	_ =	swait.ge @!p0 [sflag:s0], s1  }
0xe2: {  	s1 =	ssub.s32 @!p0 $0x0, s1;
	[sflag:s0] =	ssyncset.done @!p0 $0x0  }
0xe3: {  	[sflag:s0] =	ssyncadd.s32 @!p0 s1  }
0xe4: {  	[bflag:$0x3] =	sbarrier.arrive $0xFFFF  }
0xe5: {  	_ =	shalt  }

// kernel: kernel.19.cloned.1.call-start
scs
__scs_entry_jumppad:
0x0: {  	(pc) =	sbr.rel $0x88, $3  }
0x1: {  	(tag) =	ssettag $0x0;
	lr =	simm.s32 $0x1  }
0x2: {  	[smem:$0x3F99] =	sst lr;
	_ =	strace $0xD0000000  }
0x3: {  	_ = 	snop  }
0x4: {  	_ = 	snop  }
0x5: {  	_ = 	snop  }
0x6: {  	_ = 	snop  }
0x7: {  	_ = 	snop  }
__scs_overlays_trampoline_lowered:
0x8: {  	[smem:$0x3FA8] =	sst s0  }
0x9: {  	[smem:$0x3FA9] =	sst s1  }
0xa: {  	[smem:$0x3FAA] =	sst s2  }
0xb: {  	[smem:$0x3FAB] =	sst s3  }
0xc: {  	[smem:$0x3FAC] =	sst s4  }
0xd: {  	[smem:$0x3FAD] =	sst s5  }
0xe: {  	[smem:$0x3FAE] =	sst s6  }
0xf: {  	[smem:$0x3FAF] =	sst s7  }
0x10: {  	[smem:$0x3FB0] =	sst s8  }
0x11: {  	[smem:$0x3FB1] =	sst s9;
	s0 =	simm.s32 @!p0 $0x0  }
0x12: {  	s1 =	sld [smem:$0x3F97];
	s0 =	simm.s32 @p0 $0x1  }
0x13: {  	[smem:$0x3FB2] =	sst s0;
	s0 =	simm.s32 @!p1 $0x0  }
0x14: {  	s2 =	sld [smem:$0x3F96];
	s0 =	simm.s32 @p1 $0x1  }
0x15: {  	[smem:$0x3FB3] =	sst s0;
	s0 =	simm.s32 @!p2 $0x0  }
0x16: {  	s3 =	sld [smem:$0x3FDB];
	s0 =	simm.s32 @p2 $0x1  }
0x17: {  	s4 =	simm.s32 $0x1BF5;
	[smem:$0x3FB5] =	sst s0  }
0x18: {  	s0 =	sld [smem:$0x3F98];
	_ =	swait.ge [sflag:s4], $0x0  }
0x19: {  	s7 =	sld [smem:$0x3F99]  }
0x1a: {  	s8 =	sadd.s32 $0xFFFFE003, lr  }
0x1b: {  	s9 =	sadd.s32 $0xFFFFFEF7, lr;
	s5 =	simm.s32 $0xFFFFFFFF;
	p2 =	slt.u32 s8, $0xFFFFF086  }
0x1c: {  	p1 =	slt.u32 s9, $0xF7A;
	s5 =	simm.s32 @!p2 $0x0  }
0x1d: {  	s5 =	simm.s32 @p1 $0x1;
	p0 =	seq.s32 s7, s2  }
0x1e: {  	s7 =	smul.u32 @!p0 $0xF7A, s2;
	p2 =	seq.s32 @!p0 s5, $0x0  }
0x1f: {  	s9 =	smul.u32 $0xF7A, s1;
	s8 =	simm.s32 @!p0 $0x1BF5;
	p2 =	por !p2, p0  }
0x20: {  	[sflag:s8] =	ssyncset.s32 @!p0 $0xFFFFF086;
	s6 =	sadd.s32 @!p0 s3, s7;
	s7 =	simm.s32 @!p0 $0x108  }
0x21: {  	s3 =	sadd.s32 s3, s9;
	s6 =	sadd.s32 @!p0 $0x88, s6;
	s7 =	simm.s32 @p2 $0x1082  }
0x22: {  	[simem:s7], [sflag:s8] =	dma.local @!p0 [hbm:s6], $0xF7A  }
0x23: {  	s9 =	sor.u32 $0xD0000000, s2;
	s6 =	simm.s32 $0x108;
	_ =	swait.ge @!p0 [sflag:s8], $0x0  }
0x24: {  	s3 =	sadd.s32 $0x88, s3;
	s6 =	simm.s32 @!p1 $0x1082;
	[sflag:s4] =	ssyncset.s32 $0xFFFFF086  }
0x25: {  	[simem:s6], [sflag:s4] =	dma.local [hbm:s3], $0xF7A  }
0x26: {  	[smem:$0x3F99] =	sst s1;
	(tag) =	ssettag s2;
	_ =	strace s9  }
0x27: {  	s1 =	sld [smem:$0x3FA9]  }
0x28: {  	s2 =	sld [smem:$0x3FAA]  }
0x29: {  	s4 =	sld [smem:$0x3FAC]  }
0x2a: {  	p0 =	seq.s32 s5, $0x0;
	s5 =	sld [smem:$0x3FAD]  }
0x2b: {  	s6 =	sld [smem:$0x3FAE]  }
0x2c: {  	s7 =	sld [smem:$0x3FAF]  }
0x2d: {  	s3 =	simm.s32 $0x108;
	s8 =	sld [smem:$0x3FB0]  }
0x2e: {  	s3 =	simm.s32 @!p0 $0x1082;
	s9 =	sld [smem:$0x3FB1]  }
0x2f: {  	lr =	sadd.s32 s0, s3;
	s0 =	sld [smem:$0x3FA8]  }
0x30: {  	s3 =	sld [smem:$0x3FAB]  }
0x31: {  	[smem:$0x3FB4] =	sst s10  }
0x32: {  	s10 =	sld [smem:$0x3FB2];
	_ =	sdelay $0x3  }
0x33: {  	p0 =	seq.s32 s10, $0x1;
	s10 =	sld [smem:$0x3FB4];
	_ =	sdelay $0x3  }
0x34: {  	[smem:$0x3FB4] =	sst s10  }
0x35: {  	s10 =	sld [smem:$0x3FB3];
	_ =	sdelay $0x3  }
0x36: {  	p1 =	seq.s32 s10, $0x1;
	s10 =	sld [smem:$0x3FB4];
	_ =	sdelay $0x3  }
0x37: {  	[smem:$0x3FB4] =	sst s10  }
0x38: {  	s10 =	sld [smem:$0x3FB5]  }
0x39: {  	_ = 	snop;
	(pc) =	sbr.ind lr, $3  }
0x3a: {  	_ = 	snop  }
0x3b: {  	_ = 	snop  }
0x3c: {  	p2 =	seq.s32 s10, $0x1;
	s10 =	sld [smem:$0x3FB4]  }
0x3d: {  	_ =	shalt  }
0x3e: {  	_ =	shalt  }
0x3f: {  	_ =	shalt  }
0x40: {  	_ =	shalt  }
0x41: {  	_ =	shalt  }
0x42: {  	_ =	shalt  }
0x43: {  	_ =	shalt  }
0x44: {  	_ =	shalt  }
0x45: {  	_ =	shalt  }
0x46: {  	_ =	shalt  }
0x47: {  	_ =	shalt  }
0x48: {  	_ =	shalt  }
0x49: {  	_ =	shalt  }
0x4a: {  	_ =	shalt  }
0x4b: {  	_ =	shalt  }
0x4c: {  	_ =	shalt  }
0x4d: {  	_ =	shalt  }
0x4e: {  	_ =	shalt  }
0x4f: {  	_ =	shalt  }
0x50: {  	_ =	shalt  }
0x51: {  	_ =	shalt  }
0x52: {  	_ =	shalt  }
0x53: {  	_ =	shalt  }
0x54: {  	_ =	shalt  }
0x55: {  	_ =	shalt  }
0x56: {  	_ =	shalt  }
0x57: {  	_ =	shalt  }
0x58: {  	_ =	shalt  }
0x59: {  	_ =	shalt  }
0x5a: {  	_ =	shalt  }
0x5b: {  	_ =	shalt  }
0x5c: {  	_ =	shalt  }
0x5d: {  	_ =	shalt  }
0x5e: {  	_ =	shalt  }
0x5f: {  	_ =	shalt  }
0x60: {  	_ =	shalt  }
0x61: {  	_ =	shalt  }
0x62: {  	_ =	shalt  }
0x63: {  	_ =	shalt  }
0x64: {  	_ =	shalt  }
0x65: {  	_ =	shalt  }
0x66: {  	_ =	shalt  }
0x67: {  	_ =	shalt  }
0x68: {  	_ =	shalt  }
0x69: {  	_ =	shalt  }
0x6a: {  	_ =	shalt  }
0x6b: {  	_ =	shalt  }
0x6c: {  	_ =	shalt  }
0x6d: {  	_ =	shalt  }
0x6e: {  	_ =	shalt  }
0x6f: {  	_ =	shalt  }
0x70: {  	_ =	shalt  }
0x71: {  	_ =	shalt  }
0x72: {  	_ =	shalt  }
0x73: {  	_ =	shalt  }
0x74: {  	_ =	shalt  }
0x75: {  	_ =	shalt  }
0x76: {  	_ =	shalt  }
0x77: {  	_ =	shalt  }
0x78: {  	_ =	shalt  }
0x79: {  	_ =	shalt  }
0x7a: {  	_ =	shalt  }
0x7b: {  	_ =	shalt  }
0x7c: {  	_ =	shalt  }
0x7d: {  	_ =	shalt  }
0x7e: {  	_ =	shalt  }
0x7f: {  	_ =	shalt  }
0x80: {  	_ =	shalt  }
0x81: {  	_ =	shalt  }
0x82: {  	_ =	shalt  }
0x83: {  	_ =	shalt  }
0x84: {  	_ =	shalt  }
0x85: {  	_ =	shalt  }
0x86: {  	_ =	shalt  }
0x87: {  	_ =	shalt  }
.Lfunc_end0:
.L_simem_size_0:
called_computation.3_lowered:
.L_overlay_start_0:
0x88: {  	s2 =	sld [smem:$0x3FD9]  }
0x89: {  	s3 =	sld [smem:$0x3FFE];
	_ =	sdelay $0x1  }
0x8a: {  	s1 =	srdreg.scid  }
0x8b: {  	s0 =	sand.u32 $0x1, s1  }
0x8c: {  	s16 =	sshll.u32 s0, $0xA;
	s2 =	sadd.s32 s3, s2  }
0x8d: {  	s2 =	sadd.s32 s2, s16  }
0x8e: {  	[smem:$0x3FC0] =	sst s2  }
0x8f: {  	_ = 	snop  }
0x90: {  	(tm) =	ssettm $0x1  }
0x91: {  	s17 =	sld [smem:$0x3FFB];
	_ =	sdelay $0x3  }
0x92: {  	_ =	strace s17  }
0x93: {  	s2 =	sld [smem:$0x3FFC];
	_ =	sdelay $0x3  }
0x94: {  	_ =	strace s2  }
0x95: {  	s2 =	sld [smem:$0x3FFD];
	_ =	sdelay $0x3  }
0x96: {  	_ =	strace s2  }
0x97: {  	_ =	strace $0x8FFFFFFF  }
0x98: {  	s18 =	sld [smem:$0x3FDB];
	_ =	sdelay $0x1  }
0x99: {  	s19 =	simm.s32 $_scs_section_size  }
0x9a: {  	s4 =	simm.s32 $_size__tile_overlayer_lowered;
	s5 =	simm.s32 $_tile_overlayer_lowered  }
0x9b: {  	s22 =	simm.s32 $0x1BFF;
	s21 =	sshll.u32 s5, $0x1;
	s2 =	sadd.s32 s19, s18  }
0x9c: {  	s6 =	simm.s32 $0x0;
	s20 =	sshll.u32 s4, $0x1;
	s4 =	sadd.s32 s21, s2  }
0x9d: {  	[timem:s6], [sflag:s22] =	dma.local [hbm:s4], s20  }
0x9e: {  	_ =	swait.ge [sflag:s22], s20  }
0x9f: {  	s3 =	ssub.s32 $0x0, s20;
	[sflag:s22] =	ssyncset.done $0x0  }
0xa0: {  	[sflag:s22] =	ssyncadd.s32 s3;
	_ =	sdelay $0x1  }
0xa1: {  	s23 =	simm.s32 $0x1B8B  }
0xa2: {  	_ =	swait.ge [sflag:s23], $0x1  }
0xa3: {  	[sflag:s23] =	ssyncset.done $0x0  }
0xa4: {  	s25 =	simm.s32 $0x1B8E;
	s24 =	sld [smem:$0x3FFE];
	[sflag:s23] =	ssyncadd.s32 $0xFFFFFFFF  }
0xa5: {  	s26 =	simm.s32 $execute0_lowered;
	[smem:$0x3FD2] =	sst s25  }
0xa6: {  	s4 =	sshll.u32 s26, $0x1;
	_ =	strace $0x8000004F;
	[dreg:$0x1] =	wrdreg $0xFFFFFFFF  }
0xa7: {  	s28 =	simm.s32 $_size_execute0_lowered;
	s2 =	sadd.s32 s2, s4;
	[dreg:$0x0] =	wrdreg $0x0  }
0xa8: {  	s4 =	sshll.u32 s28, $0x1;
	[dreg:$0x2] =	wrdreg s2  }
0xa9: {  	[dreg:$0x3] =	wrdreg s4  }
0xaa: {  	[dreg:$0x4] =	wrdreg $0xC0  }
0xab: {  	_ =	task [dreg:s6], $0x5FFFF  }
0xac: {  	[dreg:$0x1] =	wrdreg $0xFFFFFFFF  }
0xad: {  	[dreg:$0x0] =	wrdreg $0x60  }
0xae: {  	[dreg:$0x2] =	wrdreg s24  }
0xaf: {  	[dreg:$0x3] =	wrdreg $0x0  }
0xb0: {  	[dreg:$0x4] =	wrdreg $0x9  }
0xb1: {  	_ =	task.clear_ibuf [dreg:s6], $0x5FFFF;
	_ =	strace $0x9000004F  }
0xb2: {  	s29 =	simm.s32 $0x9;
	_ =	strace $0x80000051  }
0xb3: {  	_ =	swait.ge [sflag:s29], $0x1  }
0xb4: {  	[sflag:s29] =	ssyncadd.s32 $0xFFFFFFFF  }
0xb5: {  	_ =	strace $0x90000051  }
0xb6: {  	_ =	sfence  }
0xb7: {  	s30 =	sld [smem:$0x0];
	_ =	sdelay $0x2  }
0xb8: {  	s31 =	sshll.u32 s1, $0xD;
	s1 =	sshrl.u32 s1, $0x2  }
0xb9: {  	s3 =	sand.u32 $0x4000, s31;
	s1 =	sadd.s32 s1, s30  }
0xba: {  	s0 =	sor.u32 s3, s0;
	s1 =	sshll.u32 s1, $0x11  }
0xbb: {  	s0 =	sor.u32 s1, s0  }
0xbc: {  	s0 =	sadd.s32 $0x8F2B, s0  }
0xbd: {  	[sflag:s0] =	ssyncadd.remote.s32 $0x1  }
0xbe: {  	_ =	sfence.sel $0xFFFF  }
0xbf: {  	[dreg:$0x0] =	wrdreg $0xFFFFFFFF;
	(pc) =	sbr.abs _section_cstart, $3  }
0xc0: {  	[dreg:$0x1] =	wrdreg $0xFFFFFFFF  }
0xc1: {  	_ =	task.clear_ibuf [dreg:s6], $0x2FFFF;
	_ =	strace $0x9FFFFFFF  }
0xc2: {  	(tm) =	ssettm $0x7FFFFFFF  }
0xc3: {  	_ =	shalt  }
tec
execute0_lowered:
.L_overlay_start_1:
0x0: {  	(tag) =	ssettag $0x1  }
0x1: {  	s0 =	rddreg [dreg:$0x0]  }
0x2: {  	s1 =	rddreg [dreg:$0x1];
	s2 =	simm.s32 $0x0  }
0x3: {  	s5 =	srdreg.scid;
	s3 =	stileid.u32;
	s22 =	simm.s32 $0x14000  }
0x4: {  	s23 =	simm.s32 $0x15800;
	s24 =	simm.s32 $0x80;
	s25 =	simm.s32 $0x1  }
0x5: {  	s26 =	simm.s32 $0x1B000;
	s28 =	simm.s32 $0x2;
	s29 =	simm.s32 $0x16C00  }
0x6: {  	s30 =	simm.s32 $0x0;
	[smem:$0x7FF] =	sst s2;
	s4 =	sadd.s32 $0xFE00, s0  }
0x7: {  	s8 =	sand.u32 $0x1, s5;
	s12 =	sadd.s32 $0x87E00, s0;
	s6 =	smul.u32 $0x50000, s3  }
0x8: {  	s13 =	sadd.s32 $0x3E00, s0;
	s0 =	sadd.s32 $0x93E00, s0;
	s14 =	smul.u32 $0x14000, s3  }
0x9: {  	_ =	strace $0x80000050;
	s5 =	ssub.s32 $0x2, s8;
	s9 =	sshll.u32 s8, $0x4  }
0xa: {  	s21 =	smul.u32 $0x140000, s8;
	s7 =	sshrl.u32 s5, $0x1;
	s6 =	sshrl.u32 s6, $0x2  }
0xb: {  	s31 =	sor.u32 s3, s9;
	s15 =	sadd.s32 $0x4000, s14;
	s16 =	sadd.s32 $0x8000, s14  }
0xc: {  	s17 =	sadd.s32 $0xC000, s14;
	s18 =	sadd.s32 $0x10000, s14;
	s19 =	ssub.s32 s5, s7  }
0xd: {  	s5 =	sadd.s32 s6, s1;
	s9 =	smul.u32 $0x3000, s31;
	s6 =	sadd.s32 s15, s1  }
0xe: {  	s7 =	sadd.s32 s16, s1;
	s8 =	sadd.s32 s17, s1;
	s14 =	sadd.s32 s14, s21  }
0xf: {  	s15 =	sadd.s32 s21, s15;
	s16 =	sadd.s32 s21, s16;
	s17 =	sadd.s32 s21, s17  }
0x10: {  	s14 =	sshrl.u32 s14, $0x3;
	s15 =	sshrl.u32 s15, $0x3;
	s16 =	sshrl.u32 s16, $0x3  }
0x11: {  	s17 =	sshrl.u32 s17, $0x3;
	s19 =	smax.u32 s19, $0x1;
	s20 =	sshrl.u32 s9, $0x3  }
0x12: {  	s9 =	sadd.s32 s18, s1;
	s14 =	sadd.s32 s0, s14;
	s15 =	sadd.s32 s0, s15  }
0x13: {  	s18 =	sadd.s32 s21, s18;
	s16 =	sadd.s32 s0, s16;
	s17 =	sadd.s32 s0, s17  }
0x14: {  	s10 =	sadd.s32 s12, s20;
	s11 =	sadd.s32 s13, s20;
	s20 =	sadd.s32 $0x300, s20  }
0x15: {  	s21 =	simm.s32 $0x3;
	s18 =	sshrl.u32 s18, $0x3;
	s12 =	sadd.s32 s12, s20  }
0x16: {  	v0 =	vimm.f32 $0.0e+00;
	s13 =	sadd.s32 s13, s20;
	s18 =	sadd.s32 s0, s18;
	s20 =	simm.s32 $0x17000  }
.LBB2_1:
0x17: {  	s31 =	simm.s32 $0x0;
	s0 =	simm.s32 $0x200  }
.LBB2_2:
0x18: {  	p0 =	sne.s32 s0, $0xFE00;
	[tilespmem:s31+$0x17070] =	vst v0  }
0x19: {  	[tilespmem:s31+$0x17000] =	vst v0  }
0x1a: {  	[tilespmem:s31+$0x17010] =	vst v0  }
.Ltmp0:
0x1b: {  	[tilespmem:s31+$0x17020] =	vst v0;
	(pc) =	sbr.rel @p0 .LBB2_2-.Ltmp0, $4  }
0x1c: {  	[tilespmem:s31+$0x17030] =	vst v0  }
0x1d: {  	[tilespmem:s31+$0x17040] =	vst v0  }
0x1e: {  	[tilespmem:s31+$0x17050] =	vst v0  }
0x1f: {  	[tilespmem:s31+$0x17060] =	vst v0;
	s31 =	sshra.s32 s0, $0x2;
	s0 =	sadd.s32 $0x200, s0  }
0x20: {  	[tilespmem:s31+$0x17070] =	vst v0  }
0x21: {  	[tilespmem:s31+$0x17000] =	vst v0  }
0x22: {  	[tilespmem:s31+$0x17010] =	vst v0  }
0x23: {  	[tilespmem:s31+$0x17020] =	vst v0  }
0x24: {  	[tilespmem:s31+$0x17030] =	vst v0  }
0x25: {  	[tilespmem:s31+$0x17040] =	vst v0  }
0x26: {  	[tilespmem:s31+$0x17050] =	vst v0  }
0x27: {  	[tilespmem:s31+$0x17060] =	vst v0  }
0x28: {  	[spmem:s5] =	stream.linear.scatter [tilespmem:s20], [sflag:$0x3], $0x4000, $0x38;
	[tilespmem:$0x1F000] =	vst v63  }
0x29: {  	_ =	swait.ge [sflag:s21], $0x4000  }
0x2a: {  	[sflag:s21] =	ssyncset.done $0x0  }
0x2b: {  	[sflag:s21] =	ssyncadd.s32 $0xFFFFC000  }
0x2c: {  	[spmem:s6] =	stream.linear.scatter [tilespmem:s20], [sflag:$0x3], $0x4000, $0x38;
	[tilespmem:$0x1F000] =	vst v63  }
0x2d: {  	_ =	swait.ge [sflag:s21], $0x4000  }
0x2e: {  	[sflag:s21] =	ssyncset.done $0x0  }
0x2f: {  	[sflag:s21] =	ssyncadd.s32 $0xFFFFC000  }
0x30: {  	[spmem:s7] =	stream.linear.scatter [tilespmem:s20], [sflag:$0x3], $0x4000, $0x38;
	[tilespmem:$0x1F000] =	vst v63  }
0x31: {  	_ =	swait.ge [sflag:s21], $0x4000  }
0x32: {  	[sflag:s21] =	ssyncset.done $0x0  }
0x33: {  	[sflag:s21] =	ssyncadd.s32 $0xFFFFC000  }
0x34: {  	[spmem:s8] =	stream.linear.scatter [tilespmem:s20], [sflag:$0x3], $0x4000, $0x38;
	[tilespmem:$0x1F000] =	vst v63  }
0x35: {  	_ =	swait.ge [sflag:s21], $0x4000  }
0x36: {  	[sflag:s21] =	ssyncset.done $0x0  }
0x37: {  	[sflag:s21] =	ssyncadd.s32 $0xFFFFC000  }
0x38: {  	[spmem:s9] =	stream.linear.scatter [tilespmem:s20], [sflag:$0x3], $0x4000, $0x38;
	[tilespmem:$0x1F000] =	vst v63  }
0x39: {  	_ =	swait.ge [sflag:s21], $0x4000  }
0x3a: {  	[sflag:s21] =	ssyncset.done $0x0  }
0x3b: {  	[sflag:s21] =	ssyncadd.s32 $0xFFFFC000  }
0x3c: {  	s0 =	simm.s32 $0x0;
	[bflag:$0x0] =	sbarrier.arrive $0xFFFF  }
0x3d: {  	[tilespmem:s22], [sflag:$0x3] =	stream.linear.gather [hbm4b:s10+s0], $0x1480, $0x38;
	[tilespmem:$0x1F000] =	vst v63  }
0x3e: {  	_ =	swait.ge [sflag:s21], $0x1480  }
0x3f: {  	[sflag:s21] =	ssyncset.done $0x0  }
0x40: {  	[sflag:s21] =	ssyncadd.s32 $0xFFFFEB80  }
0x41: {  	[tilespmem:s23], [sflag:$0x3] =	stream.linear.gather [hbm4b:s11+s0], $0x1480, $0x38;
	[tilespmem:$0x1F000] =	vst v63  }
0x42: {  	_ =	swait.ge [sflag:s21], $0x1480  }
0x43: {  	[sflag:s21] =	ssyncset.done $0x0  }
0x44: {  	[sflag:s21] =	ssyncadd.s32 $0xFFFFEB80  }
0x45: {  	[tilespmem:s20], [sflag:$0x1] =	stream.indirect.gather [hbm4b:s4+s24], $0x80, s22, s24, $0xb8;
	[tilespmem:$0x1F000] =	vst v63  }
0x46: {  	_ =	swait.ge [sflag:s25], $0x4000  }
0x47: {  	[sflag:s25] =	ssyncset.done $0x0  }
0x48: {  	s3 =	simm.s32 $0x14080;
	[sflag:s25] =	ssyncadd.s32 $0xFFFFC000  }
0x49: {  	[tilespmem:s26], [sflag:$0x2] =	stream.indirect.gather [hbm4b:s4+s24], $0x80, s3, s24, $0xb8;
	[tilespmem:$0x1F000] =	vst v63  }
0x4a: {  	s3 =	simm.s32 $0x15800  }
0x4b: {  	[spmem:s1] =	stream.indirect.scatter.add.f32 [tilespmem:s20], [sflag:$0x3], $0x80, s3, s24, $0xb8;
	[tilespmem:$0x1F000] =	vst v63  }
0x4c: {  	_ =	swait.ge [sflag:s21], $0x4000  }
0x4d: {  	[sflag:s21] =	ssyncset.done $0x0  }
0x4e: {  	[sflag:s21] =	ssyncadd.s32 $0xFFFFC000  }
0x4f: {  	_ =	swait.ge [sflag:s28], $0x4000  }
0x50: {  	[sflag:s28] =	ssyncset.done $0x0  }
0x51: {  	s3 =	simm.s32 $0x14100;
	[sflag:s28] =	ssyncadd.s32 $0xFFFFC000  }
0x52: {  	[tilespmem:s20], [sflag:$0x1] =	stream.indirect.gather [hbm4b:s4+s24], $0x80, s3, s24, $0xb8;
	[tilespmem:$0x1F000] =	vst v63  }
0x53: {  	s3 =	simm.s32 $0x15880  }
0x54: {  	[spmem:s1] =	stream.indirect.scatter.add.f32 [tilespmem:s26], [sflag:$0x3], $0x80, s3, s24, $0xb8;
	[tilespmem:$0x1F000] =	vst v63  }
0x55: {  	_ =	swait.ge [sflag:s21], $0x4000  }
0x56: {  	s31 =	simm.s32 $0x400;
	[sflag:s21] =	ssyncset.done $0x0  }
.LBB2_4:
0x57: {  	p0 =	sne.s32 s31, $0x4C00  }
0x58: {  	[sflag:s21] =	ssyncadd.s32 $0xFFFFC000;
	s0 =	smov.u32 s31;
	s31 =	sadd.s32 $0x400, s31  }
0x59: {  	_ = 	snop  }
0x5a: {  	_ =	swait.ge [sflag:s25], $0x4000  }
0x5b: {  	s0 =	sshra.s32 s0, $0x2;
	[sflag:s25] =	ssyncset.done $0x0  }
0x5c: {  	s3 =	sadd.s32 $0x14080, s0;
	[sflag:s25] =	ssyncadd.s32 $0xFFFFC000  }
0x5d: {  	[tilespmem:s26], [sflag:$0x2] =	stream.indirect.gather [hbm4b:s4+s24], $0x80, s3, s24, $0xb8;
	[tilespmem:$0x1F000] =	vst v63  }
0x5e: {  	s3 =	sadd.s32 $0x15800, s0  }
0x5f: {  	[spmem:s1] =	stream.indirect.scatter.add.f32 [tilespmem:s20], [sflag:$0x3], $0x80, s3, s24, $0xb8;
	[tilespmem:$0x1F000] =	vst v63  }
0x60: {  	_ =	swait.ge [sflag:s21], $0x4000  }
0x61: {  	[sflag:s21] =	ssyncset.done $0x0  }
0x62: {  	[sflag:s21] =	ssyncadd.s32 $0xFFFFC000  }
0x63: {  	_ =	swait.ge [sflag:s28], $0x4000  }
0x64: {  	[sflag:s28] =	ssyncset.done $0x0  }
0x65: {  	s3 =	sadd.s32 $0x14100, s0;
	[sflag:s28] =	ssyncadd.s32 $0xFFFFC000  }
0x66: {  	[tilespmem:s20], [sflag:$0x1] =	stream.indirect.gather [hbm4b:s4+s24], $0x80, s3, s24, $0xb8;
	[tilespmem:$0x1F000] =	vst v63  }
.Ltmp1:
0x67: {  	_ = 	snop;
	(pc) =	sbr.rel @p0 .LBB2_4-.Ltmp1, $4  }
0x68: {  	s0 =	sadd.s32 $0x15880, s0  }
0x69: {  	[spmem:s1] =	stream.indirect.scatter.add.f32 [tilespmem:s26], [sflag:$0x3], $0x80, s0, s24, $0xb8;
	[tilespmem:$0x1F000] =	vst v63  }
0x6a: {  	_ =	swait.ge [sflag:s21], $0x4000  }
0x6b: {  	[sflag:s21] =	ssyncset.done $0x0  }
0x6c: {  	[sflag:s21] =	ssyncadd.s32 $0xFFFFC000  }
0x6d: {  	_ =	swait.ge [sflag:s25], $0x4000  }
0x6e: {  	[sflag:s25] =	ssyncset.done $0x0  }
0x6f: {  	[sflag:s25] =	ssyncadd.s32 $0xFFFFC000  }
0x70: {  	[spmem:s1] =	stream.indirect.scatter.add.f32 [tilespmem:s20], [sflag:$0x3], $0x80, s29, s24, $0xb8;
	[tilespmem:$0x1F000] =	vst v63  }
0x71: {  	_ =	swait.ge [sflag:s21], $0x4000  }
0x72: {  	[sflag:s21] =	ssyncset.done $0x0  }
0x73: {  	s0 =	simm.s32 $0x0;
	[sflag:s21] =	ssyncadd.s32 $0xFFFFC000  }
0x74: {  	[tilespmem:s22], [sflag:$0x3] =	stream.linear.gather [hbm4b:s12+s0], $0x1480, $0x38;
	[tilespmem:$0x1F000] =	vst v63  }
0x75: {  	_ =	swait.ge [sflag:s21], $0x1480  }
0x76: {  	[sflag:s21] =	ssyncset.done $0x0  }
0x77: {  	[sflag:s21] =	ssyncadd.s32 $0xFFFFEB80  }
0x78: {  	[tilespmem:s23], [sflag:$0x3] =	stream.linear.gather [hbm4b:s13+s0], $0x1480, $0x38;
	[tilespmem:$0x1F000] =	vst v63  }
0x79: {  	_ =	swait.ge [sflag:s21], $0x1480  }
0x7a: {  	[sflag:s21] =	ssyncset.done $0x0  }
0x7b: {  	[sflag:s21] =	ssyncadd.s32 $0xFFFFEB80  }
0x7c: {  	[tilespmem:s20], [sflag:$0x1] =	stream.indirect.gather [hbm4b:s4+s24], $0x80, s22, s24, $0xb8;
	[tilespmem:$0x1F000] =	vst v63  }
0x7d: {  	_ =	swait.ge [sflag:s25], $0x4000  }
0x7e: {  	[sflag:s25] =	ssyncset.done $0x0  }
0x7f: {  	s3 =	simm.s32 $0x14080;
	[sflag:s25] =	ssyncadd.s32 $0xFFFFC000  }
0x80: {  	[tilespmem:s26], [sflag:$0x2] =	stream.indirect.gather [hbm4b:s4+s24], $0x80, s3, s24, $0xb8;
	[tilespmem:$0x1F000] =	vst v63  }
0x81: {  	s3 =	simm.s32 $0x15800  }
0x82: {  	[spmem:s1] =	stream.indirect.scatter.add.f32 [tilespmem:s20], [sflag:$0x3], $0x80, s3, s24, $0xb8;
	[tilespmem:$0x1F000] =	vst v63  }
0x83: {  	_ =	swait.ge [sflag:s21], $0x4000  }
0x84: {  	[sflag:s21] =	ssyncset.done $0x0  }
0x85: {  	[sflag:s21] =	ssyncadd.s32 $0xFFFFC000  }
0x86: {  	_ =	swait.ge [sflag:s28], $0x4000  }
0x87: {  	[sflag:s28] =	ssyncset.done $0x0  }
0x88: {  	s3 =	simm.s32 $0x14100;
	[sflag:s28] =	ssyncadd.s32 $0xFFFFC000  }
0x89: {  	[tilespmem:s20], [sflag:$0x1] =	stream.indirect.gather [hbm4b:s4+s24], $0x80, s3, s24, $0xb8;
	[tilespmem:$0x1F000] =	vst v63  }
0x8a: {  	s3 =	simm.s32 $0x15880  }
0x8b: {  	[spmem:s1] =	stream.indirect.scatter.add.f32 [tilespmem:s26], [sflag:$0x3], $0x80, s3, s24, $0xb8;
	[tilespmem:$0x1F000] =	vst v63  }
0x8c: {  	_ =	swait.ge [sflag:s21], $0x4000  }
0x8d: {  	s31 =	simm.s32 $0x400;
	[sflag:s21] =	ssyncset.done $0x0  }
.LBB2_6:
0x8e: {  	p0 =	sne.s32 s31, $0x4C00  }
0x8f: {  	[sflag:s21] =	ssyncadd.s32 $0xFFFFC000;
	s0 =	smov.u32 s31;
	s31 =	sadd.s32 $0x400, s31  }
0x90: {  	_ = 	snop  }
0x91: {  	_ =	swait.ge [sflag:s25], $0x4000  }
0x92: {  	s0 =	sshra.s32 s0, $0x2;
	[sflag:s25] =	ssyncset.done $0x0  }
0x93: {  	s3 =	sadd.s32 $0x14080, s0;
	[sflag:s25] =	ssyncadd.s32 $0xFFFFC000  }
0x94: {  	[tilespmem:s26], [sflag:$0x2] =	stream.indirect.gather [hbm4b:s4+s24], $0x80, s3, s24, $0xb8;
	[tilespmem:$0x1F000] =	vst v63  }
0x95: {  	s3 =	sadd.s32 $0x15800, s0  }
0x96: {  	[spmem:s1] =	stream.indirect.scatter.add.f32 [tilespmem:s20], [sflag:$0x3], $0x80, s3, s24, $0xb8;
	[tilespmem:$0x1F000] =	vst v63  }
0x97: {  	_ =	swait.ge [sflag:s21], $0x4000  }
0x98: {  	[sflag:s21] =	ssyncset.done $0x0  }
0x99: {  	[sflag:s21] =	ssyncadd.s32 $0xFFFFC000  }
0x9a: {  	_ =	swait.ge [sflag:s28], $0x4000  }
0x9b: {  	[sflag:s28] =	ssyncset.done $0x0  }
0x9c: {  	s3 =	sadd.s32 $0x14100, s0;
	[sflag:s28] =	ssyncadd.s32 $0xFFFFC000  }
0x9d: {  	[tilespmem:s20], [sflag:$0x1] =	stream.indirect.gather [hbm4b:s4+s24], $0x80, s3, s24, $0xb8;
	[tilespmem:$0x1F000] =	vst v63  }
.Ltmp2:
0x9e: {  	_ = 	snop;
	(pc) =	sbr.rel @p0 .LBB2_6-.Ltmp2, $4  }
0x9f: {  	s0 =	sadd.s32 $0x15880, s0  }
0xa0: {  	[spmem:s1] =	stream.indirect.scatter.add.f32 [tilespmem:s26], [sflag:$0x3], $0x80, s0, s24, $0xb8;
	[tilespmem:$0x1F000] =	vst v63  }
0xa1: {  	_ =	swait.ge [sflag:s21], $0x4000  }
0xa2: {  	[sflag:s21] =	ssyncset.done $0x0  }
0xa3: {  	[sflag:s21] =	ssyncadd.s32 $0xFFFFC000  }
0xa4: {  	_ =	swait.ge [sflag:s25], $0x4000  }
0xa5: {  	[sflag:s25] =	ssyncset.done $0x0  }
0xa6: {  	[sflag:s25] =	ssyncadd.s32 $0xFFFFC000  }
0xa7: {  	[spmem:s1] =	stream.indirect.scatter.add.f32 [tilespmem:s20], [sflag:$0x3], $0x80, s29, s24, $0xb8;
	[tilespmem:$0x1F000] =	vst v63  }
0xa8: {  	_ =	swait.ge [sflag:s21], $0x4000  }
0xa9: {  	[sflag:s21] =	ssyncset.done $0x0  }
0xaa: {  	[sflag:s21] =	ssyncadd.s32 $0xFFFFC000  }
0xab: {  	[bflag:$0x0] =	sbarrier.arrive $0xFFFF  }
0xac: {  	[tilespmem:s20], [sflag:$0x3] =	stream.linear.gather [spmem:s5], $0x4000, $0x38;
	[tilespmem:$0x1F000] =	vst v63  }
0xad: {  	_ =	swait.ge [sflag:s21], $0x4000  }
0xae: {  	[sflag:s21] =	ssyncset.done $0x0  }
0xaf: {  	[sflag:s21] =	ssyncadd.s32 $0xFFFFC000  }
0xb0: {  	[hbm4b:s14+s2] =	stream.linear.scatter [tilespmem:s20], [sflag:$0x3], $0x4000, $0x38;
	[tilespmem:$0x1F000] =	vst v63  }
0xb1: {  	_ =	swait.ge [sflag:s21], $0x4000  }
0xb2: {  	[sflag:s21] =	ssyncset.done $0x0  }
0xb3: {  	[sflag:s21] =	ssyncadd.s32 $0xFFFFC000  }
0xb4: {  	[tilespmem:s20], [sflag:$0x3] =	stream.linear.gather [spmem:s6], $0x4000, $0x38;
	[tilespmem:$0x1F000] =	vst v63  }
0xb5: {  	_ =	swait.ge [sflag:s21], $0x4000  }
0xb6: {  	[sflag:s21] =	ssyncset.done $0x0  }
0xb7: {  	[sflag:s21] =	ssyncadd.s32 $0xFFFFC000  }
0xb8: {  	[hbm4b:s15+s2] =	stream.linear.scatter [tilespmem:s20], [sflag:$0x3], $0x4000, $0x38;
	[tilespmem:$0x1F000] =	vst v63  }
0xb9: {  	_ =	swait.ge [sflag:s21], $0x4000  }
0xba: {  	[sflag:s21] =	ssyncset.done $0x0  }
0xbb: {  	[sflag:s21] =	ssyncadd.s32 $0xFFFFC000  }
0xbc: {  	[tilespmem:s20], [sflag:$0x3] =	stream.linear.gather [spmem:s7], $0x4000, $0x38;
	[tilespmem:$0x1F000] =	vst v63  }
0xbd: {  	_ =	swait.ge [sflag:s21], $0x4000  }
0xbe: {  	[sflag:s21] =	ssyncset.done $0x0  }
0xbf: {  	[sflag:s21] =	ssyncadd.s32 $0xFFFFC000  }
0xc0: {  	[hbm4b:s16+s2] =	stream.linear.scatter [tilespmem:s20], [sflag:$0x3], $0x4000, $0x38;
	[tilespmem:$0x1F000] =	vst v63  }
0xc1: {  	_ =	swait.ge [sflag:s21], $0x4000  }
0xc2: {  	[sflag:s21] =	ssyncset.done $0x0  }
0xc3: {  	[sflag:s21] =	ssyncadd.s32 $0xFFFFC000  }
0xc4: {  	[tilespmem:s20], [sflag:$0x3] =	stream.linear.gather [spmem:s8], $0x4000, $0x38;
	[tilespmem:$0x1F000] =	vst v63  }
0xc5: {  	_ =	swait.ge [sflag:s21], $0x4000  }
0xc6: {  	[sflag:s21] =	ssyncset.done $0x0  }
0xc7: {  	[sflag:s21] =	ssyncadd.s32 $0xFFFFC000  }
0xc8: {  	[hbm4b:s17+s2] =	stream.linear.scatter [tilespmem:s20], [sflag:$0x3], $0x4000, $0x38;
	[tilespmem:$0x1F000] =	vst v63  }
0xc9: {  	_ =	swait.ge [sflag:s21], $0x4000  }
0xca: {  	[sflag:s21] =	ssyncset.done $0x0  }
0xcb: {  	[sflag:s21] =	ssyncadd.s32 $0xFFFFC000  }
0xcc: {  	[tilespmem:s20], [sflag:$0x3] =	stream.linear.gather [spmem:s9], $0x4000, $0x38;
	[tilespmem:$0x1F000] =	vst v63  }
0xcd: {  	s30 =	sadd.s32 $0x1, s30;
	_ =	swait.ge [sflag:s21], $0x4000  }
0xce: {  	p0 =	sne.s32 s30, s19;
	[sflag:s21] =	ssyncset.done $0x0  }
.Ltmp3:
0xcf: {  	[sflag:s21] =	ssyncadd.s32 $0xFFFFC000;
	(pc) =	sbr.rel @p0 .LBB2_1-.Ltmp3, $4  }
0xd0: {  	[hbm4b:s18+s2] =	stream.linear.scatter [tilespmem:s20], [sflag:$0x3], $0x4000, $0x38;
	[tilespmem:$0x1F000] =	vst v63  }
0xd1: {  	_ =	swait.ge [sflag:s21], $0x4000  }
0xd2: {  	[sflag:s21] =	ssyncset.done $0x0  }
0xd3: {  	[sflag:s21] =	ssyncadd.s32 $0xFFFFC000  }
0xd4: {  	_ =	sfence.sel $0x180000  }
0xd5: {  	[bflag:$0x0] =	sbarrier.arrive $0xFFFF  }
0xd6: {  	_ =	strace $0x90000050  }
0xd7: {  	s0 =	stileid.u32;
	[bflag:$0x2] =	sbarrier.arrive $0xFFFF  }
0xd8: {  	p0 =	sne.s32 s0, $0x0;
	s0 =	rddreg [dreg:$0x2]  }
0xd9: {  	s0 =	sadd.s32 @!p0 $0x100000, s0  }
0xda: {  	[sflag:s0] =	ssyncadd.tile.s32 @!p0 $0x1;
	_ =	shalt  }
.Lfunc_end2:
_tile_overlayer_lowered:
.L_overlay_start_2:
0xdb: {  	(tag) =	ssettag $0x2  }
0xdc: {  	s0 =	rddreg [dreg:$0x0];
	s2 =	stileid.u32  }
0xdd: {  	s1 =	rddreg [dreg:$0x1];
	p0 =	sne.s32 s2, $0x0  }
0xde: {  	s3 =	rddreg [dreg:$0x2];
	[bflag:$0x3] =	sbarrier.arrive $0xFFFF;
	s2 =	simm.s32 @!p0 $0x1C03  }
0xdf: {  	[timem:s3], [sflag:s2] =	dma.local @!p0 [hbm:s0], s1  }
0xe0: {  	s0 =	simm.s32 @!p0 $0x3  }
0xe1: {  	_ =	swait.ge @!p0 [sflag:s0], s1  }
0xe2: {  	s1 =	ssub.s32 @!p0 $0x0, s1;
	[sflag:s0] =	ssyncset.done @!p0 $0x0  }
0xe3: {  	[sflag:s0] =	ssyncadd.s32 @!p0 s1  }
0xe4: {  	[bflag:$0x3] =	sbarrier.arrive $0xFFFF  }
0xe5: {  	_ =	shalt  }

</sc_bundles>
